<compile_context>
chip_gen: v7x
topology: tpu7x:2x2x1
jax: 0.10.2.dev20260603
libtpu: 0.0.44.dev20260713+nightly
codegen_flags: <defaults>
</compile_context>

<pallas_src>
import functools

import jax
import jax.numpy as jnp
from jax import lax
from jax.experimental import pallas as pl
from jax.experimental.pallas import tpu as pltpu
from jax.experimental.pallas import tpu_sc as plsc

N = 10000
NPAD = 10240
E = 320000
G = 64
NC = 2
NS = 16
ROWS_PER_TILE = NPAD // NS
K = 128
EPT = E // (NC * NS)
FULL = EPT // K
TAIL = EPT - FULL * K
BN = 2048
NB = NPAD // BN


CH = E // K
CBASE = CH // (NC * NS)
XTRA = CH - CBASE * (NC * NS)
CMAX = CBASE + 1


def _sc_pass(table, ei3, zeros, width, gather=True):
    if not gather:
        R = 8
    elif width > 16:
        R = 2
    else:
        R = 6
    PERIOD = 6 if (gather and width > 16) else R

    nsteps = -(-(CMAX + R) // PERIOD)
    mesh = plsc.VectorSubcoreMesh(core_axis_name="c", subcore_axis_name="s")

    scratch = [pltpu.VMEM((CMAX, K), jnp.int32)]
    if gather and width <= 16:
        scratch.append(pltpu.VMEM((CMAX, K), jnp.int32))
    if gather and width > 16:
        scratch.append(pltpu.VMEM((3, K), jnp.int32))
    scratch += [
        pltpu.VMEM((R if gather else 1, K, width), jnp.float32),
        pltpu.VMEM_SHARED((NPAD, width), jnp.float32),
        pltpu.SemaphoreType.DMA((3,)),
        pltpu.SemaphoreType.DMA((R,)),
        pltpu.SemaphoreType.DMA((R,)),
    ]

    @functools.partial(
        pl.kernel,
        out_type=jax.ShapeDtypeStruct((NC * NPAD, width), jnp.float32),
        mesh=mesh,
        scratch_types=scratch,
        compiler_params=pltpu.CompilerParams(use_tc_tiling_on_sc=False),
    )
    def k(table_h, ei_h, zero_h, out_h, dst_all, *rest):
        if gather and width <= 16:
            src_all = rest[0]
            rest = rest[1:]
        if gather and width > 16:
            src_v = rest[0]
            rest = rest[1:]
        rows_v, agg_sh, sem_i, sem_g, sem_s = rest

        c = lax.axis_index("c")
        s = lax.axis_index("s")
        w = c * NS + s
        r0 = s * ROWS_PER_TILE
        cb = CBASE * w + jnp.minimum(w, XTRA)
        nck = CBASE + (w < XTRA).astype(jnp.int32)

        pltpu.sync_copy(ei_h.at[1, pl.ds(cb, CBASE)],
                        dst_all.at[pl.ds(0, CBASE)])
        if gather and width <= 16:
            pltpu.sync_copy(ei_h.at[0, pl.ds(cb, CBASE)],
                            src_all.at[pl.ds(0, CBASE)])

        @pl.when(w < XTRA)
        def _extra():
            pltpu.sync_copy(ei_h.at[1, pl.ds(cb + CBASE, 1)],
                            dst_all.at[pl.ds(CBASE, 1)])
            if gather and width <= 16:
                pltpu.sync_copy(ei_h.at[0, pl.ds(cb + CBASE, 1)],
                                src_all.at[pl.ds(CBASE, 1)])

        pltpu.sync_copy(zero_h.at[pl.ds(r0, ROWS_PER_TILE)],
                        agg_sh.at[pl.ds(r0, ROWS_PER_TILE)])
        if not gather:
            pltpu.sync_copy(table_h.at[pl.ds(0, K)], rows_v.at[0])
        plsc.subcore_barrier()

        if not gather:
            def sc_desc(g, b):
                return pltpu.make_async_copy(
                    rows_v.at[0], agg_sh.at[dst_all.at[g]], sem_s.at[b])

            def step(t, carry):
                for u in range(PERIOD):
                    g = t * PERIOD + u

                    @pl.when((g >= R) & (g <= nck + R - 1))
                    def _w():
                        sc_desc(g - R, u).wait()

                    @pl.when(g < nck)
                    def _s():
                        sc_desc(g, u).start(add=True)
                return carry

        elif width <= 16:
            def ga_desc(g, b):
                return pltpu.make_async_copy(
                    table_h.at[src_all.at[g]], rows_v.at[b], sem_g.at[b])

            def sc_desc(g, b):
                return pltpu.make_async_copy(
                    rows_v.at[b], agg_sh.at[dst_all.at[g]], sem_s.at[b])

            def step(t, carry):
                for u in range(PERIOD):
                    g = t * PERIOD + u
                    um1 = (u - 1) % R

                    @pl.when((g >= R) & (g <= nck + R - 1))
                    def _c():
                        sc_desc(g - R, u).wait()

                    @pl.when(g < nck)
                    def _a():
                        ga_desc(g, u).start()

                    @pl.when((g >= 1) & (g <= nck))
                    def _b():
                        ga_desc(g - 1, um1).wait()
                        sc_desc(g - 1, um1).start(add=True)
                return carry

        else:
            def src_desc(g, ib):
                return pltpu.make_async_copy(
                    ei_h.at[0, cb + g], src_v.at[ib], sem_i.at[ib])

            def ga_desc(b, ib):
                return pltpu.make_async_copy(
                    table_h.at[src_v.at[ib]], rows_v.at[b], sem_g.at[b])

            def sc_desc(g, b):
                return pltpu.make_async_copy(
                    rows_v.at[b], agg_sh.at[dst_all.at[g]], sem_s.at[b])

            src_desc(0, 0).start()

            def step(t, carry):
                for u in range(PERIOD):
                    g = t * PERIOD + u
                    b = u % 2
                    ib = u % 3

                    @pl.when((g >= 2) & (g <= nck + 1))
                    def _c():
                        sc_desc(g - 2, b).wait()

                    @pl.when(g < nck)
                    def _a():
                        src_desc(g, ib).wait()
                        ga_desc(b, ib).start()

                    @pl.when((g >= 1) & (g <= nck))
                    def _b():
                        ga_desc(1 - b, (u - 1) % 3).wait()
                        sc_desc(g - 1, 1 - b).start(add=True)

                    @pl.when(g + 1 < nck)
                    def _d():
                        src_desc(g + 1, (u + 1) % 3).start()
                return carry

        lax.fori_loop(0, nsteps, step, 0)
        plsc.subcore_barrier()
        pltpu.sync_copy(agg_sh.at[pl.ds(r0, ROWS_PER_TILE)],
                        out_h.at[pl.ds(c * NPAD + r0, ROWS_PER_TILE)])

    return k(table, ei3, zeros)


def _t1a(xp, W1):
    def body(x_ref, w_ref, out_ref):
        out_ref[...] = jnp.dot(x_ref[...], w_ref[...],
                               preferred_element_type=jnp.float32)

    return pl.pallas_call(
        body,
        grid=(NB,),
        in_specs=[
            pl.BlockSpec((BN, 128), lambda i: (i, 0)),
            pl.BlockSpec((128, 128), lambda i: (0, 0)),
        ],
        out_specs=pl.BlockSpec((BN, 128), lambda i: (i, 0)),
        out_shape=jax.ShapeDtypeStruct((NPAD, 128), jnp.float32),
    )(xp, W1)


def _t1b(xw, c0, c1):
    def body(xw_ref, c0_ref, c1_ref, h_ref, dinv_ref):
        deg = c0_ref[...] + c1_ref[...] + 1.0
        dinv = lax.rsqrt(deg)
        dinv_ref[...] = dinv
        h_ref[...] = xw_ref[...] * dinv

    return pl.pallas_call(
        body,
        grid=(NB,),
        in_specs=[
            pl.BlockSpec((BN, 128), lambda i: (i, 0)),
            pl.BlockSpec((BN, 1), lambda i: (i, 0)),
            pl.BlockSpec((BN, 1), lambda i: (i, 0)),
        ],
        out_specs=[
            pl.BlockSpec((BN, 128), lambda i: (i, 0)),
            pl.BlockSpec((BN, 1), lambda i: (i, 0)),
        ],
        out_shape=[
            jax.ShapeDtypeStruct((NPAD, 128), jnp.float32),
            jax.ShapeDtypeStruct((NPAD, 1), jnp.float32),
        ],
    )(xw, c0, c1)


def _mid(agg, hp, dinv, b, W):
    outw = W.shape[1]

    def body(a0_ref, a1_ref, hp_ref, dinv_ref, b_ref, w_ref, out_ref):
        s = a0_ref[...] + a1_ref[...] + hp_ref[...]
        dinv = dinv_ref[...]
        z = jnp.maximum(s * dinv + b_ref[...], 0.0)
        out_ref[...] = jnp.dot(z, w_ref[...],
                               preferred_element_type=jnp.float32) * dinv

    return pl.pallas_call(
        body,
        grid=(NB,),
        in_specs=[
            pl.BlockSpec((BN, 128), lambda i: (i, 0)),
            pl.BlockSpec((BN, 128), lambda i: (NB + i, 0)),
            pl.BlockSpec((BN, 128), lambda i: (i, 0)),
            pl.BlockSpec((BN, 1), lambda i: (i, 0)),
            pl.BlockSpec((1, 128), lambda i: (0, 0)),
            pl.BlockSpec((128, outw), lambda i: (0, 0)),
        ],
        out_specs=pl.BlockSpec((BN, outw), lambda i: (i, 0)),
        out_shape=jax.ShapeDtypeStruct((NPAD, outw), jnp.float32),
    )(agg, agg, hp, dinv, b, W)


def _t4(agg, hp, dinv, b3p, batr):
    def body(g0_ref, g1_ref, hp_ref, dinv_ref, b_ref, bat_ref, out_ref):
        i = pl.program_id(0)

        @pl.when(i == 0)
        def _init():
            out_ref[...] = jnp.zeros_like(out_ref)

        p = ((g0_ref[...] + g1_ref[...] + hp_ref[...]) * dinv_ref[...]
             + b_ref[...])
        col = lax.broadcasted_iota(jnp.int32, (BN, 16), 1)
        p_aug = jnp.where(col == 15, 1.0, p)
        gids = lax.broadcasted_iota(jnp.int32, (G, BN), 0)
        mask = (bat_ref[...] == gids).astype(jnp.float32)
        out_ref[...] += jnp.dot(mask, p_aug,
                                preferred_element_type=jnp.float32)

        @pl.when(i == NB - 1)
        def _final():
            sums = out_ref[...]
            cnt = jnp.maximum(sums[:, 15:16], 1.0)
            m = sums / cnt
            ccol = lax.broadcasted_iota(jnp.int32, (G, 16), 1)
            logits = jnp.where(ccol < 10, m, -1e30)
            zz = logits - jnp.max(logits, axis=1, keepdims=True)
            ez = jnp.exp(zz)
            out_ref[...] = ez / jnp.sum(ez, axis=1, keepdims=True)

    return pl.pallas_call(
        body,
        grid=(NB,),
        in_specs=[
            pl.BlockSpec((BN, 16), lambda i: (i, 0)),
            pl.BlockSpec((BN, 16), lambda i: (NB + i, 0)),
            pl.BlockSpec((BN, 16), lambda i: (i, 0)),
            pl.BlockSpec((BN, 1), lambda i: (i, 0)),
            pl.BlockSpec((1, 16), lambda i: (0, 0)),
            pl.BlockSpec((1, BN), lambda i: (0, i)),
        ],
        out_specs=pl.BlockSpec((G, 16), lambda i: (0, 0)),
        out_shape=jax.ShapeDtypeStruct((G, 16), jnp.float32),
    )(agg, agg, hp, dinv, b3p, batr)


def kernel(x, edge_index, batch, W1, b1, W2, b2, W3, b3):
    xp = jnp.zeros((NPAD, 128), jnp.float32).at[:N].set(x)
    batr = jnp.full((NPAD,), G, jnp.int32).at[:N].set(batch).reshape(1, NPAD)
    W3p = jnp.zeros((128, 16), jnp.float32).at[:, :10].set(W3)
    b1r = b1.reshape(1, 128)
    b2r = b2.reshape(1, 128)
    b3p = jnp.zeros((1, 16), jnp.float32).at[0, :10].set(b3)
    ones16 = jnp.ones((NPAD, 16), jnp.float32)
    z16 = jnp.zeros((NPAD, 16), jnp.float32)
    z128 = jnp.zeros((NPAD, 128), jnp.float32)

    ei3 = edge_index.reshape(2, CH, K)

    cnt = _sc_pass(ones16, ei3, z16, 16, gather=False)
    xw = _t1a(xp, W1)
    h1, dinv = _t1b(xw, cnt[:NPAD, :1], cnt[NPAD:, :1])
    agg1 = _sc_pass(h1, ei3, z128, 128)
    h2 = _mid(agg1, h1, dinv, b1r, W2)
    agg2 = _sc_pass(h2, ei3, z128, 128)
    h3 = _mid(agg2, h2, dinv, b2r, W3p)
    agg3 = _sc_pass(h3, ei3, z16, 16)
    out = _t4(agg3, h3, dinv, b3p, batr)
    return out[:, :10]

# --- scband reference (transcript-rebuilt; emitter-appended) ---
"""Pipeline reference for scband-graph-classifier-9208409883295 (READ-ONLY COPY).

The authoritative reference and input builder live on the scoring server;
editing this copy changes nothing except your own understanding.
"""

import jax, jax.numpy as jnp
import numpy as np

N = 10000
E = 320000
D = 128
H = 128
C = 10
G = 64


def setup_inputs(seed: int = 0) -> dict:
    key = jax.random.key(seed)
    ks = jax.random.split(key, 10)
    x = jax.random.normal(ks[0], (N, D), dtype=jnp.float32)
    edge_index = jax.random.randint(ks[1], (2, E), 0, N, dtype=jnp.int32)
    batch = jnp.sort(jax.random.randint(ks[2], (N,), 0, G, dtype=jnp.int32))
    W1 = jax.random.normal(ks[3], (D, H), dtype=jnp.float32) * (1.0 / np.sqrt(D))
    b1 = jnp.zeros((H,), dtype=jnp.float32)
    W2 = jax.random.normal(ks[4], (H, H), dtype=jnp.float32) * (1.0 / np.sqrt(H))
    b2 = jnp.zeros((H,), dtype=jnp.float32)
    W3 = jax.random.normal(ks[5], (H, C), dtype=jnp.float32) * (1.0 / np.sqrt(H))
    b3 = jnp.zeros((C,), dtype=jnp.float32)
    return {"x": x, "edge_index": edge_index, "batch": batch,
            "W1": W1, "b1": b1, "W2": W2, "b2": b2, "W3": W3, "b3": b3}


def _gcn_conv(x, src, dst, W, b, n):
    # GCNConv: symmetric-normalized aggregation with self-loops
    h = x @ W
    loop = jnp.arange(n, dtype=src.dtype)
    s = jnp.concatenate([src, loop])
    d = jnp.concatenate([dst, loop])
    deg = jax.ops.segment_sum(jnp.ones_like(d, dtype=jnp.float32), d, num_segments=n)
    dinv = jnp.where(deg > 0, deg ** -0.5, 0.0)
    norm = dinv[s] * dinv[d]
    msg = norm[:, None] * h[s]
    out = jax.ops.segment_sum(msg, d, num_segments=n)
    return out + b


def reference(x, edge_index, batch, W1, b1, W2, b2, W3, b3):
    src, dst = edge_index[0], edge_index[1]
    h = jax.nn.relu(_gcn_conv(x, src, dst, W1, b1, N))
    h = jax.nn.relu(_gcn_conv(h, src, dst, W2, b2, N))
    h = _gcn_conv(h, src, dst, W3, b3, N)
    sums = jax.ops.segment_sum(h, batch, num_segments=G)
    cnt = jax.ops.segment_sum(jnp.ones((N,), dtype=jnp.float32), batch, num_segments=G)
    pooled = sums / jnp.maximum(cnt, 1.0)[:, None]
    return jax.nn.softmax(pooled, axis=1)

if __name__ == "__main__":
    import jax
    _d = setup_inputs()
    print(jax.jit(kernel)(*tuple(_d.values())))

</pallas_src>

<mosaic_0001>
#map = affine_map<(d0, d1) -> (0, 0)>
#map1 = affine_map<(d0, d1) -> (0, 0, 0)>
module attributes {stable_mosaic.version = 14 : i64} {
  func.func @k(%arg0: i32, %arg1: i32, %arg2: memref<10240x16xf32, #tpu.memory_space<hbm>>, %arg3: memref<2x2500x128xi32, #tpu.memory_space<hbm>>, %arg4: memref<10240x16xf32, #tpu.memory_space<hbm>>, %arg5: memref<20480x16xf32, #tpu.memory_space<hbm>>, %arg6: memref<79x128xi32, #tpu.memory_space<vmem>>, %arg7: memref<1x128x16xf32, #tpu.memory_space<vmem>>, %arg8: memref<10240x16xf32, #tpu.memory_space<vmem_shared>>, %arg9: memref<3x!tpu.dma_semaphore, #tpu.memory_space<semaphore_mem>>, %arg10: memref<8x!tpu.dma_semaphore, #tpu.memory_space<semaphore_mem>>, %arg11: memref<8x!tpu.dma_semaphore, #tpu.memory_space<semaphore_mem>>) attributes {dimension_semantics = [#tpu.dimension_semantics<core_parallel>, #tpu.dimension_semantics<subcore_parallel>], iteration_bounds = array<i64: 2, 16>, scalar_prefetch = 0 : i64, scratch_operands = 6 : i64, tpu.core_type = #tpu.core_type<sc_vector_subcore>, window_params = [{transform_indices = #map}, {transform_indices = #map1}, {transform_indices = #map}, {transform_indices = #map}]} {
    %mul3A = arith.constant 16 : i32
    %mul3A_0 = arith.muli %arg0, %mul3A : i32
    %add3A = arith.addi %mul3A_0, %arg1 : i32
    %mul3A_1 = arith.constant 640 : i32
    %mul3A_2 = arith.muli %arg1, %mul3A_1 : i32
    %mul3A_3 = arith.constant 78 : i32
    %mul3A_4 = arith.muli %mul3A_3, %add3A : i32
    %min3A = arith.constant 4 : i32
    %min3A_5 = arith.minsi %add3A, %min3A : i32
    %add3A_6 = arith.addi %mul3A_4, %min3A_5 : i32
    %lt3A = arith.constant 4 : i32
    %lt3A_7 = arith.cmpi slt, %add3A, %lt3A : i32
    %convert_element_type3A = arith.extui %lt3A_7 : i1 to i32
    %add3A_8 = arith.constant 78 : i32
    %add3A_9 = arith.addi %add3A_8, %convert_element_type3A : i32
    %run_scoped3A = arith.constant 1 : i32
    "tpu.region"() ({
      %run_scoped3A_24 = tpu.sem_alloc : memref<!tpu.dma_semaphore, #tpu.memory_space<semaphore_mem>>
      %dma_start3A = arith.constant 0 : i32
      %dma_start3A_25 = arith.constant 0 : i32
      %dma_start3A_26 = tpu.memref_slice %arg6[%dma_start3A, %dma_start3A_25] : memref<79x128xi32, #tpu.memory_space<vmem>> -> memref<78x128xi32, #tpu.memory_space<vmem>>
      %dma_start3A_27 = arith.constant 0 : i32
      %dma_start3A_28 = tpu.memref_slice %arg3[%run_scoped3A, %add3A_6, %dma_start3A_27] : memref<2x2500x128xi32, #tpu.memory_space<hbm>> -> memref<1x78x128xi32, #tpu.memory_space<hbm>>
      %dma_start3A_29 = tpu.memref_squeeze %dma_start3A_28 : memref<1x78x128xi32, #tpu.memory_space<hbm>> -> memref<78x128xi32, #tpu.memory_space<hbm>>
      %dma_start3A_30 = arith.constant 0 : i32
      %dma_start3A_31 = arith.constant 0 : i32
      %dma_start3A_32 = tpu.memref_slice %arg6[%dma_start3A_30, %dma_start3A_31] : memref<79x128xi32, #tpu.memory_space<vmem>> -> memref<78x128xi32, #tpu.memory_space<vmem>>
      %dma_start3A_33 = arith.constant 0 : i32
      %dma_start3A_34 = tpu.memref_slice %arg3[%run_scoped3A, %add3A_6, %dma_start3A_33] : memref<2x2500x128xi32, #tpu.memory_space<hbm>> -> memref<1x78x128xi32, #tpu.memory_space<hbm>>
      %dma_start3A_35 = tpu.memref_squeeze %dma_start3A_34 : memref<1x78x128xi32, #tpu.memory_space<hbm>> -> memref<78x128xi32, #tpu.memory_space<hbm>>
      tpu.enqueue_dma source(%dma_start3A_35 : memref<78x128xi32, #tpu.memory_space<hbm>>) target(%dma_start3A_32 : memref<78x128xi32, #tpu.memory_space<vmem>>) target_semaphore(%run_scoped3A_24 : memref<!tpu.dma_semaphore, #tpu.memory_space<semaphore_mem>>)
      %dma_wait3A = arith.constant 0 : i32
      %dma_wait3A_36 = arith.constant 0 : i32
      %dma_wait3A_37 = tpu.memref_slice %arg6[%dma_wait3A, %dma_wait3A_36] : memref<79x128xi32, #tpu.memory_space<vmem>> -> memref<78x128xi32, #tpu.memory_space<vmem>>
      %dma_wait3A_38 = arith.constant 0 : i32
      %dma_wait3A_39 = tpu.memref_slice %arg3[%run_scoped3A, %add3A_6, %dma_wait3A_38] : memref<2x2500x128xi32, #tpu.memory_space<hbm>> -> memref<1x78x128xi32, #tpu.memory_space<hbm>>
      %dma_wait3A_40 = tpu.memref_squeeze %dma_wait3A_39 : memref<1x78x128xi32, #tpu.memory_space<hbm>> -> memref<78x128xi32, #tpu.memory_space<hbm>>
      %dma_wait3A_41 = arith.constant 0 : i32
      %dma_wait3A_42 = arith.constant 0 : i32
      %dma_wait3A_43 = tpu.memref_slice %arg6[%dma_wait3A_41, %dma_wait3A_42] : memref<79x128xi32, #tpu.memory_space<vmem>> -> memref<78x128xi32, #tpu.memory_space<vmem>>
      %dma_wait3A_44 = arith.constant 0 : i32
      %dma_wait3A_45 = tpu.memref_slice %arg3[%run_scoped3A, %add3A_6, %dma_wait3A_44] : memref<2x2500x128xi32, #tpu.memory_space<hbm>> -> memref<1x78x128xi32, #tpu.memory_space<hbm>>
      %dma_wait3A_46 = tpu.memref_squeeze %dma_wait3A_45 : memref<1x78x128xi32, #tpu.memory_space<hbm>> -> memref<78x128xi32, #tpu.memory_space<hbm>>
      tpu.wait_dma2 semaphore(%run_scoped3A_24 : memref<!tpu.dma_semaphore, #tpu.memory_space<semaphore_mem>>) src(%dma_wait3A_46 : memref<78x128xi32, #tpu.memory_space<hbm>>) dst(%dma_wait3A_43 : memref<78x128xi32, #tpu.memory_space<vmem>>)
      tpu.yield
    }) : () -> ()
    %lt3A_10 = arith.constant 4 : i32
    %lt3A_11 = arith.cmpi slt, %add3A, %lt3A_10 : i32
    %convert_element_type3A_12 = arith.extui %lt3A_11 : i1 to i32
    %cond3A = arith.constant 0 : i32
    %cond3A_13 = arith.cmpi ne, %convert_element_type3A_12, %cond3A : i32
    scf.if %cond3A_13 {
      %add3A_24 = arith.constant 78 : i32
      %add3A_25 = arith.addi %add3A_6, %add3A_24 : i32
      %run_scoped3A_26 = arith.constant 1 : i32
      "tpu.region"() ({
        %run_scoped3A_27 = tpu.sem_alloc : memref<!tpu.dma_semaphore, #tpu.memory_space<semaphore_mem>>
        %dma_start3A = arith.constant 78 : i32
        %dma_start3A_28 = arith.constant 0 : i32
        %dma_start3A_29 = tpu.memref_slice %arg6[%dma_start3A, %dma_start3A_28] : memref<79x128xi32, #tpu.memory_space<vmem>> -> memref<1x128xi32, #tpu.memory_space<vmem>>
        %dma_start3A_30 = arith.constant 0 : i32
        %dma_start3A_31 = tpu.memref_slice %arg3[%run_scoped3A_26, %add3A_25, %dma_start3A_30] : memref<2x2500x128xi32, #tpu.memory_space<hbm>> -> memref<1x1x128xi32, #tpu.memory_space<hbm>>
        %dma_start3A_32 = tpu.memref_squeeze %dma_start3A_31 : memref<1x1x128xi32, #tpu.memory_space<hbm>> -> memref<1x128xi32, #tpu.memory_space<hbm>>
        %dma_start3A_33 = arith.constant 78 : i32
        %dma_start3A_34 = arith.constant 0 : i32
        %dma_start3A_35 = tpu.memref_slice %arg6[%dma_start3A_33, %dma_start3A_34] : memref<79x128xi32, #tpu.memory_space<vmem>> -> memref<1x128xi32, #tpu.memory_space<vmem>>
        %dma_start3A_36 = arith.constant 0 : i32
        %dma_start3A_37 = tpu.memref_slice %arg3[%run_scoped3A_26, %add3A_25, %dma_start3A_36] : memref<2x2500x128xi32, #tpu.memory_space<hbm>> -> memref<1x1x128xi32, #tpu.memory_space<hbm>>
        %dma_start3A_38 = tpu.memref_squeeze %dma_start3A_37 : memref<1x1x128xi32, #tpu.memory_space<hbm>> -> memref<1x128xi32, #tpu.memory_space<hbm>>
        tpu.enqueue_dma source(%dma_start3A_38 : memref<1x128xi32, #tpu.memory_space<hbm>>) target(%dma_start3A_35 : memref<1x128xi32, #tpu.memory_space<vmem>>) target_semaphore(%run_scoped3A_27 : memref<!tpu.dma_semaphore, #tpu.memory_space<semaphore_mem>>)
        %dma_wait3A = arith.constant 78 : i32
        %dma_wait3A_39 = arith.constant 0 : i32
        %dma_wait3A_40 = tpu.memref_slice %arg6[%dma_wait3A, %dma_wait3A_39] : memref<79x128xi32, #tpu.memory_space<vmem>> -> memref<1x128xi32, #tpu.memory_space<vmem>>
        %dma_wait3A_41 = arith.constant 0 : i32
        %dma_wait3A_42 = tpu.memref_slice %arg3[%run_scoped3A_26, %add3A_25, %dma_wait3A_41] : memref<2x2500x128xi32, #tpu.memory_space<hbm>> -> memref<1x1x128xi32, #tpu.memory_space<hbm>>
        %dma_wait3A_43 = tpu.memref_squeeze %dma_wait3A_42 : memref<1x1x128xi32, #tpu.memory_space<hbm>> -> memref<1x128xi32, #tpu.memory_space<hbm>>
        %dma_wait3A_44 = arith.constant 78 : i32
        %dma_wait3A_45 = arith.constant 0 : i32
        %dma_wait3A_46 = tpu.memref_slice %arg6[%dma_wait3A_44, %dma_wait3A_45] : memref<79x128xi32, #tpu.memory_space<vmem>> -> memref<1x128xi32, #tpu.memory_space<vmem>>
        %dma_wait3A_47 = arith.constant 0 : i32
        %dma_wait3A_48 = tpu.memref_slice %arg3[%run_scoped3A_26, %add3A_25, %dma_wait3A_47] : memref<2x2500x128xi32, #tpu.memory_space<hbm>> -> memref<1x1x128xi32, #tpu.memory_space<hbm>>
        %dma_wait3A_49 = tpu.memref_squeeze %dma_wait3A_48 : memref<1x1x128xi32, #tpu.memory_space<hbm>> -> memref<1x128xi32, #tpu.memory_space<hbm>>
        tpu.wait_dma2 semaphore(%run_scoped3A_27 : memref<!tpu.dma_semaphore, #tpu.memory_space<semaphore_mem>>) src(%dma_wait3A_49 : memref<1x128xi32, #tpu.memory_space<hbm>>) dst(%dma_wait3A_46 : memref<1x128xi32, #tpu.memory_space<vmem>>)
        tpu.yield
      }) : () -> ()
    } else {
    }
    "tpu.region"() ({
      %run_scoped3A_24 = tpu.sem_alloc : memref<!tpu.dma_semaphore, #tpu.memory_space<semaphore_mem>>
      %dma_start3A = arith.constant 0 : i32
      %dma_start3A_25 = tpu.memref_slice %arg8[%mul3A_2, %dma_start3A] : memref<10240x16xf32, #tpu.memory_space<vmem_shared>> -> memref<640x16xf32, #tpu.memory_space<vmem_shared>>
      %dma_start3A_26 = arith.constant 0 : i32
      %dma_start3A_27 = tpu.memref_slice %arg4[%mul3A_2, %dma_start3A_26] : memref<10240x16xf32, #tpu.memory_space<hbm>> -> memref<640x16xf32, #tpu.memory_space<hbm>>
      tpu.enqueue_dma source(%dma_start3A_27 : memref<640x16xf32, #tpu.memory_space<hbm>>) target(%dma_start3A_25 : memref<640x16xf32, #tpu.memory_space<vmem_shared>>) target_semaphore(%run_scoped3A_24 : memref<!tpu.dma_semaphore, #tpu.memory_space<semaphore_mem>>)
      %dma_wait3A = arith.constant 0 : i32
      %dma_wait3A_28 = tpu.memref_slice %arg8[%mul3A_2, %dma_wait3A] : memref<10240x16xf32, #tpu.memory_space<vmem_shared>> -> memref<640x16xf32, #tpu.memory_space<vmem_shared>>
      %dma_wait3A_29 = arith.constant 0 : i32
      %dma_wait3A_30 = tpu.memref_slice %arg4[%mul3A_2, %dma_wait3A_29] : memref<10240x16xf32, #tpu.memory_space<hbm>> -> memref<640x16xf32, #tpu.memory_space<hbm>>
      tpu.wait_dma2 semaphore(%run_scoped3A_24 : memref<!tpu.dma_semaphore, #tpu.memory_space<semaphore_mem>>) src(%dma_wait3A_30 : memref<640x16xf32, #tpu.memory_space<hbm>>) dst(%dma_wait3A_28 : memref<640x16xf32, #tpu.memory_space<vmem_shared>>)
      tpu.yield
    }) : () -> ()
    %run_scoped3A_14 = arith.constant 0 : i32
    "tpu.region"() ({
      %run_scoped3A_24 = tpu.sem_alloc : memref<!tpu.dma_semaphore, #tpu.memory_space<semaphore_mem>>
      %dma_start3A = arith.constant 0 : i32
      %dma_start3A_25 = arith.constant 0 : i32
      %dma_start3A_26 = tpu.memref_slice %arg7[%run_scoped3A_14, %dma_start3A, %dma_start3A_25] : memref<1x128x16xf32, #tpu.memory_space<vmem>> -> memref<1x128x16xf32, #tpu.memory_space<vmem>>
      %dma_start3A_27 = tpu.memref_squeeze %dma_start3A_26 : memref<1x128x16xf32, #tpu.memory_space<vmem>> -> memref<128x16xf32, #tpu.memory_space<vmem>>
      %dma_start3A_28 = arith.constant 0 : i32
      %dma_start3A_29 = arith.constant 0 : i32
      %dma_start3A_30 = tpu.memref_slice %arg2[%dma_start3A_28, %dma_start3A_29] : memref<10240x16xf32, #tpu.memory_space<hbm>> -> memref<128x16xf32, #tpu.memory_space<hbm>>
      %dma_start3A_31 = arith.constant 0 : i32
      %dma_start3A_32 = arith.constant 0 : i32
      %dma_start3A_33 = tpu.memref_slice %arg7[%run_scoped3A_14, %dma_start3A_31, %dma_start3A_32] : memref<1x128x16xf32, #tpu.memory_space<vmem>> -> memref<1x128x16xf32, #tpu.memory_space<vmem>>
      %dma_start3A_34 = tpu.memref_squeeze %dma_start3A_33 : memref<1x128x16xf32, #tpu.memory_space<vmem>> -> memref<128x16xf32, #tpu.memory_space<vmem>>
      %dma_start3A_35 = arith.constant 0 : i32
      %dma_start3A_36 = arith.constant 0 : i32
      %dma_start3A_37 = tpu.memref_slice %arg2[%dma_start3A_35, %dma_start3A_36] : memref<10240x16xf32, #tpu.memory_space<hbm>> -> memref<128x16xf32, #tpu.memory_space<hbm>>
      tpu.enqueue_dma source(%dma_start3A_37 : memref<128x16xf32, #tpu.memory_space<hbm>>) target(%dma_start3A_34 : memref<128x16xf32, #tpu.memory_space<vmem>>) target_semaphore(%run_scoped3A_24 : memref<!tpu.dma_semaphore, #tpu.memory_space<semaphore_mem>>)
      %dma_wait3A = arith.constant 0 : i32
      %dma_wait3A_38 = arith.constant 0 : i32
      %dma_wait3A_39 = tpu.memref_slice %arg7[%run_scoped3A_14, %dma_wait3A, %dma_wait3A_38] : memref<1x128x16xf32, #tpu.memory_space<vmem>> -> memref<1x128x16xf32, #tpu.memory_space<vmem>>
      %dma_wait3A_40 = tpu.memref_squeeze %dma_wait3A_39 : memref<1x128x16xf32, #tpu.memory_space<vmem>> -> memref<128x16xf32, #tpu.memory_space<vmem>>
      %dma_wait3A_41 = arith.constant 0 : i32
      %dma_wait3A_42 = arith.constant 0 : i32
      %dma_wait3A_43 = tpu.memref_slice %arg2[%dma_wait3A_41, %dma_wait3A_42] : memref<10240x16xf32, #tpu.memory_space<hbm>> -> memref<128x16xf32, #tpu.memory_space<hbm>>
      %dma_wait3A_44 = arith.constant 0 : i32
      %dma_wait3A_45 = arith.constant 0 : i32
      %dma_wait3A_46 = tpu.memref_slice %arg7[%run_scoped3A_14, %dma_wait3A_44, %dma_wait3A_45] : memref<1x128x16xf32, #tpu.memory_space<vmem>> -> memref<1x128x16xf32, #tpu.memory_space<vmem>>
      %dma_wait3A_47 = tpu.memref_squeeze %dma_wait3A_46 : memref<1x128x16xf32, #tpu.memory_space<vmem>> -> memref<128x16xf32, #tpu.memory_space<vmem>>
      %dma_wait3A_48 = arith.constant 0 : i32
      %dma_wait3A_49 = arith.constant 0 : i32
      %dma_wait3A_50 = tpu.memref_slice %arg2[%dma_wait3A_48, %dma_wait3A_49] : memref<10240x16xf32, #tpu.memory_space<hbm>> -> memref<128x16xf32, #tpu.memory_space<hbm>>
      tpu.wait_dma2 semaphore(%run_scoped3A_24 : memref<!tpu.dma_semaphore, #tpu.memory_space<semaphore_mem>>) src(%dma_wait3A_50 : memref<128x16xf32, #tpu.memory_space<hbm>>) dst(%dma_wait3A_47 : memref<128x16xf32, #tpu.memory_space<vmem>>)
      tpu.yield
    }) : () -> ()
    %barrier3A = arith.constant 0 : index
    tpu.barrier barrier_id(%barrier3A)
    %scan3A = arith.constant 0 : i32
    %scan3A_15 = arith.constant 0 : i32
    %scan3A_16 = arith.constant 11 : i32
    %scan3A_17 = arith.addi %scan3A_15, %scan3A_16 : i32
    %scan3A_18 = arith.constant 1 : i32
    scf.for %scan3A_24 = %scan3A_15 to %scan3A_17 step %scan3A_18  : i32 {
      %mul3A_25 = arith.constant 8 : i32
      %mul3A_26 = arith.muli %scan3A_24, %mul3A_25 : i32
      %add3A_27 = arith.constant 0 : i32
      %add3A_28 = arith.addi %mul3A_26, %add3A_27 : i32
      %ge3A = arith.constant 8 : i32
      %ge3A_29 = arith.cmpi sge, %add3A_28, %ge3A : i32
      %add3A_30 = arith.constant 8 : i32
      %add3A_31 = arith.addi %add3A_9, %add3A_30 : i32
      %sub3A = arith.constant 1 : i32
      %sub3A_32 = arith.subi %add3A_31, %sub3A : i32
      %le3A = arith.cmpi sle, %add3A_28, %sub3A_32 : i32
      %and3A = arith.andi %ge3A_29, %le3A : i1
      %convert_element_type3A_33 = arith.extui %and3A : i1 to i32
      %cond3A_34 = arith.constant 0 : i32
      %cond3A_35 = arith.cmpi ne, %convert_element_type3A_33, %cond3A_34 : i32
      scf.if %cond3A_35 {
        %sub3A_173 = arith.constant 8 : i32
        %sub3A_174 = arith.subi %add3A_28, %sub3A_173 : i32
        %dma_wait3A = arith.constant 0 : i32
        %dma_wait3A_175 = arith.constant 0 : i32
        %dma_wait3A_176 = arith.constant 0 : i32
        %dma_wait3A_177 = arith.constant 0 : i32
        %dma_wait3A_178 = tpu.memref_slice %arg7[%dma_wait3A, %dma_wait3A_176, %dma_wait3A_177] : memref<1x128x16xf32, #tpu.memory_space<vmem>> -> memref<1x128x16xf32, #tpu.memory_space<vmem>>
        %dma_wait3A_179 = tpu.memref_squeeze %dma_wait3A_178 : memref<1x128x16xf32, #tpu.memory_space<vmem>> -> memref<128x16xf32, #tpu.memory_space<vmem>>
        %dma_wait3A_180 = arith.constant 0 : i32
        %dma_wait3A_181 = tpu.memref_slice %arg6[%sub3A_174, %dma_wait3A_180] : memref<79x128xi32, #tpu.memory_space<vmem>> -> memref<1x128xi32, #tpu.memory_space<vmem>>
        %dma_wait3A_182 = tpu.memref_squeeze %dma_wait3A_181 : memref<1x128xi32, #tpu.memory_space<vmem>> -> memref<128xi32, #tpu.memory_space<vmem>>
        %dma_wait3A_183 = arith.constant 0 : i32
        %dma_wait3A_184 = arith.constant 0 : i32
        %dma_wait3A_185 = tpu.memref_slice %arg8[%dma_wait3A_183, %dma_wait3A_184] : memref<10240x16xf32, #tpu.memory_space<vmem_shared>> -> memref<10240x16xf32, #tpu.memory_space<vmem_shared>>
        %dma_wait3A_186 = tpu.memref_slice %arg11[%dma_wait3A_175] : memref<8x!tpu.dma_semaphore, #tpu.memory_space<semaphore_mem>> -> memref<1x!tpu.dma_semaphore, #tpu.memory_space<semaphore_mem>>
        %dma_wait3A_187 = tpu.memref_squeeze %dma_wait3A_186 : memref<1x!tpu.dma_semaphore, #tpu.memory_space<semaphore_mem>> -> memref<!tpu.dma_semaphore, #tpu.memory_space<semaphore_mem>>
        tpu.wait_indirect_dma semaphore(%dma_wait3A_187 : memref<!tpu.dma_semaphore, #tpu.memory_space<semaphore_mem>>) src(%dma_wait3A_179 : memref<128x16xf32, #tpu.memory_space<vmem>>) dst(%dma_wait3A_185 : memref<10240x16xf32, #tpu.memory_space<vmem_shared>>)
      } else {
      }
      %lt3A_36 = arith.cmpi slt, %add3A_28, %add3A_9 : i32
      %convert_element_type3A_37 = arith.extui %lt3A_36 : i1 to i32
      %cond3A_38 = arith.constant 0 : i32
      %cond3A_39 = arith.cmpi ne, %convert_element_type3A_37, %cond3A_38 : i32
      scf.if %cond3A_39 {
        %dma_start3A = arith.constant 0 : i32
        %dma_start3A_173 = arith.constant 0 : i32
        %dma_start3A_174 = arith.constant 0 : i32
        %dma_start3A_175 = arith.constant 0 : i32
        %dma_start3A_176 = tpu.memref_slice %arg7[%dma_start3A, %dma_start3A_174, %dma_start3A_175] : memref<1x128x16xf32, #tpu.memory_space<vmem>> -> memref<1x128x16xf32, #tpu.memory_space<vmem>>
        %dma_start3A_177 = tpu.memref_squeeze %dma_start3A_176 : memref<1x128x16xf32, #tpu.memory_space<vmem>> -> memref<128x16xf32, #tpu.memory_space<vmem>>
        %dma_start3A_178 = arith.constant 0 : i32
        %dma_start3A_179 = tpu.memref_slice %arg6[%add3A_28, %dma_start3A_178] : memref<79x128xi32, #tpu.memory_space<vmem>> -> memref<1x128xi32, #tpu.memory_space<vmem>>
        %dma_start3A_180 = tpu.memref_squeeze %dma_start3A_179 : memref<1x128xi32, #tpu.memory_space<vmem>> -> memref<128xi32, #tpu.memory_space<vmem>>
        %dma_start3A_181 = arith.constant 0 : i32
        %dma_start3A_182 = arith.constant 0 : i32
        %dma_start3A_183 = tpu.memref_slice %arg8[%dma_start3A_181, %dma_start3A_182] : memref<10240x16xf32, #tpu.memory_space<vmem_shared>> -> memref<10240x16xf32, #tpu.memory_space<vmem_shared>>
        %dma_start3A_184 = tpu.memref_slice %arg11[%dma_start3A_173] : memref<8x!tpu.dma_semaphore, #tpu.memory_space<semaphore_mem>> -> memref<1x!tpu.dma_semaphore, #tpu.memory_space<semaphore_mem>>
        %dma_start3A_185 = tpu.memref_squeeze %dma_start3A_184 : memref<1x!tpu.dma_semaphore, #tpu.memory_space<semaphore_mem>> -> memref<!tpu.dma_semaphore, #tpu.memory_space<semaphore_mem>>
        tpu.enqueue_indirect_dma source(%dma_start3A_177 : memref<128x16xf32, #tpu.memory_space<vmem>>) target(%dma_start3A_183 : memref<10240x16xf32, #tpu.memory_space<vmem_shared>>) offsets(%dma_start3A_180 : memref<128xi32, #tpu.memory_space<vmem>>) semaphore(%dma_start3A_185 : memref<!tpu.dma_semaphore, #tpu.memory_space<semaphore_mem>>) {add = true}
      } else {
      }
      %mul3A_40 = arith.constant 8 : i32
      %mul3A_41 = arith.muli %scan3A_24, %mul3A_40 : i32
      %add3A_42 = arith.constant 1 : i32
      %add3A_43 = arith.addi %mul3A_41, %add3A_42 : i32
      %ge3A_44 = arith.constant 8 : i32
      %ge3A_45 = arith.cmpi sge, %add3A_43, %ge3A_44 : i32
      %add3A_46 = arith.constant 8 : i32
      %add3A_47 = arith.addi %add3A_9, %add3A_46 : i32
      %sub3A_48 = arith.constant 1 : i32
      %sub3A_49 = arith.subi %add3A_47, %sub3A_48 : i32
      %le3A_50 = arith.cmpi sle, %add3A_43, %sub3A_49 : i32
      %and3A_51 = arith.andi %ge3A_45, %le3A_50 : i1
      %convert_element_type3A_52 = arith.extui %and3A_51 : i1 to i32
      %cond3A_53 = arith.constant 0 : i32
      %cond3A_54 = arith.cmpi ne, %convert_element_type3A_52, %cond3A_53 : i32
      scf.if %cond3A_54 {
        %sub3A_173 = arith.constant 8 : i32
        %sub3A_174 = arith.subi %add3A_43, %sub3A_173 : i32
        %dma_wait3A = arith.constant 0 : i32
        %dma_wait3A_175 = arith.constant 1 : i32
        %dma_wait3A_176 = arith.constant 0 : i32
        %dma_wait3A_177 = arith.constant 0 : i32
        %dma_wait3A_178 = tpu.memref_slice %arg7[%dma_wait3A, %dma_wait3A_176, %dma_wait3A_177] : memref<1x128x16xf32, #tpu.memory_space<vmem>> -> memref<1x128x16xf32, #tpu.memory_space<vmem>>
        %dma_wait3A_179 = tpu.memref_squeeze %dma_wait3A_178 : memref<1x128x16xf32, #tpu.memory_space<vmem>> -> memref<128x16xf32, #tpu.memory_space<vmem>>
        %dma_wait3A_180 = arith.constant 0 : i32
        %dma_wait3A_181 = tpu.memref_slice %arg6[%sub3A_174, %dma_wait3A_180] : memref<79x128xi32, #tpu.memory_space<vmem>> -> memref<1x128xi32, #tpu.memory_space<vmem>>
        %dma_wait3A_182 = tpu.memref_squeeze %dma_wait3A_181 : memref<1x128xi32, #tpu.memory_space<vmem>> -> memref<128xi32, #tpu.memory_space<vmem>>
        %dma_wait3A_183 = arith.constant 0 : i32
        %dma_wait3A_184 = arith.constant 0 : i32
        %dma_wait3A_185 = tpu.memref_slice %arg8[%dma_wait3A_183, %dma_wait3A_184] : memref<10240x16xf32, #tpu.memory_space<vmem_shared>> -> memref<10240x16xf32, #tpu.memory_space<vmem_shared>>
        %dma_wait3A_186 = tpu.memref_slice %arg11[%dma_wait3A_175] : memref<8x!tpu.dma_semaphore, #tpu.memory_space<semaphore_mem>> -> memref<1x!tpu.dma_semaphore, #tpu.memory_space<semaphore_mem>>
        %dma_wait3A_187 = tpu.memref_squeeze %dma_wait3A_186 : memref<1x!tpu.dma_semaphore, #tpu.memory_space<semaphore_mem>> -> memref<!tpu.dma_semaphore, #tpu.memory_space<semaphore_mem>>
        tpu.wait_indirect_dma semaphore(%dma_wait3A_187 : memref<!tpu.dma_semaphore, #tpu.memory_space<semaphore_mem>>) src(%dma_wait3A_179 : memref<128x16xf32, #tpu.memory_space<vmem>>) dst(%dma_wait3A_185 : memref<10240x16xf32, #tpu.memory_space<vmem_shared>>)
      } else {
      }
      %lt3A_55 = arith.cmpi slt, %add3A_43, %add3A_9 : i32
      %convert_element_type3A_56 = arith.extui %lt3A_55 : i1 to i32
      %cond3A_57 = arith.constant 0 : i32
      %cond3A_58 = arith.cmpi ne, %convert_element_type3A_56, %cond3A_57 : i32
      scf.if %cond3A_58 {
        %dma_start3A = arith.constant 0 : i32
        %dma_start3A_173 = arith.constant 1 : i32
        %dma_start3A_174 = arith.constant 0 : i32
        %dma_start3A_175 = arith.constant 0 : i32
        %dma_start3A_176 = tpu.memref_slice %arg7[%dma_start3A, %dma_start3A_174, %dma_start3A_175] : memref<1x128x16xf32, #tpu.memory_space<vmem>> -> memref<1x128x16xf32, #tpu.memory_space<vmem>>
        %dma_start3A_177 = tpu.memref_squeeze %dma_start3A_176 : memref<1x128x16xf32, #tpu.memory_space<vmem>> -> memref<128x16xf32, #tpu.memory_space<vmem>>
        %dma_start3A_178 = arith.constant 0 : i32
        %dma_start3A_179 = tpu.memref_slice %arg6[%add3A_43, %dma_start3A_178] : memref<79x128xi32, #tpu.memory_space<vmem>> -> memref<1x128xi32, #tpu.memory_space<vmem>>
        %dma_start3A_180 = tpu.memref_squeeze %dma_start3A_179 : memref<1x128xi32, #tpu.memory_space<vmem>> -> memref<128xi32, #tpu.memory_space<vmem>>
        %dma_start3A_181 = arith.constant 0 : i32
        %dma_start3A_182 = arith.constant 0 : i32
        %dma_start3A_183 = tpu.memref_slice %arg8[%dma_start3A_181, %dma_start3A_182] : memref<10240x16xf32, #tpu.memory_space<vmem_shared>> -> memref<10240x16xf32, #tpu.memory_space<vmem_shared>>
        %dma_start3A_184 = tpu.memref_slice %arg11[%dma_start3A_173] : memref<8x!tpu.dma_semaphore, #tpu.memory_space<semaphore_mem>> -> memref<1x!tpu.dma_semaphore, #tpu.memory_space<semaphore_mem>>
        %dma_start3A_185 = tpu.memref_squeeze %dma_start3A_184 : memref<1x!tpu.dma_semaphore, #tpu.memory_space<semaphore_mem>> -> memref<!tpu.dma_semaphore, #tpu.memory_space<semaphore_mem>>
        tpu.enqueue_indirect_dma source(%dma_start3A_177 : memref<128x16xf32, #tpu.memory_space<vmem>>) target(%dma_start3A_183 : memref<10240x16xf32, #tpu.memory_space<vmem_shared>>) offsets(%dma_start3A_180 : memref<128xi32, #tpu.memory_space<vmem>>) semaphore(%dma_start3A_185 : memref<!tpu.dma_semaphore, #tpu.memory_space<semaphore_mem>>) {add = true}
      } else {
      }
      %mul3A_59 = arith.constant 8 : i32
      %mul3A_60 = arith.muli %scan3A_24, %mul3A_59 : i32
      %add3A_61 = arith.constant 2 : i32
      %add3A_62 = arith.addi %mul3A_60, %add3A_61 : i32
      %ge3A_63 = arith.constant 8 : i32
      %ge3A_64 = arith.cmpi sge, %add3A_62, %ge3A_63 : i32
      %add3A_65 = arith.constant 8 : i32
      %add3A_66 = arith.addi %add3A_9, %add3A_65 : i32
      %sub3A_67 = arith.constant 1 : i32
      %sub3A_68 = arith.subi %add3A_66, %sub3A_67 : i32
      %le3A_69 = arith.cmpi sle, %add3A_62, %sub3A_68 : i32
      %and3A_70 = arith.andi %ge3A_64, %le3A_69 : i1
      %convert_element_type3A_71 = arith.extui %and3A_70 : i1 to i32
      %cond3A_72 = arith.constant 0 : i32
      %cond3A_73 = arith.cmpi ne, %convert_element_type3A_71, %cond3A_72 : i32
      scf.if %cond3A_73 {
        %sub3A_173 = arith.constant 8 : i32
        %sub3A_174 = arith.subi %add3A_62, %sub3A_173 : i32
        %dma_wait3A = arith.constant 0 : i32
        %dma_wait3A_175 = arith.constant 2 : i32
        %dma_wait3A_176 = arith.constant 0 : i32
        %dma_wait3A_177 = arith.constant 0 : i32
        %dma_wait3A_178 = tpu.memref_slice %arg7[%dma_wait3A, %dma_wait3A_176, %dma_wait3A_177] : memref<1x128x16xf32, #tpu.memory_space<vmem>> -> memref<1x128x16xf32, #tpu.memory_space<vmem>>
        %dma_wait3A_179 = tpu.memref_squeeze %dma_wait3A_178 : memref<1x128x16xf32, #tpu.memory_space<vmem>> -> memref<128x16xf32, #tpu.memory_space<vmem>>
        %dma_wait3A_180 = arith.constant 0 : i32
        %dma_wait3A_181 = tpu.memref_slice %arg6[%sub3A_174, %dma_wait3A_180] : memref<79x128xi32, #tpu.memory_space<vmem>> -> memref<1x128xi32, #tpu.memory_space<vmem>>
        %dma_wait3A_182 = tpu.memref_squeeze %dma_wait3A_181 : memref<1x128xi32, #tpu.memory_space<vmem>> -> memref<128xi32, #tpu.memory_space<vmem>>
        %dma_wait3A_183 = arith.constant 0 : i32
        %dma_wait3A_184 = arith.constant 0 : i32
        %dma_wait3A_185 = tpu.memref_slice %arg8[%dma_wait3A_183, %dma_wait3A_184] : memref<10240x16xf32, #tpu.memory_space<vmem_shared>> -> memref<10240x16xf32, #tpu.memory_space<vmem_shared>>
        %dma_wait3A_186 = tpu.memref_slice %arg11[%dma_wait3A_175] : memref<8x!tpu.dma_semaphore, #tpu.memory_space<semaphore_mem>> -> memref<1x!tpu.dma_semaphore, #tpu.memory_space<semaphore_mem>>
        %dma_wait3A_187 = tpu.memref_squeeze %dma_wait3A_186 : memref<1x!tpu.dma_semaphore, #tpu.memory_space<semaphore_mem>> -> memref<!tpu.dma_semaphore, #tpu.memory_space<semaphore_mem>>
        tpu.wait_indirect_dma semaphore(%dma_wait3A_187 : memref<!tpu.dma_semaphore, #tpu.memory_space<semaphore_mem>>) src(%dma_wait3A_179 : memref<128x16xf32, #tpu.memory_space<vmem>>) dst(%dma_wait3A_185 : memref<10240x16xf32, #tpu.memory_space<vmem_shared>>)
      } else {
      }
      %lt3A_74 = arith.cmpi slt, %add3A_62, %add3A_9 : i32
      %convert_element_type3A_75 = arith.extui %lt3A_74 : i1 to i32
      %cond3A_76 = arith.constant 0 : i32
      %cond3A_77 = arith.cmpi ne, %convert_element_type3A_75, %cond3A_76 : i32
      scf.if %cond3A_77 {
        %dma_start3A = arith.constant 0 : i32
        %dma_start3A_173 = arith.constant 2 : i32
        %dma_start3A_174 = arith.constant 0 : i32
        %dma_start3A_175 = arith.constant 0 : i32
        %dma_start3A_176 = tpu.memref_slice %arg7[%dma_start3A, %dma_start3A_174, %dma_start3A_175] : memref<1x128x16xf32, #tpu.memory_space<vmem>> -> memref<1x128x16xf32, #tpu.memory_space<vmem>>
        %dma_start3A_177 = tpu.memref_squeeze %dma_start3A_176 : memref<1x128x16xf32, #tpu.memory_space<vmem>> -> memref<128x16xf32, #tpu.memory_space<vmem>>
        %dma_start3A_178 = arith.constant 0 : i32
        %dma_start3A_179 = tpu.memref_slice %arg6[%add3A_62, %dma_start3A_178] : memref<79x128xi32, #tpu.memory_space<vmem>> -> memref<1x128xi32, #tpu.memory_space<vmem>>
        %dma_start3A_180 = tpu.memref_squeeze %dma_start3A_179 : memref<1x128xi32, #tpu.memory_space<vmem>> -> memref<128xi32, #tpu.memory_space<vmem>>
        %dma_start3A_181 = arith.constant 0 : i32
        %dma_start3A_182 = arith.constant 0 : i32
        %dma_start3A_183 = tpu.memref_slice %arg8[%dma_start3A_181, %dma_start3A_182] : memref<10240x16xf32, #tpu.memory_space<vmem_shared>> -> memref<10240x16xf32, #tpu.memory_space<vmem_shared>>
        %dma_start3A_184 = tpu.memref_slice %arg11[%dma_start3A_173] : memref<8x!tpu.dma_semaphore, #tpu.memory_space<semaphore_mem>> -> memref<1x!tpu.dma_semaphore, #tpu.memory_space<semaphore_mem>>
        %dma_start3A_185 = tpu.memref_squeeze %dma_start3A_184 : memref<1x!tpu.dma_semaphore, #tpu.memory_space<semaphore_mem>> -> memref<!tpu.dma_semaphore, #tpu.memory_space<semaphore_mem>>
        tpu.enqueue_indirect_dma source(%dma_start3A_177 : memref<128x16xf32, #tpu.memory_space<vmem>>) target(%dma_start3A_183 : memref<10240x16xf32, #tpu.memory_space<vmem_shared>>) offsets(%dma_start3A_180 : memref<128xi32, #tpu.memory_space<vmem>>) semaphore(%dma_start3A_185 : memref<!tpu.dma_semaphore, #tpu.memory_space<semaphore_mem>>) {add = true}
      } else {
      }
      %mul3A_78 = arith.constant 8 : i32
      %mul3A_79 = arith.muli %scan3A_24, %mul3A_78 : i32
      %add3A_80 = arith.constant 3 : i32
      %add3A_81 = arith.addi %mul3A_79, %add3A_80 : i32
      %ge3A_82 = arith.constant 8 : i32
      %ge3A_83 = arith.cmpi sge, %add3A_81, %ge3A_82 : i32
      %add3A_84 = arith.constant 8 : i32
      %add3A_85 = arith.addi %add3A_9, %add3A_84 : i32
      %sub3A_86 = arith.constant 1 : i32
      %sub3A_87 = arith.subi %add3A_85, %sub3A_86 : i32
      %le3A_88 = arith.cmpi sle, %add3A_81, %sub3A_87 : i32
      %and3A_89 = arith.andi %ge3A_83, %le3A_88 : i1
      %convert_element_type3A_90 = arith.extui %and3A_89 : i1 to i32
      %cond3A_91 = arith.constant 0 : i32
      %cond3A_92 = arith.cmpi ne, %convert_element_type3A_90, %cond3A_91 : i32
      scf.if %cond3A_92 {
        %sub3A_173 = arith.constant 8 : i32
        %sub3A_174 = arith.subi %add3A_81, %sub3A_173 : i32
        %dma_wait3A = arith.constant 0 : i32
        %dma_wait3A_175 = arith.constant 3 : i32
        %dma_wait3A_176 = arith.constant 0 : i32
        %dma_wait3A_177 = arith.constant 0 : i32
        %dma_wait3A_178 = tpu.memref_slice %arg7[%dma_wait3A, %dma_wait3A_176, %dma_wait3A_177] : memref<1x128x16xf32, #tpu.memory_space<vmem>> -> memref<1x128x16xf32, #tpu.memory_space<vmem>>
        %dma_wait3A_179 = tpu.memref_squeeze %dma_wait3A_178 : memref<1x128x16xf32, #tpu.memory_space<vmem>> -> memref<128x16xf32, #tpu.memory_space<vmem>>
        %dma_wait3A_180 = arith.constant 0 : i32
        %dma_wait3A_181 = tpu.memref_slice %arg6[%sub3A_174, %dma_wait3A_180] : memref<79x128xi32, #tpu.memory_space<vmem>> -> memref<1x128xi32, #tpu.memory_space<vmem>>
        %dma_wait3A_182 = tpu.memref_squeeze %dma_wait3A_181 : memref<1x128xi32, #tpu.memory_space<vmem>> -> memref<128xi32, #tpu.memory_space<vmem>>
        %dma_wait3A_183 = arith.constant 0 : i32
        %dma_wait3A_184 = arith.constant 0 : i32
        %dma_wait3A_185 = tpu.memref_slice %arg8[%dma_wait3A_183, %dma_wait3A_184] : memref<10240x16xf32, #tpu.memory_space<vmem_shared>> -> memref<10240x16xf32, #tpu.memory_space<vmem_shared>>
        %dma_wait3A_186 = tpu.memref_slice %arg11[%dma_wait3A_175] : memref<8x!tpu.dma_semaphore, #tpu.memory_space<semaphore_mem>> -> memref<1x!tpu.dma_semaphore, #tpu.memory_space<semaphore_mem>>
        %dma_wait3A_187 = tpu.memref_squeeze %dma_wait3A_186 : memref<1x!tpu.dma_semaphore, #tpu.memory_space<semaphore_mem>> -> memref<!tpu.dma_semaphore, #tpu.memory_space<semaphore_mem>>
        tpu.wait_indirect_dma semaphore(%dma_wait3A_187 : memref<!tpu.dma_semaphore, #tpu.memory_space<semaphore_mem>>) src(%dma_wait3A_179 : memref<128x16xf32, #tpu.memory_space<vmem>>) dst(%dma_wait3A_185 : memref<10240x16xf32, #tpu.memory_space<vmem_shared>>)
      } else {
      }
      %lt3A_93 = arith.cmpi slt, %add3A_81, %add3A_9 : i32
      %convert_element_type3A_94 = arith.extui %lt3A_93 : i1 to i32
      %cond3A_95 = arith.constant 0 : i32
      %cond3A_96 = arith.cmpi ne, %convert_element_type3A_94, %cond3A_95 : i32
      scf.if %cond3A_96 {
        %dma_start3A = arith.constant 0 : i32
        %dma_start3A_173 = arith.constant 3 : i32
        %dma_start3A_174 = arith.constant 0 : i32
        %dma_start3A_175 = arith.constant 0 : i32
        %dma_start3A_176 = tpu.memref_slice %arg7[%dma_start3A, %dma_start3A_174, %dma_start3A_175] : memref<1x128x16xf32, #tpu.memory_space<vmem>> -> memref<1x128x16xf32, #tpu.memory_space<vmem>>
        %dma_start3A_177 = tpu.memref_squeeze %dma_start3A_176 : memref<1x128x16xf32, #tpu.memory_space<vmem>> -> memref<128x16xf32, #tpu.memory_space<vmem>>
        %dma_start3A_178 = arith.constant 0 : i32
        %dma_start3A_179 = tpu.memref_slice %arg6[%add3A_81, %dma_start3A_178] : memref<79x128xi32, #tpu.memory_space<vmem>> -> memref<1x128xi32, #tpu.memory_space<vmem>>
        %dma_start3A_180 = tpu.memref_squeeze %dma_start3A_179 : memref<1x128xi32, #tpu.memory_space<vmem>> -> memref<128xi32, #tpu.memory_space<vmem>>
        %dma_start3A_181 = arith.constant 0 : i32
        %dma_start3A_182 = arith.constant 0 : i32
        %dma_start3A_183 = tpu.memref_slice %arg8[%dma_start3A_181, %dma_start3A_182] : memref<10240x16xf32, #tpu.memory_space<vmem_shared>> -> memref<10240x16xf32, #tpu.memory_space<vmem_shared>>
        %dma_start3A_184 = tpu.memref_slice %arg11[%dma_start3A_173] : memref<8x!tpu.dma_semaphore, #tpu.memory_space<semaphore_mem>> -> memref<1x!tpu.dma_semaphore, #tpu.memory_space<semaphore_mem>>
        %dma_start3A_185 = tpu.memref_squeeze %dma_start3A_184 : memref<1x!tpu.dma_semaphore, #tpu.memory_space<semaphore_mem>> -> memref<!tpu.dma_semaphore, #tpu.memory_space<semaphore_mem>>
        tpu.enqueue_indirect_dma source(%dma_start3A_177 : memref<128x16xf32, #tpu.memory_space<vmem>>) target(%dma_start3A_183 : memref<10240x16xf32, #tpu.memory_space<vmem_shared>>) offsets(%dma_start3A_180 : memref<128xi32, #tpu.memory_space<vmem>>) semaphore(%dma_start3A_185 : memref<!tpu.dma_semaphore, #tpu.memory_space<semaphore_mem>>) {add = true}
      } else {
      }
      %mul3A_97 = arith.constant 8 : i32
      %mul3A_98 = arith.muli %scan3A_24, %mul3A_97 : i32
      %add3A_99 = arith.constant 4 : i32
      %add3A_100 = arith.addi %mul3A_98, %add3A_99 : i32
      %ge3A_101 = arith.constant 8 : i32
      %ge3A_102 = arith.cmpi sge, %add3A_100, %ge3A_101 : i32
      %add3A_103 = arith.constant 8 : i32
      %add3A_104 = arith.addi %add3A_9, %add3A_103 : i32
      %sub3A_105 = arith.constant 1 : i32
      %sub3A_106 = arith.subi %add3A_104, %sub3A_105 : i32
      %le3A_107 = arith.cmpi sle, %add3A_100, %sub3A_106 : i32
      %and3A_108 = arith.andi %ge3A_102, %le3A_107 : i1
      %convert_element_type3A_109 = arith.extui %and3A_108 : i1 to i32
      %cond3A_110 = arith.constant 0 : i32
      %cond3A_111 = arith.cmpi ne, %convert_element_type3A_109, %cond3A_110 : i32
      scf.if %cond3A_111 {
        %sub3A_173 = arith.constant 8 : i32
        %sub3A_174 = arith.subi %add3A_100, %sub3A_173 : i32
        %dma_wait3A = arith.constant 0 : i32
        %dma_wait3A_175 = arith.constant 4 : i32
        %dma_wait3A_176 = arith.constant 0 : i32
        %dma_wait3A_177 = arith.constant 0 : i32
        %dma_wait3A_178 = tpu.memref_slice %arg7[%dma_wait3A, %dma_wait3A_176, %dma_wait3A_177] : memref<1x128x16xf32, #tpu.memory_space<vmem>> -> memref<1x128x16xf32, #tpu.memory_space<vmem>>
        %dma_wait3A_179 = tpu.memref_squeeze %dma_wait3A_178 : memref<1x128x16xf32, #tpu.memory_space<vmem>> -> memref<128x16xf32, #tpu.memory_space<vmem>>
        %dma_wait3A_180 = arith.constant 0 : i32
        %dma_wait3A_181 = tpu.memref_slice %arg6[%sub3A_174, %dma_wait3A_180] : memref<79x128xi32, #tpu.memory_space<vmem>> -> memref<1x128xi32, #tpu.memory_space<vmem>>
        %dma_wait3A_182 = tpu.memref_squeeze %dma_wait3A_181 : memref<1x128xi32, #tpu.memory_space<vmem>> -> memref<128xi32, #tpu.memory_space<vmem>>
        %dma_wait3A_183 = arith.constant 0 : i32
        %dma_wait3A_184 = arith.constant 0 : i32
        %dma_wait3A_185 = tpu.memref_slice %arg8[%dma_wait3A_183, %dma_wait3A_184] : memref<10240x16xf32, #tpu.memory_space<vmem_shared>> -> memref<10240x16xf32, #tpu.memory_space<vmem_shared>>
        %dma_wait3A_186 = tpu.memref_slice %arg11[%dma_wait3A_175] : memref<8x!tpu.dma_semaphore, #tpu.memory_space<semaphore_mem>> -> memref<1x!tpu.dma_semaphore, #tpu.memory_space<semaphore_mem>>
        %dma_wait3A_187 = tpu.memref_squeeze %dma_wait3A_186 : memref<1x!tpu.dma_semaphore, #tpu.memory_space<semaphore_mem>> -> memref<!tpu.dma_semaphore, #tpu.memory_space<semaphore_mem>>
        tpu.wait_indirect_dma semaphore(%dma_wait3A_187 : memref<!tpu.dma_semaphore, #tpu.memory_space<semaphore_mem>>) src(%dma_wait3A_179 : memref<128x16xf32, #tpu.memory_space<vmem>>) dst(%dma_wait3A_185 : memref<10240x16xf32, #tpu.memory_space<vmem_shared>>)
      } else {
      }
      %lt3A_112 = arith.cmpi slt, %add3A_100, %add3A_9 : i32
      %convert_element_type3A_113 = arith.extui %lt3A_112 : i1 to i32
      %cond3A_114 = arith.constant 0 : i32
      %cond3A_115 = arith.cmpi ne, %convert_element_type3A_113, %cond3A_114 : i32
      scf.if %cond3A_115 {
        %dma_start3A = arith.constant 0 : i32
        %dma_start3A_173 = arith.constant 4 : i32
        %dma_start3A_174 = arith.constant 0 : i32
        %dma_start3A_175 = arith.constant 0 : i32
        %dma_start3A_176 = tpu.memref_slice %arg7[%dma_start3A, %dma_start3A_174, %dma_start3A_175] : memref<1x128x16xf32, #tpu.memory_space<vmem>> -> memref<1x128x16xf32, #tpu.memory_space<vmem>>
        %dma_start3A_177 = tpu.memref_squeeze %dma_start3A_176 : memref<1x128x16xf32, #tpu.memory_space<vmem>> -> memref<128x16xf32, #tpu.memory_space<vmem>>
        %dma_start3A_178 = arith.constant 0 : i32
        %dma_start3A_179 = tpu.memref_slice %arg6[%add3A_100, %dma_start3A_178] : memref<79x128xi32, #tpu.memory_space<vmem>> -> memref<1x128xi32, #tpu.memory_space<vmem>>
        %dma_start3A_180 = tpu.memref_squeeze %dma_start3A_179 : memref<1x128xi32, #tpu.memory_space<vmem>> -> memref<128xi32, #tpu.memory_space<vmem>>
        %dma_start3A_181 = arith.constant 0 : i32
        %dma_start3A_182 = arith.constant 0 : i32
        %dma_start3A_183 = tpu.memref_slice %arg8[%dma_start3A_181, %dma_start3A_182] : memref<10240x16xf32, #tpu.memory_space<vmem_shared>> -> memref<10240x16xf32, #tpu.memory_space<vmem_shared>>
        %dma_start3A_184 = tpu.memref_slice %arg11[%dma_start3A_173] : memref<8x!tpu.dma_semaphore, #tpu.memory_space<semaphore_mem>> -> memref<1x!tpu.dma_semaphore, #tpu.memory_space<semaphore_mem>>
        %dma_start3A_185 = tpu.memref_squeeze %dma_start3A_184 : memref<1x!tpu.dma_semaphore, #tpu.memory_space<semaphore_mem>> -> memref<!tpu.dma_semaphore, #tpu.memory_space<semaphore_mem>>
        tpu.enqueue_indirect_dma source(%dma_start3A_177 : memref<128x16xf32, #tpu.memory_space<vmem>>) target(%dma_start3A_183 : memref<10240x16xf32, #tpu.memory_space<vmem_shared>>) offsets(%dma_start3A_180 : memref<128xi32, #tpu.memory_space<vmem>>) semaphore(%dma_start3A_185 : memref<!tpu.dma_semaphore, #tpu.memory_space<semaphore_mem>>) {add = true}
      } else {
      }
      %mul3A_116 = arith.constant 8 : i32
      %mul3A_117 = arith.muli %scan3A_24, %mul3A_116 : i32
      %add3A_118 = arith.constant 5 : i32
      %add3A_119 = arith.addi %mul3A_117, %add3A_118 : i32
      %ge3A_120 = arith.constant 8 : i32
      %ge3A_121 = arith.cmpi sge, %add3A_119, %ge3A_120 : i32
      %add3A_122 = arith.constant 8 : i32
      %add3A_123 = arith.addi %add3A_9, %add3A_122 : i32
      %sub3A_124 = arith.constant 1 : i32
      %sub3A_125 = arith.subi %add3A_123, %sub3A_124 : i32
      %le3A_126 = arith.cmpi sle, %add3A_119, %sub3A_125 : i32
      %and3A_127 = arith.andi %ge3A_121, %le3A_126 : i1
      %convert_element_type3A_128 = arith.extui %and3A_127 : i1 to i32
      %cond3A_129 = arith.constant 0 : i32
      %cond3A_130 = arith.cmpi ne, %convert_element_type3A_128, %cond3A_129 : i32
      scf.if %cond3A_130 {
        %sub3A_173 = arith.constant 8 : i32
        %sub3A_174 = arith.subi %add3A_119, %sub3A_173 : i32
        %dma_wait3A = arith.constant 0 : i32
        %dma_wait3A_175 = arith.constant 5 : i32
        %dma_wait3A_176 = arith.constant 0 : i32
        %dma_wait3A_177 = arith.constant 0 : i32
        %dma_wait3A_178 = tpu.memref_slice %arg7[%dma_wait3A, %dma_wait3A_176, %dma_wait3A_177] : memref<1x128x16xf32, #tpu.memory_space<vmem>> -> memref<1x128x16xf32, #tpu.memory_space<vmem>>
        %dma_wait3A_179 = tpu.memref_squeeze %dma_wait3A_178 : memref<1x128x16xf32, #tpu.memory_space<vmem>> -> memref<128x16xf32, #tpu.memory_space<vmem>>
        %dma_wait3A_180 = arith.constant 0 : i32
        %dma_wait3A_181 = tpu.memref_slice %arg6[%sub3A_174, %dma_wait3A_180] : memref<79x128xi32, #tpu.memory_space<vmem>> -> memref<1x128xi32, #tpu.memory_space<vmem>>
        %dma_wait3A_182 = tpu.memref_squeeze %dma_wait3A_181 : memref<1x128xi32, #tpu.memory_space<vmem>> -> memref<128xi32, #tpu.memory_space<vmem>>
        %dma_wait3A_183 = arith.constant 0 : i32
        %dma_wait3A_184 = arith.constant 0 : i32
        %dma_wait3A_185 = tpu.memref_slice %arg8[%dma_wait3A_183, %dma_wait3A_184] : memref<10240x16xf32, #tpu.memory_space<vmem_shared>> -> memref<10240x16xf32, #tpu.memory_space<vmem_shared>>
        %dma_wait3A_186 = tpu.memref_slice %arg11[%dma_wait3A_175] : memref<8x!tpu.dma_semaphore, #tpu.memory_space<semaphore_mem>> -> memref<1x!tpu.dma_semaphore, #tpu.memory_space<semaphore_mem>>
        %dma_wait3A_187 = tpu.memref_squeeze %dma_wait3A_186 : memref<1x!tpu.dma_semaphore, #tpu.memory_space<semaphore_mem>> -> memref<!tpu.dma_semaphore, #tpu.memory_space<semaphore_mem>>
        tpu.wait_indirect_dma semaphore(%dma_wait3A_187 : memref<!tpu.dma_semaphore, #tpu.memory_space<semaphore_mem>>) src(%dma_wait3A_179 : memref<128x16xf32, #tpu.memory_space<vmem>>) dst(%dma_wait3A_185 : memref<10240x16xf32, #tpu.memory_space<vmem_shared>>)
      } else {
      }
      %lt3A_131 = arith.cmpi slt, %add3A_119, %add3A_9 : i32
      %convert_element_type3A_132 = arith.extui %lt3A_131 : i1 to i32
      %cond3A_133 = arith.constant 0 : i32
      %cond3A_134 = arith.cmpi ne, %convert_element_type3A_132, %cond3A_133 : i32
      scf.if %cond3A_134 {
        %dma_start3A = arith.constant 0 : i32
        %dma_start3A_173 = arith.constant 5 : i32
        %dma_start3A_174 = arith.constant 0 : i32
        %dma_start3A_175 = arith.constant 0 : i32
        %dma_start3A_176 = tpu.memref_slice %arg7[%dma_start3A, %dma_start3A_174, %dma_start3A_175] : memref<1x128x16xf32, #tpu.memory_space<vmem>> -> memref<1x128x16xf32, #tpu.memory_space<vmem>>
        %dma_start3A_177 = tpu.memref_squeeze %dma_start3A_176 : memref<1x128x16xf32, #tpu.memory_space<vmem>> -> memref<128x16xf32, #tpu.memory_space<vmem>>
        %dma_start3A_178 = arith.constant 0 : i32
        %dma_start3A_179 = tpu.memref_slice %arg6[%add3A_119, %dma_start3A_178] : memref<79x128xi32, #tpu.memory_space<vmem>> -> memref<1x128xi32, #tpu.memory_space<vmem>>
        %dma_start3A_180 = tpu.memref_squeeze %dma_start3A_179 : memref<1x128xi32, #tpu.memory_space<vmem>> -> memref<128xi32, #tpu.memory_space<vmem>>
        %dma_start3A_181 = arith.constant 0 : i32
        %dma_start3A_182 = arith.constant 0 : i32
        %dma_start3A_183 = tpu.memref_slice %arg8[%dma_start3A_181, %dma_start3A_182] : memref<10240x16xf32, #tpu.memory_space<vmem_shared>> -> memref<10240x16xf32, #tpu.memory_space<vmem_shared>>
        %dma_start3A_184 = tpu.memref_slice %arg11[%dma_start3A_173] : memref<8x!tpu.dma_semaphore, #tpu.memory_space<semaphore_mem>> -> memref<1x!tpu.dma_semaphore, #tpu.memory_space<semaphore_mem>>
        %dma_start3A_185 = tpu.memref_squeeze %dma_start3A_184 : memref<1x!tpu.dma_semaphore, #tpu.memory_space<semaphore_mem>> -> memref<!tpu.dma_semaphore, #tpu.memory_space<semaphore_mem>>
        tpu.enqueue_indirect_dma source(%dma_start3A_177 : memref<128x16xf32, #tpu.memory_space<vmem>>) target(%dma_start3A_183 : memref<10240x16xf32, #tpu.memory_space<vmem_shared>>) offsets(%dma_start3A_180 : memref<128xi32, #tpu.memory_space<vmem>>) semaphore(%dma_start3A_185 : memref<!tpu.dma_semaphore, #tpu.memory_space<semaphore_mem>>) {add = true}
      } else {
      }
      %mul3A_135 = arith.constant 8 : i32
      %mul3A_136 = arith.muli %scan3A_24, %mul3A_135 : i32
      %add3A_137 = arith.constant 6 : i32
      %add3A_138 = arith.addi %mul3A_136, %add3A_137 : i32
      %ge3A_139 = arith.constant 8 : i32
      %ge3A_140 = arith.cmpi sge, %add3A_138, %ge3A_139 : i32
      %add3A_141 = arith.constant 8 : i32
      %add3A_142 = arith.addi %add3A_9, %add3A_141 : i32
      %sub3A_143 = arith.constant 1 : i32
      %sub3A_144 = arith.subi %add3A_142, %sub3A_143 : i32
      %le3A_145 = arith.cmpi sle, %add3A_138, %sub3A_144 : i32
      %and3A_146 = arith.andi %ge3A_140, %le3A_145 : i1
      %convert_element_type3A_147 = arith.extui %and3A_146 : i1 to i32
      %cond3A_148 = arith.constant 0 : i32
      %cond3A_149 = arith.cmpi ne, %convert_element_type3A_147, %cond3A_148 : i32
      scf.if %cond3A_149 {
        %sub3A_173 = arith.constant 8 : i32
        %sub3A_174 = arith.subi %add3A_138, %sub3A_173 : i32
        %dma_wait3A = arith.constant 0 : i32
        %dma_wait3A_175 = arith.constant 6 : i32
        %dma_wait3A_176 = arith.constant 0 : i32
        %dma_wait3A_177 = arith.constant 0 : i32
        %dma_wait3A_178 = tpu.memref_slice %arg7[%dma_wait3A, %dma_wait3A_176, %dma_wait3A_177] : memref<1x128x16xf32, #tpu.memory_space<vmem>> -> memref<1x128x16xf32, #tpu.memory_space<vmem>>
        %dma_wait3A_179 = tpu.memref_squeeze %dma_wait3A_178 : memref<1x128x16xf32, #tpu.memory_space<vmem>> -> memref<128x16xf32, #tpu.memory_space<vmem>>
        %dma_wait3A_180 = arith.constant 0 : i32
        %dma_wait3A_181 = tpu.memref_slice %arg6[%sub3A_174, %dma_wait3A_180] : memref<79x128xi32, #tpu.memory_space<vmem>> -> memref<1x128xi32, #tpu.memory_space<vmem>>
        %dma_wait3A_182 = tpu.memref_squeeze %dma_wait3A_181 : memref<1x128xi32, #tpu.memory_space<vmem>> -> memref<128xi32, #tpu.memory_space<vmem>>
        %dma_wait3A_183 = arith.constant 0 : i32
        %dma_wait3A_184 = arith.constant 0 : i32
        %dma_wait3A_185 = tpu.memref_slice %arg8[%dma_wait3A_183, %dma_wait3A_184] : memref<10240x16xf32, #tpu.memory_space<vmem_shared>> -> memref<10240x16xf32, #tpu.memory_space<vmem_shared>>
        %dma_wait3A_186 = tpu.memref_slice %arg11[%dma_wait3A_175] : memref<8x!tpu.dma_semaphore, #tpu.memory_space<semaphore_mem>> -> memref<1x!tpu.dma_semaphore, #tpu.memory_space<semaphore_mem>>
        %dma_wait3A_187 = tpu.memref_squeeze %dma_wait3A_186 : memref<1x!tpu.dma_semaphore, #tpu.memory_space<semaphore_mem>> -> memref<!tpu.dma_semaphore, #tpu.memory_space<semaphore_mem>>
        tpu.wait_indirect_dma semaphore(%dma_wait3A_187 : memref<!tpu.dma_semaphore, #tpu.memory_space<semaphore_mem>>) src(%dma_wait3A_179 : memref<128x16xf32, #tpu.memory_space<vmem>>) dst(%dma_wait3A_185 : memref<10240x16xf32, #tpu.memory_space<vmem_shared>>)
      } else {
      }
      %lt3A_150 = arith.cmpi slt, %add3A_138, %add3A_9 : i32
      %convert_element_type3A_151 = arith.extui %lt3A_150 : i1 to i32
      %cond3A_152 = arith.constant 0 : i32
      %cond3A_153 = arith.cmpi ne, %convert_element_type3A_151, %cond3A_152 : i32
      scf.if %cond3A_153 {
        %dma_start3A = arith.constant 0 : i32
        %dma_start3A_173 = arith.constant 6 : i32
        %dma_start3A_174 = arith.constant 0 : i32
        %dma_start3A_175 = arith.constant 0 : i32
        %dma_start3A_176 = tpu.memref_slice %arg7[%dma_start3A, %dma_start3A_174, %dma_start3A_175] : memref<1x128x16xf32, #tpu.memory_space<vmem>> -> memref<1x128x16xf32, #tpu.memory_space<vmem>>
        %dma_start3A_177 = tpu.memref_squeeze %dma_start3A_176 : memref<1x128x16xf32, #tpu.memory_space<vmem>> -> memref<128x16xf32, #tpu.memory_space<vmem>>
        %dma_start3A_178 = arith.constant 0 : i32
        %dma_start3A_179 = tpu.memref_slice %arg6[%add3A_138, %dma_start3A_178] : memref<79x128xi32, #tpu.memory_space<vmem>> -> memref<1x128xi32, #tpu.memory_space<vmem>>
        %dma_start3A_180 = tpu.memref_squeeze %dma_start3A_179 : memref<1x128xi32, #tpu.memory_space<vmem>> -> memref<128xi32, #tpu.memory_space<vmem>>
        %dma_start3A_181 = arith.constant 0 : i32
        %dma_start3A_182 = arith.constant 0 : i32
        %dma_start3A_183 = tpu.memref_slice %arg8[%dma_start3A_181, %dma_start3A_182] : memref<10240x16xf32, #tpu.memory_space<vmem_shared>> -> memref<10240x16xf32, #tpu.memory_space<vmem_shared>>
        %dma_start3A_184 = tpu.memref_slice %arg11[%dma_start3A_173] : memref<8x!tpu.dma_semaphore, #tpu.memory_space<semaphore_mem>> -> memref<1x!tpu.dma_semaphore, #tpu.memory_space<semaphore_mem>>
        %dma_start3A_185 = tpu.memref_squeeze %dma_start3A_184 : memref<1x!tpu.dma_semaphore, #tpu.memory_space<semaphore_mem>> -> memref<!tpu.dma_semaphore, #tpu.memory_space<semaphore_mem>>
        tpu.enqueue_indirect_dma source(%dma_start3A_177 : memref<128x16xf32, #tpu.memory_space<vmem>>) target(%dma_start3A_183 : memref<10240x16xf32, #tpu.memory_space<vmem_shared>>) offsets(%dma_start3A_180 : memref<128xi32, #tpu.memory_space<vmem>>) semaphore(%dma_start3A_185 : memref<!tpu.dma_semaphore, #tpu.memory_space<semaphore_mem>>) {add = true}
      } else {
      }
      %mul3A_154 = arith.constant 8 : i32
      %mul3A_155 = arith.muli %scan3A_24, %mul3A_154 : i32
      %add3A_156 = arith.constant 7 : i32
      %add3A_157 = arith.addi %mul3A_155, %add3A_156 : i32
      %ge3A_158 = arith.constant 8 : i32
      %ge3A_159 = arith.cmpi sge, %add3A_157, %ge3A_158 : i32
      %add3A_160 = arith.constant 8 : i32
      %add3A_161 = arith.addi %add3A_9, %add3A_160 : i32
      %sub3A_162 = arith.constant 1 : i32
      %sub3A_163 = arith.subi %add3A_161, %sub3A_162 : i32
      %le3A_164 = arith.cmpi sle, %add3A_157, %sub3A_163 : i32
      %and3A_165 = arith.andi %ge3A_159, %le3A_164 : i1
      %convert_element_type3A_166 = arith.extui %and3A_165 : i1 to i32
      %cond3A_167 = arith.constant 0 : i32
      %cond3A_168 = arith.cmpi ne, %convert_element_type3A_166, %cond3A_167 : i32
      scf.if %cond3A_168 {
        %sub3A_173 = arith.constant 8 : i32
        %sub3A_174 = arith.subi %add3A_157, %sub3A_173 : i32
        %dma_wait3A = arith.constant 0 : i32
        %dma_wait3A_175 = arith.constant 7 : i32
        %dma_wait3A_176 = arith.constant 0 : i32
        %dma_wait3A_177 = arith.constant 0 : i32
        %dma_wait3A_178 = tpu.memref_slice %arg7[%dma_wait3A, %dma_wait3A_176, %dma_wait3A_177] : memref<1x128x16xf32, #tpu.memory_space<vmem>> -> memref<1x128x16xf32, #tpu.memory_space<vmem>>
        %dma_wait3A_179 = tpu.memref_squeeze %dma_wait3A_178 : memref<1x128x16xf32, #tpu.memory_space<vmem>> -> memref<128x16xf32, #tpu.memory_space<vmem>>
        %dma_wait3A_180 = arith.constant 0 : i32
        %dma_wait3A_181 = tpu.memref_slice %arg6[%sub3A_174, %dma_wait3A_180] : memref<79x128xi32, #tpu.memory_space<vmem>> -> memref<1x128xi32, #tpu.memory_space<vmem>>
        %dma_wait3A_182 = tpu.memref_squeeze %dma_wait3A_181 : memref<1x128xi32, #tpu.memory_space<vmem>> -> memref<128xi32, #tpu.memory_space<vmem>>
        %dma_wait3A_183 = arith.constant 0 : i32
        %dma_wait3A_184 = arith.constant 0 : i32
        %dma_wait3A_185 = tpu.memref_slice %arg8[%dma_wait3A_183, %dma_wait3A_184] : memref<10240x16xf32, #tpu.memory_space<vmem_shared>> -> memref<10240x16xf32, #tpu.memory_space<vmem_shared>>
        %dma_wait3A_186 = tpu.memref_slice %arg11[%dma_wait3A_175] : memref<8x!tpu.dma_semaphore, #tpu.memory_space<semaphore_mem>> -> memref<1x!tpu.dma_semaphore, #tpu.memory_space<semaphore_mem>>
        %dma_wait3A_187 = tpu.memref_squeeze %dma_wait3A_186 : memref<1x!tpu.dma_semaphore, #tpu.memory_space<semaphore_mem>> -> memref<!tpu.dma_semaphore, #tpu.memory_space<semaphore_mem>>
        tpu.wait_indirect_dma semaphore(%dma_wait3A_187 : memref<!tpu.dma_semaphore, #tpu.memory_space<semaphore_mem>>) src(%dma_wait3A_179 : memref<128x16xf32, #tpu.memory_space<vmem>>) dst(%dma_wait3A_185 : memref<10240x16xf32, #tpu.memory_space<vmem_shared>>)
      } else {
      }
      %lt3A_169 = arith.cmpi slt, %add3A_157, %add3A_9 : i32
      %convert_element_type3A_170 = arith.extui %lt3A_169 : i1 to i32
      %cond3A_171 = arith.constant 0 : i32
      %cond3A_172 = arith.cmpi ne, %convert_element_type3A_170, %cond3A_171 : i32
      scf.if %cond3A_172 {
        %dma_start3A = arith.constant 0 : i32
        %dma_start3A_173 = arith.constant 7 : i32
        %dma_start3A_174 = arith.constant 0 : i32
        %dma_start3A_175 = arith.constant 0 : i32
        %dma_start3A_176 = tpu.memref_slice %arg7[%dma_start3A, %dma_start3A_174, %dma_start3A_175] : memref<1x128x16xf32, #tpu.memory_space<vmem>> -> memref<1x128x16xf32, #tpu.memory_space<vmem>>
        %dma_start3A_177 = tpu.memref_squeeze %dma_start3A_176 : memref<1x128x16xf32, #tpu.memory_space<vmem>> -> memref<128x16xf32, #tpu.memory_space<vmem>>
        %dma_start3A_178 = arith.constant 0 : i32
        %dma_start3A_179 = tpu.memref_slice %arg6[%add3A_157, %dma_start3A_178] : memref<79x128xi32, #tpu.memory_space<vmem>> -> memref<1x128xi32, #tpu.memory_space<vmem>>
        %dma_start3A_180 = tpu.memref_squeeze %dma_start3A_179 : memref<1x128xi32, #tpu.memory_space<vmem>> -> memref<128xi32, #tpu.memory_space<vmem>>
        %dma_start3A_181 = arith.constant 0 : i32
        %dma_start3A_182 = arith.constant 0 : i32
        %dma_start3A_183 = tpu.memref_slice %arg8[%dma_start3A_181, %dma_start3A_182] : memref<10240x16xf32, #tpu.memory_space<vmem_shared>> -> memref<10240x16xf32, #tpu.memory_space<vmem_shared>>
        %dma_start3A_184 = tpu.memref_slice %arg11[%dma_start3A_173] : memref<8x!tpu.dma_semaphore, #tpu.memory_space<semaphore_mem>> -> memref<1x!tpu.dma_semaphore, #tpu.memory_space<semaphore_mem>>
        %dma_start3A_185 = tpu.memref_squeeze %dma_start3A_184 : memref<1x!tpu.dma_semaphore, #tpu.memory_space<semaphore_mem>> -> memref<!tpu.dma_semaphore, #tpu.memory_space<semaphore_mem>>
        tpu.enqueue_indirect_dma source(%dma_start3A_177 : memref<128x16xf32, #tpu.memory_space<vmem>>) target(%dma_start3A_183 : memref<10240x16xf32, #tpu.memory_space<vmem_shared>>) offsets(%dma_start3A_180 : memref<128xi32, #tpu.memory_space<vmem>>) semaphore(%dma_start3A_185 : memref<!tpu.dma_semaphore, #tpu.memory_space<semaphore_mem>>) {add = true}
      } else {
      }
    }
    %scan3A_19 = arith.constant 11 : i32
    %barrier3A_20 = arith.constant 0 : index
    tpu.barrier barrier_id(%barrier3A_20)
    %mul3A_21 = arith.constant 10240 : i32
    %mul3A_22 = arith.muli %arg0, %mul3A_21 : i32
    %add3A_23 = arith.addi %mul3A_22, %mul3A_2 : i32
    "tpu.region"() ({
      %run_scoped3A_24 = tpu.sem_alloc : memref<!tpu.dma_semaphore, #tpu.memory_space<semaphore_mem>>
      %dma_start3A = arith.constant 0 : i32
      %dma_start3A_25 = tpu.memref_slice %arg5[%add3A_23, %dma_start3A] : memref<20480x16xf32, #tpu.memory_space<hbm>> -> memref<640x16xf32, #tpu.memory_space<hbm>>
      %dma_start3A_26 = arith.constant 0 : i32
      %dma_start3A_27 = tpu.memref_slice %arg8[%mul3A_2, %dma_start3A_26] : memref<10240x16xf32, #tpu.memory_space<vmem_shared>> -> memref<640x16xf32, #tpu.memory_space<vmem_shared>>
      tpu.enqueue_dma source(%dma_start3A_27 : memref<640x16xf32, #tpu.memory_space<vmem_shared>>) target(%dma_start3A_25 : memref<640x16xf32, #tpu.memory_space<hbm>>) target_semaphore(%run_scoped3A_24 : memref<!tpu.dma_semaphore, #tpu.memory_space<semaphore_mem>>)
      %dma_wait3A = arith.constant 0 : i32
      %dma_wait3A_28 = tpu.memref_slice %arg5[%add3A_23, %dma_wait3A] : memref<20480x16xf32, #tpu.memory_space<hbm>> -> memref<640x16xf32, #tpu.memory_space<hbm>>
      %dma_wait3A_29 = arith.constant 0 : i32
      %dma_wait3A_30 = tpu.memref_slice %arg8[%mul3A_2, %dma_wait3A_29] : memref<10240x16xf32, #tpu.memory_space<vmem_shared>> -> memref<640x16xf32, #tpu.memory_space<vmem_shared>>
      tpu.wait_dma2 semaphore(%run_scoped3A_24 : memref<!tpu.dma_semaphore, #tpu.memory_space<semaphore_mem>>) src(%dma_wait3A_30 : memref<640x16xf32, #tpu.memory_space<vmem_shared>>) dst(%dma_wait3A_28 : memref<640x16xf32, #tpu.memory_space<hbm>>)
      tpu.yield
    }) : () -> ()
    return
  }
}

#map = affine_map<(d0, d1) -> (0, 0)>
#map1 = affine_map<(d0, d1) -> (0, 0, 0)>
module attributes {stable_mosaic.version = 14 : i64} {
  func.func @k(%arg0: i32, %arg1: i32, %arg2: memref<10240x128xf32, #tpu.memory_space<hbm>>, %arg3: memref<2x2500x128xi32, #tpu.memory_space<hbm>>, %arg4: memref<10240x128xf32, #tpu.memory_space<hbm>>, %arg5: memref<20480x128xf32, #tpu.memory_space<hbm>>, %arg6: memref<79x128xi32, #tpu.memory_space<vmem>>, %arg7: memref<3x128xi32, #tpu.memory_space<vmem>>, %arg8: memref<2x128x128xf32, #tpu.memory_space<vmem>>, %arg9: memref<10240x128xf32, #tpu.memory_space<vmem_shared>>, %arg10: memref<3x!tpu.dma_semaphore, #tpu.memory_space<semaphore_mem>>, %arg11: memref<2x!tpu.dma_semaphore, #tpu.memory_space<semaphore_mem>>, %arg12: memref<2x!tpu.dma_semaphore, #tpu.memory_space<semaphore_mem>>) attributes {dimension_semantics = [#tpu.dimension_semantics<core_parallel>, #tpu.dimension_semantics<subcore_parallel>], iteration_bounds = array<i64: 2, 16>, scalar_prefetch = 0 : i64, scratch_operands = 7 : i64, tpu.core_type = #tpu.core_type<sc_vector_subcore>, window_params = [{transform_indices = #map}, {transform_indices = #map1}, {transform_indices = #map}, {transform_indices = #map}]} {
    %mul3A = arith.constant 16 : i32
    %mul3A_0 = arith.muli %arg0, %mul3A : i32
    %add3A = arith.addi %mul3A_0, %arg1 : i32
    %mul3A_1 = arith.constant 640 : i32
    %mul3A_2 = arith.muli %arg1, %mul3A_1 : i32
    %mul3A_3 = arith.constant 78 : i32
    %mul3A_4 = arith.muli %mul3A_3, %add3A : i32
    %min3A = arith.constant 4 : i32
    %min3A_5 = arith.minsi %add3A, %min3A : i32
    %add3A_6 = arith.addi %mul3A_4, %min3A_5 : i32
    %lt3A = arith.constant 4 : i32
    %lt3A_7 = arith.cmpi slt, %add3A, %lt3A : i32
    %convert_element_type3A = arith.extui %lt3A_7 : i1 to i32
    %add3A_8 = arith.constant 78 : i32
    %add3A_9 = arith.addi %add3A_8, %convert_element_type3A : i32
    %run_scoped3A = arith.constant 1 : i32
    "tpu.region"() ({
      %run_scoped3A_41 = tpu.sem_alloc : memref<!tpu.dma_semaphore, #tpu.memory_space<semaphore_mem>>
      %dma_start3A_42 = arith.constant 0 : i32
      %dma_start3A_43 = arith.constant 0 : i32
      %dma_start3A_44 = tpu.memref_slice %arg6[%dma_start3A_42, %dma_start3A_43] : memref<79x128xi32, #tpu.memory_space<vmem>> -> memref<78x128xi32, #tpu.memory_space<vmem>>
      %dma_start3A_45 = arith.constant 0 : i32
      %dma_start3A_46 = tpu.memref_slice %arg3[%run_scoped3A, %add3A_6, %dma_start3A_45] : memref<2x2500x128xi32, #tpu.memory_space<hbm>> -> memref<1x78x128xi32, #tpu.memory_space<hbm>>
      %dma_start3A_47 = tpu.memref_squeeze %dma_start3A_46 : memref<1x78x128xi32, #tpu.memory_space<hbm>> -> memref<78x128xi32, #tpu.memory_space<hbm>>
      %dma_start3A_48 = arith.constant 0 : i32
      %dma_start3A_49 = arith.constant 0 : i32
      %dma_start3A_50 = tpu.memref_slice %arg6[%dma_start3A_48, %dma_start3A_49] : memref<79x128xi32, #tpu.memory_space<vmem>> -> memref<78x128xi32, #tpu.memory_space<vmem>>
      %dma_start3A_51 = arith.constant 0 : i32
      %dma_start3A_52 = tpu.memref_slice %arg3[%run_scoped3A, %add3A_6, %dma_start3A_51] : memref<2x2500x128xi32, #tpu.memory_space<hbm>> -> memref<1x78x128xi32, #tpu.memory_space<hbm>>
      %dma_start3A_53 = tpu.memref_squeeze %dma_start3A_52 : memref<1x78x128xi32, #tpu.memory_space<hbm>> -> memref<78x128xi32, #tpu.memory_space<hbm>>
      tpu.enqueue_dma source(%dma_start3A_53 : memref<78x128xi32, #tpu.memory_space<hbm>>) target(%dma_start3A_50 : memref<78x128xi32, #tpu.memory_space<vmem>>) target_semaphore(%run_scoped3A_41 : memref<!tpu.dma_semaphore, #tpu.memory_space<semaphore_mem>>)
      %dma_wait3A = arith.constant 0 : i32
      %dma_wait3A_54 = arith.constant 0 : i32
      %dma_wait3A_55 = tpu.memref_slice %arg6[%dma_wait3A, %dma_wait3A_54] : memref<79x128xi32, #tpu.memory_space<vmem>> -> memref<78x128xi32, #tpu.memory_space<vmem>>
      %dma_wait3A_56 = arith.constant 0 : i32
      %dma_wait3A_57 = tpu.memref_slice %arg3[%run_scoped3A, %add3A_6, %dma_wait3A_56] : memref<2x2500x128xi32, #tpu.memory_space<hbm>> -> memref<1x78x128xi32, #tpu.memory_space<hbm>>
      %dma_wait3A_58 = tpu.memref_squeeze %dma_wait3A_57 : memref<1x78x128xi32, #tpu.memory_space<hbm>> -> memref<78x128xi32, #tpu.memory_space<hbm>>
      %dma_wait3A_59 = arith.constant 0 : i32
      %dma_wait3A_60 = arith.constant 0 : i32
      %dma_wait3A_61 = tpu.memref_slice %arg6[%dma_wait3A_59, %dma_wait3A_60] : memref<79x128xi32, #tpu.memory_space<vmem>> -> memref<78x128xi32, #tpu.memory_space<vmem>>
      %dma_wait3A_62 = arith.constant 0 : i32
      %dma_wait3A_63 = tpu.memref_slice %arg3[%run_scoped3A, %add3A_6, %dma_wait3A_62] : memref<2x2500x128xi32, #tpu.memory_space<hbm>> -> memref<1x78x128xi32, #tpu.memory_space<hbm>>
      %dma_wait3A_64 = tpu.memref_squeeze %dma_wait3A_63 : memref<1x78x128xi32, #tpu.memory_space<hbm>> -> memref<78x128xi32, #tpu.memory_space<hbm>>
      tpu.wait_dma2 semaphore(%run_scoped3A_41 : memref<!tpu.dma_semaphore, #tpu.memory_space<semaphore_mem>>) src(%dma_wait3A_64 : memref<78x128xi32, #tpu.memory_space<hbm>>) dst(%dma_wait3A_61 : memref<78x128xi32, #tpu.memory_space<vmem>>)
      tpu.yield
    }) : () -> ()
    %lt3A_10 = arith.constant 4 : i32
    %lt3A_11 = arith.cmpi slt, %add3A, %lt3A_10 : i32
    %convert_element_type3A_12 = arith.extui %lt3A_11 : i1 to i32
    %cond3A = arith.constant 0 : i32
    %cond3A_13 = arith.cmpi ne, %convert_element_type3A_12, %cond3A : i32
    scf.if %cond3A_13 {
      %add3A_41 = arith.constant 78 : i32
      %add3A_42 = arith.addi %add3A_6, %add3A_41 : i32
      %run_scoped3A_43 = arith.constant 1 : i32
      "tpu.region"() ({
        %run_scoped3A_44 = tpu.sem_alloc : memref<!tpu.dma_semaphore, #tpu.memory_space<semaphore_mem>>
        %dma_start3A_45 = arith.constant 78 : i32
        %dma_start3A_46 = arith.constant 0 : i32
        %dma_start3A_47 = tpu.memref_slice %arg6[%dma_start3A_45, %dma_start3A_46] : memref<79x128xi32, #tpu.memory_space<vmem>> -> memref<1x128xi32, #tpu.memory_space<vmem>>
        %dma_start3A_48 = arith.constant 0 : i32
        %dma_start3A_49 = tpu.memref_slice %arg3[%run_scoped3A_43, %add3A_42, %dma_start3A_48] : memref<2x2500x128xi32, #tpu.memory_space<hbm>> -> memref<1x1x128xi32, #tpu.memory_space<hbm>>
        %dma_start3A_50 = tpu.memref_squeeze %dma_start3A_49 : memref<1x1x128xi32, #tpu.memory_space<hbm>> -> memref<1x128xi32, #tpu.memory_space<hbm>>
        %dma_start3A_51 = arith.constant 78 : i32
        %dma_start3A_52 = arith.constant 0 : i32
        %dma_start3A_53 = tpu.memref_slice %arg6[%dma_start3A_51, %dma_start3A_52] : memref<79x128xi32, #tpu.memory_space<vmem>> -> memref<1x128xi32, #tpu.memory_space<vmem>>
        %dma_start3A_54 = arith.constant 0 : i32
        %dma_start3A_55 = tpu.memref_slice %arg3[%run_scoped3A_43, %add3A_42, %dma_start3A_54] : memref<2x2500x128xi32, #tpu.memory_space<hbm>> -> memref<1x1x128xi32, #tpu.memory_space<hbm>>
        %dma_start3A_56 = tpu.memref_squeeze %dma_start3A_55 : memref<1x1x128xi32, #tpu.memory_space<hbm>> -> memref<1x128xi32, #tpu.memory_space<hbm>>
        tpu.enqueue_dma source(%dma_start3A_56 : memref<1x128xi32, #tpu.memory_space<hbm>>) target(%dma_start3A_53 : memref<1x128xi32, #tpu.memory_space<vmem>>) target_semaphore(%run_scoped3A_44 : memref<!tpu.dma_semaphore, #tpu.memory_space<semaphore_mem>>)
        %dma_wait3A = arith.constant 78 : i32
        %dma_wait3A_57 = arith.constant 0 : i32
        %dma_wait3A_58 = tpu.memref_slice %arg6[%dma_wait3A, %dma_wait3A_57] : memref<79x128xi32, #tpu.memory_space<vmem>> -> memref<1x128xi32, #tpu.memory_space<vmem>>
        %dma_wait3A_59 = arith.constant 0 : i32
        %dma_wait3A_60 = tpu.memref_slice %arg3[%run_scoped3A_43, %add3A_42, %dma_wait3A_59] : memref<2x2500x128xi32, #tpu.memory_space<hbm>> -> memref<1x1x128xi32, #tpu.memory_space<hbm>>
        %dma_wait3A_61 = tpu.memref_squeeze %dma_wait3A_60 : memref<1x1x128xi32, #tpu.memory_space<hbm>> -> memref<1x128xi32, #tpu.memory_space<hbm>>
        %dma_wait3A_62 = arith.constant 78 : i32
        %dma_wait3A_63 = arith.constant 0 : i32
        %dma_wait3A_64 = tpu.memref_slice %arg6[%dma_wait3A_62, %dma_wait3A_63] : memref<79x128xi32, #tpu.memory_space<vmem>> -> memref<1x128xi32, #tpu.memory_space<vmem>>
        %dma_wait3A_65 = arith.constant 0 : i32
        %dma_wait3A_66 = tpu.memref_slice %arg3[%run_scoped3A_43, %add3A_42, %dma_wait3A_65] : memref<2x2500x128xi32, #tpu.memory_space<hbm>> -> memref<1x1x128xi32, #tpu.memory_space<hbm>>
        %dma_wait3A_67 = tpu.memref_squeeze %dma_wait3A_66 : memref<1x1x128xi32, #tpu.memory_space<hbm>> -> memref<1x128xi32, #tpu.memory_space<hbm>>
        tpu.wait_dma2 semaphore(%run_scoped3A_44 : memref<!tpu.dma_semaphore, #tpu.memory_space<semaphore_mem>>) src(%dma_wait3A_67 : memref<1x128xi32, #tpu.memory_space<hbm>>) dst(%dma_wait3A_64 : memref<1x128xi32, #tpu.memory_space<vmem>>)
        tpu.yield
      }) : () -> ()
    } else {
    }
    "tpu.region"() ({
      %run_scoped3A_41 = tpu.sem_alloc : memref<!tpu.dma_semaphore, #tpu.memory_space<semaphore_mem>>
      %dma_start3A_42 = arith.constant 0 : i32
      %dma_start3A_43 = tpu.memref_slice %arg9[%mul3A_2, %dma_start3A_42] : memref<10240x128xf32, #tpu.memory_space<vmem_shared>> -> memref<640x128xf32, #tpu.memory_space<vmem_shared>>
      %dma_start3A_44 = arith.constant 0 : i32
      %dma_start3A_45 = tpu.memref_slice %arg4[%mul3A_2, %dma_start3A_44] : memref<10240x128xf32, #tpu.memory_space<hbm>> -> memref<640x128xf32, #tpu.memory_space<hbm>>
      tpu.enqueue_dma source(%dma_start3A_45 : memref<640x128xf32, #tpu.memory_space<hbm>>) target(%dma_start3A_43 : memref<640x128xf32, #tpu.memory_space<vmem_shared>>) target_semaphore(%run_scoped3A_41 : memref<!tpu.dma_semaphore, #tpu.memory_space<semaphore_mem>>)
      %dma_wait3A = arith.constant 0 : i32
      %dma_wait3A_46 = tpu.memref_slice %arg9[%mul3A_2, %dma_wait3A] : memref<10240x128xf32, #tpu.memory_space<vmem_shared>> -> memref<640x128xf32, #tpu.memory_space<vmem_shared>>
      %dma_wait3A_47 = arith.constant 0 : i32
      %dma_wait3A_48 = tpu.memref_slice %arg4[%mul3A_2, %dma_wait3A_47] : memref<10240x128xf32, #tpu.memory_space<hbm>> -> memref<640x128xf32, #tpu.memory_space<hbm>>
      tpu.wait_dma2 semaphore(%run_scoped3A_41 : memref<!tpu.dma_semaphore, #tpu.memory_space<semaphore_mem>>) src(%dma_wait3A_48 : memref<640x128xf32, #tpu.memory_space<hbm>>) dst(%dma_wait3A_46 : memref<640x128xf32, #tpu.memory_space<vmem_shared>>)
      tpu.yield
    }) : () -> ()
    %barrier3A = arith.constant 0 : index
    tpu.barrier barrier_id(%barrier3A)
    %add3A_14 = arith.constant 0 : i32
    %add3A_15 = arith.addi %add3A_6, %add3A_14 : i32
    %dma_start3A = arith.constant 0 : i32
    %dma_start3A_16 = arith.constant 0 : i32
    %dma_start3A_17 = arith.constant 0 : i32
    %dma_start3A_18 = arith.constant 0 : i32
    %dma_start3A_19 = tpu.memref_slice %arg7[%dma_start3A_16, %dma_start3A_18] : memref<3x128xi32, #tpu.memory_space<vmem>> -> memref<1x128xi32, #tpu.memory_space<vmem>>
    %dma_start3A_20 = tpu.memref_squeeze %dma_start3A_19 : memref<1x128xi32, #tpu.memory_space<vmem>> -> memref<128xi32, #tpu.memory_space<vmem>>
    %dma_start3A_21 = arith.constant 0 : i32
    %dma_start3A_22 = tpu.memref_slice %arg3[%dma_start3A, %add3A_15, %dma_start3A_21] : memref<2x2500x128xi32, #tpu.memory_space<hbm>> -> memref<1x1x128xi32, #tpu.memory_space<hbm>>
    %dma_start3A_23 = tpu.memref_squeeze %dma_start3A_22 : memref<1x1x128xi32, #tpu.memory_space<hbm>> -> memref<128xi32, #tpu.memory_space<hbm>>
    %dma_start3A_24 = tpu.memref_slice %arg10[%dma_start3A_17] : memref<3x!tpu.dma_semaphore, #tpu.memory_space<semaphore_mem>> -> memref<1x!tpu.dma_semaphore, #tpu.memory_space<semaphore_mem>>
    %dma_start3A_25 = tpu.memref_squeeze %dma_start3A_24 : memref<1x!tpu.dma_semaphore, #tpu.memory_space<semaphore_mem>> -> memref<!tpu.dma_semaphore, #tpu.memory_space<semaphore_mem>>
    %dma_start3A_26 = arith.constant 0 : i32
    %dma_start3A_27 = tpu.memref_slice %arg7[%dma_start3A_16, %dma_start3A_26] : memref<3x128xi32, #tpu.memory_space<vmem>> -> memref<1x128xi32, #tpu.memory_space<vmem>>
    %dma_start3A_28 = tpu.memref_squeeze %dma_start3A_27 : memref<1x128xi32, #tpu.memory_space<vmem>> -> memref<128xi32, #tpu.memory_space<vmem>>
    %dma_start3A_29 = arith.constant 0 : i32
    %dma_start3A_30 = tpu.memref_slice %arg3[%dma_start3A, %add3A_15, %dma_start3A_29] : memref<2x2500x128xi32, #tpu.memory_space<hbm>> -> memref<1x1x128xi32, #tpu.memory_space<hbm>>
    %dma_start3A_31 = tpu.memref_squeeze %dma_start3A_30 : memref<1x1x128xi32, #tpu.memory_space<hbm>> -> memref<128xi32, #tpu.memory_space<hbm>>
    tpu.enqueue_dma source(%dma_start3A_31 : memref<128xi32, #tpu.memory_space<hbm>>) target(%dma_start3A_28 : memref<128xi32, #tpu.memory_space<vmem>>) target_semaphore(%dma_start3A_25 : memref<!tpu.dma_semaphore, #tpu.memory_space<semaphore_mem>>)
    %scan3A = arith.constant 0 : i32
    %scan3A_32 = arith.constant 0 : i32
    %scan3A_33 = arith.constant 14 : i32
    %scan3A_34 = arith.addi %scan3A_32, %scan3A_33 : i32
    %scan3A_35 = arith.constant 1 : i32
    scf.for %scan3A_41 = %scan3A_32 to %scan3A_34 step %scan3A_35  : i32 {
      %mul3A_42 = arith.constant 6 : i32
      %mul3A_43 = arith.muli %scan3A_41, %mul3A_42 : i32
      %add3A_44 = arith.constant 0 : i32
      %add3A_45 = arith.addi %mul3A_43, %add3A_44 : i32
      %ge3A = arith.constant 2 : i32
      %ge3A_46 = arith.cmpi sge, %add3A_45, %ge3A : i32
      %add3A_47 = arith.constant 1 : i32
      %add3A_48 = arith.addi %add3A_9, %add3A_47 : i32
      %le3A = arith.cmpi sle, %add3A_45, %add3A_48 : i32
      %and3A = arith.andi %ge3A_46, %le3A : i1
      %convert_element_type3A_49 = arith.extui %and3A : i1 to i32
      %cond3A_50 = arith.constant 0 : i32
      %cond3A_51 = arith.cmpi ne, %convert_element_type3A_49, %cond3A_50 : i32
      scf.if %cond3A_51 {
        %sub3A = arith.constant 2 : i32
        %sub3A_219 = arith.subi %add3A_45, %sub3A : i32
        %dma_wait3A = arith.constant 0 : i32
        %dma_wait3A_220 = arith.constant 0 : i32
        %dma_wait3A_221 = arith.constant 0 : i32
        %dma_wait3A_222 = arith.constant 0 : i32
        %dma_wait3A_223 = tpu.memref_slice %arg8[%dma_wait3A, %dma_wait3A_221, %dma_wait3A_222] : memref<2x128x128xf32, #tpu.memory_space<vmem>> -> memref<1x128x128xf32, #tpu.memory_space<vmem>>
        %dma_wait3A_224 = tpu.memref_squeeze %dma_wait3A_223 : memref<1x128x128xf32, #tpu.memory_space<vmem>> -> memref<128x128xf32, #tpu.memory_space<vmem>>
        %dma_wait3A_225 = arith.constant 0 : i32
        %dma_wait3A_226 = tpu.memref_slice %arg6[%sub3A_219, %dma_wait3A_225] : memref<79x128xi32, #tpu.memory_space<vmem>> -> memref<1x128xi32, #tpu.memory_space<vmem>>
        %dma_wait3A_227 = tpu.memref_squeeze %dma_wait3A_226 : memref<1x128xi32, #tpu.memory_space<vmem>> -> memref<128xi32, #tpu.memory_space<vmem>>
        %dma_wait3A_228 = arith.constant 0 : i32
        %dma_wait3A_229 = arith.constant 0 : i32
        %dma_wait3A_230 = tpu.memref_slice %arg9[%dma_wait3A_228, %dma_wait3A_229] : memref<10240x128xf32, #tpu.memory_space<vmem_shared>> -> memref<10240x128xf32, #tpu.memory_space<vmem_shared>>
        %dma_wait3A_231 = tpu.memref_slice %arg12[%dma_wait3A_220] : memref<2x!tpu.dma_semaphore, #tpu.memory_space<semaphore_mem>> -> memref<1x!tpu.dma_semaphore, #tpu.memory_space<semaphore_mem>>
        %dma_wait3A_232 = tpu.memref_squeeze %dma_wait3A_231 : memref<1x!tpu.dma_semaphore, #tpu.memory_space<semaphore_mem>> -> memref<!tpu.dma_semaphore, #tpu.memory_space<semaphore_mem>>
        tpu.wait_indirect_dma semaphore(%dma_wait3A_232 : memref<!tpu.dma_semaphore, #tpu.memory_space<semaphore_mem>>) src(%dma_wait3A_224 : memref<128x128xf32, #tpu.memory_space<vmem>>) dst(%dma_wait3A_230 : memref<10240x128xf32, #tpu.memory_space<vmem_shared>>)
      } else {
      }
      %lt3A_52 = arith.cmpi slt, %add3A_45, %add3A_9 : i32
      %convert_element_type3A_53 = arith.extui %lt3A_52 : i1 to i32
      %cond3A_54 = arith.constant 0 : i32
      %cond3A_55 = arith.cmpi ne, %convert_element_type3A_53, %cond3A_54 : i32
      scf.if %cond3A_55 {
        %add3A_219 = arith.addi %add3A_6, %add3A_45 : i32
        %dma_wait3A = arith.constant 0 : i32
        %dma_wait3A_220 = arith.constant 0 : i32
        %dma_wait3A_221 = arith.constant 0 : i32
        %dma_wait3A_222 = arith.constant 0 : i32
        %dma_wait3A_223 = tpu.memref_slice %arg7[%dma_wait3A_220, %dma_wait3A_222] : memref<3x128xi32, #tpu.memory_space<vmem>> -> memref<1x128xi32, #tpu.memory_space<vmem>>
        %dma_wait3A_224 = tpu.memref_squeeze %dma_wait3A_223 : memref<1x128xi32, #tpu.memory_space<vmem>> -> memref<128xi32, #tpu.memory_space<vmem>>
        %dma_wait3A_225 = arith.constant 0 : i32
        %dma_wait3A_226 = tpu.memref_slice %arg3[%dma_wait3A, %add3A_219, %dma_wait3A_225] : memref<2x2500x128xi32, #tpu.memory_space<hbm>> -> memref<1x1x128xi32, #tpu.memory_space<hbm>>
        %dma_wait3A_227 = tpu.memref_squeeze %dma_wait3A_226 : memref<1x1x128xi32, #tpu.memory_space<hbm>> -> memref<128xi32, #tpu.memory_space<hbm>>
        %dma_wait3A_228 = tpu.memref_slice %arg10[%dma_wait3A_221] : memref<3x!tpu.dma_semaphore, #tpu.memory_space<semaphore_mem>> -> memref<1x!tpu.dma_semaphore, #tpu.memory_space<semaphore_mem>>
        %dma_wait3A_229 = tpu.memref_squeeze %dma_wait3A_228 : memref<1x!tpu.dma_semaphore, #tpu.memory_space<semaphore_mem>> -> memref<!tpu.dma_semaphore, #tpu.memory_space<semaphore_mem>>
        %dma_wait3A_230 = arith.constant 0 : i32
        %dma_wait3A_231 = tpu.memref_slice %arg7[%dma_wait3A_220, %dma_wait3A_230] : memref<3x128xi32, #tpu.memory_space<vmem>> -> memref<1x128xi32, #tpu.memory_space<vmem>>
        %dma_wait3A_232 = tpu.memref_squeeze %dma_wait3A_231 : memref<1x128xi32, #tpu.memory_space<vmem>> -> memref<128xi32, #tpu.memory_space<vmem>>
        %dma_wait3A_233 = arith.constant 0 : i32
        %dma_wait3A_234 = tpu.memref_slice %arg3[%dma_wait3A, %add3A_219, %dma_wait3A_233] : memref<2x2500x128xi32, #tpu.memory_space<hbm>> -> memref<1x1x128xi32, #tpu.memory_space<hbm>>
        %dma_wait3A_235 = tpu.memref_squeeze %dma_wait3A_234 : memref<1x1x128xi32, #tpu.memory_space<hbm>> -> memref<128xi32, #tpu.memory_space<hbm>>
        tpu.wait_dma2 semaphore(%dma_wait3A_229 : memref<!tpu.dma_semaphore, #tpu.memory_space<semaphore_mem>>) src(%dma_wait3A_235 : memref<128xi32, #tpu.memory_space<hbm>>) dst(%dma_wait3A_232 : memref<128xi32, #tpu.memory_space<vmem>>)
        %dma_start3A_236 = arith.constant 0 : i32
        %dma_start3A_237 = arith.constant 0 : i32
        %dma_start3A_238 = arith.constant 0 : i32
        %dma_start3A_239 = arith.constant 0 : i32
        %dma_start3A_240 = arith.constant 0 : i32
        %dma_start3A_241 = tpu.memref_slice %arg8[%dma_start3A_237, %dma_start3A_239, %dma_start3A_240] : memref<2x128x128xf32, #tpu.memory_space<vmem>> -> memref<1x128x128xf32, #tpu.memory_space<vmem>>
        %dma_start3A_242 = tpu.memref_squeeze %dma_start3A_241 : memref<1x128x128xf32, #tpu.memory_space<vmem>> -> memref<128x128xf32, #tpu.memory_space<vmem>>
        %dma_start3A_243 = arith.constant 0 : i32
        %dma_start3A_244 = tpu.memref_slice %arg7[%dma_start3A_236, %dma_start3A_243] : memref<3x128xi32, #tpu.memory_space<vmem>> -> memref<1x128xi32, #tpu.memory_space<vmem>>
        %dma_start3A_245 = tpu.memref_squeeze %dma_start3A_244 : memref<1x128xi32, #tpu.memory_space<vmem>> -> memref<128xi32, #tpu.memory_space<vmem>>
        %dma_start3A_246 = arith.constant 0 : i32
        %dma_start3A_247 = arith.constant 0 : i32
        %dma_start3A_248 = tpu.memref_slice %arg2[%dma_start3A_246, %dma_start3A_247] : memref<10240x128xf32, #tpu.memory_space<hbm>> -> memref<10240x128xf32, #tpu.memory_space<hbm>>
        %dma_start3A_249 = tpu.memref_slice %arg11[%dma_start3A_238] : memref<2x!tpu.dma_semaphore, #tpu.memory_space<semaphore_mem>> -> memref<1x!tpu.dma_semaphore, #tpu.memory_space<semaphore_mem>>
        %dma_start3A_250 = tpu.memref_squeeze %dma_start3A_249 : memref<1x!tpu.dma_semaphore, #tpu.memory_space<semaphore_mem>> -> memref<!tpu.dma_semaphore, #tpu.memory_space<semaphore_mem>>
        tpu.enqueue_indirect_dma source(%dma_start3A_248 : memref<10240x128xf32, #tpu.memory_space<hbm>>) target(%dma_start3A_242 : memref<128x128xf32, #tpu.memory_space<vmem>>) offsets(%dma_start3A_245 : memref<128xi32, #tpu.memory_space<vmem>>) semaphore(%dma_start3A_250 : memref<!tpu.dma_semaphore, #tpu.memory_space<semaphore_mem>>)
      } else {
      }
      %ge3A_56 = arith.constant 1 : i32
      %ge3A_57 = arith.cmpi sge, %add3A_45, %ge3A_56 : i32
      %le3A_58 = arith.cmpi sle, %add3A_45, %add3A_9 : i32
      %and3A_59 = arith.andi %ge3A_57, %le3A_58 : i1
      %convert_element_type3A_60 = arith.extui %and3A_59 : i1 to i32
      %cond3A_61 = arith.constant 0 : i32
      %cond3A_62 = arith.cmpi ne, %convert_element_type3A_60, %cond3A_61 : i32
      scf.if %cond3A_62 {
        %dma_wait3A = arith.constant 2 : i32
        %dma_wait3A_219 = arith.constant 1 : i32
        %dma_wait3A_220 = arith.constant 1 : i32
        %dma_wait3A_221 = arith.constant 0 : i32
        %dma_wait3A_222 = arith.constant 0 : i32
        %dma_wait3A_223 = tpu.memref_slice %arg8[%dma_wait3A_219, %dma_wait3A_221, %dma_wait3A_222] : memref<2x128x128xf32, #tpu.memory_space<vmem>> -> memref<1x128x128xf32, #tpu.memory_space<vmem>>
        %dma_wait3A_224 = tpu.memref_squeeze %dma_wait3A_223 : memref<1x128x128xf32, #tpu.memory_space<vmem>> -> memref<128x128xf32, #tpu.memory_space<vmem>>
        %dma_wait3A_225 = arith.constant 0 : i32
        %dma_wait3A_226 = tpu.memref_slice %arg7[%dma_wait3A, %dma_wait3A_225] : memref<3x128xi32, #tpu.memory_space<vmem>> -> memref<1x128xi32, #tpu.memory_space<vmem>>
        %dma_wait3A_227 = tpu.memref_squeeze %dma_wait3A_226 : memref<1x128xi32, #tpu.memory_space<vmem>> -> memref<128xi32, #tpu.memory_space<vmem>>
        %dma_wait3A_228 = arith.constant 0 : i32
        %dma_wait3A_229 = arith.constant 0 : i32
        %dma_wait3A_230 = tpu.memref_slice %arg2[%dma_wait3A_228, %dma_wait3A_229] : memref<10240x128xf32, #tpu.memory_space<hbm>> -> memref<10240x128xf32, #tpu.memory_space<hbm>>
        %dma_wait3A_231 = tpu.memref_slice %arg11[%dma_wait3A_220] : memref<2x!tpu.dma_semaphore, #tpu.memory_space<semaphore_mem>> -> memref<1x!tpu.dma_semaphore, #tpu.memory_space<semaphore_mem>>
        %dma_wait3A_232 = tpu.memref_squeeze %dma_wait3A_231 : memref<1x!tpu.dma_semaphore, #tpu.memory_space<semaphore_mem>> -> memref<!tpu.dma_semaphore, #tpu.memory_space<semaphore_mem>>
        tpu.wait_indirect_dma semaphore(%dma_wait3A_232 : memref<!tpu.dma_semaphore, #tpu.memory_space<semaphore_mem>>) src(%dma_wait3A_230 : memref<10240x128xf32, #tpu.memory_space<hbm>>) dst(%dma_wait3A_224 : memref<128x128xf32, #tpu.memory_space<vmem>>)
        %sub3A = arith.constant 1 : i32
        %sub3A_233 = arith.subi %add3A_45, %sub3A : i32
        %dma_start3A_234 = arith.constant 1 : i32
        %dma_start3A_235 = arith.constant 1 : i32
        %dma_start3A_236 = arith.constant 0 : i32
        %dma_start3A_237 = arith.constant 0 : i32
        %dma_start3A_238 = tpu.memref_slice %arg8[%dma_start3A_234, %dma_start3A_236, %dma_start3A_237] : memref<2x128x128xf32, #tpu.memory_space<vmem>> -> memref<1x128x128xf32, #tpu.memory_space<vmem>>
        %dma_start3A_239 = tpu.memref_squeeze %dma_start3A_238 : memref<1x128x128xf32, #tpu.memory_space<vmem>> -> memref<128x128xf32, #tpu.memory_space<vmem>>
        %dma_start3A_240 = arith.constant 0 : i32
        %dma_start3A_241 = tpu.memref_slice %arg6[%sub3A_233, %dma_start3A_240] : memref<79x128xi32, #tpu.memory_space<vmem>> -> memref<1x128xi32, #tpu.memory_space<vmem>>
        %dma_start3A_242 = tpu.memref_squeeze %dma_start3A_241 : memref<1x128xi32, #tpu.memory_space<vmem>> -> memref<128xi32, #tpu.memory_space<vmem>>
        %dma_start3A_243 = arith.constant 0 : i32
        %dma_start3A_244 = arith.constant 0 : i32
        %dma_start3A_245 = tpu.memref_slice %arg9[%dma_start3A_243, %dma_start3A_244] : memref<10240x128xf32, #tpu.memory_space<vmem_shared>> -> memref<10240x128xf32, #tpu.memory_space<vmem_shared>>
        %dma_start3A_246 = tpu.memref_slice %arg12[%dma_start3A_235] : memref<2x!tpu.dma_semaphore, #tpu.memory_space<semaphore_mem>> -> memref<1x!tpu.dma_semaphore, #tpu.memory_space<semaphore_mem>>
        %dma_start3A_247 = tpu.memref_squeeze %dma_start3A_246 : memref<1x!tpu.dma_semaphore, #tpu.memory_space<semaphore_mem>> -> memref<!tpu.dma_semaphore, #tpu.memory_space<semaphore_mem>>
        tpu.enqueue_indirect_dma source(%dma_start3A_239 : memref<128x128xf32, #tpu.memory_space<vmem>>) target(%dma_start3A_245 : memref<10240x128xf32, #tpu.memory_space<vmem_shared>>) offsets(%dma_start3A_242 : memref<128xi32, #tpu.memory_space<vmem>>) semaphore(%dma_start3A_247 : memref<!tpu.dma_semaphore, #tpu.memory_space<semaphore_mem>>) {add = true}
      } else {
      }
      %add3A_63 = arith.constant 1 : i32
      %add3A_64 = arith.addi %add3A_45, %add3A_63 : i32
      %lt3A_65 = arith.cmpi slt, %add3A_64, %add3A_9 : i32
      %convert_element_type3A_66 = arith.extui %lt3A_65 : i1 to i32
      %cond3A_67 = arith.constant 0 : i32
      %cond3A_68 = arith.cmpi ne, %convert_element_type3A_66, %cond3A_67 : i32
      scf.if %cond3A_68 {
        %add3A_219 = arith.constant 1 : i32
        %add3A_220 = arith.addi %add3A_45, %add3A_219 : i32
        %add3A_221 = arith.addi %add3A_6, %add3A_220 : i32
        %dma_start3A_222 = arith.constant 0 : i32
        %dma_start3A_223 = arith.constant 1 : i32
        %dma_start3A_224 = arith.constant 1 : i32
        %dma_start3A_225 = arith.constant 0 : i32
        %dma_start3A_226 = tpu.memref_slice %arg7[%dma_start3A_223, %dma_start3A_225] : memref<3x128xi32, #tpu.memory_space<vmem>> -> memref<1x128xi32, #tpu.memory_space<vmem>>
        %dma_start3A_227 = tpu.memref_squeeze %dma_start3A_226 : memref<1x128xi32, #tpu.memory_space<vmem>> -> memref<128xi32, #tpu.memory_space<vmem>>
        %dma_start3A_228 = arith.constant 0 : i32
        %dma_start3A_229 = tpu.memref_slice %arg3[%dma_start3A_222, %add3A_221, %dma_start3A_228] : memref<2x2500x128xi32, #tpu.memory_space<hbm>> -> memref<1x1x128xi32, #tpu.memory_space<hbm>>
        %dma_start3A_230 = tpu.memref_squeeze %dma_start3A_229 : memref<1x1x128xi32, #tpu.memory_space<hbm>> -> memref<128xi32, #tpu.memory_space<hbm>>
        %dma_start3A_231 = tpu.memref_slice %arg10[%dma_start3A_224] : memref<3x!tpu.dma_semaphore, #tpu.memory_space<semaphore_mem>> -> memref<1x!tpu.dma_semaphore, #tpu.memory_space<semaphore_mem>>
        %dma_start3A_232 = tpu.memref_squeeze %dma_start3A_231 : memref<1x!tpu.dma_semaphore, #tpu.memory_space<semaphore_mem>> -> memref<!tpu.dma_semaphore, #tpu.memory_space<semaphore_mem>>
        %dma_start3A_233 = arith.constant 0 : i32
        %dma_start3A_234 = tpu.memref_slice %arg7[%dma_start3A_223, %dma_start3A_233] : memref<3x128xi32, #tpu.memory_space<vmem>> -> memref<1x128xi32, #tpu.memory_space<vmem>>
        %dma_start3A_235 = tpu.memref_squeeze %dma_start3A_234 : memref<1x128xi32, #tpu.memory_space<vmem>> -> memref<128xi32, #tpu.memory_space<vmem>>
        %dma_start3A_236 = arith.constant 0 : i32
        %dma_start3A_237 = tpu.memref_slice %arg3[%dma_start3A_222, %add3A_221, %dma_start3A_236] : memref<2x2500x128xi32, #tpu.memory_space<hbm>> -> memref<1x1x128xi32, #tpu.memory_space<hbm>>
        %dma_start3A_238 = tpu.memref_squeeze %dma_start3A_237 : memref<1x1x128xi32, #tpu.memory_space<hbm>> -> memref<128xi32, #tpu.memory_space<hbm>>
        tpu.enqueue_dma source(%dma_start3A_238 : memref<128xi32, #tpu.memory_space<hbm>>) target(%dma_start3A_235 : memref<128xi32, #tpu.memory_space<vmem>>) target_semaphore(%dma_start3A_232 : memref<!tpu.dma_semaphore, #tpu.memory_space<semaphore_mem>>)
      } else {
      }
      %mul3A_69 = arith.constant 6 : i32
      %mul3A_70 = arith.muli %scan3A_41, %mul3A_69 : i32
      %add3A_71 = arith.constant 1 : i32
      %add3A_72 = arith.addi %mul3A_70, %add3A_71 : i32
      %ge3A_73 = arith.constant 2 : i32
      %ge3A_74 = arith.cmpi sge, %add3A_72, %ge3A_73 : i32
      %add3A_75 = arith.constant 1 : i32
      %add3A_76 = arith.addi %add3A_9, %add3A_75 : i32
      %le3A_77 = arith.cmpi sle, %add3A_72, %add3A_76 : i32
      %and3A_78 = arith.andi %ge3A_74, %le3A_77 : i1
      %convert_element_type3A_79 = arith.extui %and3A_78 : i1 to i32
      %cond3A_80 = arith.constant 0 : i32
      %cond3A_81 = arith.cmpi ne, %convert_element_type3A_79, %cond3A_80 : i32
      scf.if %cond3A_81 {
        %sub3A = arith.constant 2 : i32
        %sub3A_219 = arith.subi %add3A_72, %sub3A : i32
        %dma_wait3A = arith.constant 1 : i32
        %dma_wait3A_220 = arith.constant 1 : i32
        %dma_wait3A_221 = arith.constant 0 : i32
        %dma_wait3A_222 = arith.constant 0 : i32
        %dma_wait3A_223 = tpu.memref_slice %arg8[%dma_wait3A, %dma_wait3A_221, %dma_wait3A_222] : memref<2x128x128xf32, #tpu.memory_space<vmem>> -> memref<1x128x128xf32, #tpu.memory_space<vmem>>
        %dma_wait3A_224 = tpu.memref_squeeze %dma_wait3A_223 : memref<1x128x128xf32, #tpu.memory_space<vmem>> -> memref<128x128xf32, #tpu.memory_space<vmem>>
        %dma_wait3A_225 = arith.constant 0 : i32
        %dma_wait3A_226 = tpu.memref_slice %arg6[%sub3A_219, %dma_wait3A_225] : memref<79x128xi32, #tpu.memory_space<vmem>> -> memref<1x128xi32, #tpu.memory_space<vmem>>
        %dma_wait3A_227 = tpu.memref_squeeze %dma_wait3A_226 : memref<1x128xi32, #tpu.memory_space<vmem>> -> memref<128xi32, #tpu.memory_space<vmem>>
        %dma_wait3A_228 = arith.constant 0 : i32
        %dma_wait3A_229 = arith.constant 0 : i32
        %dma_wait3A_230 = tpu.memref_slice %arg9[%dma_wait3A_228, %dma_wait3A_229] : memref<10240x128xf32, #tpu.memory_space<vmem_shared>> -> memref<10240x128xf32, #tpu.memory_space<vmem_shared>>
        %dma_wait3A_231 = tpu.memref_slice %arg12[%dma_wait3A_220] : memref<2x!tpu.dma_semaphore, #tpu.memory_space<semaphore_mem>> -> memref<1x!tpu.dma_semaphore, #tpu.memory_space<semaphore_mem>>
        %dma_wait3A_232 = tpu.memref_squeeze %dma_wait3A_231 : memref<1x!tpu.dma_semaphore, #tpu.memory_space<semaphore_mem>> -> memref<!tpu.dma_semaphore, #tpu.memory_space<semaphore_mem>>
        tpu.wait_indirect_dma semaphore(%dma_wait3A_232 : memref<!tpu.dma_semaphore, #tpu.memory_space<semaphore_mem>>) src(%dma_wait3A_224 : memref<128x128xf32, #tpu.memory_space<vmem>>) dst(%dma_wait3A_230 : memref<10240x128xf32, #tpu.memory_space<vmem_shared>>)
      } else {
      }
      %lt3A_82 = arith.cmpi slt, %add3A_72, %add3A_9 : i32
      %convert_element_type3A_83 = arith.extui %lt3A_82 : i1 to i32
      %cond3A_84 = arith.constant 0 : i32
      %cond3A_85 = arith.cmpi ne, %convert_element_type3A_83, %cond3A_84 : i32
      scf.if %cond3A_85 {
        %add3A_219 = arith.addi %add3A_6, %add3A_72 : i32
        %dma_wait3A = arith.constant 0 : i32
        %dma_wait3A_220 = arith.constant 1 : i32
        %dma_wait3A_221 = arith.constant 1 : i32
        %dma_wait3A_222 = arith.constant 0 : i32
        %dma_wait3A_223 = tpu.memref_slice %arg7[%dma_wait3A_220, %dma_wait3A_222] : memref<3x128xi32, #tpu.memory_space<vmem>> -> memref<1x128xi32, #tpu.memory_space<vmem>>
        %dma_wait3A_224 = tpu.memref_squeeze %dma_wait3A_223 : memref<1x128xi32, #tpu.memory_space<vmem>> -> memref<128xi32, #tpu.memory_space<vmem>>
        %dma_wait3A_225 = arith.constant 0 : i32
        %dma_wait3A_226 = tpu.memref_slice %arg3[%dma_wait3A, %add3A_219, %dma_wait3A_225] : memref<2x2500x128xi32, #tpu.memory_space<hbm>> -> memref<1x1x128xi32, #tpu.memory_space<hbm>>
        %dma_wait3A_227 = tpu.memref_squeeze %dma_wait3A_226 : memref<1x1x128xi32, #tpu.memory_space<hbm>> -> memref<128xi32, #tpu.memory_space<hbm>>
        %dma_wait3A_228 = tpu.memref_slice %arg10[%dma_wait3A_221] : memref<3x!tpu.dma_semaphore, #tpu.memory_space<semaphore_mem>> -> memref<1x!tpu.dma_semaphore, #tpu.memory_space<semaphore_mem>>
        %dma_wait3A_229 = tpu.memref_squeeze %dma_wait3A_228 : memref<1x!tpu.dma_semaphore, #tpu.memory_space<semaphore_mem>> -> memref<!tpu.dma_semaphore, #tpu.memory_space<semaphore_mem>>
        %dma_wait3A_230 = arith.constant 0 : i32
        %dma_wait3A_231 = tpu.memref_slice %arg7[%dma_wait3A_220, %dma_wait3A_230] : memref<3x128xi32, #tpu.memory_space<vmem>> -> memref<1x128xi32, #tpu.memory_space<vmem>>
        %dma_wait3A_232 = tpu.memref_squeeze %dma_wait3A_231 : memref<1x128xi32, #tpu.memory_space<vmem>> -> memref<128xi32, #tpu.memory_space<vmem>>
        %dma_wait3A_233 = arith.constant 0 : i32
        %dma_wait3A_234 = tpu.memref_slice %arg3[%dma_wait3A, %add3A_219, %dma_wait3A_233] : memref<2x2500x128xi32, #tpu.memory_space<hbm>> -> memref<1x1x128xi32, #tpu.memory_space<hbm>>
        %dma_wait3A_235 = tpu.memref_squeeze %dma_wait3A_234 : memref<1x1x128xi32, #tpu.memory_space<hbm>> -> memref<128xi32, #tpu.memory_space<hbm>>
        tpu.wait_dma2 semaphore(%dma_wait3A_229 : memref<!tpu.dma_semaphore, #tpu.memory_space<semaphore_mem>>) src(%dma_wait3A_235 : memref<128xi32, #tpu.memory_space<hbm>>) dst(%dma_wait3A_232 : memref<128xi32, #tpu.memory_space<vmem>>)
        %dma_start3A_236 = arith.constant 1 : i32
        %dma_start3A_237 = arith.constant 1 : i32
        %dma_start3A_238 = arith.constant 1 : i32
        %dma_start3A_239 = arith.constant 0 : i32
        %dma_start3A_240 = arith.constant 0 : i32
        %dma_start3A_241 = tpu.memref_slice %arg8[%dma_start3A_237, %dma_start3A_239, %dma_start3A_240] : memref<2x128x128xf32, #tpu.memory_space<vmem>> -> memref<1x128x128xf32, #tpu.memory_space<vmem>>
        %dma_start3A_242 = tpu.memref_squeeze %dma_start3A_241 : memref<1x128x128xf32, #tpu.memory_space<vmem>> -> memref<128x128xf32, #tpu.memory_space<vmem>>
        %dma_start3A_243 = arith.constant 0 : i32
        %dma_start3A_244 = tpu.memref_slice %arg7[%dma_start3A_236, %dma_start3A_243] : memref<3x128xi32, #tpu.memory_space<vmem>> -> memref<1x128xi32, #tpu.memory_space<vmem>>
        %dma_start3A_245 = tpu.memref_squeeze %dma_start3A_244 : memref<1x128xi32, #tpu.memory_space<vmem>> -> memref<128xi32, #tpu.memory_space<vmem>>
        %dma_start3A_246 = arith.constant 0 : i32
        %dma_start3A_247 = arith.constant 0 : i32
        %dma_start3A_248 = tpu.memref_slice %arg2[%dma_start3A_246, %dma_start3A_247] : memref<10240x128xf32, #tpu.memory_space<hbm>> -> memref<10240x128xf32, #tpu.memory_space<hbm>>
        %dma_start3A_249 = tpu.memref_slice %arg11[%dma_start3A_238] : memref<2x!tpu.dma_semaphore, #tpu.memory_space<semaphore_mem>> -> memref<1x!tpu.dma_semaphore, #tpu.memory_space<semaphore_mem>>
        %dma_start3A_250 = tpu.memref_squeeze %dma_start3A_249 : memref<1x!tpu.dma_semaphore, #tpu.memory_space<semaphore_mem>> -> memref<!tpu.dma_semaphore, #tpu.memory_space<semaphore_mem>>
        tpu.enqueue_indirect_dma source(%dma_start3A_248 : memref<10240x128xf32, #tpu.memory_space<hbm>>) target(%dma_start3A_242 : memref<128x128xf32, #tpu.memory_space<vmem>>) offsets(%dma_start3A_245 : memref<128xi32, #tpu.memory_space<vmem>>) semaphore(%dma_start3A_250 : memref<!tpu.dma_semaphore, #tpu.memory_space<semaphore_mem>>)
      } else {
      }
      %ge3A_86 = arith.constant 1 : i32
      %ge3A_87 = arith.cmpi sge, %add3A_72, %ge3A_86 : i32
      %le3A_88 = arith.cmpi sle, %add3A_72, %add3A_9 : i32
      %and3A_89 = arith.andi %ge3A_87, %le3A_88 : i1
      %convert_element_type3A_90 = arith.extui %and3A_89 : i1 to i32
      %cond3A_91 = arith.constant 0 : i32
      %cond3A_92 = arith.cmpi ne, %convert_element_type3A_90, %cond3A_91 : i32
      scf.if %cond3A_92 {
        %dma_wait3A = arith.constant 0 : i32
        %dma_wait3A_219 = arith.constant 0 : i32
        %dma_wait3A_220 = arith.constant 0 : i32
        %dma_wait3A_221 = arith.constant 0 : i32
        %dma_wait3A_222 = arith.constant 0 : i32
        %dma_wait3A_223 = tpu.memref_slice %arg8[%dma_wait3A_219, %dma_wait3A_221, %dma_wait3A_222] : memref<2x128x128xf32, #tpu.memory_space<vmem>> -> memref<1x128x128xf32, #tpu.memory_space<vmem>>
        %dma_wait3A_224 = tpu.memref_squeeze %dma_wait3A_223 : memref<1x128x128xf32, #tpu.memory_space<vmem>> -> memref<128x128xf32, #tpu.memory_space<vmem>>
        %dma_wait3A_225 = arith.constant 0 : i32
        %dma_wait3A_226 = tpu.memref_slice %arg7[%dma_wait3A, %dma_wait3A_225] : memref<3x128xi32, #tpu.memory_space<vmem>> -> memref<1x128xi32, #tpu.memory_space<vmem>>
        %dma_wait3A_227 = tpu.memref_squeeze %dma_wait3A_226 : memref<1x128xi32, #tpu.memory_space<vmem>> -> memref<128xi32, #tpu.memory_space<vmem>>
        %dma_wait3A_228 = arith.constant 0 : i32
        %dma_wait3A_229 = arith.constant 0 : i32
        %dma_wait3A_230 = tpu.memref_slice %arg2[%dma_wait3A_228, %dma_wait3A_229] : memref<10240x128xf32, #tpu.memory_space<hbm>> -> memref<10240x128xf32, #tpu.memory_space<hbm>>
        %dma_wait3A_231 = tpu.memref_slice %arg11[%dma_wait3A_220] : memref<2x!tpu.dma_semaphore, #tpu.memory_space<semaphore_mem>> -> memref<1x!tpu.dma_semaphore, #tpu.memory_space<semaphore_mem>>
        %dma_wait3A_232 = tpu.memref_squeeze %dma_wait3A_231 : memref<1x!tpu.dma_semaphore, #tpu.memory_space<semaphore_mem>> -> memref<!tpu.dma_semaphore, #tpu.memory_space<semaphore_mem>>
        tpu.wait_indirect_dma semaphore(%dma_wait3A_232 : memref<!tpu.dma_semaphore, #tpu.memory_space<semaphore_mem>>) src(%dma_wait3A_230 : memref<10240x128xf32, #tpu.memory_space<hbm>>) dst(%dma_wait3A_224 : memref<128x128xf32, #tpu.memory_space<vmem>>)
        %sub3A = arith.constant 1 : i32
        %sub3A_233 = arith.subi %add3A_72, %sub3A : i32
        %dma_start3A_234 = arith.constant 0 : i32
        %dma_start3A_235 = arith.constant 0 : i32
        %dma_start3A_236 = arith.constant 0 : i32
        %dma_start3A_237 = arith.constant 0 : i32
        %dma_start3A_238 = tpu.memref_slice %arg8[%dma_start3A_234, %dma_start3A_236, %dma_start3A_237] : memref<2x128x128xf32, #tpu.memory_space<vmem>> -> memref<1x128x128xf32, #tpu.memory_space<vmem>>
        %dma_start3A_239 = tpu.memref_squeeze %dma_start3A_238 : memref<1x128x128xf32, #tpu.memory_space<vmem>> -> memref<128x128xf32, #tpu.memory_space<vmem>>
        %dma_start3A_240 = arith.constant 0 : i32
        %dma_start3A_241 = tpu.memref_slice %arg6[%sub3A_233, %dma_start3A_240] : memref<79x128xi32, #tpu.memory_space<vmem>> -> memref<1x128xi32, #tpu.memory_space<vmem>>
        %dma_start3A_242 = tpu.memref_squeeze %dma_start3A_241 : memref<1x128xi32, #tpu.memory_space<vmem>> -> memref<128xi32, #tpu.memory_space<vmem>>
        %dma_start3A_243 = arith.constant 0 : i32
        %dma_start3A_244 = arith.constant 0 : i32
        %dma_start3A_245 = tpu.memref_slice %arg9[%dma_start3A_243, %dma_start3A_244] : memref<10240x128xf32, #tpu.memory_space<vmem_shared>> -> memref<10240x128xf32, #tpu.memory_space<vmem_shared>>
        %dma_start3A_246 = tpu.memref_slice %arg12[%dma_start3A_235] : memref<2x!tpu.dma_semaphore, #tpu.memory_space<semaphore_mem>> -> memref<1x!tpu.dma_semaphore, #tpu.memory_space<semaphore_mem>>
        %dma_start3A_247 = tpu.memref_squeeze %dma_start3A_246 : memref<1x!tpu.dma_semaphore, #tpu.memory_space<semaphore_mem>> -> memref<!tpu.dma_semaphore, #tpu.memory_space<semaphore_mem>>
        tpu.enqueue_indirect_dma source(%dma_start3A_239 : memref<128x128xf32, #tpu.memory_space<vmem>>) target(%dma_start3A_245 : memref<10240x128xf32, #tpu.memory_space<vmem_shared>>) offsets(%dma_start3A_242 : memref<128xi32, #tpu.memory_space<vmem>>) semaphore(%dma_start3A_247 : memref<!tpu.dma_semaphore, #tpu.memory_space<semaphore_mem>>) {add = true}
      } else {
      }
      %add3A_93 = arith.constant 1 : i32
      %add3A_94 = arith.addi %add3A_72, %add3A_93 : i32
      %lt3A_95 = arith.cmpi slt, %add3A_94, %add3A_9 : i32
      %convert_element_type3A_96 = arith.extui %lt3A_95 : i1 to i32
      %cond3A_97 = arith.constant 0 : i32
      %cond3A_98 = arith.cmpi ne, %convert_element_type3A_96, %cond3A_97 : i32
      scf.if %cond3A_98 {
        %add3A_219 = arith.constant 1 : i32
        %add3A_220 = arith.addi %add3A_72, %add3A_219 : i32
        %add3A_221 = arith.addi %add3A_6, %add3A_220 : i32
        %dma_start3A_222 = arith.constant 0 : i32
        %dma_start3A_223 = arith.constant 2 : i32
        %dma_start3A_224 = arith.constant 2 : i32
        %dma_start3A_225 = arith.constant 0 : i32
        %dma_start3A_226 = tpu.memref_slice %arg7[%dma_start3A_223, %dma_start3A_225] : memref<3x128xi32, #tpu.memory_space<vmem>> -> memref<1x128xi32, #tpu.memory_space<vmem>>
        %dma_start3A_227 = tpu.memref_squeeze %dma_start3A_226 : memref<1x128xi32, #tpu.memory_space<vmem>> -> memref<128xi32, #tpu.memory_space<vmem>>
        %dma_start3A_228 = arith.constant 0 : i32
        %dma_start3A_229 = tpu.memref_slice %arg3[%dma_start3A_222, %add3A_221, %dma_start3A_228] : memref<2x2500x128xi32, #tpu.memory_space<hbm>> -> memref<1x1x128xi32, #tpu.memory_space<hbm>>
        %dma_start3A_230 = tpu.memref_squeeze %dma_start3A_229 : memref<1x1x128xi32, #tpu.memory_space<hbm>> -> memref<128xi32, #tpu.memory_space<hbm>>
        %dma_start3A_231 = tpu.memref_slice %arg10[%dma_start3A_224] : memref<3x!tpu.dma_semaphore, #tpu.memory_space<semaphore_mem>> -> memref<1x!tpu.dma_semaphore, #tpu.memory_space<semaphore_mem>>
        %dma_start3A_232 = tpu.memref_squeeze %dma_start3A_231 : memref<1x!tpu.dma_semaphore, #tpu.memory_space<semaphore_mem>> -> memref<!tpu.dma_semaphore, #tpu.memory_space<semaphore_mem>>
        %dma_start3A_233 = arith.constant 0 : i32
        %dma_start3A_234 = tpu.memref_slice %arg7[%dma_start3A_223, %dma_start3A_233] : memref<3x128xi32, #tpu.memory_space<vmem>> -> memref<1x128xi32, #tpu.memory_space<vmem>>
        %dma_start3A_235 = tpu.memref_squeeze %dma_start3A_234 : memref<1x128xi32, #tpu.memory_space<vmem>> -> memref<128xi32, #tpu.memory_space<vmem>>
        %dma_start3A_236 = arith.constant 0 : i32
        %dma_start3A_237 = tpu.memref_slice %arg3[%dma_start3A_222, %add3A_221, %dma_start3A_236] : memref<2x2500x128xi32, #tpu.memory_space<hbm>> -> memref<1x1x128xi32, #tpu.memory_space<hbm>>
        %dma_start3A_238 = tpu.memref_squeeze %dma_start3A_237 : memref<1x1x128xi32, #tpu.memory_space<hbm>> -> memref<128xi32, #tpu.memory_space<hbm>>
        tpu.enqueue_dma source(%dma_start3A_238 : memref<128xi32, #tpu.memory_space<hbm>>) target(%dma_start3A_235 : memref<128xi32, #tpu.memory_space<vmem>>) target_semaphore(%dma_start3A_232 : memref<!tpu.dma_semaphore, #tpu.memory_space<semaphore_mem>>)
      } else {
      }
      %mul3A_99 = arith.constant 6 : i32
      %mul3A_100 = arith.muli %scan3A_41, %mul3A_99 : i32
      %add3A_101 = arith.constant 2 : i32
      %add3A_102 = arith.addi %mul3A_100, %add3A_101 : i32
      %ge3A_103 = arith.constant 2 : i32
      %ge3A_104 = arith.cmpi sge, %add3A_102, %ge3A_103 : i32
      %add3A_105 = arith.constant 1 : i32
      %add3A_106 = arith.addi %add3A_9, %add3A_105 : i32
      %le3A_107 = arith.cmpi sle, %add3A_102, %add3A_106 : i32
      %and3A_108 = arith.andi %ge3A_104, %le3A_107 : i1
      %convert_element_type3A_109 = arith.extui %and3A_108 : i1 to i32
      %cond3A_110 = arith.constant 0 : i32
      %cond3A_111 = arith.cmpi ne, %convert_element_type3A_109, %cond3A_110 : i32
      scf.if %cond3A_111 {
        %sub3A = arith.constant 2 : i32
        %sub3A_219 = arith.subi %add3A_102, %sub3A : i32
        %dma_wait3A = arith.constant 0 : i32
        %dma_wait3A_220 = arith.constant 0 : i32
        %dma_wait3A_221 = arith.constant 0 : i32
        %dma_wait3A_222 = arith.constant 0 : i32
        %dma_wait3A_223 = tpu.memref_slice %arg8[%dma_wait3A, %dma_wait3A_221, %dma_wait3A_222] : memref<2x128x128xf32, #tpu.memory_space<vmem>> -> memref<1x128x128xf32, #tpu.memory_space<vmem>>
        %dma_wait3A_224 = tpu.memref_squeeze %dma_wait3A_223 : memref<1x128x128xf32, #tpu.memory_space<vmem>> -> memref<128x128xf32, #tpu.memory_space<vmem>>
        %dma_wait3A_225 = arith.constant 0 : i32
        %dma_wait3A_226 = tpu.memref_slice %arg6[%sub3A_219, %dma_wait3A_225] : memref<79x128xi32, #tpu.memory_space<vmem>> -> memref<1x128xi32, #tpu.memory_space<vmem>>
        %dma_wait3A_227 = tpu.memref_squeeze %dma_wait3A_226 : memref<1x128xi32, #tpu.memory_space<vmem>> -> memref<128xi32, #tpu.memory_space<vmem>>
        %dma_wait3A_228 = arith.constant 0 : i32
        %dma_wait3A_229 = arith.constant 0 : i32
        %dma_wait3A_230 = tpu.memref_slice %arg9[%dma_wait3A_228, %dma_wait3A_229] : memref<10240x128xf32, #tpu.memory_space<vmem_shared>> -> memref<10240x128xf32, #tpu.memory_space<vmem_shared>>
        %dma_wait3A_231 = tpu.memref_slice %arg12[%dma_wait3A_220] : memref<2x!tpu.dma_semaphore, #tpu.memory_space<semaphore_mem>> -> memref<1x!tpu.dma_semaphore, #tpu.memory_space<semaphore_mem>>
        %dma_wait3A_232 = tpu.memref_squeeze %dma_wait3A_231 : memref<1x!tpu.dma_semaphore, #tpu.memory_space<semaphore_mem>> -> memref<!tpu.dma_semaphore, #tpu.memory_space<semaphore_mem>>
        tpu.wait_indirect_dma semaphore(%dma_wait3A_232 : memref<!tpu.dma_semaphore, #tpu.memory_space<semaphore_mem>>) src(%dma_wait3A_224 : memref<128x128xf32, #tpu.memory_space<vmem>>) dst(%dma_wait3A_230 : memref<10240x128xf32, #tpu.memory_space<vmem_shared>>)
      } else {
      }
      %lt3A_112 = arith.cmpi slt, %add3A_102, %add3A_9 : i32
      %convert_element_type3A_113 = arith.extui %lt3A_112 : i1 to i32
      %cond3A_114 = arith.constant 0 : i32
      %cond3A_115 = arith.cmpi ne, %convert_element_type3A_113, %cond3A_114 : i32
      scf.if %cond3A_115 {
        %add3A_219 = arith.addi %add3A_6, %add3A_102 : i32
        %dma_wait3A = arith.constant 0 : i32
        %dma_wait3A_220 = arith.constant 2 : i32
        %dma_wait3A_221 = arith.constant 2 : i32
        %dma_wait3A_222 = arith.constant 0 : i32
        %dma_wait3A_223 = tpu.memref_slice %arg7[%dma_wait3A_220, %dma_wait3A_222] : memref<3x128xi32, #tpu.memory_space<vmem>> -> memref<1x128xi32, #tpu.memory_space<vmem>>
        %dma_wait3A_224 = tpu.memref_squeeze %dma_wait3A_223 : memref<1x128xi32, #tpu.memory_space<vmem>> -> memref<128xi32, #tpu.memory_space<vmem>>
        %dma_wait3A_225 = arith.constant 0 : i32
        %dma_wait3A_226 = tpu.memref_slice %arg3[%dma_wait3A, %add3A_219, %dma_wait3A_225] : memref<2x2500x128xi32, #tpu.memory_space<hbm>> -> memref<1x1x128xi32, #tpu.memory_space<hbm>>
        %dma_wait3A_227 = tpu.memref_squeeze %dma_wait3A_226 : memref<1x1x128xi32, #tpu.memory_space<hbm>> -> memref<128xi32, #tpu.memory_space<hbm>>
        %dma_wait3A_228 = tpu.memref_slice %arg10[%dma_wait3A_221] : memref<3x!tpu.dma_semaphore, #tpu.memory_space<semaphore_mem>> -> memref<1x!tpu.dma_semaphore, #tpu.memory_space<semaphore_mem>>
        %dma_wait3A_229 = tpu.memref_squeeze %dma_wait3A_228 : memref<1x!tpu.dma_semaphore, #tpu.memory_space<semaphore_mem>> -> memref<!tpu.dma_semaphore, #tpu.memory_space<semaphore_mem>>
        %dma_wait3A_230 = arith.constant 0 : i32
        %dma_wait3A_231 = tpu.memref_slice %arg7[%dma_wait3A_220, %dma_wait3A_230] : memref<3x128xi32, #tpu.memory_space<vmem>> -> memref<1x128xi32, #tpu.memory_space<vmem>>
        %dma_wait3A_232 = tpu.memref_squeeze %dma_wait3A_231 : memref<1x128xi32, #tpu.memory_space<vmem>> -> memref<128xi32, #tpu.memory_space<vmem>>
        %dma_wait3A_233 = arith.constant 0 : i32
        %dma_wait3A_234 = tpu.memref_slice %arg3[%dma_wait3A, %add3A_219, %dma_wait3A_233] : memref<2x2500x128xi32, #tpu.memory_space<hbm>> -> memref<1x1x128xi32, #tpu.memory_space<hbm>>
        %dma_wait3A_235 = tpu.memref_squeeze %dma_wait3A_234 : memref<1x1x128xi32, #tpu.memory_space<hbm>> -> memref<128xi32, #tpu.memory_space<hbm>>
        tpu.wait_dma2 semaphore(%dma_wait3A_229 : memref<!tpu.dma_semaphore, #tpu.memory_space<semaphore_mem>>) src(%dma_wait3A_235 : memref<128xi32, #tpu.memory_space<hbm>>) dst(%dma_wait3A_232 : memref<128xi32, #tpu.memory_space<vmem>>)
        %dma_start3A_236 = arith.constant 2 : i32
        %dma_start3A_237 = arith.constant 0 : i32
        %dma_start3A_238 = arith.constant 0 : i32
        %dma_start3A_239 = arith.constant 0 : i32
        %dma_start3A_240 = arith.constant 0 : i32
        %dma_start3A_241 = tpu.memref_slice %arg8[%dma_start3A_237, %dma_start3A_239, %dma_start3A_240] : memref<2x128x128xf32, #tpu.memory_space<vmem>> -> memref<1x128x128xf32, #tpu.memory_space<vmem>>
        %dma_start3A_242 = tpu.memref_squeeze %dma_start3A_241 : memref<1x128x128xf32, #tpu.memory_space<vmem>> -> memref<128x128xf32, #tpu.memory_space<vmem>>
        %dma_start3A_243 = arith.constant 0 : i32
        %dma_start3A_244 = tpu.memref_slice %arg7[%dma_start3A_236, %dma_start3A_243] : memref<3x128xi32, #tpu.memory_space<vmem>> -> memref<1x128xi32, #tpu.memory_space<vmem>>
        %dma_start3A_245 = tpu.memref_squeeze %dma_start3A_244 : memref<1x128xi32, #tpu.memory_space<vmem>> -> memref<128xi32, #tpu.memory_space<vmem>>
        %dma_start3A_246 = arith.constant 0 : i32
        %dma_start3A_247 = arith.constant 0 : i32
        %dma_start3A_248 = tpu.memref_slice %arg2[%dma_start3A_246, %dma_start3A_247] : memref<10240x128xf32, #tpu.memory_space<hbm>> -> memref<10240x128xf32, #tpu.memory_space<hbm>>
        %dma_start3A_249 = tpu.memref_slice %arg11[%dma_start3A_238] : memref<2x!tpu.dma_semaphore, #tpu.memory_space<semaphore_mem>> -> memref<1x!tpu.dma_semaphore, #tpu.memory_space<semaphore_mem>>
        %dma_start3A_250 = tpu.memref_squeeze %dma_start3A_249 : memref<1x!tpu.dma_semaphore, #tpu.memory_space<semaphore_mem>> -> memref<!tpu.dma_semaphore, #tpu.memory_space<semaphore_mem>>
        tpu.enqueue_indirect_dma source(%dma_start3A_248 : memref<10240x128xf32, #tpu.memory_space<hbm>>) target(%dma_start3A_242 : memref<128x128xf32, #tpu.memory_space<vmem>>) offsets(%dma_start3A_245 : memref<128xi32, #tpu.memory_space<vmem>>) semaphore(%dma_start3A_250 : memref<!tpu.dma_semaphore, #tpu.memory_space<semaphore_mem>>)
      } else {
      }
      %ge3A_116 = arith.constant 1 : i32
      %ge3A_117 = arith.cmpi sge, %add3A_102, %ge3A_116 : i32
      %le3A_118 = arith.cmpi sle, %add3A_102, %add3A_9 : i32
      %and3A_119 = arith.andi %ge3A_117, %le3A_118 : i1
      %convert_element_type3A_120 = arith.extui %and3A_119 : i1 to i32
      %cond3A_121 = arith.constant 0 : i32
      %cond3A_122 = arith.cmpi ne, %convert_element_type3A_120, %cond3A_121 : i32
      scf.if %cond3A_122 {
        %dma_wait3A = arith.constant 1 : i32
        %dma_wait3A_219 = arith.constant 1 : i32
        %dma_wait3A_220 = arith.constant 1 : i32
        %dma_wait3A_221 = arith.constant 0 : i32
        %dma_wait3A_222 = arith.constant 0 : i32
        %dma_wait3A_223 = tpu.memref_slice %arg8[%dma_wait3A_219, %dma_wait3A_221, %dma_wait3A_222] : memref<2x128x128xf32, #tpu.memory_space<vmem>> -> memref<1x128x128xf32, #tpu.memory_space<vmem>>
        %dma_wait3A_224 = tpu.memref_squeeze %dma_wait3A_223 : memref<1x128x128xf32, #tpu.memory_space<vmem>> -> memref<128x128xf32, #tpu.memory_space<vmem>>
        %dma_wait3A_225 = arith.constant 0 : i32
        %dma_wait3A_226 = tpu.memref_slice %arg7[%dma_wait3A, %dma_wait3A_225] : memref<3x128xi32, #tpu.memory_space<vmem>> -> memref<1x128xi32, #tpu.memory_space<vmem>>
        %dma_wait3A_227 = tpu.memref_squeeze %dma_wait3A_226 : memref<1x128xi32, #tpu.memory_space<vmem>> -> memref<128xi32, #tpu.memory_space<vmem>>
        %dma_wait3A_228 = arith.constant 0 : i32
        %dma_wait3A_229 = arith.constant 0 : i32
        %dma_wait3A_230 = tpu.memref_slice %arg2[%dma_wait3A_228, %dma_wait3A_229] : memref<10240x128xf32, #tpu.memory_space<hbm>> -> memref<10240x128xf32, #tpu.memory_space<hbm>>
        %dma_wait3A_231 = tpu.memref_slice %arg11[%dma_wait3A_220] : memref<2x!tpu.dma_semaphore, #tpu.memory_space<semaphore_mem>> -> memref<1x!tpu.dma_semaphore, #tpu.memory_space<semaphore_mem>>
        %dma_wait3A_232 = tpu.memref_squeeze %dma_wait3A_231 : memref<1x!tpu.dma_semaphore, #tpu.memory_space<semaphore_mem>> -> memref<!tpu.dma_semaphore, #tpu.memory_space<semaphore_mem>>
        tpu.wait_indirect_dma semaphore(%dma_wait3A_232 : memref<!tpu.dma_semaphore, #tpu.memory_space<semaphore_mem>>) src(%dma_wait3A_230 : memref<10240x128xf32, #tpu.memory_space<hbm>>) dst(%dma_wait3A_224 : memref<128x128xf32, #tpu.memory_space<vmem>>)
        %sub3A = arith.constant 1 : i32
        %sub3A_233 = arith.subi %add3A_102, %sub3A : i32
        %dma_start3A_234 = arith.constant 1 : i32
        %dma_start3A_235 = arith.constant 1 : i32
        %dma_start3A_236 = arith.constant 0 : i32
        %dma_start3A_237 = arith.constant 0 : i32
        %dma_start3A_238 = tpu.memref_slice %arg8[%dma_start3A_234, %dma_start3A_236, %dma_start3A_237] : memref<2x128x128xf32, #tpu.memory_space<vmem>> -> memref<1x128x128xf32, #tpu.memory_space<vmem>>
        %dma_start3A_239 = tpu.memref_squeeze %dma_start3A_238 : memref<1x128x128xf32, #tpu.memory_space<vmem>> -> memref<128x128xf32, #tpu.memory_space<vmem>>
        %dma_start3A_240 = arith.constant 0 : i32
        %dma_start3A_241 = tpu.memref_slice %arg6[%sub3A_233, %dma_start3A_240] : memref<79x128xi32, #tpu.memory_space<vmem>> -> memref<1x128xi32, #tpu.memory_space<vmem>>
        %dma_start3A_242 = tpu.memref_squeeze %dma_start3A_241 : memref<1x128xi32, #tpu.memory_space<vmem>> -> memref<128xi32, #tpu.memory_space<vmem>>
        %dma_start3A_243 = arith.constant 0 : i32
        %dma_start3A_244 = arith.constant 0 : i32
        %dma_start3A_245 = tpu.memref_slice %arg9[%dma_start3A_243, %dma_start3A_244] : memref<10240x128xf32, #tpu.memory_space<vmem_shared>> -> memref<10240x128xf32, #tpu.memory_space<vmem_shared>>
        %dma_start3A_246 = tpu.memref_slice %arg12[%dma_start3A_235] : memref<2x!tpu.dma_semaphore, #tpu.memory_space<semaphore_mem>> -> memref<1x!tpu.dma_semaphore, #tpu.memory_space<semaphore_mem>>
        %dma_start3A_247 = tpu.memref_squeeze %dma_start3A_246 : memref<1x!tpu.dma_semaphore, #tpu.memory_space<semaphore_mem>> -> memref<!tpu.dma_semaphore, #tpu.memory_space<semaphore_mem>>
        tpu.enqueue_indirect_dma source(%dma_start3A_239 : memref<128x128xf32, #tpu.memory_space<vmem>>) target(%dma_start3A_245 : memref<10240x128xf32, #tpu.memory_space<vmem_shared>>) offsets(%dma_start3A_242 : memref<128xi32, #tpu.memory_space<vmem>>) semaphore(%dma_start3A_247 : memref<!tpu.dma_semaphore, #tpu.memory_space<semaphore_mem>>) {add = true}
      } else {
      }
      %add3A_123 = arith.constant 1 : i32
      %add3A_124 = arith.addi %add3A_102, %add3A_123 : i32
      %lt3A_125 = arith.cmpi slt, %add3A_124, %add3A_9 : i32
      %convert_element_type3A_126 = arith.extui %lt3A_125 : i1 to i32
      %cond3A_127 = arith.constant 0 : i32
      %cond3A_128 = arith.cmpi ne, %convert_element_type3A_126, %cond3A_127 : i32
      scf.if %cond3A_128 {
        %add3A_219 = arith.constant 1 : i32
        %add3A_220 = arith.addi %add3A_102, %add3A_219 : i32
        %add3A_221 = arith.addi %add3A_6, %add3A_220 : i32
        %dma_start3A_222 = arith.constant 0 : i32
        %dma_start3A_223 = arith.constant 0 : i32
        %dma_start3A_224 = arith.constant 0 : i32
        %dma_start3A_225 = arith.constant 0 : i32
        %dma_start3A_226 = tpu.memref_slice %arg7[%dma_start3A_223, %dma_start3A_225] : memref<3x128xi32, #tpu.memory_space<vmem>> -> memref<1x128xi32, #tpu.memory_space<vmem>>
        %dma_start3A_227 = tpu.memref_squeeze %dma_start3A_226 : memref<1x128xi32, #tpu.memory_space<vmem>> -> memref<128xi32, #tpu.memory_space<vmem>>
        %dma_start3A_228 = arith.constant 0 : i32
        %dma_start3A_229 = tpu.memref_slice %arg3[%dma_start3A_222, %add3A_221, %dma_start3A_228] : memref<2x2500x128xi32, #tpu.memory_space<hbm>> -> memref<1x1x128xi32, #tpu.memory_space<hbm>>
        %dma_start3A_230 = tpu.memref_squeeze %dma_start3A_229 : memref<1x1x128xi32, #tpu.memory_space<hbm>> -> memref<128xi32, #tpu.memory_space<hbm>>
        %dma_start3A_231 = tpu.memref_slice %arg10[%dma_start3A_224] : memref<3x!tpu.dma_semaphore, #tpu.memory_space<semaphore_mem>> -> memref<1x!tpu.dma_semaphore, #tpu.memory_space<semaphore_mem>>
        %dma_start3A_232 = tpu.memref_squeeze %dma_start3A_231 : memref<1x!tpu.dma_semaphore, #tpu.memory_space<semaphore_mem>> -> memref<!tpu.dma_semaphore, #tpu.memory_space<semaphore_mem>>
        %dma_start3A_233 = arith.constant 0 : i32
        %dma_start3A_234 = tpu.memref_slice %arg7[%dma_start3A_223, %dma_start3A_233] : memref<3x128xi32, #tpu.memory_space<vmem>> -> memref<1x128xi32, #tpu.memory_space<vmem>>
        %dma_start3A_235 = tpu.memref_squeeze %dma_start3A_234 : memref<1x128xi32, #tpu.memory_space<vmem>> -> memref<128xi32, #tpu.memory_space<vmem>>
        %dma_start3A_236 = arith.constant 0 : i32
        %dma_start3A_237 = tpu.memref_slice %arg3[%dma_start3A_222, %add3A_221, %dma_start3A_236] : memref<2x2500x128xi32, #tpu.memory_space<hbm>> -> memref<1x1x128xi32, #tpu.memory_space<hbm>>
        %dma_start3A_238 = tpu.memref_squeeze %dma_start3A_237 : memref<1x1x128xi32, #tpu.memory_space<hbm>> -> memref<128xi32, #tpu.memory_space<hbm>>
        tpu.enqueue_dma source(%dma_start3A_238 : memref<128xi32, #tpu.memory_space<hbm>>) target(%dma_start3A_235 : memref<128xi32, #tpu.memory_space<vmem>>) target_semaphore(%dma_start3A_232 : memref<!tpu.dma_semaphore, #tpu.memory_space<semaphore_mem>>)
      } else {
      }
      %mul3A_129 = arith.constant 6 : i32
      %mul3A_130 = arith.muli %scan3A_41, %mul3A_129 : i32
      %add3A_131 = arith.constant 3 : i32
      %add3A_132 = arith.addi %mul3A_130, %add3A_131 : i32
      %ge3A_133 = arith.constant 2 : i32
      %ge3A_134 = arith.cmpi sge, %add3A_132, %ge3A_133 : i32
      %add3A_135 = arith.constant 1 : i32
      %add3A_136 = arith.addi %add3A_9, %add3A_135 : i32
      %le3A_137 = arith.cmpi sle, %add3A_132, %add3A_136 : i32
      %and3A_138 = arith.andi %ge3A_134, %le3A_137 : i1
      %convert_element_type3A_139 = arith.extui %and3A_138 : i1 to i32
      %cond3A_140 = arith.constant 0 : i32
      %cond3A_141 = arith.cmpi ne, %convert_element_type3A_139, %cond3A_140 : i32
      scf.if %cond3A_141 {
        %sub3A = arith.constant 2 : i32
        %sub3A_219 = arith.subi %add3A_132, %sub3A : i32
        %dma_wait3A = arith.constant 1 : i32
        %dma_wait3A_220 = arith.constant 1 : i32
        %dma_wait3A_221 = arith.constant 0 : i32
        %dma_wait3A_222 = arith.constant 0 : i32
        %dma_wait3A_223 = tpu.memref_slice %arg8[%dma_wait3A, %dma_wait3A_221, %dma_wait3A_222] : memref<2x128x128xf32, #tpu.memory_space<vmem>> -> memref<1x128x128xf32, #tpu.memory_space<vmem>>
        %dma_wait3A_224 = tpu.memref_squeeze %dma_wait3A_223 : memref<1x128x128xf32, #tpu.memory_space<vmem>> -> memref<128x128xf32, #tpu.memory_space<vmem>>
        %dma_wait3A_225 = arith.constant 0 : i32
        %dma_wait3A_226 = tpu.memref_slice %arg6[%sub3A_219, %dma_wait3A_225] : memref<79x128xi32, #tpu.memory_space<vmem>> -> memref<1x128xi32, #tpu.memory_space<vmem>>
        %dma_wait3A_227 = tpu.memref_squeeze %dma_wait3A_226 : memref<1x128xi32, #tpu.memory_space<vmem>> -> memref<128xi32, #tpu.memory_space<vmem>>
        %dma_wait3A_228 = arith.constant 0 : i32
        %dma_wait3A_229 = arith.constant 0 : i32
        %dma_wait3A_230 = tpu.memref_slice %arg9[%dma_wait3A_228, %dma_wait3A_229] : memref<10240x128xf32, #tpu.memory_space<vmem_shared>> -> memref<10240x128xf32, #tpu.memory_space<vmem_shared>>
        %dma_wait3A_231 = tpu.memref_slice %arg12[%dma_wait3A_220] : memref<2x!tpu.dma_semaphore, #tpu.memory_space<semaphore_mem>> -> memref<1x!tpu.dma_semaphore, #tpu.memory_space<semaphore_mem>>
        %dma_wait3A_232 = tpu.memref_squeeze %dma_wait3A_231 : memref<1x!tpu.dma_semaphore, #tpu.memory_space<semaphore_mem>> -> memref<!tpu.dma_semaphore, #tpu.memory_space<semaphore_mem>>
        tpu.wait_indirect_dma semaphore(%dma_wait3A_232 : memref<!tpu.dma_semaphore, #tpu.memory_space<semaphore_mem>>) src(%dma_wait3A_224 : memref<128x128xf32, #tpu.memory_space<vmem>>) dst(%dma_wait3A_230 : memref<10240x128xf32, #tpu.memory_space<vmem_shared>>)
      } else {
      }
      %lt3A_142 = arith.cmpi slt, %add3A_132, %add3A_9 : i32
      %convert_element_type3A_143 = arith.extui %lt3A_142 : i1 to i32
      %cond3A_144 = arith.constant 0 : i32
      %cond3A_145 = arith.cmpi ne, %convert_element_type3A_143, %cond3A_144 : i32
      scf.if %cond3A_145 {
        %add3A_219 = arith.addi %add3A_6, %add3A_132 : i32
        %dma_wait3A = arith.constant 0 : i32
        %dma_wait3A_220 = arith.constant 0 : i32
        %dma_wait3A_221 = arith.constant 0 : i32
        %dma_wait3A_222 = arith.constant 0 : i32
        %dma_wait3A_223 = tpu.memref_slice %arg7[%dma_wait3A_220, %dma_wait3A_222] : memref<3x128xi32, #tpu.memory_space<vmem>> -> memref<1x128xi32, #tpu.memory_space<vmem>>
        %dma_wait3A_224 = tpu.memref_squeeze %dma_wait3A_223 : memref<1x128xi32, #tpu.memory_space<vmem>> -> memref<128xi32, #tpu.memory_space<vmem>>
        %dma_wait3A_225 = arith.constant 0 : i32
        %dma_wait3A_226 = tpu.memref_slice %arg3[%dma_wait3A, %add3A_219, %dma_wait3A_225] : memref<2x2500x128xi32, #tpu.memory_space<hbm>> -> memref<1x1x128xi32, #tpu.memory_space<hbm>>
        %dma_wait3A_227 = tpu.memref_squeeze %dma_wait3A_226 : memref<1x1x128xi32, #tpu.memory_space<hbm>> -> memref<128xi32, #tpu.memory_space<hbm>>
        %dma_wait3A_228 = tpu.memref_slice %arg10[%dma_wait3A_221] : memref<3x!tpu.dma_semaphore, #tpu.memory_space<semaphore_mem>> -> memref<1x!tpu.dma_semaphore, #tpu.memory_space<semaphore_mem>>
        %dma_wait3A_229 = tpu.memref_squeeze %dma_wait3A_228 : memref<1x!tpu.dma_semaphore, #tpu.memory_space<semaphore_mem>> -> memref<!tpu.dma_semaphore, #tpu.memory_space<semaphore_mem>>
        %dma_wait3A_230 = arith.constant 0 : i32
        %dma_wait3A_231 = tpu.memref_slice %arg7[%dma_wait3A_220, %dma_wait3A_230] : memref<3x128xi32, #tpu.memory_space<vmem>> -> memref<1x128xi32, #tpu.memory_space<vmem>>
        %dma_wait3A_232 = tpu.memref_squeeze %dma_wait3A_231 : memref<1x128xi32, #tpu.memory_space<vmem>> -> memref<128xi32, #tpu.memory_space<vmem>>
        %dma_wait3A_233 = arith.constant 0 : i32
        %dma_wait3A_234 = tpu.memref_slice %arg3[%dma_wait3A, %add3A_219, %dma_wait3A_233] : memref<2x2500x128xi32, #tpu.memory_space<hbm>> -> memref<1x1x128xi32, #tpu.memory_space<hbm>>
        %dma_wait3A_235 = tpu.memref_squeeze %dma_wait3A_234 : memref<1x1x128xi32, #tpu.memory_space<hbm>> -> memref<128xi32, #tpu.memory_space<hbm>>
        tpu.wait_dma2 semaphore(%dma_wait3A_229 : memref<!tpu.dma_semaphore, #tpu.memory_space<semaphore_mem>>) src(%dma_wait3A_235 : memref<128xi32, #tpu.memory_space<hbm>>) dst(%dma_wait3A_232 : memref<128xi32, #tpu.memory_space<vmem>>)
        %dma_start3A_236 = arith.constant 0 : i32
        %dma_start3A_237 = arith.constant 1 : i32
        %dma_start3A_238 = arith.constant 1 : i32
        %dma_start3A_239 = arith.constant 0 : i32
        %dma_start3A_240 = arith.constant 0 : i32
        %dma_start3A_241 = tpu.memref_slice %arg8[%dma_start3A_237, %dma_start3A_239, %dma_start3A_240] : memref<2x128x128xf32, #tpu.memory_space<vmem>> -> memref<1x128x128xf32, #tpu.memory_space<vmem>>
        %dma_start3A_242 = tpu.memref_squeeze %dma_start3A_241 : memref<1x128x128xf32, #tpu.memory_space<vmem>> -> memref<128x128xf32, #tpu.memory_space<vmem>>
        %dma_start3A_243 = arith.constant 0 : i32
        %dma_start3A_244 = tpu.memref_slice %arg7[%dma_start3A_236, %dma_start3A_243] : memref<3x128xi32, #tpu.memory_space<vmem>> -> memref<1x128xi32, #tpu.memory_space<vmem>>
        %dma_start3A_245 = tpu.memref_squeeze %dma_start3A_244 : memref<1x128xi32, #tpu.memory_space<vmem>> -> memref<128xi32, #tpu.memory_space<vmem>>
        %dma_start3A_246 = arith.constant 0 : i32
        %dma_start3A_247 = arith.constant 0 : i32
        %dma_start3A_248 = tpu.memref_slice %arg2[%dma_start3A_246, %dma_start3A_247] : memref<10240x128xf32, #tpu.memory_space<hbm>> -> memref<10240x128xf32, #tpu.memory_space<hbm>>
        %dma_start3A_249 = tpu.memref_slice %arg11[%dma_start3A_238] : memref<2x!tpu.dma_semaphore, #tpu.memory_space<semaphore_mem>> -> memref<1x!tpu.dma_semaphore, #tpu.memory_space<semaphore_mem>>
        %dma_start3A_250 = tpu.memref_squeeze %dma_start3A_249 : memref<1x!tpu.dma_semaphore, #tpu.memory_space<semaphore_mem>> -> memref<!tpu.dma_semaphore, #tpu.memory_space<semaphore_mem>>
        tpu.enqueue_indirect_dma source(%dma_start3A_248 : memref<10240x128xf32, #tpu.memory_space<hbm>>) target(%dma_start3A_242 : memref<128x128xf32, #tpu.memory_space<vmem>>) offsets(%dma_start3A_245 : memref<128xi32, #tpu.memory_space<vmem>>) semaphore(%dma_start3A_250 : memref<!tpu.dma_semaphore, #tpu.memory_space<semaphore_mem>>)
      } else {
      }
      %ge3A_146 = arith.constant 1 : i32
      %ge3A_147 = arith.cmpi sge, %add3A_132, %ge3A_146 : i32
      %le3A_148 = arith.cmpi sle, %add3A_132, %add3A_9 : i32
      %and3A_149 = arith.andi %ge3A_147, %le3A_148 : i1
      %convert_element_type3A_150 = arith.extui %and3A_149 : i1 to i32
      %cond3A_151 = arith.constant 0 : i32
      %cond3A_152 = arith.cmpi ne, %convert_element_type3A_150, %cond3A_151 : i32
      scf.if %cond3A_152 {
        %dma_wait3A = arith.constant 2 : i32
        %dma_wait3A_219 = arith.constant 0 : i32
        %dma_wait3A_220 = arith.constant 0 : i32
        %dma_wait3A_221 = arith.constant 0 : i32
        %dma_wait3A_222 = arith.constant 0 : i32
        %dma_wait3A_223 = tpu.memref_slice %arg8[%dma_wait3A_219, %dma_wait3A_221, %dma_wait3A_222] : memref<2x128x128xf32, #tpu.memory_space<vmem>> -> memref<1x128x128xf32, #tpu.memory_space<vmem>>
        %dma_wait3A_224 = tpu.memref_squeeze %dma_wait3A_223 : memref<1x128x128xf32, #tpu.memory_space<vmem>> -> memref<128x128xf32, #tpu.memory_space<vmem>>
        %dma_wait3A_225 = arith.constant 0 : i32
        %dma_wait3A_226 = tpu.memref_slice %arg7[%dma_wait3A, %dma_wait3A_225] : memref<3x128xi32, #tpu.memory_space<vmem>> -> memref<1x128xi32, #tpu.memory_space<vmem>>
        %dma_wait3A_227 = tpu.memref_squeeze %dma_wait3A_226 : memref<1x128xi32, #tpu.memory_space<vmem>> -> memref<128xi32, #tpu.memory_space<vmem>>
        %dma_wait3A_228 = arith.constant 0 : i32
        %dma_wait3A_229 = arith.constant 0 : i32
        %dma_wait3A_230 = tpu.memref_slice %arg2[%dma_wait3A_228, %dma_wait3A_229] : memref<10240x128xf32, #tpu.memory_space<hbm>> -> memref<10240x128xf32, #tpu.memory_space<hbm>>
        %dma_wait3A_231 = tpu.memref_slice %arg11[%dma_wait3A_220] : memref<2x!tpu.dma_semaphore, #tpu.memory_space<semaphore_mem>> -> memref<1x!tpu.dma_semaphore, #tpu.memory_space<semaphore_mem>>
        %dma_wait3A_232 = tpu.memref_squeeze %dma_wait3A_231 : memref<1x!tpu.dma_semaphore, #tpu.memory_space<semaphore_mem>> -> memref<!tpu.dma_semaphore, #tpu.memory_space<semaphore_mem>>
        tpu.wait_indirect_dma semaphore(%dma_wait3A_232 : memref<!tpu.dma_semaphore, #tpu.memory_space<semaphore_mem>>) src(%dma_wait3A_230 : memref<10240x128xf32, #tpu.memory_space<hbm>>) dst(%dma_wait3A_224 : memref<128x128xf32, #tpu.memory_space<vmem>>)
        %sub3A = arith.constant 1 : i32
        %sub3A_233 = arith.subi %add3A_132, %sub3A : i32
        %dma_start3A_234 = arith.constant 0 : i32
        %dma_start3A_235 = arith.constant 0 : i32
        %dma_start3A_236 = arith.constant 0 : i32
        %dma_start3A_237 = arith.constant 0 : i32
        %dma_start3A_238 = tpu.memref_slice %arg8[%dma_start3A_234, %dma_start3A_236, %dma_start3A_237] : memref<2x128x128xf32, #tpu.memory_space<vmem>> -> memref<1x128x128xf32, #tpu.memory_space<vmem>>
        %dma_start3A_239 = tpu.memref_squeeze %dma_start3A_238 : memref<1x128x128xf32, #tpu.memory_space<vmem>> -> memref<128x128xf32, #tpu.memory_space<vmem>>
        %dma_start3A_240 = arith.constant 0 : i32
        %dma_start3A_241 = tpu.memref_slice %arg6[%sub3A_233, %dma_start3A_240] : memref<79x128xi32, #tpu.memory_space<vmem>> -> memref<1x128xi32, #tpu.memory_space<vmem>>
        %dma_start3A_242 = tpu.memref_squeeze %dma_start3A_241 : memref<1x128xi32, #tpu.memory_space<vmem>> -> memref<128xi32, #tpu.memory_space<vmem>>
        %dma_start3A_243 = arith.constant 0 : i32
        %dma_start3A_244 = arith.constant 0 : i32
        %dma_start3A_245 = tpu.memref_slice %arg9[%dma_start3A_243, %dma_start3A_244] : memref<10240x128xf32, #tpu.memory_space<vmem_shared>> -> memref<10240x128xf32, #tpu.memory_space<vmem_shared>>
        %dma_start3A_246 = tpu.memref_slice %arg12[%dma_start3A_235] : memref<2x!tpu.dma_semaphore, #tpu.memory_space<semaphore_mem>> -> memref<1x!tpu.dma_semaphore, #tpu.memory_space<semaphore_mem>>
        %dma_start3A_247 = tpu.memref_squeeze %dma_start3A_246 : memref<1x!tpu.dma_semaphore, #tpu.memory_space<semaphore_mem>> -> memref<!tpu.dma_semaphore, #tpu.memory_space<semaphore_mem>>
        tpu.enqueue_indirect_dma source(%dma_start3A_239 : memref<128x128xf32, #tpu.memory_space<vmem>>) target(%dma_start3A_245 : memref<10240x128xf32, #tpu.memory_space<vmem_shared>>) offsets(%dma_start3A_242 : memref<128xi32, #tpu.memory_space<vmem>>) semaphore(%dma_start3A_247 : memref<!tpu.dma_semaphore, #tpu.memory_space<semaphore_mem>>) {add = true}
      } else {
      }
      %add3A_153 = arith.constant 1 : i32
      %add3A_154 = arith.addi %add3A_132, %add3A_153 : i32
      %lt3A_155 = arith.cmpi slt, %add3A_154, %add3A_9 : i32
      %convert_element_type3A_156 = arith.extui %lt3A_155 : i1 to i32
      %cond3A_157 = arith.constant 0 : i32
      %cond3A_158 = arith.cmpi ne, %convert_element_type3A_156, %cond3A_157 : i32
      scf.if %cond3A_158 {
        %add3A_219 = arith.constant 1 : i32
        %add3A_220 = arith.addi %add3A_132, %add3A_219 : i32
        %add3A_221 = arith.addi %add3A_6, %add3A_220 : i32
        %dma_start3A_222 = arith.constant 0 : i32
        %dma_start3A_223 = arith.constant 1 : i32
        %dma_start3A_224 = arith.constant 1 : i32
        %dma_start3A_225 = arith.constant 0 : i32
        %dma_start3A_226 = tpu.memref_slice %arg7[%dma_start3A_223, %dma_start3A_225] : memref<3x128xi32, #tpu.memory_space<vmem>> -> memref<1x128xi32, #tpu.memory_space<vmem>>
        %dma_start3A_227 = tpu.memref_squeeze %dma_start3A_226 : memref<1x128xi32, #tpu.memory_space<vmem>> -> memref<128xi32, #tpu.memory_space<vmem>>
        %dma_start3A_228 = arith.constant 0 : i32
        %dma_start3A_229 = tpu.memref_slice %arg3[%dma_start3A_222, %add3A_221, %dma_start3A_228] : memref<2x2500x128xi32, #tpu.memory_space<hbm>> -> memref<1x1x128xi32, #tpu.memory_space<hbm>>
        %dma_start3A_230 = tpu.memref_squeeze %dma_start3A_229 : memref<1x1x128xi32, #tpu.memory_space<hbm>> -> memref<128xi32, #tpu.memory_space<hbm>>
        %dma_start3A_231 = tpu.memref_slice %arg10[%dma_start3A_224] : memref<3x!tpu.dma_semaphore, #tpu.memory_space<semaphore_mem>> -> memref<1x!tpu.dma_semaphore, #tpu.memory_space<semaphore_mem>>
        %dma_start3A_232 = tpu.memref_squeeze %dma_start3A_231 : memref<1x!tpu.dma_semaphore, #tpu.memory_space<semaphore_mem>> -> memref<!tpu.dma_semaphore, #tpu.memory_space<semaphore_mem>>
        %dma_start3A_233 = arith.constant 0 : i32
        %dma_start3A_234 = tpu.memref_slice %arg7[%dma_start3A_223, %dma_start3A_233] : memref<3x128xi32, #tpu.memory_space<vmem>> -> memref<1x128xi32, #tpu.memory_space<vmem>>
        %dma_start3A_235 = tpu.memref_squeeze %dma_start3A_234 : memref<1x128xi32, #tpu.memory_space<vmem>> -> memref<128xi32, #tpu.memory_space<vmem>>
        %dma_start3A_236 = arith.constant 0 : i32
        %dma_start3A_237 = tpu.memref_slice %arg3[%dma_start3A_222, %add3A_221, %dma_start3A_236] : memref<2x2500x128xi32, #tpu.memory_space<hbm>> -> memref<1x1x128xi32, #tpu.memory_space<hbm>>
        %dma_start3A_238 = tpu.memref_squeeze %dma_start3A_237 : memref<1x1x128xi32, #tpu.memory_space<hbm>> -> memref<128xi32, #tpu.memory_space<hbm>>
        tpu.enqueue_dma source(%dma_start3A_238 : memref<128xi32, #tpu.memory_space<hbm>>) target(%dma_start3A_235 : memref<128xi32, #tpu.memory_space<vmem>>) target_semaphore(%dma_start3A_232 : memref<!tpu.dma_semaphore, #tpu.memory_space<semaphore_mem>>)
      } else {
      }
      %mul3A_159 = arith.constant 6 : i32
      %mul3A_160 = arith.muli %scan3A_41, %mul3A_159 : i32
      %add3A_161 = arith.constant 4 : i32
      %add3A_162 = arith.addi %mul3A_160, %add3A_161 : i32
      %ge3A_163 = arith.constant 2 : i32
      %ge3A_164 = arith.cmpi sge, %add3A_162, %ge3A_163 : i32
      %add3A_165 = arith.constant 1 : i32
      %add3A_166 = arith.addi %add3A_9, %add3A_165 : i32
      %le3A_167 = arith.cmpi sle, %add3A_162, %add3A_166 : i32
      %and3A_168 = arith.andi %ge3A_164, %le3A_167 : i1
      %convert_element_type3A_169 = arith.extui %and3A_168 : i1 to i32
      %cond3A_170 = arith.constant 0 : i32
      %cond3A_171 = arith.cmpi ne, %convert_element_type3A_169, %cond3A_170 : i32
      scf.if %cond3A_171 {
        %sub3A = arith.constant 2 : i32
        %sub3A_219 = arith.subi %add3A_162, %sub3A : i32
        %dma_wait3A = arith.constant 0 : i32
        %dma_wait3A_220 = arith.constant 0 : i32
        %dma_wait3A_221 = arith.constant 0 : i32
        %dma_wait3A_222 = arith.constant 0 : i32
        %dma_wait3A_223 = tpu.memref_slice %arg8[%dma_wait3A, %dma_wait3A_221, %dma_wait3A_222] : memref<2x128x128xf32, #tpu.memory_space<vmem>> -> memref<1x128x128xf32, #tpu.memory_space<vmem>>
        %dma_wait3A_224 = tpu.memref_squeeze %dma_wait3A_223 : memref<1x128x128xf32, #tpu.memory_space<vmem>> -> memref<128x128xf32, #tpu.memory_space<vmem>>
        %dma_wait3A_225 = arith.constant 0 : i32
        %dma_wait3A_226 = tpu.memref_slice %arg6[%sub3A_219, %dma_wait3A_225] : memref<79x128xi32, #tpu.memory_space<vmem>> -> memref<1x128xi32, #tpu.memory_space<vmem>>
        %dma_wait3A_227 = tpu.memref_squeeze %dma_wait3A_226 : memref<1x128xi32, #tpu.memory_space<vmem>> -> memref<128xi32, #tpu.memory_space<vmem>>
        %dma_wait3A_228 = arith.constant 0 : i32
        %dma_wait3A_229 = arith.constant 0 : i32
        %dma_wait3A_230 = tpu.memref_slice %arg9[%dma_wait3A_228, %dma_wait3A_229] : memref<10240x128xf32, #tpu.memory_space<vmem_shared>> -> memref<10240x128xf32, #tpu.memory_space<vmem_shared>>
        %dma_wait3A_231 = tpu.memref_slice %arg12[%dma_wait3A_220] : memref<2x!tpu.dma_semaphore, #tpu.memory_space<semaphore_mem>> -> memref<1x!tpu.dma_semaphore, #tpu.memory_space<semaphore_mem>>
        %dma_wait3A_232 = tpu.memref_squeeze %dma_wait3A_231 : memref<1x!tpu.dma_semaphore, #tpu.memory_space<semaphore_mem>> -> memref<!tpu.dma_semaphore, #tpu.memory_space<semaphore_mem>>
        tpu.wait_indirect_dma semaphore(%dma_wait3A_232 : memref<!tpu.dma_semaphore, #tpu.memory_space<semaphore_mem>>) src(%dma_wait3A_224 : memref<128x128xf32, #tpu.memory_space<vmem>>) dst(%dma_wait3A_230 : memref<10240x128xf32, #tpu.memory_space<vmem_shared>>)
      } else {
      }
      %lt3A_172 = arith.cmpi slt, %add3A_162, %add3A_9 : i32
      %convert_element_type3A_173 = arith.extui %lt3A_172 : i1 to i32
      %cond3A_174 = arith.constant 0 : i32
      %cond3A_175 = arith.cmpi ne, %convert_element_type3A_173, %cond3A_174 : i32
      scf.if %cond3A_175 {
        %add3A_219 = arith.addi %add3A_6, %add3A_162 : i32
        %dma_wait3A = arith.constant 0 : i32
        %dma_wait3A_220 = arith.constant 1 : i32
        %dma_wait3A_221 = arith.constant 1 : i32
        %dma_wait3A_222 = arith.constant 0 : i32
        %dma_wait3A_223 = tpu.memref_slice %arg7[%dma_wait3A_220, %dma_wait3A_222] : memref<3x128xi32, #tpu.memory_space<vmem>> -> memref<1x128xi32, #tpu.memory_space<vmem>>
        %dma_wait3A_224 = tpu.memref_squeeze %dma_wait3A_223 : memref<1x128xi32, #tpu.memory_space<vmem>> -> memref<128xi32, #tpu.memory_space<vmem>>
        %dma_wait3A_225 = arith.constant 0 : i32
        %dma_wait3A_226 = tpu.memref_slice %arg3[%dma_wait3A, %add3A_219, %dma_wait3A_225] : memref<2x2500x128xi32, #tpu.memory_space<hbm>> -> memref<1x1x128xi32, #tpu.memory_space<hbm>>
        %dma_wait3A_227 = tpu.memref_squeeze %dma_wait3A_226 : memref<1x1x128xi32, #tpu.memory_space<hbm>> -> memref<128xi32, #tpu.memory_space<hbm>>
        %dma_wait3A_228 = tpu.memref_slice %arg10[%dma_wait3A_221] : memref<3x!tpu.dma_semaphore, #tpu.memory_space<semaphore_mem>> -> memref<1x!tpu.dma_semaphore, #tpu.memory_space<semaphore_mem>>
        %dma_wait3A_229 = tpu.memref_squeeze %dma_wait3A_228 : memref<1x!tpu.dma_semaphore, #tpu.memory_space<semaphore_mem>> -> memref<!tpu.dma_semaphore, #tpu.memory_space<semaphore_mem>>
        %dma_wait3A_230 = arith.constant 0 : i32
        %dma_wait3A_231 = tpu.memref_slice %arg7[%dma_wait3A_220, %dma_wait3A_230] : memref<3x128xi32, #tpu.memory_space<vmem>> -> memref<1x128xi32, #tpu.memory_space<vmem>>
        %dma_wait3A_232 = tpu.memref_squeeze %dma_wait3A_231 : memref<1x128xi32, #tpu.memory_space<vmem>> -> memref<128xi32, #tpu.memory_space<vmem>>
        %dma_wait3A_233 = arith.constant 0 : i32
        %dma_wait3A_234 = tpu.memref_slice %arg3[%dma_wait3A, %add3A_219, %dma_wait3A_233] : memref<2x2500x128xi32, #tpu.memory_space<hbm>> -> memref<1x1x128xi32, #tpu.memory_space<hbm>>
        %dma_wait3A_235 = tpu.memref_squeeze %dma_wait3A_234 : memref<1x1x128xi32, #tpu.memory_space<hbm>> -> memref<128xi32, #tpu.memory_space<hbm>>
        tpu.wait_dma2 semaphore(%dma_wait3A_229 : memref<!tpu.dma_semaphore, #tpu.memory_space<semaphore_mem>>) src(%dma_wait3A_235 : memref<128xi32, #tpu.memory_space<hbm>>) dst(%dma_wait3A_232 : memref<128xi32, #tpu.memory_space<vmem>>)
        %dma_start3A_236 = arith.constant 1 : i32
        %dma_start3A_237 = arith.constant 0 : i32
        %dma_start3A_238 = arith.constant 0 : i32
        %dma_start3A_239 = arith.constant 0 : i32
        %dma_start3A_240 = arith.constant 0 : i32
        %dma_start3A_241 = tpu.memref_slice %arg8[%dma_start3A_237, %dma_start3A_239, %dma_start3A_240] : memref<2x128x128xf32, #tpu.memory_space<vmem>> -> memref<1x128x128xf32, #tpu.memory_space<vmem>>
        %dma_start3A_242 = tpu.memref_squeeze %dma_start3A_241 : memref<1x128x128xf32, #tpu.memory_space<vmem>> -> memref<128x128xf32, #tpu.memory_space<vmem>>
        %dma_start3A_243 = arith.constant 0 : i32
        %dma_start3A_244 = tpu.memref_slice %arg7[%dma_start3A_236, %dma_start3A_243] : memref<3x128xi32, #tpu.memory_space<vmem>> -> memref<1x128xi32, #tpu.memory_space<vmem>>
        %dma_start3A_245 = tpu.memref_squeeze %dma_start3A_244 : memref<1x128xi32, #tpu.memory_space<vmem>> -> memref<128xi32, #tpu.memory_space<vmem>>
        %dma_start3A_246 = arith.constant 0 : i32
        %dma_start3A_247 = arith.constant 0 : i32
        %dma_start3A_248 = tpu.memref_slice %arg2[%dma_start3A_246, %dma_start3A_247] : memref<10240x128xf32, #tpu.memory_space<hbm>> -> memref<10240x128xf32, #tpu.memory_space<hbm>>
        %dma_start3A_249 = tpu.memref_slice %arg11[%dma_start3A_238] : memref<2x!tpu.dma_semaphore, #tpu.memory_space<semaphore_mem>> -> memref<1x!tpu.dma_semaphore, #tpu.memory_space<semaphore_mem>>
        %dma_start3A_250 = tpu.memref_squeeze %dma_start3A_249 : memref<1x!tpu.dma_semaphore, #tpu.memory_space<semaphore_mem>> -> memref<!tpu.dma_semaphore, #tpu.memory_space<semaphore_mem>>
        tpu.enqueue_indirect_dma source(%dma_start3A_248 : memref<10240x128xf32, #tpu.memory_space<hbm>>) target(%dma_start3A_242 : memref<128x128xf32, #tpu.memory_space<vmem>>) offsets(%dma_start3A_245 : memref<128xi32, #tpu.memory_space<vmem>>) semaphore(%dma_start3A_250 : memref<!tpu.dma_semaphore, #tpu.memory_space<semaphore_mem>>)
      } else {
      }
      %ge3A_176 = arith.constant 1 : i32
      %ge3A_177 = arith.cmpi sge, %add3A_162, %ge3A_176 : i32
      %le3A_178 = arith.cmpi sle, %add3A_162, %add3A_9 : i32
      %and3A_179 = arith.andi %ge3A_177, %le3A_178 : i1
      %convert_element_type3A_180 = arith.extui %and3A_179 : i1 to i32
      %cond3A_181 = arith.constant 0 : i32
      %cond3A_182 = arith.cmpi ne, %convert_element_type3A_180, %cond3A_181 : i32
      scf.if %cond3A_182 {
        %dma_wait3A = arith.constant 0 : i32
        %dma_wait3A_219 = arith.constant 1 : i32
        %dma_wait3A_220 = arith.constant 1 : i32
        %dma_wait3A_221 = arith.constant 0 : i32
        %dma_wait3A_222 = arith.constant 0 : i32
        %dma_wait3A_223 = tpu.memref_slice %arg8[%dma_wait3A_219, %dma_wait3A_221, %dma_wait3A_222] : memref<2x128x128xf32, #tpu.memory_space<vmem>> -> memref<1x128x128xf32, #tpu.memory_space<vmem>>
        %dma_wait3A_224 = tpu.memref_squeeze %dma_wait3A_223 : memref<1x128x128xf32, #tpu.memory_space<vmem>> -> memref<128x128xf32, #tpu.memory_space<vmem>>
        %dma_wait3A_225 = arith.constant 0 : i32
        %dma_wait3A_226 = tpu.memref_slice %arg7[%dma_wait3A, %dma_wait3A_225] : memref<3x128xi32, #tpu.memory_space<vmem>> -> memref<1x128xi32, #tpu.memory_space<vmem>>
        %dma_wait3A_227 = tpu.memref_squeeze %dma_wait3A_226 : memref<1x128xi32, #tpu.memory_space<vmem>> -> memref<128xi32, #tpu.memory_space<vmem>>
        %dma_wait3A_228 = arith.constant 0 : i32
        %dma_wait3A_229 = arith.constant 0 : i32
        %dma_wait3A_230 = tpu.memref_slice %arg2[%dma_wait3A_228, %dma_wait3A_229] : memref<10240x128xf32, #tpu.memory_space<hbm>> -> memref<10240x128xf32, #tpu.memory_space<hbm>>
        %dma_wait3A_231 = tpu.memref_slice %arg11[%dma_wait3A_220] : memref<2x!tpu.dma_semaphore, #tpu.memory_space<semaphore_mem>> -> memref<1x!tpu.dma_semaphore, #tpu.memory_space<semaphore_mem>>
        %dma_wait3A_232 = tpu.memref_squeeze %dma_wait3A_231 : memref<1x!tpu.dma_semaphore, #tpu.memory_space<semaphore_mem>> -> memref<!tpu.dma_semaphore, #tpu.memory_space<semaphore_mem>>
        tpu.wait_indirect_dma semaphore(%dma_wait3A_232 : memref<!tpu.dma_semaphore, #tpu.memory_space<semaphore_mem>>) src(%dma_wait3A_230 : memref<10240x128xf32, #tpu.memory_space<hbm>>) dst(%dma_wait3A_224 : memref<128x128xf32, #tpu.memory_space<vmem>>)
        %sub3A = arith.constant 1 : i32
        %sub3A_233 = arith.subi %add3A_162, %sub3A : i32
        %dma_start3A_234 = arith.constant 1 : i32
        %dma_start3A_235 = arith.constant 1 : i32
        %dma_start3A_236 = arith.constant 0 : i32
        %dma_start3A_237 = arith.constant 0 : i32
        %dma_start3A_238 = tpu.memref_slice %arg8[%dma_start3A_234, %dma_start3A_236, %dma_start3A_237] : memref<2x128x128xf32, #tpu.memory_space<vmem>> -> memref<1x128x128xf32, #tpu.memory_space<vmem>>
        %dma_start3A_239 = tpu.memref_squeeze %dma_start3A_238 : memref<1x128x128xf32, #tpu.memory_space<vmem>> -> memref<128x128xf32, #tpu.memory_space<vmem>>
        %dma_start3A_240 = arith.constant 0 : i32
        %dma_start3A_241 = tpu.memref_slice %arg6[%sub3A_233, %dma_start3A_240] : memref<79x128xi32, #tpu.memory_space<vmem>> -> memref<1x128xi32, #tpu.memory_space<vmem>>
        %dma_start3A_242 = tpu.memref_squeeze %dma_start3A_241 : memref<1x128xi32, #tpu.memory_space<vmem>> -> memref<128xi32, #tpu.memory_space<vmem>>
        %dma_start3A_243 = arith.constant 0 : i32
        %dma_start3A_244 = arith.constant 0 : i32
        %dma_start3A_245 = tpu.memref_slice %arg9[%dma_start3A_243, %dma_start3A_244] : memref<10240x128xf32, #tpu.memory_space<vmem_shared>> -> memref<10240x128xf32, #tpu.memory_space<vmem_shared>>
        %dma_start3A_246 = tpu.memref_slice %arg12[%dma_start3A_235] : memref<2x!tpu.dma_semaphore, #tpu.memory_space<semaphore_mem>> -> memref<1x!tpu.dma_semaphore, #tpu.memory_space<semaphore_mem>>
        %dma_start3A_247 = tpu.memref_squeeze %dma_start3A_246 : memref<1x!tpu.dma_semaphore, #tpu.memory_space<semaphore_mem>> -> memref<!tpu.dma_semaphore, #tpu.memory_space<semaphore_mem>>
        tpu.enqueue_indirect_dma source(%dma_start3A_239 : memref<128x128xf32, #tpu.memory_space<vmem>>) target(%dma_start3A_245 : memref<10240x128xf32, #tpu.memory_space<vmem_shared>>) offsets(%dma_start3A_242 : memref<128xi32, #tpu.memory_space<vmem>>) semaphore(%dma_start3A_247 : memref<!tpu.dma_semaphore, #tpu.memory_space<semaphore_mem>>) {add = true}
      } else {
      }
      %add3A_183 = arith.constant 1 : i32
      %add3A_184 = arith.addi %add3A_162, %add3A_183 : i32
      %lt3A_185 = arith.cmpi slt, %add3A_184, %add3A_9 : i32
      %convert_element_type3A_186 = arith.extui %lt3A_185 : i1 to i32
      %cond3A_187 = arith.constant 0 : i32
      %cond3A_188 = arith.cmpi ne, %convert_element_type3A_186, %cond3A_187 : i32
      scf.if %cond3A_188 {
        %add3A_219 = arith.constant 1 : i32
        %add3A_220 = arith.addi %add3A_162, %add3A_219 : i32
        %add3A_221 = arith.addi %add3A_6, %add3A_220 : i32
        %dma_start3A_222 = arith.constant 0 : i32
        %dma_start3A_223 = arith.constant 2 : i32
        %dma_start3A_224 = arith.constant 2 : i32
        %dma_start3A_225 = arith.constant 0 : i32
        %dma_start3A_226 = tpu.memref_slice %arg7[%dma_start3A_223, %dma_start3A_225] : memref<3x128xi32, #tpu.memory_space<vmem>> -> memref<1x128xi32, #tpu.memory_space<vmem>>
        %dma_start3A_227 = tpu.memref_squeeze %dma_start3A_226 : memref<1x128xi32, #tpu.memory_space<vmem>> -> memref<128xi32, #tpu.memory_space<vmem>>
        %dma_start3A_228 = arith.constant 0 : i32
        %dma_start3A_229 = tpu.memref_slice %arg3[%dma_start3A_222, %add3A_221, %dma_start3A_228] : memref<2x2500x128xi32, #tpu.memory_space<hbm>> -> memref<1x1x128xi32, #tpu.memory_space<hbm>>
        %dma_start3A_230 = tpu.memref_squeeze %dma_start3A_229 : memref<1x1x128xi32, #tpu.memory_space<hbm>> -> memref<128xi32, #tpu.memory_space<hbm>>
        %dma_start3A_231 = tpu.memref_slice %arg10[%dma_start3A_224] : memref<3x!tpu.dma_semaphore, #tpu.memory_space<semaphore_mem>> -> memref<1x!tpu.dma_semaphore, #tpu.memory_space<semaphore_mem>>
        %dma_start3A_232 = tpu.memref_squeeze %dma_start3A_231 : memref<1x!tpu.dma_semaphore, #tpu.memory_space<semaphore_mem>> -> memref<!tpu.dma_semaphore, #tpu.memory_space<semaphore_mem>>
        %dma_start3A_233 = arith.constant 0 : i32
        %dma_start3A_234 = tpu.memref_slice %arg7[%dma_start3A_223, %dma_start3A_233] : memref<3x128xi32, #tpu.memory_space<vmem>> -> memref<1x128xi32, #tpu.memory_space<vmem>>
        %dma_start3A_235 = tpu.memref_squeeze %dma_start3A_234 : memref<1x128xi32, #tpu.memory_space<vmem>> -> memref<128xi32, #tpu.memory_space<vmem>>
        %dma_start3A_236 = arith.constant 0 : i32
        %dma_start3A_237 = tpu.memref_slice %arg3[%dma_start3A_222, %add3A_221, %dma_start3A_236] : memref<2x2500x128xi32, #tpu.memory_space<hbm>> -> memref<1x1x128xi32, #tpu.memory_space<hbm>>
        %dma_start3A_238 = tpu.memref_squeeze %dma_start3A_237 : memref<1x1x128xi32, #tpu.memory_space<hbm>> -> memref<128xi32, #tpu.memory_space<hbm>>
        tpu.enqueue_dma source(%dma_start3A_238 : memref<128xi32, #tpu.memory_space<hbm>>) target(%dma_start3A_235 : memref<128xi32, #tpu.memory_space<vmem>>) target_semaphore(%dma_start3A_232 : memref<!tpu.dma_semaphore, #tpu.memory_space<semaphore_mem>>)
      } else {
      }
      %mul3A_189 = arith.constant 6 : i32
      %mul3A_190 = arith.muli %scan3A_41, %mul3A_189 : i32
      %add3A_191 = arith.constant 5 : i32
      %add3A_192 = arith.addi %mul3A_190, %add3A_191 : i32
      %ge3A_193 = arith.constant 2 : i32
      %ge3A_194 = arith.cmpi sge, %add3A_192, %ge3A_193 : i32
      %add3A_195 = arith.constant 1 : i32
      %add3A_196 = arith.addi %add3A_9, %add3A_195 : i32
      %le3A_197 = arith.cmpi sle, %add3A_192, %add3A_196 : i32
      %and3A_198 = arith.andi %ge3A_194, %le3A_197 : i1
      %convert_element_type3A_199 = arith.extui %and3A_198 : i1 to i32
      %cond3A_200 = arith.constant 0 : i32
      %cond3A_201 = arith.cmpi ne, %convert_element_type3A_199, %cond3A_200 : i32
      scf.if %cond3A_201 {
        %sub3A = arith.constant 2 : i32
        %sub3A_219 = arith.subi %add3A_192, %sub3A : i32
        %dma_wait3A = arith.constant 1 : i32
        %dma_wait3A_220 = arith.constant 1 : i32
        %dma_wait3A_221 = arith.constant 0 : i32
        %dma_wait3A_222 = arith.constant 0 : i32
        %dma_wait3A_223 = tpu.memref_slice %arg8[%dma_wait3A, %dma_wait3A_221, %dma_wait3A_222] : memref<2x128x128xf32, #tpu.memory_space<vmem>> -> memref<1x128x128xf32, #tpu.memory_space<vmem>>
        %dma_wait3A_224 = tpu.memref_squeeze %dma_wait3A_223 : memref<1x128x128xf32, #tpu.memory_space<vmem>> -> memref<128x128xf32, #tpu.memory_space<vmem>>
        %dma_wait3A_225 = arith.constant 0 : i32
        %dma_wait3A_226 = tpu.memref_slice %arg6[%sub3A_219, %dma_wait3A_225] : memref<79x128xi32, #tpu.memory_space<vmem>> -> memref<1x128xi32, #tpu.memory_space<vmem>>
        %dma_wait3A_227 = tpu.memref_squeeze %dma_wait3A_226 : memref<1x128xi32, #tpu.memory_space<vmem>> -> memref<128xi32, #tpu.memory_space<vmem>>
        %dma_wait3A_228 = arith.constant 0 : i32
        %dma_wait3A_229 = arith.constant 0 : i32
        %dma_wait3A_230 = tpu.memref_slice %arg9[%dma_wait3A_228, %dma_wait3A_229] : memref<10240x128xf32, #tpu.memory_space<vmem_shared>> -> memref<10240x128xf32, #tpu.memory_space<vmem_shared>>
        %dma_wait3A_231 = tpu.memref_slice %arg12[%dma_wait3A_220] : memref<2x!tpu.dma_semaphore, #tpu.memory_space<semaphore_mem>> -> memref<1x!tpu.dma_semaphore, #tpu.memory_space<semaphore_mem>>
        %dma_wait3A_232 = tpu.memref_squeeze %dma_wait3A_231 : memref<1x!tpu.dma_semaphore, #tpu.memory_space<semaphore_mem>> -> memref<!tpu.dma_semaphore, #tpu.memory_space<semaphore_mem>>
        tpu.wait_indirect_dma semaphore(%dma_wait3A_232 : memref<!tpu.dma_semaphore, #tpu.memory_space<semaphore_mem>>) src(%dma_wait3A_224 : memref<128x128xf32, #tpu.memory_space<vmem>>) dst(%dma_wait3A_230 : memref<10240x128xf32, #tpu.memory_space<vmem_shared>>)
      } else {
      }
      %lt3A_202 = arith.cmpi slt, %add3A_192, %add3A_9 : i32
      %convert_element_type3A_203 = arith.extui %lt3A_202 : i1 to i32
      %cond3A_204 = arith.constant 0 : i32
      %cond3A_205 = arith.cmpi ne, %convert_element_type3A_203, %cond3A_204 : i32
      scf.if %cond3A_205 {
        %add3A_219 = arith.addi %add3A_6, %add3A_192 : i32
        %dma_wait3A = arith.constant 0 : i32
        %dma_wait3A_220 = arith.constant 2 : i32
        %dma_wait3A_221 = arith.constant 2 : i32
        %dma_wait3A_222 = arith.constant 0 : i32
        %dma_wait3A_223 = tpu.memref_slice %arg7[%dma_wait3A_220, %dma_wait3A_222] : memref<3x128xi32, #tpu.memory_space<vmem>> -> memref<1x128xi32, #tpu.memory_space<vmem>>
        %dma_wait3A_224 = tpu.memref_squeeze %dma_wait3A_223 : memref<1x128xi32, #tpu.memory_space<vmem>> -> memref<128xi32, #tpu.memory_space<vmem>>
        %dma_wait3A_225 = arith.constant 0 : i32
        %dma_wait3A_226 = tpu.memref_slice %arg3[%dma_wait3A, %add3A_219, %dma_wait3A_225] : memref<2x2500x128xi32, #tpu.memory_space<hbm>> -> memref<1x1x128xi32, #tpu.memory_space<hbm>>
        %dma_wait3A_227 = tpu.memref_squeeze %dma_wait3A_226 : memref<1x1x128xi32, #tpu.memory_space<hbm>> -> memref<128xi32, #tpu.memory_space<hbm>>
        %dma_wait3A_228 = tpu.memref_slice %arg10[%dma_wait3A_221] : memref<3x!tpu.dma_semaphore, #tpu.memory_space<semaphore_mem>> -> memref<1x!tpu.dma_semaphore, #tpu.memory_space<semaphore_mem>>
        %dma_wait3A_229 = tpu.memref_squeeze %dma_wait3A_228 : memref<1x!tpu.dma_semaphore, #tpu.memory_space<semaphore_mem>> -> memref<!tpu.dma_semaphore, #tpu.memory_space<semaphore_mem>>
        %dma_wait3A_230 = arith.constant 0 : i32
        %dma_wait3A_231 = tpu.memref_slice %arg7[%dma_wait3A_220, %dma_wait3A_230] : memref<3x128xi32, #tpu.memory_space<vmem>> -> memref<1x128xi32, #tpu.memory_space<vmem>>
        %dma_wait3A_232 = tpu.memref_squeeze %dma_wait3A_231 : memref<1x128xi32, #tpu.memory_space<vmem>> -> memref<128xi32, #tpu.memory_space<vmem>>
        %dma_wait3A_233 = arith.constant 0 : i32
        %dma_wait3A_234 = tpu.memref_slice %arg3[%dma_wait3A, %add3A_219, %dma_wait3A_233] : memref<2x2500x128xi32, #tpu.memory_space<hbm>> -> memref<1x1x128xi32, #tpu.memory_space<hbm>>
        %dma_wait3A_235 = tpu.memref_squeeze %dma_wait3A_234 : memref<1x1x128xi32, #tpu.memory_space<hbm>> -> memref<128xi32, #tpu.memory_space<hbm>>
        tpu.wait_dma2 semaphore(%dma_wait3A_229 : memref<!tpu.dma_semaphore, #tpu.memory_space<semaphore_mem>>) src(%dma_wait3A_235 : memref<128xi32, #tpu.memory_space<hbm>>) dst(%dma_wait3A_232 : memref<128xi32, #tpu.memory_space<vmem>>)
        %dma_start3A_236 = arith.constant 2 : i32
        %dma_start3A_237 = arith.constant 1 : i32
        %dma_start3A_238 = arith.constant 1 : i32
        %dma_start3A_239 = arith.constant 0 : i32
        %dma_start3A_240 = arith.constant 0 : i32
        %dma_start3A_241 = tpu.memref_slice %arg8[%dma_start3A_237, %dma_start3A_239, %dma_start3A_240] : memref<2x128x128xf32, #tpu.memory_space<vmem>> -> memref<1x128x128xf32, #tpu.memory_space<vmem>>
        %dma_start3A_242 = tpu.memref_squeeze %dma_start3A_241 : memref<1x128x128xf32, #tpu.memory_space<vmem>> -> memref<128x128xf32, #tpu.memory_space<vmem>>
        %dma_start3A_243 = arith.constant 0 : i32
        %dma_start3A_244 = tpu.memref_slice %arg7[%dma_start3A_236, %dma_start3A_243] : memref<3x128xi32, #tpu.memory_space<vmem>> -> memref<1x128xi32, #tpu.memory_space<vmem>>
        %dma_start3A_245 = tpu.memref_squeeze %dma_start3A_244 : memref<1x128xi32, #tpu.memory_space<vmem>> -> memref<128xi32, #tpu.memory_space<vmem>>
        %dma_start3A_246 = arith.constant 0 : i32
        %dma_start3A_247 = arith.constant 0 : i32
        %dma_start3A_248 = tpu.memref_slice %arg2[%dma_start3A_246, %dma_start3A_247] : memref<10240x128xf32, #tpu.memory_space<hbm>> -> memref<10240x128xf32, #tpu.memory_space<hbm>>
        %dma_start3A_249 = tpu.memref_slice %arg11[%dma_start3A_238] : memref<2x!tpu.dma_semaphore, #tpu.memory_space<semaphore_mem>> -> memref<1x!tpu.dma_semaphore, #tpu.memory_space<semaphore_mem>>
        %dma_start3A_250 = tpu.memref_squeeze %dma_start3A_249 : memref<1x!tpu.dma_semaphore, #tpu.memory_space<semaphore_mem>> -> memref<!tpu.dma_semaphore, #tpu.memory_space<semaphore_mem>>
        tpu.enqueue_indirect_dma source(%dma_start3A_248 : memref<10240x128xf32, #tpu.memory_space<hbm>>) target(%dma_start3A_242 : memref<128x128xf32, #tpu.memory_space<vmem>>) offsets(%dma_start3A_245 : memref<128xi32, #tpu.memory_space<vmem>>) semaphore(%dma_start3A_250 : memref<!tpu.dma_semaphore, #tpu.memory_space<semaphore_mem>>)
      } else {
      }
      %ge3A_206 = arith.constant 1 : i32
      %ge3A_207 = arith.cmpi sge, %add3A_192, %ge3A_206 : i32
      %le3A_208 = arith.cmpi sle, %add3A_192, %add3A_9 : i32
      %and3A_209 = arith.andi %ge3A_207, %le3A_208 : i1
      %convert_element_type3A_210 = arith.extui %and3A_209 : i1 to i32
      %cond3A_211 = arith.constant 0 : i32
      %cond3A_212 = arith.cmpi ne, %convert_element_type3A_210, %cond3A_211 : i32
      scf.if %cond3A_212 {
        %dma_wait3A = arith.constant 1 : i32
        %dma_wait3A_219 = arith.constant 0 : i32
        %dma_wait3A_220 = arith.constant 0 : i32
        %dma_wait3A_221 = arith.constant 0 : i32
        %dma_wait3A_222 = arith.constant 0 : i32
        %dma_wait3A_223 = tpu.memref_slice %arg8[%dma_wait3A_219, %dma_wait3A_221, %dma_wait3A_222] : memref<2x128x128xf32, #tpu.memory_space<vmem>> -> memref<1x128x128xf32, #tpu.memory_space<vmem>>
        %dma_wait3A_224 = tpu.memref_squeeze %dma_wait3A_223 : memref<1x128x128xf32, #tpu.memory_space<vmem>> -> memref<128x128xf32, #tpu.memory_space<vmem>>
        %dma_wait3A_225 = arith.constant 0 : i32
        %dma_wait3A_226 = tpu.memref_slice %arg7[%dma_wait3A, %dma_wait3A_225] : memref<3x128xi32, #tpu.memory_space<vmem>> -> memref<1x128xi32, #tpu.memory_space<vmem>>
        %dma_wait3A_227 = tpu.memref_squeeze %dma_wait3A_226 : memref<1x128xi32, #tpu.memory_space<vmem>> -> memref<128xi32, #tpu.memory_space<vmem>>
        %dma_wait3A_228 = arith.constant 0 : i32
        %dma_wait3A_229 = arith.constant 0 : i32
        %dma_wait3A_230 = tpu.memref_slice %arg2[%dma_wait3A_228, %dma_wait3A_229] : memref<10240x128xf32, #tpu.memory_space<hbm>> -> memref<10240x128xf32, #tpu.memory_space<hbm>>
        %dma_wait3A_231 = tpu.memref_slice %arg11[%dma_wait3A_220] : memref<2x!tpu.dma_semaphore, #tpu.memory_space<semaphore_mem>> -> memref<1x!tpu.dma_semaphore, #tpu.memory_space<semaphore_mem>>
        %dma_wait3A_232 = tpu.memref_squeeze %dma_wait3A_231 : memref<1x!tpu.dma_semaphore, #tpu.memory_space<semaphore_mem>> -> memref<!tpu.dma_semaphore, #tpu.memory_space<semaphore_mem>>
        tpu.wait_indirect_dma semaphore(%dma_wait3A_232 : memref<!tpu.dma_semaphore, #tpu.memory_space<semaphore_mem>>) src(%dma_wait3A_230 : memref<10240x128xf32, #tpu.memory_space<hbm>>) dst(%dma_wait3A_224 : memref<128x128xf32, #tpu.memory_space<vmem>>)
        %sub3A = arith.constant 1 : i32
        %sub3A_233 = arith.subi %add3A_192, %sub3A : i32
        %dma_start3A_234 = arith.constant 0 : i32
        %dma_start3A_235 = arith.constant 0 : i32
        %dma_start3A_236 = arith.constant 0 : i32
        %dma_start3A_237 = arith.constant 0 : i32
        %dma_start3A_238 = tpu.memref_slice %arg8[%dma_start3A_234, %dma_start3A_236, %dma_start3A_237] : memref<2x128x128xf32, #tpu.memory_space<vmem>> -> memref<1x128x128xf32, #tpu.memory_space<vmem>>
        %dma_start3A_239 = tpu.memref_squeeze %dma_start3A_238 : memref<1x128x128xf32, #tpu.memory_space<vmem>> -> memref<128x128xf32, #tpu.memory_space<vmem>>
        %dma_start3A_240 = arith.constant 0 : i32
        %dma_start3A_241 = tpu.memref_slice %arg6[%sub3A_233, %dma_start3A_240] : memref<79x128xi32, #tpu.memory_space<vmem>> -> memref<1x128xi32, #tpu.memory_space<vmem>>
        %dma_start3A_242 = tpu.memref_squeeze %dma_start3A_241 : memref<1x128xi32, #tpu.memory_space<vmem>> -> memref<128xi32, #tpu.memory_space<vmem>>
        %dma_start3A_243 = arith.constant 0 : i32
        %dma_start3A_244 = arith.constant 0 : i32
        %dma_start3A_245 = tpu.memref_slice %arg9[%dma_start3A_243, %dma_start3A_244] : memref<10240x128xf32, #tpu.memory_space<vmem_shared>> -> memref<10240x128xf32, #tpu.memory_space<vmem_shared>>
        %dma_start3A_246 = tpu.memref_slice %arg12[%dma_start3A_235] : memref<2x!tpu.dma_semaphore, #tpu.memory_space<semaphore_mem>> -> memref<1x!tpu.dma_semaphore, #tpu.memory_space<semaphore_mem>>
        %dma_start3A_247 = tpu.memref_squeeze %dma_start3A_246 : memref<1x!tpu.dma_semaphore, #tpu.memory_space<semaphore_mem>> -> memref<!tpu.dma_semaphore, #tpu.memory_space<semaphore_mem>>
        tpu.enqueue_indirect_dma source(%dma_start3A_239 : memref<128x128xf32, #tpu.memory_space<vmem>>) target(%dma_start3A_245 : memref<10240x128xf32, #tpu.memory_space<vmem_shared>>) offsets(%dma_start3A_242 : memref<128xi32, #tpu.memory_space<vmem>>) semaphore(%dma_start3A_247 : memref<!tpu.dma_semaphore, #tpu.memory_space<semaphore_mem>>) {add = true}
      } else {
      }
      %add3A_213 = arith.constant 1 : i32
      %add3A_214 = arith.addi %add3A_192, %add3A_213 : i32
      %lt3A_215 = arith.cmpi slt, %add3A_214, %add3A_9 : i32
      %convert_element_type3A_216 = arith.extui %lt3A_215 : i1 to i32
      %cond3A_217 = arith.constant 0 : i32
      %cond3A_218 = arith.cmpi ne, %convert_element_type3A_216, %cond3A_217 : i32
      scf.if %cond3A_218 {
        %add3A_219 = arith.constant 1 : i32
        %add3A_220 = arith.addi %add3A_192, %add3A_219 : i32
        %add3A_221 = arith.addi %add3A_6, %add3A_220 : i32
        %dma_start3A_222 = arith.constant 0 : i32
        %dma_start3A_223 = arith.constant 0 : i32
        %dma_start3A_224 = arith.constant 0 : i32
        %dma_start3A_225 = arith.constant 0 : i32
        %dma_start3A_226 = tpu.memref_slice %arg7[%dma_start3A_223, %dma_start3A_225] : memref<3x128xi32, #tpu.memory_space<vmem>> -> memref<1x128xi32, #tpu.memory_space<vmem>>
        %dma_start3A_227 = tpu.memref_squeeze %dma_start3A_226 : memref<1x128xi32, #tpu.memory_space<vmem>> -> memref<128xi32, #tpu.memory_space<vmem>>
        %dma_start3A_228 = arith.constant 0 : i32
        %dma_start3A_229 = tpu.memref_slice %arg3[%dma_start3A_222, %add3A_221, %dma_start3A_228] : memref<2x2500x128xi32, #tpu.memory_space<hbm>> -> memref<1x1x128xi32, #tpu.memory_space<hbm>>
        %dma_start3A_230 = tpu.memref_squeeze %dma_start3A_229 : memref<1x1x128xi32, #tpu.memory_space<hbm>> -> memref<128xi32, #tpu.memory_space<hbm>>
        %dma_start3A_231 = tpu.memref_slice %arg10[%dma_start3A_224] : memref<3x!tpu.dma_semaphore, #tpu.memory_space<semaphore_mem>> -> memref<1x!tpu.dma_semaphore, #tpu.memory_space<semaphore_mem>>
        %dma_start3A_232 = tpu.memref_squeeze %dma_start3A_231 : memref<1x!tpu.dma_semaphore, #tpu.memory_space<semaphore_mem>> -> memref<!tpu.dma_semaphore, #tpu.memory_space<semaphore_mem>>
        %dma_start3A_233 = arith.constant 0 : i32
        %dma_start3A_234 = tpu.memref_slice %arg7[%dma_start3A_223, %dma_start3A_233] : memref<3x128xi32, #tpu.memory_space<vmem>> -> memref<1x128xi32, #tpu.memory_space<vmem>>
        %dma_start3A_235 = tpu.memref_squeeze %dma_start3A_234 : memref<1x128xi32, #tpu.memory_space<vmem>> -> memref<128xi32, #tpu.memory_space<vmem>>
        %dma_start3A_236 = arith.constant 0 : i32
        %dma_start3A_237 = tpu.memref_slice %arg3[%dma_start3A_222, %add3A_221, %dma_start3A_236] : memref<2x2500x128xi32, #tpu.memory_space<hbm>> -> memref<1x1x128xi32, #tpu.memory_space<hbm>>
        %dma_start3A_238 = tpu.memref_squeeze %dma_start3A_237 : memref<1x1x128xi32, #tpu.memory_space<hbm>> -> memref<128xi32, #tpu.memory_space<hbm>>
        tpu.enqueue_dma source(%dma_start3A_238 : memref<128xi32, #tpu.memory_space<hbm>>) target(%dma_start3A_235 : memref<128xi32, #tpu.memory_space<vmem>>) target_semaphore(%dma_start3A_232 : memref<!tpu.dma_semaphore, #tpu.memory_space<semaphore_mem>>)
      } else {
      }
    }
    %scan3A_36 = arith.constant 14 : i32
    %barrier3A_37 = arith.constant 0 : index
    tpu.barrier barrier_id(%barrier3A_37)
    %mul3A_38 = arith.constant 10240 : i32
    %mul3A_39 = arith.muli %arg0, %mul3A_38 : i32
    %add3A_40 = arith.addi %mul3A_39, %mul3A_2 : i32
    "tpu.region"() ({
      %run_scoped3A_41 = tpu.sem_alloc : memref<!tpu.dma_semaphore, #tpu.memory_space<semaphore_mem>>
      %dma_start3A_42 = arith.constant 0 : i32
      %dma_start3A_43 = tpu.memref_slice %arg5[%add3A_40, %dma_start3A_42] : memref<20480x128xf32, #tpu.memory_space<hbm>> -> memref<640x128xf32, #tpu.memory_space<hbm>>
      %dma_start3A_44 = arith.constant 0 : i32
      %dma_start3A_45 = tpu.memref_slice %arg9[%mul3A_2, %dma_start3A_44] : memref<10240x128xf32, #tpu.memory_space<vmem_shared>> -> memref<640x128xf32, #tpu.memory_space<vmem_shared>>
      tpu.enqueue_dma source(%dma_start3A_45 : memref<640x128xf32, #tpu.memory_space<vmem_shared>>) target(%dma_start3A_43 : memref<640x128xf32, #tpu.memory_space<hbm>>) target_semaphore(%run_scoped3A_41 : memref<!tpu.dma_semaphore, #tpu.memory_space<semaphore_mem>>)
      %dma_wait3A = arith.constant 0 : i32
      %dma_wait3A_46 = tpu.memref_slice %arg5[%add3A_40, %dma_wait3A] : memref<20480x128xf32, #tpu.memory_space<hbm>> -> memref<640x128xf32, #tpu.memory_space<hbm>>
      %dma_wait3A_47 = arith.constant 0 : i32
      %dma_wait3A_48 = tpu.memref_slice %arg9[%mul3A_2, %dma_wait3A_47] : memref<10240x128xf32, #tpu.memory_space<vmem_shared>> -> memref<640x128xf32, #tpu.memory_space<vmem_shared>>
      tpu.wait_dma2 semaphore(%run_scoped3A_41 : memref<!tpu.dma_semaphore, #tpu.memory_space<semaphore_mem>>) src(%dma_wait3A_48 : memref<640x128xf32, #tpu.memory_space<vmem_shared>>) dst(%dma_wait3A_46 : memref<640x128xf32, #tpu.memory_space<hbm>>)
      tpu.yield
    }) : () -> ()
    return
  }
}

#map = affine_map<(d0, d1) -> (0, 0)>
#map1 = affine_map<(d0, d1) -> (0, 0, 0)>
module attributes {stable_mosaic.version = 14 : i64} {
  func.func @k(%arg0: i32, %arg1: i32, %arg2: memref<10240x16xf32, #tpu.memory_space<hbm>>, %arg3: memref<2x2500x128xi32, #tpu.memory_space<hbm>>, %arg4: memref<10240x16xf32, #tpu.memory_space<hbm>>, %arg5: memref<20480x16xf32, #tpu.memory_space<hbm>>, %arg6: memref<79x128xi32, #tpu.memory_space<vmem>>, %arg7: memref<79x128xi32, #tpu.memory_space<vmem>>, %arg8: memref<6x128x16xf32, #tpu.memory_space<vmem>>, %arg9: memref<10240x16xf32, #tpu.memory_space<vmem_shared>>, %arg10: memref<3x!tpu.dma_semaphore, #tpu.memory_space<semaphore_mem>>, %arg11: memref<6x!tpu.dma_semaphore, #tpu.memory_space<semaphore_mem>>, %arg12: memref<6x!tpu.dma_semaphore, #tpu.memory_space<semaphore_mem>>) attributes {dimension_semantics = [#tpu.dimension_semantics<core_parallel>, #tpu.dimension_semantics<subcore_parallel>], iteration_bounds = array<i64: 2, 16>, scalar_prefetch = 0 : i64, scratch_operands = 7 : i64, tpu.core_type = #tpu.core_type<sc_vector_subcore>, window_params = [{transform_indices = #map}, {transform_indices = #map1}, {transform_indices = #map}, {transform_indices = #map}]} {
    %mul3A = arith.constant 16 : i32
    %mul3A_0 = arith.muli %arg0, %mul3A : i32
    %add3A = arith.addi %mul3A_0, %arg1 : i32
    %mul3A_1 = arith.constant 640 : i32
    %mul3A_2 = arith.muli %arg1, %mul3A_1 : i32
    %mul3A_3 = arith.constant 78 : i32
    %mul3A_4 = arith.muli %mul3A_3, %add3A : i32
    %min3A = arith.constant 4 : i32
    %min3A_5 = arith.minsi %add3A, %min3A : i32
    %add3A_6 = arith.addi %mul3A_4, %min3A_5 : i32
    %lt3A = arith.constant 4 : i32
    %lt3A_7 = arith.cmpi slt, %add3A, %lt3A : i32
    %convert_element_type3A = arith.extui %lt3A_7 : i1 to i32
    %add3A_8 = arith.constant 78 : i32
    %add3A_9 = arith.addi %add3A_8, %convert_element_type3A : i32
    %run_scoped3A = arith.constant 1 : i32
    "tpu.region"() ({
      %run_scoped3A_24 = tpu.sem_alloc : memref<!tpu.dma_semaphore, #tpu.memory_space<semaphore_mem>>
      %dma_start3A = arith.constant 0 : i32
      %dma_start3A_25 = arith.constant 0 : i32
      %dma_start3A_26 = tpu.memref_slice %arg6[%dma_start3A, %dma_start3A_25] : memref<79x128xi32, #tpu.memory_space<vmem>> -> memref<78x128xi32, #tpu.memory_space<vmem>>
      %dma_start3A_27 = arith.constant 0 : i32
      %dma_start3A_28 = tpu.memref_slice %arg3[%run_scoped3A, %add3A_6, %dma_start3A_27] : memref<2x2500x128xi32, #tpu.memory_space<hbm>> -> memref<1x78x128xi32, #tpu.memory_space<hbm>>
      %dma_start3A_29 = tpu.memref_squeeze %dma_start3A_28 : memref<1x78x128xi32, #tpu.memory_space<hbm>> -> memref<78x128xi32, #tpu.memory_space<hbm>>
      %dma_start3A_30 = arith.constant 0 : i32
      %dma_start3A_31 = arith.constant 0 : i32
      %dma_start3A_32 = tpu.memref_slice %arg6[%dma_start3A_30, %dma_start3A_31] : memref<79x128xi32, #tpu.memory_space<vmem>> -> memref<78x128xi32, #tpu.memory_space<vmem>>
      %dma_start3A_33 = arith.constant 0 : i32
      %dma_start3A_34 = tpu.memref_slice %arg3[%run_scoped3A, %add3A_6, %dma_start3A_33] : memref<2x2500x128xi32, #tpu.memory_space<hbm>> -> memref<1x78x128xi32, #tpu.memory_space<hbm>>
      %dma_start3A_35 = tpu.memref_squeeze %dma_start3A_34 : memref<1x78x128xi32, #tpu.memory_space<hbm>> -> memref<78x128xi32, #tpu.memory_space<hbm>>
      tpu.enqueue_dma source(%dma_start3A_35 : memref<78x128xi32, #tpu.memory_space<hbm>>) target(%dma_start3A_32 : memref<78x128xi32, #tpu.memory_space<vmem>>) target_semaphore(%run_scoped3A_24 : memref<!tpu.dma_semaphore, #tpu.memory_space<semaphore_mem>>)
      %dma_wait3A = arith.constant 0 : i32
      %dma_wait3A_36 = arith.constant 0 : i32
      %dma_wait3A_37 = tpu.memref_slice %arg6[%dma_wait3A, %dma_wait3A_36] : memref<79x128xi32, #tpu.memory_space<vmem>> -> memref<78x128xi32, #tpu.memory_space<vmem>>
      %dma_wait3A_38 = arith.constant 0 : i32
      %dma_wait3A_39 = tpu.memref_slice %arg3[%run_scoped3A, %add3A_6, %dma_wait3A_38] : memref<2x2500x128xi32, #tpu.memory_space<hbm>> -> memref<1x78x128xi32, #tpu.memory_space<hbm>>
      %dma_wait3A_40 = tpu.memref_squeeze %dma_wait3A_39 : memref<1x78x128xi32, #tpu.memory_space<hbm>> -> memref<78x128xi32, #tpu.memory_space<hbm>>
      %dma_wait3A_41 = arith.constant 0 : i32
      %dma_wait3A_42 = arith.constant 0 : i32
      %dma_wait3A_43 = tpu.memref_slice %arg6[%dma_wait3A_41, %dma_wait3A_42] : memref<79x128xi32, #tpu.memory_space<vmem>> -> memref<78x128xi32, #tpu.memory_space<vmem>>
      %dma_wait3A_44 = arith.constant 0 : i32
      %dma_wait3A_45 = tpu.memref_slice %arg3[%run_scoped3A, %add3A_6, %dma_wait3A_44] : memref<2x2500x128xi32, #tpu.memory_space<hbm>> -> memref<1x78x128xi32, #tpu.memory_space<hbm>>
      %dma_wait3A_46 = tpu.memref_squeeze %dma_wait3A_45 : memref<1x78x128xi32, #tpu.memory_space<hbm>> -> memref<78x128xi32, #tpu.memory_space<hbm>>
      tpu.wait_dma2 semaphore(%run_scoped3A_24 : memref<!tpu.dma_semaphore, #tpu.memory_space<semaphore_mem>>) src(%dma_wait3A_46 : memref<78x128xi32, #tpu.memory_space<hbm>>) dst(%dma_wait3A_43 : memref<78x128xi32, #tpu.memory_space<vmem>>)
      tpu.yield
    }) : () -> ()
    %run_scoped3A_10 = arith.constant 0 : i32
    "tpu.region"() ({
      %run_scoped3A_24 = tpu.sem_alloc : memref<!tpu.dma_semaphore, #tpu.memory_space<semaphore_mem>>
      %dma_start3A = arith.constant 0 : i32
      %dma_start3A_25 = arith.constant 0 : i32
      %dma_start3A_26 = tpu.memref_slice %arg7[%dma_start3A, %dma_start3A_25] : memref<79x128xi32, #tpu.memory_space<vmem>> -> memref<78x128xi32, #tpu.memory_space<vmem>>
      %dma_start3A_27 = arith.constant 0 : i32
      %dma_start3A_28 = tpu.memref_slice %arg3[%run_scoped3A_10, %add3A_6, %dma_start3A_27] : memref<2x2500x128xi32, #tpu.memory_space<hbm>> -> memref<1x78x128xi32, #tpu.memory_space<hbm>>
      %dma_start3A_29 = tpu.memref_squeeze %dma_start3A_28 : memref<1x78x128xi32, #tpu.memory_space<hbm>> -> memref<78x128xi32, #tpu.memory_space<hbm>>
      %dma_start3A_30 = arith.constant 0 : i32
      %dma_start3A_31 = arith.constant 0 : i32
      %dma_start3A_32 = tpu.memref_slice %arg7[%dma_start3A_30, %dma_start3A_31] : memref<79x128xi32, #tpu.memory_space<vmem>> -> memref<78x128xi32, #tpu.memory_space<vmem>>
      %dma_start3A_33 = arith.constant 0 : i32
      %dma_start3A_34 = tpu.memref_slice %arg3[%run_scoped3A_10, %add3A_6, %dma_start3A_33] : memref<2x2500x128xi32, #tpu.memory_space<hbm>> -> memref<1x78x128xi32, #tpu.memory_space<hbm>>
      %dma_start3A_35 = tpu.memref_squeeze %dma_start3A_34 : memref<1x78x128xi32, #tpu.memory_space<hbm>> -> memref<78x128xi32, #tpu.memory_space<hbm>>
      tpu.enqueue_dma source(%dma_start3A_35 : memref<78x128xi32, #tpu.memory_space<hbm>>) target(%dma_start3A_32 : memref<78x128xi32, #tpu.memory_space<vmem>>) target_semaphore(%run_scoped3A_24 : memref<!tpu.dma_semaphore, #tpu.memory_space<semaphore_mem>>)
      %dma_wait3A = arith.constant 0 : i32
      %dma_wait3A_36 = arith.constant 0 : i32
      %dma_wait3A_37 = tpu.memref_slice %arg7[%dma_wait3A, %dma_wait3A_36] : memref<79x128xi32, #tpu.memory_space<vmem>> -> memref<78x128xi32, #tpu.memory_space<vmem>>
      %dma_wait3A_38 = arith.constant 0 : i32
      %dma_wait3A_39 = tpu.memref_slice %arg3[%run_scoped3A_10, %add3A_6, %dma_wait3A_38] : memref<2x2500x128xi32, #tpu.memory_space<hbm>> -> memref<1x78x128xi32, #tpu.memory_space<hbm>>
      %dma_wait3A_40 = tpu.memref_squeeze %dma_wait3A_39 : memref<1x78x128xi32, #tpu.memory_space<hbm>> -> memref<78x128xi32, #tpu.memory_space<hbm>>
      %dma_wait3A_41 = arith.constant 0 : i32
      %dma_wait3A_42 = arith.constant 0 : i32
      %dma_wait3A_43 = tpu.memref_slice %arg7[%dma_wait3A_41, %dma_wait3A_42] : memref<79x128xi32, #tpu.memory_space<vmem>> -> memref<78x128xi32, #tpu.memory_space<vmem>>
      %dma_wait3A_44 = arith.constant 0 : i32
      %dma_wait3A_45 = tpu.memref_slice %arg3[%run_scoped3A_10, %add3A_6, %dma_wait3A_44] : memref<2x2500x128xi32, #tpu.memory_space<hbm>> -> memref<1x78x128xi32, #tpu.memory_space<hbm>>
      %dma_wait3A_46 = tpu.memref_squeeze %dma_wait3A_45 : memref<1x78x128xi32, #tpu.memory_space<hbm>> -> memref<78x128xi32, #tpu.memory_space<hbm>>
      tpu.wait_dma2 semaphore(%run_scoped3A_24 : memref<!tpu.dma_semaphore, #tpu.memory_space<semaphore_mem>>) src(%dma_wait3A_46 : memref<78x128xi32, #tpu.memory_space<hbm>>) dst(%dma_wait3A_43 : memref<78x128xi32, #tpu.memory_space<vmem>>)
      tpu.yield
    }) : () -> ()
    %lt3A_11 = arith.constant 4 : i32
    %lt3A_12 = arith.cmpi slt, %add3A, %lt3A_11 : i32
    %convert_element_type3A_13 = arith.extui %lt3A_12 : i1 to i32
    %cond3A = arith.constant 0 : i32
    %cond3A_14 = arith.cmpi ne, %convert_element_type3A_13, %cond3A : i32
    scf.if %cond3A_14 {
      %add3A_24 = arith.constant 78 : i32
      %add3A_25 = arith.addi %add3A_6, %add3A_24 : i32
      %run_scoped3A_26 = arith.constant 1 : i32
      "tpu.region"() ({
        %run_scoped3A_30 = tpu.sem_alloc : memref<!tpu.dma_semaphore, #tpu.memory_space<semaphore_mem>>
        %dma_start3A = arith.constant 78 : i32
        %dma_start3A_31 = arith.constant 0 : i32
        %dma_start3A_32 = tpu.memref_slice %arg6[%dma_start3A, %dma_start3A_31] : memref<79x128xi32, #tpu.memory_space<vmem>> -> memref<1x128xi32, #tpu.memory_space<vmem>>
        %dma_start3A_33 = arith.constant 0 : i32
        %dma_start3A_34 = tpu.memref_slice %arg3[%run_scoped3A_26, %add3A_25, %dma_start3A_33] : memref<2x2500x128xi32, #tpu.memory_space<hbm>> -> memref<1x1x128xi32, #tpu.memory_space<hbm>>
        %dma_start3A_35 = tpu.memref_squeeze %dma_start3A_34 : memref<1x1x128xi32, #tpu.memory_space<hbm>> -> memref<1x128xi32, #tpu.memory_space<hbm>>
        %dma_start3A_36 = arith.constant 78 : i32
        %dma_start3A_37 = arith.constant 0 : i32
        %dma_start3A_38 = tpu.memref_slice %arg6[%dma_start3A_36, %dma_start3A_37] : memref<79x128xi32, #tpu.memory_space<vmem>> -> memref<1x128xi32, #tpu.memory_space<vmem>>
        %dma_start3A_39 = arith.constant 0 : i32
        %dma_start3A_40 = tpu.memref_slice %arg3[%run_scoped3A_26, %add3A_25, %dma_start3A_39] : memref<2x2500x128xi32, #tpu.memory_space<hbm>> -> memref<1x1x128xi32, #tpu.memory_space<hbm>>
        %dma_start3A_41 = tpu.memref_squeeze %dma_start3A_40 : memref<1x1x128xi32, #tpu.memory_space<hbm>> -> memref<1x128xi32, #tpu.memory_space<hbm>>
        tpu.enqueue_dma source(%dma_start3A_41 : memref<1x128xi32, #tpu.memory_space<hbm>>) target(%dma_start3A_38 : memref<1x128xi32, #tpu.memory_space<vmem>>) target_semaphore(%run_scoped3A_30 : memref<!tpu.dma_semaphore, #tpu.memory_space<semaphore_mem>>)
        %dma_wait3A = arith.constant 78 : i32
        %dma_wait3A_42 = arith.constant 0 : i32
        %dma_wait3A_43 = tpu.memref_slice %arg6[%dma_wait3A, %dma_wait3A_42] : memref<79x128xi32, #tpu.memory_space<vmem>> -> memref<1x128xi32, #tpu.memory_space<vmem>>
        %dma_wait3A_44 = arith.constant 0 : i32
        %dma_wait3A_45 = tpu.memref_slice %arg3[%run_scoped3A_26, %add3A_25, %dma_wait3A_44] : memref<2x2500x128xi32, #tpu.memory_space<hbm>> -> memref<1x1x128xi32, #tpu.memory_space<hbm>>
        %dma_wait3A_46 = tpu.memref_squeeze %dma_wait3A_45 : memref<1x1x128xi32, #tpu.memory_space<hbm>> -> memref<1x128xi32, #tpu.memory_space<hbm>>
        %dma_wait3A_47 = arith.constant 78 : i32
        %dma_wait3A_48 = arith.constant 0 : i32
        %dma_wait3A_49 = tpu.memref_slice %arg6[%dma_wait3A_47, %dma_wait3A_48] : memref<79x128xi32, #tpu.memory_space<vmem>> -> memref<1x128xi32, #tpu.memory_space<vmem>>
        %dma_wait3A_50 = arith.constant 0 : i32
        %dma_wait3A_51 = tpu.memref_slice %arg3[%run_scoped3A_26, %add3A_25, %dma_wait3A_50] : memref<2x2500x128xi32, #tpu.memory_space<hbm>> -> memref<1x1x128xi32, #tpu.memory_space<hbm>>
        %dma_wait3A_52 = tpu.memref_squeeze %dma_wait3A_51 : memref<1x1x128xi32, #tpu.memory_space<hbm>> -> memref<1x128xi32, #tpu.memory_space<hbm>>
        tpu.wait_dma2 semaphore(%run_scoped3A_30 : memref<!tpu.dma_semaphore, #tpu.memory_space<semaphore_mem>>) src(%dma_wait3A_52 : memref<1x128xi32, #tpu.memory_space<hbm>>) dst(%dma_wait3A_49 : memref<1x128xi32, #tpu.memory_space<vmem>>)
        tpu.yield
      }) : () -> ()
      %add3A_27 = arith.constant 78 : i32
      %add3A_28 = arith.addi %add3A_6, %add3A_27 : i32
      %run_scoped3A_29 = arith.constant 0 : i32
      "tpu.region"() ({
        %run_scoped3A_30 = tpu.sem_alloc : memref<!tpu.dma_semaphore, #tpu.memory_space<semaphore_mem>>
        %dma_start3A = arith.constant 78 : i32
        %dma_start3A_31 = arith.constant 0 : i32
        %dma_start3A_32 = tpu.memref_slice %arg7[%dma_start3A, %dma_start3A_31] : memref<79x128xi32, #tpu.memory_space<vmem>> -> memref<1x128xi32, #tpu.memory_space<vmem>>
        %dma_start3A_33 = arith.constant 0 : i32
        %dma_start3A_34 = tpu.memref_slice %arg3[%run_scoped3A_29, %add3A_28, %dma_start3A_33] : memref<2x2500x128xi32, #tpu.memory_space<hbm>> -> memref<1x1x128xi32, #tpu.memory_space<hbm>>
        %dma_start3A_35 = tpu.memref_squeeze %dma_start3A_34 : memref<1x1x128xi32, #tpu.memory_space<hbm>> -> memref<1x128xi32, #tpu.memory_space<hbm>>
        %dma_start3A_36 = arith.constant 78 : i32
        %dma_start3A_37 = arith.constant 0 : i32
        %dma_start3A_38 = tpu.memref_slice %arg7[%dma_start3A_36, %dma_start3A_37] : memref<79x128xi32, #tpu.memory_space<vmem>> -> memref<1x128xi32, #tpu.memory_space<vmem>>
        %dma_start3A_39 = arith.constant 0 : i32
        %dma_start3A_40 = tpu.memref_slice %arg3[%run_scoped3A_29, %add3A_28, %dma_start3A_39] : memref<2x2500x128xi32, #tpu.memory_space<hbm>> -> memref<1x1x128xi32, #tpu.memory_space<hbm>>
        %dma_start3A_41 = tpu.memref_squeeze %dma_start3A_40 : memref<1x1x128xi32, #tpu.memory_space<hbm>> -> memref<1x128xi32, #tpu.memory_space<hbm>>
        tpu.enqueue_dma source(%dma_start3A_41 : memref<1x128xi32, #tpu.memory_space<hbm>>) target(%dma_start3A_38 : memref<1x128xi32, #tpu.memory_space<vmem>>) target_semaphore(%run_scoped3A_30 : memref<!tpu.dma_semaphore, #tpu.memory_space<semaphore_mem>>)
        %dma_wait3A = arith.constant 78 : i32
        %dma_wait3A_42 = arith.constant 0 : i32
        %dma_wait3A_43 = tpu.memref_slice %arg7[%dma_wait3A, %dma_wait3A_42] : memref<79x128xi32, #tpu.memory_space<vmem>> -> memref<1x128xi32, #tpu.memory_space<vmem>>
        %dma_wait3A_44 = arith.constant 0 : i32
        %dma_wait3A_45 = tpu.memref_slice %arg3[%run_scoped3A_29, %add3A_28, %dma_wait3A_44] : memref<2x2500x128xi32, #tpu.memory_space<hbm>> -> memref<1x1x128xi32, #tpu.memory_space<hbm>>
        %dma_wait3A_46 = tpu.memref_squeeze %dma_wait3A_45 : memref<1x1x128xi32, #tpu.memory_space<hbm>> -> memref<1x128xi32, #tpu.memory_space<hbm>>
        %dma_wait3A_47 = arith.constant 78 : i32
        %dma_wait3A_48 = arith.constant 0 : i32
        %dma_wait3A_49 = tpu.memref_slice %arg7[%dma_wait3A_47, %dma_wait3A_48] : memref<79x128xi32, #tpu.memory_space<vmem>> -> memref<1x128xi32, #tpu.memory_space<vmem>>
        %dma_wait3A_50 = arith.constant 0 : i32
        %dma_wait3A_51 = tpu.memref_slice %arg3[%run_scoped3A_29, %add3A_28, %dma_wait3A_50] : memref<2x2500x128xi32, #tpu.memory_space<hbm>> -> memref<1x1x128xi32, #tpu.memory_space<hbm>>
        %dma_wait3A_52 = tpu.memref_squeeze %dma_wait3A_51 : memref<1x1x128xi32, #tpu.memory_space<hbm>> -> memref<1x128xi32, #tpu.memory_space<hbm>>
        tpu.wait_dma2 semaphore(%run_scoped3A_30 : memref<!tpu.dma_semaphore, #tpu.memory_space<semaphore_mem>>) src(%dma_wait3A_52 : memref<1x128xi32, #tpu.memory_space<hbm>>) dst(%dma_wait3A_49 : memref<1x128xi32, #tpu.memory_space<vmem>>)
        tpu.yield
      }) : () -> ()
    } else {
    }
    "tpu.region"() ({
      %run_scoped3A_24 = tpu.sem_alloc : memref<!tpu.dma_semaphore, #tpu.memory_space<semaphore_mem>>
      %dma_start3A = arith.constant 0 : i32
      %dma_start3A_25 = tpu.memref_slice %arg9[%mul3A_2, %dma_start3A] : memref<10240x16xf32, #tpu.memory_space<vmem_shared>> -> memref<640x16xf32, #tpu.memory_space<vmem_shared>>
      %dma_start3A_26 = arith.constant 0 : i32
      %dma_start3A_27 = tpu.memref_slice %arg4[%mul3A_2, %dma_start3A_26] : memref<10240x16xf32, #tpu.memory_space<hbm>> -> memref<640x16xf32, #tpu.memory_space<hbm>>
      tpu.enqueue_dma source(%dma_start3A_27 : memref<640x16xf32, #tpu.memory_space<hbm>>) target(%dma_start3A_25 : memref<640x16xf32, #tpu.memory_space<vmem_shared>>) target_semaphore(%run_scoped3A_24 : memref<!tpu.dma_semaphore, #tpu.memory_space<semaphore_mem>>)
      %dma_wait3A = arith.constant 0 : i32
      %dma_wait3A_28 = tpu.memref_slice %arg9[%mul3A_2, %dma_wait3A] : memref<10240x16xf32, #tpu.memory_space<vmem_shared>> -> memref<640x16xf32, #tpu.memory_space<vmem_shared>>
      %dma_wait3A_29 = arith.constant 0 : i32
      %dma_wait3A_30 = tpu.memref_slice %arg4[%mul3A_2, %dma_wait3A_29] : memref<10240x16xf32, #tpu.memory_space<hbm>> -> memref<640x16xf32, #tpu.memory_space<hbm>>
      tpu.wait_dma2 semaphore(%run_scoped3A_24 : memref<!tpu.dma_semaphore, #tpu.memory_space<semaphore_mem>>) src(%dma_wait3A_30 : memref<640x16xf32, #tpu.memory_space<hbm>>) dst(%dma_wait3A_28 : memref<640x16xf32, #tpu.memory_space<vmem_shared>>)
      tpu.yield
    }) : () -> ()
    %barrier3A = arith.constant 0 : index
    tpu.barrier barrier_id(%barrier3A)
    %scan3A = arith.constant 0 : i32
    %scan3A_15 = arith.constant 0 : i32
    %scan3A_16 = arith.constant 15 : i32
    %scan3A_17 = arith.addi %scan3A_15, %scan3A_16 : i32
    %scan3A_18 = arith.constant 1 : i32
    scf.for %scan3A_24 = %scan3A_15 to %scan3A_17 step %scan3A_18  : i32 {
      %mul3A_25 = arith.constant 6 : i32
      %mul3A_26 = arith.muli %scan3A_24, %mul3A_25 : i32
      %add3A_27 = arith.constant 0 : i32
      %add3A_28 = arith.addi %mul3A_26, %add3A_27 : i32
      %ge3A = arith.constant 6 : i32
      %ge3A_29 = arith.cmpi sge, %add3A_28, %ge3A : i32
      %add3A_30 = arith.constant 6 : i32
      %add3A_31 = arith.addi %add3A_9, %add3A_30 : i32
      %sub3A = arith.constant 1 : i32
      %sub3A_32 = arith.subi %add3A_31, %sub3A : i32
      %le3A = arith.cmpi sle, %add3A_28, %sub3A_32 : i32
      %and3A = arith.andi %ge3A_29, %le3A : i1
      %convert_element_type3A_33 = arith.extui %and3A : i1 to i32
      %cond3A_34 = arith.constant 0 : i32
      %cond3A_35 = arith.cmpi ne, %convert_element_type3A_33, %cond3A_34 : i32
      scf.if %cond3A_35 {
        %sub3A_177 = arith.constant 6 : i32
        %sub3A_178 = arith.subi %add3A_28, %sub3A_177 : i32
        %dma_wait3A = arith.constant 0 : i32
        %dma_wait3A_179 = arith.constant 0 : i32
        %dma_wait3A_180 = arith.constant 0 : i32
        %dma_wait3A_181 = arith.constant 0 : i32
        %dma_wait3A_182 = tpu.memref_slice %arg8[%dma_wait3A, %dma_wait3A_180, %dma_wait3A_181] : memref<6x128x16xf32, #tpu.memory_space<vmem>> -> memref<1x128x16xf32, #tpu.memory_space<vmem>>
        %dma_wait3A_183 = tpu.memref_squeeze %dma_wait3A_182 : memref<1x128x16xf32, #tpu.memory_space<vmem>> -> memref<128x16xf32, #tpu.memory_space<vmem>>
        %dma_wait3A_184 = arith.constant 0 : i32
        %dma_wait3A_185 = tpu.memref_slice %arg6[%sub3A_178, %dma_wait3A_184] : memref<79x128xi32, #tpu.memory_space<vmem>> -> memref<1x128xi32, #tpu.memory_space<vmem>>
        %dma_wait3A_186 = tpu.memref_squeeze %dma_wait3A_185 : memref<1x128xi32, #tpu.memory_space<vmem>> -> memref<128xi32, #tpu.memory_space<vmem>>
        %dma_wait3A_187 = arith.constant 0 : i32
        %dma_wait3A_188 = arith.constant 0 : i32
        %dma_wait3A_189 = tpu.memref_slice %arg9[%dma_wait3A_187, %dma_wait3A_188] : memref<10240x16xf32, #tpu.memory_space<vmem_shared>> -> memref<10240x16xf32, #tpu.memory_space<vmem_shared>>
        %dma_wait3A_190 = tpu.memref_slice %arg12[%dma_wait3A_179] : memref<6x!tpu.dma_semaphore, #tpu.memory_space<semaphore_mem>> -> memref<1x!tpu.dma_semaphore, #tpu.memory_space<semaphore_mem>>
        %dma_wait3A_191 = tpu.memref_squeeze %dma_wait3A_190 : memref<1x!tpu.dma_semaphore, #tpu.memory_space<semaphore_mem>> -> memref<!tpu.dma_semaphore, #tpu.memory_space<semaphore_mem>>
        tpu.wait_indirect_dma semaphore(%dma_wait3A_191 : memref<!tpu.dma_semaphore, #tpu.memory_space<semaphore_mem>>) src(%dma_wait3A_183 : memref<128x16xf32, #tpu.memory_space<vmem>>) dst(%dma_wait3A_189 : memref<10240x16xf32, #tpu.memory_space<vmem_shared>>)
      } else {
      }
      %lt3A_36 = arith.cmpi slt, %add3A_28, %add3A_9 : i32
      %convert_element_type3A_37 = arith.extui %lt3A_36 : i1 to i32
      %cond3A_38 = arith.constant 0 : i32
      %cond3A_39 = arith.cmpi ne, %convert_element_type3A_37, %cond3A_38 : i32
      scf.if %cond3A_39 {
        %dma_start3A = arith.constant 0 : i32
        %dma_start3A_177 = arith.constant 0 : i32
        %dma_start3A_178 = arith.constant 0 : i32
        %dma_start3A_179 = arith.constant 0 : i32
        %dma_start3A_180 = tpu.memref_slice %arg8[%dma_start3A, %dma_start3A_178, %dma_start3A_179] : memref<6x128x16xf32, #tpu.memory_space<vmem>> -> memref<1x128x16xf32, #tpu.memory_space<vmem>>
        %dma_start3A_181 = tpu.memref_squeeze %dma_start3A_180 : memref<1x128x16xf32, #tpu.memory_space<vmem>> -> memref<128x16xf32, #tpu.memory_space<vmem>>
        %dma_start3A_182 = arith.constant 0 : i32
        %dma_start3A_183 = tpu.memref_slice %arg7[%add3A_28, %dma_start3A_182] : memref<79x128xi32, #tpu.memory_space<vmem>> -> memref<1x128xi32, #tpu.memory_space<vmem>>
        %dma_start3A_184 = tpu.memref_squeeze %dma_start3A_183 : memref<1x128xi32, #tpu.memory_space<vmem>> -> memref<128xi32, #tpu.memory_space<vmem>>
        %dma_start3A_185 = arith.constant 0 : i32
        %dma_start3A_186 = arith.constant 0 : i32
        %dma_start3A_187 = tpu.memref_slice %arg2[%dma_start3A_185, %dma_start3A_186] : memref<10240x16xf32, #tpu.memory_space<hbm>> -> memref<10240x16xf32, #tpu.memory_space<hbm>>
        %dma_start3A_188 = tpu.memref_slice %arg11[%dma_start3A_177] : memref<6x!tpu.dma_semaphore, #tpu.memory_space<semaphore_mem>> -> memref<1x!tpu.dma_semaphore, #tpu.memory_space<semaphore_mem>>
        %dma_start3A_189 = tpu.memref_squeeze %dma_start3A_188 : memref<1x!tpu.dma_semaphore, #tpu.memory_space<semaphore_mem>> -> memref<!tpu.dma_semaphore, #tpu.memory_space<semaphore_mem>>
        tpu.enqueue_indirect_dma source(%dma_start3A_187 : memref<10240x16xf32, #tpu.memory_space<hbm>>) target(%dma_start3A_181 : memref<128x16xf32, #tpu.memory_space<vmem>>) offsets(%dma_start3A_184 : memref<128xi32, #tpu.memory_space<vmem>>) semaphore(%dma_start3A_189 : memref<!tpu.dma_semaphore, #tpu.memory_space<semaphore_mem>>)
      } else {
      }
      %ge3A_40 = arith.constant 1 : i32
      %ge3A_41 = arith.cmpi sge, %add3A_28, %ge3A_40 : i32
      %le3A_42 = arith.cmpi sle, %add3A_28, %add3A_9 : i32
      %and3A_43 = arith.andi %ge3A_41, %le3A_42 : i1
      %convert_element_type3A_44 = arith.extui %and3A_43 : i1 to i32
      %cond3A_45 = arith.constant 0 : i32
      %cond3A_46 = arith.cmpi ne, %convert_element_type3A_44, %cond3A_45 : i32
      scf.if %cond3A_46 {
        %sub3A_177 = arith.constant 1 : i32
        %sub3A_178 = arith.subi %add3A_28, %sub3A_177 : i32
        %dma_wait3A = arith.constant 5 : i32
        %dma_wait3A_179 = arith.constant 5 : i32
        %dma_wait3A_180 = arith.constant 0 : i32
        %dma_wait3A_181 = arith.constant 0 : i32
        %dma_wait3A_182 = tpu.memref_slice %arg8[%dma_wait3A, %dma_wait3A_180, %dma_wait3A_181] : memref<6x128x16xf32, #tpu.memory_space<vmem>> -> memref<1x128x16xf32, #tpu.memory_space<vmem>>
        %dma_wait3A_183 = tpu.memref_squeeze %dma_wait3A_182 : memref<1x128x16xf32, #tpu.memory_space<vmem>> -> memref<128x16xf32, #tpu.memory_space<vmem>>
        %dma_wait3A_184 = arith.constant 0 : i32
        %dma_wait3A_185 = tpu.memref_slice %arg7[%sub3A_178, %dma_wait3A_184] : memref<79x128xi32, #tpu.memory_space<vmem>> -> memref<1x128xi32, #tpu.memory_space<vmem>>
        %dma_wait3A_186 = tpu.memref_squeeze %dma_wait3A_185 : memref<1x128xi32, #tpu.memory_space<vmem>> -> memref<128xi32, #tpu.memory_space<vmem>>
        %dma_wait3A_187 = arith.constant 0 : i32
        %dma_wait3A_188 = arith.constant 0 : i32
        %dma_wait3A_189 = tpu.memref_slice %arg2[%dma_wait3A_187, %dma_wait3A_188] : memref<10240x16xf32, #tpu.memory_space<hbm>> -> memref<10240x16xf32, #tpu.memory_space<hbm>>
        %dma_wait3A_190 = tpu.memref_slice %arg11[%dma_wait3A_179] : memref<6x!tpu.dma_semaphore, #tpu.memory_space<semaphore_mem>> -> memref<1x!tpu.dma_semaphore, #tpu.memory_space<semaphore_mem>>
        %dma_wait3A_191 = tpu.memref_squeeze %dma_wait3A_190 : memref<1x!tpu.dma_semaphore, #tpu.memory_space<semaphore_mem>> -> memref<!tpu.dma_semaphore, #tpu.memory_space<semaphore_mem>>
        tpu.wait_indirect_dma semaphore(%dma_wait3A_191 : memref<!tpu.dma_semaphore, #tpu.memory_space<semaphore_mem>>) src(%dma_wait3A_189 : memref<10240x16xf32, #tpu.memory_space<hbm>>) dst(%dma_wait3A_183 : memref<128x16xf32, #tpu.memory_space<vmem>>)
        %sub3A_192 = arith.constant 1 : i32
        %sub3A_193 = arith.subi %add3A_28, %sub3A_192 : i32
        %dma_start3A = arith.constant 5 : i32
        %dma_start3A_194 = arith.constant 5 : i32
        %dma_start3A_195 = arith.constant 0 : i32
        %dma_start3A_196 = arith.constant 0 : i32
        %dma_start3A_197 = tpu.memref_slice %arg8[%dma_start3A, %dma_start3A_195, %dma_start3A_196] : memref<6x128x16xf32, #tpu.memory_space<vmem>> -> memref<1x128x16xf32, #tpu.memory_space<vmem>>
        %dma_start3A_198 = tpu.memref_squeeze %dma_start3A_197 : memref<1x128x16xf32, #tpu.memory_space<vmem>> -> memref<128x16xf32, #tpu.memory_space<vmem>>
        %dma_start3A_199 = arith.constant 0 : i32
        %dma_start3A_200 = tpu.memref_slice %arg6[%sub3A_193, %dma_start3A_199] : memref<79x128xi32, #tpu.memory_space<vmem>> -> memref<1x128xi32, #tpu.memory_space<vmem>>
        %dma_start3A_201 = tpu.memref_squeeze %dma_start3A_200 : memref<1x128xi32, #tpu.memory_space<vmem>> -> memref<128xi32, #tpu.memory_space<vmem>>
        %dma_start3A_202 = arith.constant 0 : i32
        %dma_start3A_203 = arith.constant 0 : i32
        %dma_start3A_204 = tpu.memref_slice %arg9[%dma_start3A_202, %dma_start3A_203] : memref<10240x16xf32, #tpu.memory_space<vmem_shared>> -> memref<10240x16xf32, #tpu.memory_space<vmem_shared>>
        %dma_start3A_205 = tpu.memref_slice %arg12[%dma_start3A_194] : memref<6x!tpu.dma_semaphore, #tpu.memory_space<semaphore_mem>> -> memref<1x!tpu.dma_semaphore, #tpu.memory_space<semaphore_mem>>
        %dma_start3A_206 = tpu.memref_squeeze %dma_start3A_205 : memref<1x!tpu.dma_semaphore, #tpu.memory_space<semaphore_mem>> -> memref<!tpu.dma_semaphore, #tpu.memory_space<semaphore_mem>>
        tpu.enqueue_indirect_dma source(%dma_start3A_198 : memref<128x16xf32, #tpu.memory_space<vmem>>) target(%dma_start3A_204 : memref<10240x16xf32, #tpu.memory_space<vmem_shared>>) offsets(%dma_start3A_201 : memref<128xi32, #tpu.memory_space<vmem>>) semaphore(%dma_start3A_206 : memref<!tpu.dma_semaphore, #tpu.memory_space<semaphore_mem>>) {add = true}
      } else {
      }
      %mul3A_47 = arith.constant 6 : i32
      %mul3A_48 = arith.muli %scan3A_24, %mul3A_47 : i32
      %add3A_49 = arith.constant 1 : i32
      %add3A_50 = arith.addi %mul3A_48, %add3A_49 : i32
      %ge3A_51 = arith.constant 6 : i32
      %ge3A_52 = arith.cmpi sge, %add3A_50, %ge3A_51 : i32
      %add3A_53 = arith.constant 6 : i32
      %add3A_54 = arith.addi %add3A_9, %add3A_53 : i32
      %sub3A_55 = arith.constant 1 : i32
      %sub3A_56 = arith.subi %add3A_54, %sub3A_55 : i32
      %le3A_57 = arith.cmpi sle, %add3A_50, %sub3A_56 : i32
      %and3A_58 = arith.andi %ge3A_52, %le3A_57 : i1
      %convert_element_type3A_59 = arith.extui %and3A_58 : i1 to i32
      %cond3A_60 = arith.constant 0 : i32
      %cond3A_61 = arith.cmpi ne, %convert_element_type3A_59, %cond3A_60 : i32
      scf.if %cond3A_61 {
        %sub3A_177 = arith.constant 6 : i32
        %sub3A_178 = arith.subi %add3A_50, %sub3A_177 : i32
        %dma_wait3A = arith.constant 1 : i32
        %dma_wait3A_179 = arith.constant 1 : i32
        %dma_wait3A_180 = arith.constant 0 : i32
        %dma_wait3A_181 = arith.constant 0 : i32
        %dma_wait3A_182 = tpu.memref_slice %arg8[%dma_wait3A, %dma_wait3A_180, %dma_wait3A_181] : memref<6x128x16xf32, #tpu.memory_space<vmem>> -> memref<1x128x16xf32, #tpu.memory_space<vmem>>
        %dma_wait3A_183 = tpu.memref_squeeze %dma_wait3A_182 : memref<1x128x16xf32, #tpu.memory_space<vmem>> -> memref<128x16xf32, #tpu.memory_space<vmem>>
        %dma_wait3A_184 = arith.constant 0 : i32
        %dma_wait3A_185 = tpu.memref_slice %arg6[%sub3A_178, %dma_wait3A_184] : memref<79x128xi32, #tpu.memory_space<vmem>> -> memref<1x128xi32, #tpu.memory_space<vmem>>
        %dma_wait3A_186 = tpu.memref_squeeze %dma_wait3A_185 : memref<1x128xi32, #tpu.memory_space<vmem>> -> memref<128xi32, #tpu.memory_space<vmem>>
        %dma_wait3A_187 = arith.constant 0 : i32
        %dma_wait3A_188 = arith.constant 0 : i32
        %dma_wait3A_189 = tpu.memref_slice %arg9[%dma_wait3A_187, %dma_wait3A_188] : memref<10240x16xf32, #tpu.memory_space<vmem_shared>> -> memref<10240x16xf32, #tpu.memory_space<vmem_shared>>
        %dma_wait3A_190 = tpu.memref_slice %arg12[%dma_wait3A_179] : memref<6x!tpu.dma_semaphore, #tpu.memory_space<semaphore_mem>> -> memref<1x!tpu.dma_semaphore, #tpu.memory_space<semaphore_mem>>
        %dma_wait3A_191 = tpu.memref_squeeze %dma_wait3A_190 : memref<1x!tpu.dma_semaphore, #tpu.memory_space<semaphore_mem>> -> memref<!tpu.dma_semaphore, #tpu.memory_space<semaphore_mem>>
        tpu.wait_indirect_dma semaphore(%dma_wait3A_191 : memref<!tpu.dma_semaphore, #tpu.memory_space<semaphore_mem>>) src(%dma_wait3A_183 : memref<128x16xf32, #tpu.memory_space<vmem>>) dst(%dma_wait3A_189 : memref<10240x16xf32, #tpu.memory_space<vmem_shared>>)
      } else {
      }
      %lt3A_62 = arith.cmpi slt, %add3A_50, %add3A_9 : i32
      %convert_element_type3A_63 = arith.extui %lt3A_62 : i1 to i32
      %cond3A_64 = arith.constant 0 : i32
      %cond3A_65 = arith.cmpi ne, %convert_element_type3A_63, %cond3A_64 : i32
      scf.if %cond3A_65 {
        %dma_start3A = arith.constant 1 : i32
        %dma_start3A_177 = arith.constant 1 : i32
        %dma_start3A_178 = arith.constant 0 : i32
        %dma_start3A_179 = arith.constant 0 : i32
        %dma_start3A_180 = tpu.memref_slice %arg8[%dma_start3A, %dma_start3A_178, %dma_start3A_179] : memref<6x128x16xf32, #tpu.memory_space<vmem>> -> memref<1x128x16xf32, #tpu.memory_space<vmem>>
        %dma_start3A_181 = tpu.memref_squeeze %dma_start3A_180 : memref<1x128x16xf32, #tpu.memory_space<vmem>> -> memref<128x16xf32, #tpu.memory_space<vmem>>
        %dma_start3A_182 = arith.constant 0 : i32
        %dma_start3A_183 = tpu.memref_slice %arg7[%add3A_50, %dma_start3A_182] : memref<79x128xi32, #tpu.memory_space<vmem>> -> memref<1x128xi32, #tpu.memory_space<vmem>>
        %dma_start3A_184 = tpu.memref_squeeze %dma_start3A_183 : memref<1x128xi32, #tpu.memory_space<vmem>> -> memref<128xi32, #tpu.memory_space<vmem>>
        %dma_start3A_185 = arith.constant 0 : i32
        %dma_start3A_186 = arith.constant 0 : i32
        %dma_start3A_187 = tpu.memref_slice %arg2[%dma_start3A_185, %dma_start3A_186] : memref<10240x16xf32, #tpu.memory_space<hbm>> -> memref<10240x16xf32, #tpu.memory_space<hbm>>
        %dma_start3A_188 = tpu.memref_slice %arg11[%dma_start3A_177] : memref<6x!tpu.dma_semaphore, #tpu.memory_space<semaphore_mem>> -> memref<1x!tpu.dma_semaphore, #tpu.memory_space<semaphore_mem>>
        %dma_start3A_189 = tpu.memref_squeeze %dma_start3A_188 : memref<1x!tpu.dma_semaphore, #tpu.memory_space<semaphore_mem>> -> memref<!tpu.dma_semaphore, #tpu.memory_space<semaphore_mem>>
        tpu.enqueue_indirect_dma source(%dma_start3A_187 : memref<10240x16xf32, #tpu.memory_space<hbm>>) target(%dma_start3A_181 : memref<128x16xf32, #tpu.memory_space<vmem>>) offsets(%dma_start3A_184 : memref<128xi32, #tpu.memory_space<vmem>>) semaphore(%dma_start3A_189 : memref<!tpu.dma_semaphore, #tpu.memory_space<semaphore_mem>>)
      } else {
      }
      %ge3A_66 = arith.constant 1 : i32
      %ge3A_67 = arith.cmpi sge, %add3A_50, %ge3A_66 : i32
      %le3A_68 = arith.cmpi sle, %add3A_50, %add3A_9 : i32
      %and3A_69 = arith.andi %ge3A_67, %le3A_68 : i1
      %convert_element_type3A_70 = arith.extui %and3A_69 : i1 to i32
      %cond3A_71 = arith.constant 0 : i32
      %cond3A_72 = arith.cmpi ne, %convert_element_type3A_70, %cond3A_71 : i32
      scf.if %cond3A_72 {
        %sub3A_177 = arith.constant 1 : i32
        %sub3A_178 = arith.subi %add3A_50, %sub3A_177 : i32
        %dma_wait3A = arith.constant 0 : i32
        %dma_wait3A_179 = arith.constant 0 : i32
        %dma_wait3A_180 = arith.constant 0 : i32
        %dma_wait3A_181 = arith.constant 0 : i32
        %dma_wait3A_182 = tpu.memref_slice %arg8[%dma_wait3A, %dma_wait3A_180, %dma_wait3A_181] : memref<6x128x16xf32, #tpu.memory_space<vmem>> -> memref<1x128x16xf32, #tpu.memory_space<vmem>>
        %dma_wait3A_183 = tpu.memref_squeeze %dma_wait3A_182 : memref<1x128x16xf32, #tpu.memory_space<vmem>> -> memref<128x16xf32, #tpu.memory_space<vmem>>
        %dma_wait3A_184 = arith.constant 0 : i32
        %dma_wait3A_185 = tpu.memref_slice %arg7[%sub3A_178, %dma_wait3A_184] : memref<79x128xi32, #tpu.memory_space<vmem>> -> memref<1x128xi32, #tpu.memory_space<vmem>>
        %dma_wait3A_186 = tpu.memref_squeeze %dma_wait3A_185 : memref<1x128xi32, #tpu.memory_space<vmem>> -> memref<128xi32, #tpu.memory_space<vmem>>
        %dma_wait3A_187 = arith.constant 0 : i32
        %dma_wait3A_188 = arith.constant 0 : i32
        %dma_wait3A_189 = tpu.memref_slice %arg2[%dma_wait3A_187, %dma_wait3A_188] : memref<10240x16xf32, #tpu.memory_space<hbm>> -> memref<10240x16xf32, #tpu.memory_space<hbm>>
        %dma_wait3A_190 = tpu.memref_slice %arg11[%dma_wait3A_179] : memref<6x!tpu.dma_semaphore, #tpu.memory_space<semaphore_mem>> -> memref<1x!tpu.dma_semaphore, #tpu.memory_space<semaphore_mem>>
        %dma_wait3A_191 = tpu.memref_squeeze %dma_wait3A_190 : memref<1x!tpu.dma_semaphore, #tpu.memory_space<semaphore_mem>> -> memref<!tpu.dma_semaphore, #tpu.memory_space<semaphore_mem>>
        tpu.wait_indirect_dma semaphore(%dma_wait3A_191 : memref<!tpu.dma_semaphore, #tpu.memory_space<semaphore_mem>>) src(%dma_wait3A_189 : memref<10240x16xf32, #tpu.memory_space<hbm>>) dst(%dma_wait3A_183 : memref<128x16xf32, #tpu.memory_space<vmem>>)
        %sub3A_192 = arith.constant 1 : i32
        %sub3A_193 = arith.subi %add3A_50, %sub3A_192 : i32
        %dma_start3A = arith.constant 0 : i32
        %dma_start3A_194 = arith.constant 0 : i32
        %dma_start3A_195 = arith.constant 0 : i32
        %dma_start3A_196 = arith.constant 0 : i32
        %dma_start3A_197 = tpu.memref_slice %arg8[%dma_start3A, %dma_start3A_195, %dma_start3A_196] : memref<6x128x16xf32, #tpu.memory_space<vmem>> -> memref<1x128x16xf32, #tpu.memory_space<vmem>>
        %dma_start3A_198 = tpu.memref_squeeze %dma_start3A_197 : memref<1x128x16xf32, #tpu.memory_space<vmem>> -> memref<128x16xf32, #tpu.memory_space<vmem>>
        %dma_start3A_199 = arith.constant 0 : i32
        %dma_start3A_200 = tpu.memref_slice %arg6[%sub3A_193, %dma_start3A_199] : memref<79x128xi32, #tpu.memory_space<vmem>> -> memref<1x128xi32, #tpu.memory_space<vmem>>
        %dma_start3A_201 = tpu.memref_squeeze %dma_start3A_200 : memref<1x128xi32, #tpu.memory_space<vmem>> -> memref<128xi32, #tpu.memory_space<vmem>>
        %dma_start3A_202 = arith.constant 0 : i32
        %dma_start3A_203 = arith.constant 0 : i32
        %dma_start3A_204 = tpu.memref_slice %arg9[%dma_start3A_202, %dma_start3A_203] : memref<10240x16xf32, #tpu.memory_space<vmem_shared>> -> memref<10240x16xf32, #tpu.memory_space<vmem_shared>>
        %dma_start3A_205 = tpu.memref_slice %arg12[%dma_start3A_194] : memref<6x!tpu.dma_semaphore, #tpu.memory_space<semaphore_mem>> -> memref<1x!tpu.dma_semaphore, #tpu.memory_space<semaphore_mem>>
        %dma_start3A_206 = tpu.memref_squeeze %dma_start3A_205 : memref<1x!tpu.dma_semaphore, #tpu.memory_space<semaphore_mem>> -> memref<!tpu.dma_semaphore, #tpu.memory_space<semaphore_mem>>
        tpu.enqueue_indirect_dma source(%dma_start3A_198 : memref<128x16xf32, #tpu.memory_space<vmem>>) target(%dma_start3A_204 : memref<10240x16xf32, #tpu.memory_space<vmem_shared>>) offsets(%dma_start3A_201 : memref<128xi32, #tpu.memory_space<vmem>>) semaphore(%dma_start3A_206 : memref<!tpu.dma_semaphore, #tpu.memory_space<semaphore_mem>>) {add = true}
      } else {
      }
      %mul3A_73 = arith.constant 6 : i32
      %mul3A_74 = arith.muli %scan3A_24, %mul3A_73 : i32
      %add3A_75 = arith.constant 2 : i32
      %add3A_76 = arith.addi %mul3A_74, %add3A_75 : i32
      %ge3A_77 = arith.constant 6 : i32
      %ge3A_78 = arith.cmpi sge, %add3A_76, %ge3A_77 : i32
      %add3A_79 = arith.constant 6 : i32
      %add3A_80 = arith.addi %add3A_9, %add3A_79 : i32
      %sub3A_81 = arith.constant 1 : i32
      %sub3A_82 = arith.subi %add3A_80, %sub3A_81 : i32
      %le3A_83 = arith.cmpi sle, %add3A_76, %sub3A_82 : i32
      %and3A_84 = arith.andi %ge3A_78, %le3A_83 : i1
      %convert_element_type3A_85 = arith.extui %and3A_84 : i1 to i32
      %cond3A_86 = arith.constant 0 : i32
      %cond3A_87 = arith.cmpi ne, %convert_element_type3A_85, %cond3A_86 : i32
      scf.if %cond3A_87 {
        %sub3A_177 = arith.constant 6 : i32
        %sub3A_178 = arith.subi %add3A_76, %sub3A_177 : i32
        %dma_wait3A = arith.constant 2 : i32
        %dma_wait3A_179 = arith.constant 2 : i32
        %dma_wait3A_180 = arith.constant 0 : i32
        %dma_wait3A_181 = arith.constant 0 : i32
        %dma_wait3A_182 = tpu.memref_slice %arg8[%dma_wait3A, %dma_wait3A_180, %dma_wait3A_181] : memref<6x128x16xf32, #tpu.memory_space<vmem>> -> memref<1x128x16xf32, #tpu.memory_space<vmem>>
        %dma_wait3A_183 = tpu.memref_squeeze %dma_wait3A_182 : memref<1x128x16xf32, #tpu.memory_space<vmem>> -> memref<128x16xf32, #tpu.memory_space<vmem>>
        %dma_wait3A_184 = arith.constant 0 : i32
        %dma_wait3A_185 = tpu.memref_slice %arg6[%sub3A_178, %dma_wait3A_184] : memref<79x128xi32, #tpu.memory_space<vmem>> -> memref<1x128xi32, #tpu.memory_space<vmem>>
        %dma_wait3A_186 = tpu.memref_squeeze %dma_wait3A_185 : memref<1x128xi32, #tpu.memory_space<vmem>> -> memref<128xi32, #tpu.memory_space<vmem>>
        %dma_wait3A_187 = arith.constant 0 : i32
        %dma_wait3A_188 = arith.constant 0 : i32
        %dma_wait3A_189 = tpu.memref_slice %arg9[%dma_wait3A_187, %dma_wait3A_188] : memref<10240x16xf32, #tpu.memory_space<vmem_shared>> -> memref<10240x16xf32, #tpu.memory_space<vmem_shared>>
        %dma_wait3A_190 = tpu.memref_slice %arg12[%dma_wait3A_179] : memref<6x!tpu.dma_semaphore, #tpu.memory_space<semaphore_mem>> -> memref<1x!tpu.dma_semaphore, #tpu.memory_space<semaphore_mem>>
        %dma_wait3A_191 = tpu.memref_squeeze %dma_wait3A_190 : memref<1x!tpu.dma_semaphore, #tpu.memory_space<semaphore_mem>> -> memref<!tpu.dma_semaphore, #tpu.memory_space<semaphore_mem>>
        tpu.wait_indirect_dma semaphore(%dma_wait3A_191 : memref<!tpu.dma_semaphore, #tpu.memory_space<semaphore_mem>>) src(%dma_wait3A_183 : memref<128x16xf32, #tpu.memory_space<vmem>>) dst(%dma_wait3A_189 : memref<10240x16xf32, #tpu.memory_space<vmem_shared>>)
      } else {
      }
      %lt3A_88 = arith.cmpi slt, %add3A_76, %add3A_9 : i32
      %convert_element_type3A_89 = arith.extui %lt3A_88 : i1 to i32
      %cond3A_90 = arith.constant 0 : i32
      %cond3A_91 = arith.cmpi ne, %convert_element_type3A_89, %cond3A_90 : i32
      scf.if %cond3A_91 {
        %dma_start3A = arith.constant 2 : i32
        %dma_start3A_177 = arith.constant 2 : i32
        %dma_start3A_178 = arith.constant 0 : i32
        %dma_start3A_179 = arith.constant 0 : i32
        %dma_start3A_180 = tpu.memref_slice %arg8[%dma_start3A, %dma_start3A_178, %dma_start3A_179] : memref<6x128x16xf32, #tpu.memory_space<vmem>> -> memref<1x128x16xf32, #tpu.memory_space<vmem>>
        %dma_start3A_181 = tpu.memref_squeeze %dma_start3A_180 : memref<1x128x16xf32, #tpu.memory_space<vmem>> -> memref<128x16xf32, #tpu.memory_space<vmem>>
        %dma_start3A_182 = arith.constant 0 : i32
        %dma_start3A_183 = tpu.memref_slice %arg7[%add3A_76, %dma_start3A_182] : memref<79x128xi32, #tpu.memory_space<vmem>> -> memref<1x128xi32, #tpu.memory_space<vmem>>
        %dma_start3A_184 = tpu.memref_squeeze %dma_start3A_183 : memref<1x128xi32, #tpu.memory_space<vmem>> -> memref<128xi32, #tpu.memory_space<vmem>>
        %dma_start3A_185 = arith.constant 0 : i32
        %dma_start3A_186 = arith.constant 0 : i32
        %dma_start3A_187 = tpu.memref_slice %arg2[%dma_start3A_185, %dma_start3A_186] : memref<10240x16xf32, #tpu.memory_space<hbm>> -> memref<10240x16xf32, #tpu.memory_space<hbm>>
        %dma_start3A_188 = tpu.memref_slice %arg11[%dma_start3A_177] : memref<6x!tpu.dma_semaphore, #tpu.memory_space<semaphore_mem>> -> memref<1x!tpu.dma_semaphore, #tpu.memory_space<semaphore_mem>>
        %dma_start3A_189 = tpu.memref_squeeze %dma_start3A_188 : memref<1x!tpu.dma_semaphore, #tpu.memory_space<semaphore_mem>> -> memref<!tpu.dma_semaphore, #tpu.memory_space<semaphore_mem>>
        tpu.enqueue_indirect_dma source(%dma_start3A_187 : memref<10240x16xf32, #tpu.memory_space<hbm>>) target(%dma_start3A_181 : memref<128x16xf32, #tpu.memory_space<vmem>>) offsets(%dma_start3A_184 : memref<128xi32, #tpu.memory_space<vmem>>) semaphore(%dma_start3A_189 : memref<!tpu.dma_semaphore, #tpu.memory_space<semaphore_mem>>)
      } else {
      }
      %ge3A_92 = arith.constant 1 : i32
      %ge3A_93 = arith.cmpi sge, %add3A_76, %ge3A_92 : i32
      %le3A_94 = arith.cmpi sle, %add3A_76, %add3A_9 : i32
      %and3A_95 = arith.andi %ge3A_93, %le3A_94 : i1
      %convert_element_type3A_96 = arith.extui %and3A_95 : i1 to i32
      %cond3A_97 = arith.constant 0 : i32
      %cond3A_98 = arith.cmpi ne, %convert_element_type3A_96, %cond3A_97 : i32
      scf.if %cond3A_98 {
        %sub3A_177 = arith.constant 1 : i32
        %sub3A_178 = arith.subi %add3A_76, %sub3A_177 : i32
        %dma_wait3A = arith.constant 1 : i32
        %dma_wait3A_179 = arith.constant 1 : i32
        %dma_wait3A_180 = arith.constant 0 : i32
        %dma_wait3A_181 = arith.constant 0 : i32
        %dma_wait3A_182 = tpu.memref_slice %arg8[%dma_wait3A, %dma_wait3A_180, %dma_wait3A_181] : memref<6x128x16xf32, #tpu.memory_space<vmem>> -> memref<1x128x16xf32, #tpu.memory_space<vmem>>
        %dma_wait3A_183 = tpu.memref_squeeze %dma_wait3A_182 : memref<1x128x16xf32, #tpu.memory_space<vmem>> -> memref<128x16xf32, #tpu.memory_space<vmem>>
        %dma_wait3A_184 = arith.constant 0 : i32
        %dma_wait3A_185 = tpu.memref_slice %arg7[%sub3A_178, %dma_wait3A_184] : memref<79x128xi32, #tpu.memory_space<vmem>> -> memref<1x128xi32, #tpu.memory_space<vmem>>
        %dma_wait3A_186 = tpu.memref_squeeze %dma_wait3A_185 : memref<1x128xi32, #tpu.memory_space<vmem>> -> memref<128xi32, #tpu.memory_space<vmem>>
        %dma_wait3A_187 = arith.constant 0 : i32
        %dma_wait3A_188 = arith.constant 0 : i32
        %dma_wait3A_189 = tpu.memref_slice %arg2[%dma_wait3A_187, %dma_wait3A_188] : memref<10240x16xf32, #tpu.memory_space<hbm>> -> memref<10240x16xf32, #tpu.memory_space<hbm>>
        %dma_wait3A_190 = tpu.memref_slice %arg11[%dma_wait3A_179] : memref<6x!tpu.dma_semaphore, #tpu.memory_space<semaphore_mem>> -> memref<1x!tpu.dma_semaphore, #tpu.memory_space<semaphore_mem>>
        %dma_wait3A_191 = tpu.memref_squeeze %dma_wait3A_190 : memref<1x!tpu.dma_semaphore, #tpu.memory_space<semaphore_mem>> -> memref<!tpu.dma_semaphore, #tpu.memory_space<semaphore_mem>>
        tpu.wait_indirect_dma semaphore(%dma_wait3A_191 : memref<!tpu.dma_semaphore, #tpu.memory_space<semaphore_mem>>) src(%dma_wait3A_189 : memref<10240x16xf32, #tpu.memory_space<hbm>>) dst(%dma_wait3A_183 : memref<128x16xf32, #tpu.memory_space<vmem>>)
        %sub3A_192 = arith.constant 1 : i32
        %sub3A_193 = arith.subi %add3A_76, %sub3A_192 : i32
        %dma_start3A = arith.constant 1 : i32
        %dma_start3A_194 = arith.constant 1 : i32
        %dma_start3A_195 = arith.constant 0 : i32
        %dma_start3A_196 = arith.constant 0 : i32
        %dma_start3A_197 = tpu.memref_slice %arg8[%dma_start3A, %dma_start3A_195, %dma_start3A_196] : memref<6x128x16xf32, #tpu.memory_space<vmem>> -> memref<1x128x16xf32, #tpu.memory_space<vmem>>
        %dma_start3A_198 = tpu.memref_squeeze %dma_start3A_197 : memref<1x128x16xf32, #tpu.memory_space<vmem>> -> memref<128x16xf32, #tpu.memory_space<vmem>>
        %dma_start3A_199 = arith.constant 0 : i32
        %dma_start3A_200 = tpu.memref_slice %arg6[%sub3A_193, %dma_start3A_199] : memref<79x128xi32, #tpu.memory_space<vmem>> -> memref<1x128xi32, #tpu.memory_space<vmem>>
        %dma_start3A_201 = tpu.memref_squeeze %dma_start3A_200 : memref<1x128xi32, #tpu.memory_space<vmem>> -> memref<128xi32, #tpu.memory_space<vmem>>
        %dma_start3A_202 = arith.constant 0 : i32
        %dma_start3A_203 = arith.constant 0 : i32
        %dma_start3A_204 = tpu.memref_slice %arg9[%dma_start3A_202, %dma_start3A_203] : memref<10240x16xf32, #tpu.memory_space<vmem_shared>> -> memref<10240x16xf32, #tpu.memory_space<vmem_shared>>
        %dma_start3A_205 = tpu.memref_slice %arg12[%dma_start3A_194] : memref<6x!tpu.dma_semaphore, #tpu.memory_space<semaphore_mem>> -> memref<1x!tpu.dma_semaphore, #tpu.memory_space<semaphore_mem>>
        %dma_start3A_206 = tpu.memref_squeeze %dma_start3A_205 : memref<1x!tpu.dma_semaphore, #tpu.memory_space<semaphore_mem>> -> memref<!tpu.dma_semaphore, #tpu.memory_space<semaphore_mem>>
        tpu.enqueue_indirect_dma source(%dma_start3A_198 : memref<128x16xf32, #tpu.memory_space<vmem>>) target(%dma_start3A_204 : memref<10240x16xf32, #tpu.memory_space<vmem_shared>>) offsets(%dma_start3A_201 : memref<128xi32, #tpu.memory_space<vmem>>) semaphore(%dma_start3A_206 : memref<!tpu.dma_semaphore, #tpu.memory_space<semaphore_mem>>) {add = true}
      } else {
      }
      %mul3A_99 = arith.constant 6 : i32
      %mul3A_100 = arith.muli %scan3A_24, %mul3A_99 : i32
      %add3A_101 = arith.constant 3 : i32
      %add3A_102 = arith.addi %mul3A_100, %add3A_101 : i32
      %ge3A_103 = arith.constant 6 : i32
      %ge3A_104 = arith.cmpi sge, %add3A_102, %ge3A_103 : i32
      %add3A_105 = arith.constant 6 : i32
      %add3A_106 = arith.addi %add3A_9, %add3A_105 : i32
      %sub3A_107 = arith.constant 1 : i32
      %sub3A_108 = arith.subi %add3A_106, %sub3A_107 : i32
      %le3A_109 = arith.cmpi sle, %add3A_102, %sub3A_108 : i32
      %and3A_110 = arith.andi %ge3A_104, %le3A_109 : i1
      %convert_element_type3A_111 = arith.extui %and3A_110 : i1 to i32
      %cond3A_112 = arith.constant 0 : i32
      %cond3A_113 = arith.cmpi ne, %convert_element_type3A_111, %cond3A_112 : i32
      scf.if %cond3A_113 {
        %sub3A_177 = arith.constant 6 : i32
        %sub3A_178 = arith.subi %add3A_102, %sub3A_177 : i32
        %dma_wait3A = arith.constant 3 : i32
        %dma_wait3A_179 = arith.constant 3 : i32
        %dma_wait3A_180 = arith.constant 0 : i32
        %dma_wait3A_181 = arith.constant 0 : i32
        %dma_wait3A_182 = tpu.memref_slice %arg8[%dma_wait3A, %dma_wait3A_180, %dma_wait3A_181] : memref<6x128x16xf32, #tpu.memory_space<vmem>> -> memref<1x128x16xf32, #tpu.memory_space<vmem>>
        %dma_wait3A_183 = tpu.memref_squeeze %dma_wait3A_182 : memref<1x128x16xf32, #tpu.memory_space<vmem>> -> memref<128x16xf32, #tpu.memory_space<vmem>>
        %dma_wait3A_184 = arith.constant 0 : i32
        %dma_wait3A_185 = tpu.memref_slice %arg6[%sub3A_178, %dma_wait3A_184] : memref<79x128xi32, #tpu.memory_space<vmem>> -> memref<1x128xi32, #tpu.memory_space<vmem>>
        %dma_wait3A_186 = tpu.memref_squeeze %dma_wait3A_185 : memref<1x128xi32, #tpu.memory_space<vmem>> -> memref<128xi32, #tpu.memory_space<vmem>>
        %dma_wait3A_187 = arith.constant 0 : i32
        %dma_wait3A_188 = arith.constant 0 : i32
        %dma_wait3A_189 = tpu.memref_slice %arg9[%dma_wait3A_187, %dma_wait3A_188] : memref<10240x16xf32, #tpu.memory_space<vmem_shared>> -> memref<10240x16xf32, #tpu.memory_space<vmem_shared>>
        %dma_wait3A_190 = tpu.memref_slice %arg12[%dma_wait3A_179] : memref<6x!tpu.dma_semaphore, #tpu.memory_space<semaphore_mem>> -> memref<1x!tpu.dma_semaphore, #tpu.memory_space<semaphore_mem>>
        %dma_wait3A_191 = tpu.memref_squeeze %dma_wait3A_190 : memref<1x!tpu.dma_semaphore, #tpu.memory_space<semaphore_mem>> -> memref<!tpu.dma_semaphore, #tpu.memory_space<semaphore_mem>>
        tpu.wait_indirect_dma semaphore(%dma_wait3A_191 : memref<!tpu.dma_semaphore, #tpu.memory_space<semaphore_mem>>) src(%dma_wait3A_183 : memref<128x16xf32, #tpu.memory_space<vmem>>) dst(%dma_wait3A_189 : memref<10240x16xf32, #tpu.memory_space<vmem_shared>>)
      } else {
      }
      %lt3A_114 = arith.cmpi slt, %add3A_102, %add3A_9 : i32
      %convert_element_type3A_115 = arith.extui %lt3A_114 : i1 to i32
      %cond3A_116 = arith.constant 0 : i32
      %cond3A_117 = arith.cmpi ne, %convert_element_type3A_115, %cond3A_116 : i32
      scf.if %cond3A_117 {
        %dma_start3A = arith.constant 3 : i32
        %dma_start3A_177 = arith.constant 3 : i32
        %dma_start3A_178 = arith.constant 0 : i32
        %dma_start3A_179 = arith.constant 0 : i32
        %dma_start3A_180 = tpu.memref_slice %arg8[%dma_start3A, %dma_start3A_178, %dma_start3A_179] : memref<6x128x16xf32, #tpu.memory_space<vmem>> -> memref<1x128x16xf32, #tpu.memory_space<vmem>>
        %dma_start3A_181 = tpu.memref_squeeze %dma_start3A_180 : memref<1x128x16xf32, #tpu.memory_space<vmem>> -> memref<128x16xf32, #tpu.memory_space<vmem>>
        %dma_start3A_182 = arith.constant 0 : i32
        %dma_start3A_183 = tpu.memref_slice %arg7[%add3A_102, %dma_start3A_182] : memref<79x128xi32, #tpu.memory_space<vmem>> -> memref<1x128xi32, #tpu.memory_space<vmem>>
        %dma_start3A_184 = tpu.memref_squeeze %dma_start3A_183 : memref<1x128xi32, #tpu.memory_space<vmem>> -> memref<128xi32, #tpu.memory_space<vmem>>
        %dma_start3A_185 = arith.constant 0 : i32
        %dma_start3A_186 = arith.constant 0 : i32
        %dma_start3A_187 = tpu.memref_slice %arg2[%dma_start3A_185, %dma_start3A_186] : memref<10240x16xf32, #tpu.memory_space<hbm>> -> memref<10240x16xf32, #tpu.memory_space<hbm>>
        %dma_start3A_188 = tpu.memref_slice %arg11[%dma_start3A_177] : memref<6x!tpu.dma_semaphore, #tpu.memory_space<semaphore_mem>> -> memref<1x!tpu.dma_semaphore, #tpu.memory_space<semaphore_mem>>
        %dma_start3A_189 = tpu.memref_squeeze %dma_start3A_188 : memref<1x!tpu.dma_semaphore, #tpu.memory_space<semaphore_mem>> -> memref<!tpu.dma_semaphore, #tpu.memory_space<semaphore_mem>>
        tpu.enqueue_indirect_dma source(%dma_start3A_187 : memref<10240x16xf32, #tpu.memory_space<hbm>>) target(%dma_start3A_181 : memref<128x16xf32, #tpu.memory_space<vmem>>) offsets(%dma_start3A_184 : memref<128xi32, #tpu.memory_space<vmem>>) semaphore(%dma_start3A_189 : memref<!tpu.dma_semaphore, #tpu.memory_space<semaphore_mem>>)
      } else {
      }
      %ge3A_118 = arith.constant 1 : i32
      %ge3A_119 = arith.cmpi sge, %add3A_102, %ge3A_118 : i32
      %le3A_120 = arith.cmpi sle, %add3A_102, %add3A_9 : i32
      %and3A_121 = arith.andi %ge3A_119, %le3A_120 : i1
      %convert_element_type3A_122 = arith.extui %and3A_121 : i1 to i32
      %cond3A_123 = arith.constant 0 : i32
      %cond3A_124 = arith.cmpi ne, %convert_element_type3A_122, %cond3A_123 : i32
      scf.if %cond3A_124 {
        %sub3A_177 = arith.constant 1 : i32
        %sub3A_178 = arith.subi %add3A_102, %sub3A_177 : i32
        %dma_wait3A = arith.constant 2 : i32
        %dma_wait3A_179 = arith.constant 2 : i32
        %dma_wait3A_180 = arith.constant 0 : i32
        %dma_wait3A_181 = arith.constant 0 : i32
        %dma_wait3A_182 = tpu.memref_slice %arg8[%dma_wait3A, %dma_wait3A_180, %dma_wait3A_181] : memref<6x128x16xf32, #tpu.memory_space<vmem>> -> memref<1x128x16xf32, #tpu.memory_space<vmem>>
        %dma_wait3A_183 = tpu.memref_squeeze %dma_wait3A_182 : memref<1x128x16xf32, #tpu.memory_space<vmem>> -> memref<128x16xf32, #tpu.memory_space<vmem>>
        %dma_wait3A_184 = arith.constant 0 : i32
        %dma_wait3A_185 = tpu.memref_slice %arg7[%sub3A_178, %dma_wait3A_184] : memref<79x128xi32, #tpu.memory_space<vmem>> -> memref<1x128xi32, #tpu.memory_space<vmem>>
        %dma_wait3A_186 = tpu.memref_squeeze %dma_wait3A_185 : memref<1x128xi32, #tpu.memory_space<vmem>> -> memref<128xi32, #tpu.memory_space<vmem>>
        %dma_wait3A_187 = arith.constant 0 : i32
        %dma_wait3A_188 = arith.constant 0 : i32
        %dma_wait3A_189 = tpu.memref_slice %arg2[%dma_wait3A_187, %dma_wait3A_188] : memref<10240x16xf32, #tpu.memory_space<hbm>> -> memref<10240x16xf32, #tpu.memory_space<hbm>>
        %dma_wait3A_190 = tpu.memref_slice %arg11[%dma_wait3A_179] : memref<6x!tpu.dma_semaphore, #tpu.memory_space<semaphore_mem>> -> memref<1x!tpu.dma_semaphore, #tpu.memory_space<semaphore_mem>>
        %dma_wait3A_191 = tpu.memref_squeeze %dma_wait3A_190 : memref<1x!tpu.dma_semaphore, #tpu.memory_space<semaphore_mem>> -> memref<!tpu.dma_semaphore, #tpu.memory_space<semaphore_mem>>
        tpu.wait_indirect_dma semaphore(%dma_wait3A_191 : memref<!tpu.dma_semaphore, #tpu.memory_space<semaphore_mem>>) src(%dma_wait3A_189 : memref<10240x16xf32, #tpu.memory_space<hbm>>) dst(%dma_wait3A_183 : memref<128x16xf32, #tpu.memory_space<vmem>>)
        %sub3A_192 = arith.constant 1 : i32
        %sub3A_193 = arith.subi %add3A_102, %sub3A_192 : i32
        %dma_start3A = arith.constant 2 : i32
        %dma_start3A_194 = arith.constant 2 : i32
        %dma_start3A_195 = arith.constant 0 : i32
        %dma_start3A_196 = arith.constant 0 : i32
        %dma_start3A_197 = tpu.memref_slice %arg8[%dma_start3A, %dma_start3A_195, %dma_start3A_196] : memref<6x128x16xf32, #tpu.memory_space<vmem>> -> memref<1x128x16xf32, #tpu.memory_space<vmem>>
        %dma_start3A_198 = tpu.memref_squeeze %dma_start3A_197 : memref<1x128x16xf32, #tpu.memory_space<vmem>> -> memref<128x16xf32, #tpu.memory_space<vmem>>
        %dma_start3A_199 = arith.constant 0 : i32
        %dma_start3A_200 = tpu.memref_slice %arg6[%sub3A_193, %dma_start3A_199] : memref<79x128xi32, #tpu.memory_space<vmem>> -> memref<1x128xi32, #tpu.memory_space<vmem>>
        %dma_start3A_201 = tpu.memref_squeeze %dma_start3A_200 : memref<1x128xi32, #tpu.memory_space<vmem>> -> memref<128xi32, #tpu.memory_space<vmem>>
        %dma_start3A_202 = arith.constant 0 : i32
        %dma_start3A_203 = arith.constant 0 : i32
        %dma_start3A_204 = tpu.memref_slice %arg9[%dma_start3A_202, %dma_start3A_203] : memref<10240x16xf32, #tpu.memory_space<vmem_shared>> -> memref<10240x16xf32, #tpu.memory_space<vmem_shared>>
        %dma_start3A_205 = tpu.memref_slice %arg12[%dma_start3A_194] : memref<6x!tpu.dma_semaphore, #tpu.memory_space<semaphore_mem>> -> memref<1x!tpu.dma_semaphore, #tpu.memory_space<semaphore_mem>>
        %dma_start3A_206 = tpu.memref_squeeze %dma_start3A_205 : memref<1x!tpu.dma_semaphore, #tpu.memory_space<semaphore_mem>> -> memref<!tpu.dma_semaphore, #tpu.memory_space<semaphore_mem>>
        tpu.enqueue_indirect_dma source(%dma_start3A_198 : memref<128x16xf32, #tpu.memory_space<vmem>>) target(%dma_start3A_204 : memref<10240x16xf32, #tpu.memory_space<vmem_shared>>) offsets(%dma_start3A_201 : memref<128xi32, #tpu.memory_space<vmem>>) semaphore(%dma_start3A_206 : memref<!tpu.dma_semaphore, #tpu.memory_space<semaphore_mem>>) {add = true}
      } else {
      }
      %mul3A_125 = arith.constant 6 : i32
      %mul3A_126 = arith.muli %scan3A_24, %mul3A_125 : i32
      %add3A_127 = arith.constant 4 : i32
      %add3A_128 = arith.addi %mul3A_126, %add3A_127 : i32
      %ge3A_129 = arith.constant 6 : i32
      %ge3A_130 = arith.cmpi sge, %add3A_128, %ge3A_129 : i32
      %add3A_131 = arith.constant 6 : i32
      %add3A_132 = arith.addi %add3A_9, %add3A_131 : i32
      %sub3A_133 = arith.constant 1 : i32
      %sub3A_134 = arith.subi %add3A_132, %sub3A_133 : i32
      %le3A_135 = arith.cmpi sle, %add3A_128, %sub3A_134 : i32
      %and3A_136 = arith.andi %ge3A_130, %le3A_135 : i1
      %convert_element_type3A_137 = arith.extui %and3A_136 : i1 to i32
      %cond3A_138 = arith.constant 0 : i32
      %cond3A_139 = arith.cmpi ne, %convert_element_type3A_137, %cond3A_138 : i32
      scf.if %cond3A_139 {
        %sub3A_177 = arith.constant 6 : i32
        %sub3A_178 = arith.subi %add3A_128, %sub3A_177 : i32
        %dma_wait3A = arith.constant 4 : i32
        %dma_wait3A_179 = arith.constant 4 : i32
        %dma_wait3A_180 = arith.constant 0 : i32
        %dma_wait3A_181 = arith.constant 0 : i32
        %dma_wait3A_182 = tpu.memref_slice %arg8[%dma_wait3A, %dma_wait3A_180, %dma_wait3A_181] : memref<6x128x16xf32, #tpu.memory_space<vmem>> -> memref<1x128x16xf32, #tpu.memory_space<vmem>>
        %dma_wait3A_183 = tpu.memref_squeeze %dma_wait3A_182 : memref<1x128x16xf32, #tpu.memory_space<vmem>> -> memref<128x16xf32, #tpu.memory_space<vmem>>
        %dma_wait3A_184 = arith.constant 0 : i32
        %dma_wait3A_185 = tpu.memref_slice %arg6[%sub3A_178, %dma_wait3A_184] : memref<79x128xi32, #tpu.memory_space<vmem>> -> memref<1x128xi32, #tpu.memory_space<vmem>>
        %dma_wait3A_186 = tpu.memref_squeeze %dma_wait3A_185 : memref<1x128xi32, #tpu.memory_space<vmem>> -> memref<128xi32, #tpu.memory_space<vmem>>
        %dma_wait3A_187 = arith.constant 0 : i32
        %dma_wait3A_188 = arith.constant 0 : i32
        %dma_wait3A_189 = tpu.memref_slice %arg9[%dma_wait3A_187, %dma_wait3A_188] : memref<10240x16xf32, #tpu.memory_space<vmem_shared>> -> memref<10240x16xf32, #tpu.memory_space<vmem_shared>>
        %dma_wait3A_190 = tpu.memref_slice %arg12[%dma_wait3A_179] : memref<6x!tpu.dma_semaphore, #tpu.memory_space<semaphore_mem>> -> memref<1x!tpu.dma_semaphore, #tpu.memory_space<semaphore_mem>>
        %dma_wait3A_191 = tpu.memref_squeeze %dma_wait3A_190 : memref<1x!tpu.dma_semaphore, #tpu.memory_space<semaphore_mem>> -> memref<!tpu.dma_semaphore, #tpu.memory_space<semaphore_mem>>
        tpu.wait_indirect_dma semaphore(%dma_wait3A_191 : memref<!tpu.dma_semaphore, #tpu.memory_space<semaphore_mem>>) src(%dma_wait3A_183 : memref<128x16xf32, #tpu.memory_space<vmem>>) dst(%dma_wait3A_189 : memref<10240x16xf32, #tpu.memory_space<vmem_shared>>)
      } else {
      }
      %lt3A_140 = arith.cmpi slt, %add3A_128, %add3A_9 : i32
      %convert_element_type3A_141 = arith.extui %lt3A_140 : i1 to i32
      %cond3A_142 = arith.constant 0 : i32
      %cond3A_143 = arith.cmpi ne, %convert_element_type3A_141, %cond3A_142 : i32
      scf.if %cond3A_143 {
        %dma_start3A = arith.constant 4 : i32
        %dma_start3A_177 = arith.constant 4 : i32
        %dma_start3A_178 = arith.constant 0 : i32
        %dma_start3A_179 = arith.constant 0 : i32
        %dma_start3A_180 = tpu.memref_slice %arg8[%dma_start3A, %dma_start3A_178, %dma_start3A_179] : memref<6x128x16xf32, #tpu.memory_space<vmem>> -> memref<1x128x16xf32, #tpu.memory_space<vmem>>
        %dma_start3A_181 = tpu.memref_squeeze %dma_start3A_180 : memref<1x128x16xf32, #tpu.memory_space<vmem>> -> memref<128x16xf32, #tpu.memory_space<vmem>>
        %dma_start3A_182 = arith.constant 0 : i32
        %dma_start3A_183 = tpu.memref_slice %arg7[%add3A_128, %dma_start3A_182] : memref<79x128xi32, #tpu.memory_space<vmem>> -> memref<1x128xi32, #tpu.memory_space<vmem>>
        %dma_start3A_184 = tpu.memref_squeeze %dma_start3A_183 : memref<1x128xi32, #tpu.memory_space<vmem>> -> memref<128xi32, #tpu.memory_space<vmem>>
        %dma_start3A_185 = arith.constant 0 : i32
        %dma_start3A_186 = arith.constant 0 : i32
        %dma_start3A_187 = tpu.memref_slice %arg2[%dma_start3A_185, %dma_start3A_186] : memref<10240x16xf32, #tpu.memory_space<hbm>> -> memref<10240x16xf32, #tpu.memory_space<hbm>>
        %dma_start3A_188 = tpu.memref_slice %arg11[%dma_start3A_177] : memref<6x!tpu.dma_semaphore, #tpu.memory_space<semaphore_mem>> -> memref<1x!tpu.dma_semaphore, #tpu.memory_space<semaphore_mem>>
        %dma_start3A_189 = tpu.memref_squeeze %dma_start3A_188 : memref<1x!tpu.dma_semaphore, #tpu.memory_space<semaphore_mem>> -> memref<!tpu.dma_semaphore, #tpu.memory_space<semaphore_mem>>
        tpu.enqueue_indirect_dma source(%dma_start3A_187 : memref<10240x16xf32, #tpu.memory_space<hbm>>) target(%dma_start3A_181 : memref<128x16xf32, #tpu.memory_space<vmem>>) offsets(%dma_start3A_184 : memref<128xi32, #tpu.memory_space<vmem>>) semaphore(%dma_start3A_189 : memref<!tpu.dma_semaphore, #tpu.memory_space<semaphore_mem>>)
      } else {
      }
      %ge3A_144 = arith.constant 1 : i32
      %ge3A_145 = arith.cmpi sge, %add3A_128, %ge3A_144 : i32
      %le3A_146 = arith.cmpi sle, %add3A_128, %add3A_9 : i32
      %and3A_147 = arith.andi %ge3A_145, %le3A_146 : i1
      %convert_element_type3A_148 = arith.extui %and3A_147 : i1 to i32
      %cond3A_149 = arith.constant 0 : i32
      %cond3A_150 = arith.cmpi ne, %convert_element_type3A_148, %cond3A_149 : i32
      scf.if %cond3A_150 {
        %sub3A_177 = arith.constant 1 : i32
        %sub3A_178 = arith.subi %add3A_128, %sub3A_177 : i32
        %dma_wait3A = arith.constant 3 : i32
        %dma_wait3A_179 = arith.constant 3 : i32
        %dma_wait3A_180 = arith.constant 0 : i32
        %dma_wait3A_181 = arith.constant 0 : i32
        %dma_wait3A_182 = tpu.memref_slice %arg8[%dma_wait3A, %dma_wait3A_180, %dma_wait3A_181] : memref<6x128x16xf32, #tpu.memory_space<vmem>> -> memref<1x128x16xf32, #tpu.memory_space<vmem>>
        %dma_wait3A_183 = tpu.memref_squeeze %dma_wait3A_182 : memref<1x128x16xf32, #tpu.memory_space<vmem>> -> memref<128x16xf32, #tpu.memory_space<vmem>>
        %dma_wait3A_184 = arith.constant 0 : i32
        %dma_wait3A_185 = tpu.memref_slice %arg7[%sub3A_178, %dma_wait3A_184] : memref<79x128xi32, #tpu.memory_space<vmem>> -> memref<1x128xi32, #tpu.memory_space<vmem>>
        %dma_wait3A_186 = tpu.memref_squeeze %dma_wait3A_185 : memref<1x128xi32, #tpu.memory_space<vmem>> -> memref<128xi32, #tpu.memory_space<vmem>>
        %dma_wait3A_187 = arith.constant 0 : i32
        %dma_wait3A_188 = arith.constant 0 : i32
        %dma_wait3A_189 = tpu.memref_slice %arg2[%dma_wait3A_187, %dma_wait3A_188] : memref<10240x16xf32, #tpu.memory_space<hbm>> -> memref<10240x16xf32, #tpu.memory_space<hbm>>
        %dma_wait3A_190 = tpu.memref_slice %arg11[%dma_wait3A_179] : memref<6x!tpu.dma_semaphore, #tpu.memory_space<semaphore_mem>> -> memref<1x!tpu.dma_semaphore, #tpu.memory_space<semaphore_mem>>
        %dma_wait3A_191 = tpu.memref_squeeze %dma_wait3A_190 : memref<1x!tpu.dma_semaphore, #tpu.memory_space<semaphore_mem>> -> memref<!tpu.dma_semaphore, #tpu.memory_space<semaphore_mem>>
        tpu.wait_indirect_dma semaphore(%dma_wait3A_191 : memref<!tpu.dma_semaphore, #tpu.memory_space<semaphore_mem>>) src(%dma_wait3A_189 : memref<10240x16xf32, #tpu.memory_space<hbm>>) dst(%dma_wait3A_183 : memref<128x16xf32, #tpu.memory_space<vmem>>)
        %sub3A_192 = arith.constant 1 : i32
        %sub3A_193 = arith.subi %add3A_128, %sub3A_192 : i32
        %dma_start3A = arith.constant 3 : i32
        %dma_start3A_194 = arith.constant 3 : i32
        %dma_start3A_195 = arith.constant 0 : i32
        %dma_start3A_196 = arith.constant 0 : i32
        %dma_start3A_197 = tpu.memref_slice %arg8[%dma_start3A, %dma_start3A_195, %dma_start3A_196] : memref<6x128x16xf32, #tpu.memory_space<vmem>> -> memref<1x128x16xf32, #tpu.memory_space<vmem>>
        %dma_start3A_198 = tpu.memref_squeeze %dma_start3A_197 : memref<1x128x16xf32, #tpu.memory_space<vmem>> -> memref<128x16xf32, #tpu.memory_space<vmem>>
        %dma_start3A_199 = arith.constant 0 : i32
        %dma_start3A_200 = tpu.memref_slice %arg6[%sub3A_193, %dma_start3A_199] : memref<79x128xi32, #tpu.memory_space<vmem>> -> memref<1x128xi32, #tpu.memory_space<vmem>>
        %dma_start3A_201 = tpu.memref_squeeze %dma_start3A_200 : memref<1x128xi32, #tpu.memory_space<vmem>> -> memref<128xi32, #tpu.memory_space<vmem>>
        %dma_start3A_202 = arith.constant 0 : i32
        %dma_start3A_203 = arith.constant 0 : i32
        %dma_start3A_204 = tpu.memref_slice %arg9[%dma_start3A_202, %dma_start3A_203] : memref<10240x16xf32, #tpu.memory_space<vmem_shared>> -> memref<10240x16xf32, #tpu.memory_space<vmem_shared>>
        %dma_start3A_205 = tpu.memref_slice %arg12[%dma_start3A_194] : memref<6x!tpu.dma_semaphore, #tpu.memory_space<semaphore_mem>> -> memref<1x!tpu.dma_semaphore, #tpu.memory_space<semaphore_mem>>
        %dma_start3A_206 = tpu.memref_squeeze %dma_start3A_205 : memref<1x!tpu.dma_semaphore, #tpu.memory_space<semaphore_mem>> -> memref<!tpu.dma_semaphore, #tpu.memory_space<semaphore_mem>>
        tpu.enqueue_indirect_dma source(%dma_start3A_198 : memref<128x16xf32, #tpu.memory_space<vmem>>) target(%dma_start3A_204 : memref<10240x16xf32, #tpu.memory_space<vmem_shared>>) offsets(%dma_start3A_201 : memref<128xi32, #tpu.memory_space<vmem>>) semaphore(%dma_start3A_206 : memref<!tpu.dma_semaphore, #tpu.memory_space<semaphore_mem>>) {add = true}
      } else {
      }
      %mul3A_151 = arith.constant 6 : i32
      %mul3A_152 = arith.muli %scan3A_24, %mul3A_151 : i32
      %add3A_153 = arith.constant 5 : i32
      %add3A_154 = arith.addi %mul3A_152, %add3A_153 : i32
      %ge3A_155 = arith.constant 6 : i32
      %ge3A_156 = arith.cmpi sge, %add3A_154, %ge3A_155 : i32
      %add3A_157 = arith.constant 6 : i32
      %add3A_158 = arith.addi %add3A_9, %add3A_157 : i32
      %sub3A_159 = arith.constant 1 : i32
      %sub3A_160 = arith.subi %add3A_158, %sub3A_159 : i32
      %le3A_161 = arith.cmpi sle, %add3A_154, %sub3A_160 : i32
      %and3A_162 = arith.andi %ge3A_156, %le3A_161 : i1
      %convert_element_type3A_163 = arith.extui %and3A_162 : i1 to i32
      %cond3A_164 = arith.constant 0 : i32
      %cond3A_165 = arith.cmpi ne, %convert_element_type3A_163, %cond3A_164 : i32
      scf.if %cond3A_165 {
        %sub3A_177 = arith.constant 6 : i32
        %sub3A_178 = arith.subi %add3A_154, %sub3A_177 : i32
        %dma_wait3A = arith.constant 5 : i32
        %dma_wait3A_179 = arith.constant 5 : i32
        %dma_wait3A_180 = arith.constant 0 : i32
        %dma_wait3A_181 = arith.constant 0 : i32
        %dma_wait3A_182 = tpu.memref_slice %arg8[%dma_wait3A, %dma_wait3A_180, %dma_wait3A_181] : memref<6x128x16xf32, #tpu.memory_space<vmem>> -> memref<1x128x16xf32, #tpu.memory_space<vmem>>
        %dma_wait3A_183 = tpu.memref_squeeze %dma_wait3A_182 : memref<1x128x16xf32, #tpu.memory_space<vmem>> -> memref<128x16xf32, #tpu.memory_space<vmem>>
        %dma_wait3A_184 = arith.constant 0 : i32
        %dma_wait3A_185 = tpu.memref_slice %arg6[%sub3A_178, %dma_wait3A_184] : memref<79x128xi32, #tpu.memory_space<vmem>> -> memref<1x128xi32, #tpu.memory_space<vmem>>
        %dma_wait3A_186 = tpu.memref_squeeze %dma_wait3A_185 : memref<1x128xi32, #tpu.memory_space<vmem>> -> memref<128xi32, #tpu.memory_space<vmem>>
        %dma_wait3A_187 = arith.constant 0 : i32
        %dma_wait3A_188 = arith.constant 0 : i32
        %dma_wait3A_189 = tpu.memref_slice %arg9[%dma_wait3A_187, %dma_wait3A_188] : memref<10240x16xf32, #tpu.memory_space<vmem_shared>> -> memref<10240x16xf32, #tpu.memory_space<vmem_shared>>
        %dma_wait3A_190 = tpu.memref_slice %arg12[%dma_wait3A_179] : memref<6x!tpu.dma_semaphore, #tpu.memory_space<semaphore_mem>> -> memref<1x!tpu.dma_semaphore, #tpu.memory_space<semaphore_mem>>
        %dma_wait3A_191 = tpu.memref_squeeze %dma_wait3A_190 : memref<1x!tpu.dma_semaphore, #tpu.memory_space<semaphore_mem>> -> memref<!tpu.dma_semaphore, #tpu.memory_space<semaphore_mem>>
        tpu.wait_indirect_dma semaphore(%dma_wait3A_191 : memref<!tpu.dma_semaphore, #tpu.memory_space<semaphore_mem>>) src(%dma_wait3A_183 : memref<128x16xf32, #tpu.memory_space<vmem>>) dst(%dma_wait3A_189 : memref<10240x16xf32, #tpu.memory_space<vmem_shared>>)
      } else {
      }
      %lt3A_166 = arith.cmpi slt, %add3A_154, %add3A_9 : i32
      %convert_element_type3A_167 = arith.extui %lt3A_166 : i1 to i32
      %cond3A_168 = arith.constant 0 : i32
      %cond3A_169 = arith.cmpi ne, %convert_element_type3A_167, %cond3A_168 : i32
      scf.if %cond3A_169 {
        %dma_start3A = arith.constant 5 : i32
        %dma_start3A_177 = arith.constant 5 : i32
        %dma_start3A_178 = arith.constant 0 : i32
        %dma_start3A_179 = arith.constant 0 : i32
        %dma_start3A_180 = tpu.memref_slice %arg8[%dma_start3A, %dma_start3A_178, %dma_start3A_179] : memref<6x128x16xf32, #tpu.memory_space<vmem>> -> memref<1x128x16xf32, #tpu.memory_space<vmem>>
        %dma_start3A_181 = tpu.memref_squeeze %dma_start3A_180 : memref<1x128x16xf32, #tpu.memory_space<vmem>> -> memref<128x16xf32, #tpu.memory_space<vmem>>
        %dma_start3A_182 = arith.constant 0 : i32
        %dma_start3A_183 = tpu.memref_slice %arg7[%add3A_154, %dma_start3A_182] : memref<79x128xi32, #tpu.memory_space<vmem>> -> memref<1x128xi32, #tpu.memory_space<vmem>>
        %dma_start3A_184 = tpu.memref_squeeze %dma_start3A_183 : memref<1x128xi32, #tpu.memory_space<vmem>> -> memref<128xi32, #tpu.memory_space<vmem>>
        %dma_start3A_185 = arith.constant 0 : i32
        %dma_start3A_186 = arith.constant 0 : i32
        %dma_start3A_187 = tpu.memref_slice %arg2[%dma_start3A_185, %dma_start3A_186] : memref<10240x16xf32, #tpu.memory_space<hbm>> -> memref<10240x16xf32, #tpu.memory_space<hbm>>
        %dma_start3A_188 = tpu.memref_slice %arg11[%dma_start3A_177] : memref<6x!tpu.dma_semaphore, #tpu.memory_space<semaphore_mem>> -> memref<1x!tpu.dma_semaphore, #tpu.memory_space<semaphore_mem>>
        %dma_start3A_189 = tpu.memref_squeeze %dma_start3A_188 : memref<1x!tpu.dma_semaphore, #tpu.memory_space<semaphore_mem>> -> memref<!tpu.dma_semaphore, #tpu.memory_space<semaphore_mem>>
        tpu.enqueue_indirect_dma source(%dma_start3A_187 : memref<10240x16xf32, #tpu.memory_space<hbm>>) target(%dma_start3A_181 : memref<128x16xf32, #tpu.memory_space<vmem>>) offsets(%dma_start3A_184 : memref<128xi32, #tpu.memory_space<vmem>>) semaphore(%dma_start3A_189 : memref<!tpu.dma_semaphore, #tpu.memory_space<semaphore_mem>>)
      } else {
      }
      %ge3A_170 = arith.constant 1 : i32
      %ge3A_171 = arith.cmpi sge, %add3A_154, %ge3A_170 : i32
      %le3A_172 = arith.cmpi sle, %add3A_154, %add3A_9 : i32
      %and3A_173 = arith.andi %ge3A_171, %le3A_172 : i1
      %convert_element_type3A_174 = arith.extui %and3A_173 : i1 to i32
      %cond3A_175 = arith.constant 0 : i32
      %cond3A_176 = arith.cmpi ne, %convert_element_type3A_174, %cond3A_175 : i32
      scf.if %cond3A_176 {
        %sub3A_177 = arith.constant 1 : i32
        %sub3A_178 = arith.subi %add3A_154, %sub3A_177 : i32
        %dma_wait3A = arith.constant 4 : i32
        %dma_wait3A_179 = arith.constant 4 : i32
        %dma_wait3A_180 = arith.constant 0 : i32
        %dma_wait3A_181 = arith.constant 0 : i32
        %dma_wait3A_182 = tpu.memref_slice %arg8[%dma_wait3A, %dma_wait3A_180, %dma_wait3A_181] : memref<6x128x16xf32, #tpu.memory_space<vmem>> -> memref<1x128x16xf32, #tpu.memory_space<vmem>>
        %dma_wait3A_183 = tpu.memref_squeeze %dma_wait3A_182 : memref<1x128x16xf32, #tpu.memory_space<vmem>> -> memref<128x16xf32, #tpu.memory_space<vmem>>
        %dma_wait3A_184 = arith.constant 0 : i32
        %dma_wait3A_185 = tpu.memref_slice %arg7[%sub3A_178, %dma_wait3A_184] : memref<79x128xi32, #tpu.memory_space<vmem>> -> memref<1x128xi32, #tpu.memory_space<vmem>>
        %dma_wait3A_186 = tpu.memref_squeeze %dma_wait3A_185 : memref<1x128xi32, #tpu.memory_space<vmem>> -> memref<128xi32, #tpu.memory_space<vmem>>
        %dma_wait3A_187 = arith.constant 0 : i32
        %dma_wait3A_188 = arith.constant 0 : i32
        %dma_wait3A_189 = tpu.memref_slice %arg2[%dma_wait3A_187, %dma_wait3A_188] : memref<10240x16xf32, #tpu.memory_space<hbm>> -> memref<10240x16xf32, #tpu.memory_space<hbm>>
        %dma_wait3A_190 = tpu.memref_slice %arg11[%dma_wait3A_179] : memref<6x!tpu.dma_semaphore, #tpu.memory_space<semaphore_mem>> -> memref<1x!tpu.dma_semaphore, #tpu.memory_space<semaphore_mem>>
        %dma_wait3A_191 = tpu.memref_squeeze %dma_wait3A_190 : memref<1x!tpu.dma_semaphore, #tpu.memory_space<semaphore_mem>> -> memref<!tpu.dma_semaphore, #tpu.memory_space<semaphore_mem>>
        tpu.wait_indirect_dma semaphore(%dma_wait3A_191 : memref<!tpu.dma_semaphore, #tpu.memory_space<semaphore_mem>>) src(%dma_wait3A_189 : memref<10240x16xf32, #tpu.memory_space<hbm>>) dst(%dma_wait3A_183 : memref<128x16xf32, #tpu.memory_space<vmem>>)
        %sub3A_192 = arith.constant 1 : i32
        %sub3A_193 = arith.subi %add3A_154, %sub3A_192 : i32
        %dma_start3A = arith.constant 4 : i32
        %dma_start3A_194 = arith.constant 4 : i32
        %dma_start3A_195 = arith.constant 0 : i32
        %dma_start3A_196 = arith.constant 0 : i32
        %dma_start3A_197 = tpu.memref_slice %arg8[%dma_start3A, %dma_start3A_195, %dma_start3A_196] : memref<6x128x16xf32, #tpu.memory_space<vmem>> -> memref<1x128x16xf32, #tpu.memory_space<vmem>>
        %dma_start3A_198 = tpu.memref_squeeze %dma_start3A_197 : memref<1x128x16xf32, #tpu.memory_space<vmem>> -> memref<128x16xf32, #tpu.memory_space<vmem>>
        %dma_start3A_199 = arith.constant 0 : i32
        %dma_start3A_200 = tpu.memref_slice %arg6[%sub3A_193, %dma_start3A_199] : memref<79x128xi32, #tpu.memory_space<vmem>> -> memref<1x128xi32, #tpu.memory_space<vmem>>
        %dma_start3A_201 = tpu.memref_squeeze %dma_start3A_200 : memref<1x128xi32, #tpu.memory_space<vmem>> -> memref<128xi32, #tpu.memory_space<vmem>>
        %dma_start3A_202 = arith.constant 0 : i32
        %dma_start3A_203 = arith.constant 0 : i32
        %dma_start3A_204 = tpu.memref_slice %arg9[%dma_start3A_202, %dma_start3A_203] : memref<10240x16xf32, #tpu.memory_space<vmem_shared>> -> memref<10240x16xf32, #tpu.memory_space<vmem_shared>>
        %dma_start3A_205 = tpu.memref_slice %arg12[%dma_start3A_194] : memref<6x!tpu.dma_semaphore, #tpu.memory_space<semaphore_mem>> -> memref<1x!tpu.dma_semaphore, #tpu.memory_space<semaphore_mem>>
        %dma_start3A_206 = tpu.memref_squeeze %dma_start3A_205 : memref<1x!tpu.dma_semaphore, #tpu.memory_space<semaphore_mem>> -> memref<!tpu.dma_semaphore, #tpu.memory_space<semaphore_mem>>
        tpu.enqueue_indirect_dma source(%dma_start3A_198 : memref<128x16xf32, #tpu.memory_space<vmem>>) target(%dma_start3A_204 : memref<10240x16xf32, #tpu.memory_space<vmem_shared>>) offsets(%dma_start3A_201 : memref<128xi32, #tpu.memory_space<vmem>>) semaphore(%dma_start3A_206 : memref<!tpu.dma_semaphore, #tpu.memory_space<semaphore_mem>>) {add = true}
      } else {
      }
    }
    %scan3A_19 = arith.constant 15 : i32
    %barrier3A_20 = arith.constant 0 : index
    tpu.barrier barrier_id(%barrier3A_20)
    %mul3A_21 = arith.constant 10240 : i32
    %mul3A_22 = arith.muli %arg0, %mul3A_21 : i32
    %add3A_23 = arith.addi %mul3A_22, %mul3A_2 : i32
    "tpu.region"() ({
      %run_scoped3A_24 = tpu.sem_alloc : memref<!tpu.dma_semaphore, #tpu.memory_space<semaphore_mem>>
      %dma_start3A = arith.constant 0 : i32
      %dma_start3A_25 = tpu.memref_slice %arg5[%add3A_23, %dma_start3A] : memref<20480x16xf32, #tpu.memory_space<hbm>> -> memref<640x16xf32, #tpu.memory_space<hbm>>
      %dma_start3A_26 = arith.constant 0 : i32
      %dma_start3A_27 = tpu.memref_slice %arg9[%mul3A_2, %dma_start3A_26] : memref<10240x16xf32, #tpu.memory_space<vmem_shared>> -> memref<640x16xf32, #tpu.memory_space<vmem_shared>>
      tpu.enqueue_dma source(%dma_start3A_27 : memref<640x16xf32, #tpu.memory_space<vmem_shared>>) target(%dma_start3A_25 : memref<640x16xf32, #tpu.memory_space<hbm>>) target_semaphore(%run_scoped3A_24 : memref<!tpu.dma_semaphore, #tpu.memory_space<semaphore_mem>>)
      %dma_wait3A = arith.constant 0 : i32
      %dma_wait3A_28 = tpu.memref_slice %arg5[%add3A_23, %dma_wait3A] : memref<20480x16xf32, #tpu.memory_space<hbm>> -> memref<640x16xf32, #tpu.memory_space<hbm>>
      %dma_wait3A_29 = arith.constant 0 : i32
      %dma_wait3A_30 = tpu.memref_slice %arg9[%mul3A_2, %dma_wait3A_29] : memref<10240x16xf32, #tpu.memory_space<vmem_shared>> -> memref<640x16xf32, #tpu.memory_space<vmem_shared>>
      tpu.wait_dma2 semaphore(%run_scoped3A_24 : memref<!tpu.dma_semaphore, #tpu.memory_space<semaphore_mem>>) src(%dma_wait3A_30 : memref<640x16xf32, #tpu.memory_space<vmem_shared>>) dst(%dma_wait3A_28 : memref<640x16xf32, #tpu.memory_space<hbm>>)
      tpu.yield
    }) : () -> ()
    return
  }
}

#map = affine_map<(d0, d1) -> (0, 0)>
#map1 = affine_map<(d0, d1) -> (0, 0, 0)>
module attributes {stable_mosaic.version = 14 : i64} {
  func.func @k(%arg0: i32, %arg1: i32, %arg2: memref<10240x128xf32, #tpu.memory_space<hbm>>, %arg3: memref<2x2500x128xi32, #tpu.memory_space<hbm>>, %arg4: memref<10240x128xf32, #tpu.memory_space<hbm>>, %arg5: memref<20480x128xf32, #tpu.memory_space<hbm>>, %arg6: memref<79x128xi32, #tpu.memory_space<vmem>>, %arg7: memref<3x128xi32, #tpu.memory_space<vmem>>, %arg8: memref<2x128x128xf32, #tpu.memory_space<vmem>>, %arg9: memref<10240x128xf32, #tpu.memory_space<vmem_shared>>, %arg10: memref<3x!tpu.dma_semaphore, #tpu.memory_space<semaphore_mem>>, %arg11: memref<2x!tpu.dma_semaphore, #tpu.memory_space<semaphore_mem>>, %arg12: memref<2x!tpu.dma_semaphore, #tpu.memory_space<semaphore_mem>>) attributes {dimension_semantics = [#tpu.dimension_semantics<core_parallel>, #tpu.dimension_semantics<subcore_parallel>], iteration_bounds = array<i64: 2, 16>, scalar_prefetch = 0 : i64, scratch_operands = 7 : i64, tpu.core_type = #tpu.core_type<sc_vector_subcore>, window_params = [{transform_indices = #map}, {transform_indices = #map1}, {transform_indices = #map}, {transform_indices = #map}]} {
    %mul3A = arith.constant 16 : i32
    %mul3A_0 = arith.muli %arg0, %mul3A : i32
    %add3A = arith.addi %mul3A_0, %arg1 : i32
    %mul3A_1 = arith.constant 640 : i32
    %mul3A_2 = arith.muli %arg1, %mul3A_1 : i32
    %mul3A_3 = arith.constant 78 : i32
    %mul3A_4 = arith.muli %mul3A_3, %add3A : i32
    %min3A = arith.constant 4 : i32
    %min3A_5 = arith.minsi %add3A, %min3A : i32
    %add3A_6 = arith.addi %mul3A_4, %min3A_5 : i32
    %lt3A = arith.constant 4 : i32
    %lt3A_7 = arith.cmpi slt, %add3A, %lt3A : i32
    %convert_element_type3A = arith.extui %lt3A_7 : i1 to i32
    %add3A_8 = arith.constant 78 : i32
    %add3A_9 = arith.addi %add3A_8, %convert_element_type3A : i32
    %run_scoped3A = arith.constant 1 : i32
    "tpu.region"() ({
      %run_scoped3A_41 = tpu.sem_alloc : memref<!tpu.dma_semaphore, #tpu.memory_space<semaphore_mem>>
      %dma_start3A_42 = arith.constant 0 : i32
      %dma_start3A_43 = arith.constant 0 : i32
      %dma_start3A_44 = tpu.memref_slice %arg6[%dma_start3A_42, %dma_start3A_43] : memref<79x128xi32, #tpu.memory_space<vmem>> -> memref<78x128xi32, #tpu.memory_space<vmem>>
      %dma_start3A_45 = arith.constant 0 : i32
      %dma_start3A_46 = tpu.memref_slice %arg3[%run_scoped3A, %add3A_6, %dma_start3A_45] : memref<2x2500x128xi32, #tpu.memory_space<hbm>> -> memref<1x78x128xi32, #tpu.memory_space<hbm>>
      %dma_start3A_47 = tpu.memref_squeeze %dma_start3A_46 : memref<1x78x128xi32, #tpu.memory_space<hbm>> -> memref<78x128xi32, #tpu.memory_space<hbm>>
      %dma_start3A_48 = arith.constant 0 : i32
      %dma_start3A_49 = arith.constant 0 : i32
      %dma_start3A_50 = tpu.memref_slice %arg6[%dma_start3A_48, %dma_start3A_49] : memref<79x128xi32, #tpu.memory_space<vmem>> -> memref<78x128xi32, #tpu.memory_space<vmem>>
      %dma_start3A_51 = arith.constant 0 : i32
      %dma_start3A_52 = tpu.memref_slice %arg3[%run_scoped3A, %add3A_6, %dma_start3A_51] : memref<2x2500x128xi32, #tpu.memory_space<hbm>> -> memref<1x78x128xi32, #tpu.memory_space<hbm>>
      %dma_start3A_53 = tpu.memref_squeeze %dma_start3A_52 : memref<1x78x128xi32, #tpu.memory_space<hbm>> -> memref<78x128xi32, #tpu.memory_space<hbm>>
      tpu.enqueue_dma source(%dma_start3A_53 : memref<78x128xi32, #tpu.memory_space<hbm>>) target(%dma_start3A_50 : memref<78x128xi32, #tpu.memory_space<vmem>>) target_semaphore(%run_scoped3A_41 : memref<!tpu.dma_semaphore, #tpu.memory_space<semaphore_mem>>)
      %dma_wait3A = arith.constant 0 : i32
      %dma_wait3A_54 = arith.constant 0 : i32
      %dma_wait3A_55 = tpu.memref_slice %arg6[%dma_wait3A, %dma_wait3A_54] : memref<79x128xi32, #tpu.memory_space<vmem>> -> memref<78x128xi32, #tpu.memory_space<vmem>>
      %dma_wait3A_56 = arith.constant 0 : i32
      %dma_wait3A_57 = tpu.memref_slice %arg3[%run_scoped3A, %add3A_6, %dma_wait3A_56] : memref<2x2500x128xi32, #tpu.memory_space<hbm>> -> memref<1x78x128xi32, #tpu.memory_space<hbm>>
      %dma_wait3A_58 = tpu.memref_squeeze %dma_wait3A_57 : memref<1x78x128xi32, #tpu.memory_space<hbm>> -> memref<78x128xi32, #tpu.memory_space<hbm>>
      %dma_wait3A_59 = arith.constant 0 : i32
      %dma_wait3A_60 = arith.constant 0 : i32
      %dma_wait3A_61 = tpu.memref_slice %arg6[%dma_wait3A_59, %dma_wait3A_60] : memref<79x128xi32, #tpu.memory_space<vmem>> -> memref<78x128xi32, #tpu.memory_space<vmem>>
      %dma_wait3A_62 = arith.constant 0 : i32
      %dma_wait3A_63 = tpu.memref_slice %arg3[%run_scoped3A, %add3A_6, %dma_wait3A_62] : memref<2x2500x128xi32, #tpu.memory_space<hbm>> -> memref<1x78x128xi32, #tpu.memory_space<hbm>>
      %dma_wait3A_64 = tpu.memref_squeeze %dma_wait3A_63 : memref<1x78x128xi32, #tpu.memory_space<hbm>> -> memref<78x128xi32, #tpu.memory_space<hbm>>
      tpu.wait_dma2 semaphore(%run_scoped3A_41 : memref<!tpu.dma_semaphore, #tpu.memory_space<semaphore_mem>>) src(%dma_wait3A_64 : memref<78x128xi32, #tpu.memory_space<hbm>>) dst(%dma_wait3A_61 : memref<78x128xi32, #tpu.memory_space<vmem>>)
      tpu.yield
    }) : () -> ()
    %lt3A_10 = arith.constant 4 : i32
    %lt3A_11 = arith.cmpi slt, %add3A, %lt3A_10 : i32
    %convert_element_type3A_12 = arith.extui %lt3A_11 : i1 to i32
    %cond3A = arith.constant 0 : i32
    %cond3A_13 = arith.cmpi ne, %convert_element_type3A_12, %cond3A : i32
    scf.if %cond3A_13 {
      %add3A_41 = arith.constant 78 : i32
      %add3A_42 = arith.addi %add3A_6, %add3A_41 : i32
      %run_scoped3A_43 = arith.constant 1 : i32
      "tpu.region"() ({
        %run_scoped3A_44 = tpu.sem_alloc : memref<!tpu.dma_semaphore, #tpu.memory_space<semaphore_mem>>
        %dma_start3A_45 = arith.constant 78 : i32
        %dma_start3A_46 = arith.constant 0 : i32
        %dma_start3A_47 = tpu.memref_slice %arg6[%dma_start3A_45, %dma_start3A_46] : memref<79x128xi32, #tpu.memory_space<vmem>> -> memref<1x128xi32, #tpu.memory_space<vmem>>
        %dma_start3A_48 = arith.constant 0 : i32
        %dma_start3A_49 = tpu.memref_slice %arg3[%run_scoped3A_43, %add3A_42, %dma_start3A_48] : memref<2x2500x128xi32, #tpu.memory_space<hbm>> -> memref<1x1x128xi32, #tpu.memory_space<hbm>>
        %dma_start3A_50 = tpu.memref_squeeze %dma_start3A_49 : memref<1x1x128xi32, #tpu.memory_space<hbm>> -> memref<1x128xi32, #tpu.memory_space<hbm>>
        %dma_start3A_51 = arith.constant 78 : i32
        %dma_start3A_52 = arith.constant 0 : i32
        %dma_start3A_53 = tpu.memref_slice %arg6[%dma_start3A_51, %dma_start3A_52] : memref<79x128xi32, #tpu.memory_space<vmem>> -> memref<1x128xi32, #tpu.memory_space<vmem>>
        %dma_start3A_54 = arith.constant 0 : i32
        %dma_start3A_55 = tpu.memref_slice %arg3[%run_scoped3A_43, %add3A_42, %dma_start3A_54] : memref<2x2500x128xi32, #tpu.memory_space<hbm>> -> memref<1x1x128xi32, #tpu.memory_space<hbm>>
        %dma_start3A_56 = tpu.memref_squeeze %dma_start3A_55 : memref<1x1x128xi32, #tpu.memory_space<hbm>> -> memref<1x128xi32, #tpu.memory_space<hbm>>
        tpu.enqueue_dma source(%dma_start3A_56 : memref<1x128xi32, #tpu.memory_space<hbm>>) target(%dma_start3A_53 : memref<1x128xi32, #tpu.memory_space<vmem>>) target_semaphore(%run_scoped3A_44 : memref<!tpu.dma_semaphore, #tpu.memory_space<semaphore_mem>>)
        %dma_wait3A = arith.constant 78 : i32
        %dma_wait3A_57 = arith.constant 0 : i32
        %dma_wait3A_58 = tpu.memref_slice %arg6[%dma_wait3A, %dma_wait3A_57] : memref<79x128xi32, #tpu.memory_space<vmem>> -> memref<1x128xi32, #tpu.memory_space<vmem>>
        %dma_wait3A_59 = arith.constant 0 : i32
        %dma_wait3A_60 = tpu.memref_slice %arg3[%run_scoped3A_43, %add3A_42, %dma_wait3A_59] : memref<2x2500x128xi32, #tpu.memory_space<hbm>> -> memref<1x1x128xi32, #tpu.memory_space<hbm>>
        %dma_wait3A_61 = tpu.memref_squeeze %dma_wait3A_60 : memref<1x1x128xi32, #tpu.memory_space<hbm>> -> memref<1x128xi32, #tpu.memory_space<hbm>>
        %dma_wait3A_62 = arith.constant 78 : i32
        %dma_wait3A_63 = arith.constant 0 : i32
        %dma_wait3A_64 = tpu.memref_slice %arg6[%dma_wait3A_62, %dma_wait3A_63] : memref<79x128xi32, #tpu.memory_space<vmem>> -> memref<1x128xi32, #tpu.memory_space<vmem>>
        %dma_wait3A_65 = arith.constant 0 : i32
        %dma_wait3A_66 = tpu.memref_slice %arg3[%run_scoped3A_43, %add3A_42, %dma_wait3A_65] : memref<2x2500x128xi32, #tpu.memory_space<hbm>> -> memref<1x1x128xi32, #tpu.memory_space<hbm>>
        %dma_wait3A_67 = tpu.memref_squeeze %dma_wait3A_66 : memref<1x1x128xi32, #tpu.memory_space<hbm>> -> memref<1x128xi32, #tpu.memory_space<hbm>>
        tpu.wait_dma2 semaphore(%run_scoped3A_44 : memref<!tpu.dma_semaphore, #tpu.memory_space<semaphore_mem>>) src(%dma_wait3A_67 : memref<1x128xi32, #tpu.memory_space<hbm>>) dst(%dma_wait3A_64 : memref<1x128xi32, #tpu.memory_space<vmem>>)
        tpu.yield
      }) : () -> ()
    } else {
    }
    "tpu.region"() ({
      %run_scoped3A_41 = tpu.sem_alloc : memref<!tpu.dma_semaphore, #tpu.memory_space<semaphore_mem>>
      %dma_start3A_42 = arith.constant 0 : i32
      %dma_start3A_43 = tpu.memref_slice %arg9[%mul3A_2, %dma_start3A_42] : memref<10240x128xf32, #tpu.memory_space<vmem_shared>> -> memref<640x128xf32, #tpu.memory_space<vmem_shared>>
      %dma_start3A_44 = arith.constant 0 : i32
      %dma_start3A_45 = tpu.memref_slice %arg4[%mul3A_2, %dma_start3A_44] : memref<10240x128xf32, #tpu.memory_space<hbm>> -> memref<640x128xf32, #tpu.memory_space<hbm>>
      tpu.enqueue_dma source(%dma_start3A_45 : memref<640x128xf32, #tpu.memory_space<hbm>>) target(%dma_start3A_43 : memref<640x128xf32, #tpu.memory_space<vmem_shared>>) target_semaphore(%run_scoped3A_41 : memref<!tpu.dma_semaphore, #tpu.memory_space<semaphore_mem>>)
      %dma_wait3A = arith.constant 0 : i32
      %dma_wait3A_46 = tpu.memref_slice %arg9[%mul3A_2, %dma_wait3A] : memref<10240x128xf32, #tpu.memory_space<vmem_shared>> -> memref<640x128xf32, #tpu.memory_space<vmem_shared>>
      %dma_wait3A_47 = arith.constant 0 : i32
      %dma_wait3A_48 = tpu.memref_slice %arg4[%mul3A_2, %dma_wait3A_47] : memref<10240x128xf32, #tpu.memory_space<hbm>> -> memref<640x128xf32, #tpu.memory_space<hbm>>
      tpu.wait_dma2 semaphore(%run_scoped3A_41 : memref<!tpu.dma_semaphore, #tpu.memory_space<semaphore_mem>>) src(%dma_wait3A_48 : memref<640x128xf32, #tpu.memory_space<hbm>>) dst(%dma_wait3A_46 : memref<640x128xf32, #tpu.memory_space<vmem_shared>>)
      tpu.yield
    }) : () -> ()
    %barrier3A = arith.constant 0 : index
    tpu.barrier barrier_id(%barrier3A)
    %add3A_14 = arith.constant 0 : i32
    %add3A_15 = arith.addi %add3A_6, %add3A_14 : i32
    %dma_start3A = arith.constant 0 : i32
    %dma_start3A_16 = arith.constant 0 : i32
    %dma_start3A_17 = arith.constant 0 : i32
    %dma_start3A_18 = arith.constant 0 : i32
    %dma_start3A_19 = tpu.memref_slice %arg7[%dma_start3A_16, %dma_start3A_18] : memref<3x128xi32, #tpu.memory_space<vmem>> -> memref<1x128xi32, #tpu.memory_space<vmem>>
    %dma_start3A_20 = tpu.memref_squeeze %dma_start3A_19 : memref<1x128xi32, #tpu.memory_space<vmem>> -> memref<128xi32, #tpu.memory_space<vmem>>
    %dma_start3A_21 = arith.constant 0 : i32
    %dma_start3A_22 = tpu.memref_slice %arg3[%dma_start3A, %add3A_15, %dma_start3A_21] : memref<2x2500x128xi32, #tpu.memory_space<hbm>> -> memref<1x1x128xi32, #tpu.memory_space<hbm>>
    %dma_start3A_23 = tpu.memref_squeeze %dma_start3A_22 : memref<1x1x128xi32, #tpu.memory_space<hbm>> -> memref<128xi32, #tpu.memory_space<hbm>>
    %dma_start3A_24 = tpu.memref_slice %arg10[%dma_start3A_17] : memref<3x!tpu.dma_semaphore, #tpu.memory_space<semaphore_mem>> -> memref<1x!tpu.dma_semaphore, #tpu.memory_space<semaphore_mem>>
    %dma_start3A_25 = tpu.memref_squeeze %dma_start3A_24 : memref<1x!tpu.dma_semaphore, #tpu.memory_space<semaphore_mem>> -> memref<!tpu.dma_semaphore, #tpu.memory_space<semaphore_mem>>
    %dma_start3A_26 = arith.constant 0 : i32
    %dma_start3A_27 = tpu.memref_slice %arg7[%dma_start3A_16, %dma_start3A_26] : memref<3x128xi32, #tpu.memory_space<vmem>> -> memref<1x128xi32, #tpu.memory_space<vmem>>
    %dma_start3A_28 = tpu.memref_squeeze %dma_start3A_27 : memref<1x128xi32, #tpu.memory_space<vmem>> -> memref<128xi32, #tpu.memory_space<vmem>>
    %dma_start3A_29 = arith.constant 0 : i32
    %dma_start3A_30 = tpu.memref_slice %arg3[%dma_start3A, %add3A_15, %dma_start3A_29] : memref<2x2500x128xi32, #tpu.memory_space<hbm>> -> memref<1x1x128xi32, #tpu.memory_space<hbm>>
    %dma_start3A_31 = tpu.memref_squeeze %dma_start3A_30 : memref<1x1x128xi32, #tpu.memory_space<hbm>> -> memref<128xi32, #tpu.memory_space<hbm>>
    tpu.enqueue_dma source(%dma_start3A_31 : memref<128xi32, #tpu.memory_space<hbm>>) target(%dma_start3A_28 : memref<128xi32, #tpu.memory_space<vmem>>) target_semaphore(%dma_start3A_25 : memref<!tpu.dma_semaphore, #tpu.memory_space<semaphore_mem>>)
    %scan3A = arith.constant 0 : i32
    %scan3A_32 = arith.constant 0 : i32
    %scan3A_33 = arith.constant 14 : i32
    %scan3A_34 = arith.addi %scan3A_32, %scan3A_33 : i32
    %scan3A_35 = arith.constant 1 : i32
    scf.for %scan3A_41 = %scan3A_32 to %scan3A_34 step %scan3A_35  : i32 {
      %mul3A_42 = arith.constant 6 : i32
      %mul3A_43 = arith.muli %scan3A_41, %mul3A_42 : i32
      %add3A_44 = arith.constant 0 : i32
      %add3A_45 = arith.addi %mul3A_43, %add3A_44 : i32
      %ge3A = arith.constant 2 : i32
      %ge3A_46 = arith.cmpi sge, %add3A_45, %ge3A : i32
      %add3A_47 = arith.constant 1 : i32
      %add3A_48 = arith.addi %add3A_9, %add3A_47 : i32
      %le3A = arith.cmpi sle, %add3A_45, %add3A_48 : i32
      %and3A = arith.andi %ge3A_46, %le3A : i1
      %convert_element_type3A_49 = arith.extui %and3A : i1 to i32
      %cond3A_50 = arith.constant 0 : i32
      %cond3A_51 = arith.cmpi ne, %convert_element_type3A_49, %cond3A_50 : i32
      scf.if %cond3A_51 {
        %sub3A = arith.constant 2 : i32
        %sub3A_219 = arith.subi %add3A_45, %sub3A : i32
        %dma_wait3A = arith.constant 0 : i32
        %dma_wait3A_220 = arith.constant 0 : i32
        %dma_wait3A_221 = arith.constant 0 : i32
        %dma_wait3A_222 = arith.constant 0 : i32
        %dma_wait3A_223 = tpu.memref_slice %arg8[%dma_wait3A, %dma_wait3A_221, %dma_wait3A_222] : memref<2x128x128xf32, #tpu.memory_space<vmem>> -> memref<1x128x128xf32, #tpu.memory_space<vmem>>
        %dma_wait3A_224 = tpu.memref_squeeze %dma_wait3A_223 : memref<1x128x128xf32, #tpu.memory_space<vmem>> -> memref<128x128xf32, #tpu.memory_space<vmem>>
        %dma_wait3A_225 = arith.constant 0 : i32
        %dma_wait3A_226 = tpu.memref_slice %arg6[%sub3A_219, %dma_wait3A_225] : memref<79x128xi32, #tpu.memory_space<vmem>> -> memref<1x128xi32, #tpu.memory_space<vmem>>
        %dma_wait3A_227 = tpu.memref_squeeze %dma_wait3A_226 : memref<1x128xi32, #tpu.memory_space<vmem>> -> memref<128xi32, #tpu.memory_space<vmem>>
        %dma_wait3A_228 = arith.constant 0 : i32
        %dma_wait3A_229 = arith.constant 0 : i32
        %dma_wait3A_230 = tpu.memref_slice %arg9[%dma_wait3A_228, %dma_wait3A_229] : memref<10240x128xf32, #tpu.memory_space<vmem_shared>> -> memref<10240x128xf32, #tpu.memory_space<vmem_shared>>
        %dma_wait3A_231 = tpu.memref_slice %arg12[%dma_wait3A_220] : memref<2x!tpu.dma_semaphore, #tpu.memory_space<semaphore_mem>> -> memref<1x!tpu.dma_semaphore, #tpu.memory_space<semaphore_mem>>
        %dma_wait3A_232 = tpu.memref_squeeze %dma_wait3A_231 : memref<1x!tpu.dma_semaphore, #tpu.memory_space<semaphore_mem>> -> memref<!tpu.dma_semaphore, #tpu.memory_space<semaphore_mem>>
        tpu.wait_indirect_dma semaphore(%dma_wait3A_232 : memref<!tpu.dma_semaphore, #tpu.memory_space<semaphore_mem>>) src(%dma_wait3A_224 : memref<128x128xf32, #tpu.memory_space<vmem>>) dst(%dma_wait3A_230 : memref<10240x128xf32, #tpu.memory_space<vmem_shared>>)
      } else {
      }
      %lt3A_52 = arith.cmpi slt, %add3A_45, %add3A_9 : i32
      %convert_element_type3A_53 = arith.extui %lt3A_52 : i1 to i32
      %cond3A_54 = arith.constant 0 : i32
      %cond3A_55 = arith.cmpi ne, %convert_element_type3A_53, %cond3A_54 : i32
      scf.if %cond3A_55 {
        %add3A_219 = arith.addi %add3A_6, %add3A_45 : i32
        %dma_wait3A = arith.constant 0 : i32
        %dma_wait3A_220 = arith.constant 0 : i32
        %dma_wait3A_221 = arith.constant 0 : i32
        %dma_wait3A_222 = arith.constant 0 : i32
        %dma_wait3A_223 = tpu.memref_slice %arg7[%dma_wait3A_220, %dma_wait3A_222] : memref<3x128xi32, #tpu.memory_space<vmem>> -> memref<1x128xi32, #tpu.memory_space<vmem>>
        %dma_wait3A_224 = tpu.memref_squeeze %dma_wait3A_223 : memref<1x128xi32, #tpu.memory_space<vmem>> -> memref<128xi32, #tpu.memory_space<vmem>>
        %dma_wait3A_225 = arith.constant 0 : i32
        %dma_wait3A_226 = tpu.memref_slice %arg3[%dma_wait3A, %add3A_219, %dma_wait3A_225] : memref<2x2500x128xi32, #tpu.memory_space<hbm>> -> memref<1x1x128xi32, #tpu.memory_space<hbm>>
        %dma_wait3A_227 = tpu.memref_squeeze %dma_wait3A_226 : memref<1x1x128xi32, #tpu.memory_space<hbm>> -> memref<128xi32, #tpu.memory_space<hbm>>
        %dma_wait3A_228 = tpu.memref_slice %arg10[%dma_wait3A_221] : memref<3x!tpu.dma_semaphore, #tpu.memory_space<semaphore_mem>> -> memref<1x!tpu.dma_semaphore, #tpu.memory_space<semaphore_mem>>
        %dma_wait3A_229 = tpu.memref_squeeze %dma_wait3A_228 : memref<1x!tpu.dma_semaphore, #tpu.memory_space<semaphore_mem>> -> memref<!tpu.dma_semaphore, #tpu.memory_space<semaphore_mem>>
        %dma_wait3A_230 = arith.constant 0 : i32
        %dma_wait3A_231 = tpu.memref_slice %arg7[%dma_wait3A_220, %dma_wait3A_230] : memref<3x128xi32, #tpu.memory_space<vmem>> -> memref<1x128xi32, #tpu.memory_space<vmem>>
        %dma_wait3A_232 = tpu.memref_squeeze %dma_wait3A_231 : memref<1x128xi32, #tpu.memory_space<vmem>> -> memref<128xi32, #tpu.memory_space<vmem>>
        %dma_wait3A_233 = arith.constant 0 : i32
        %dma_wait3A_234 = tpu.memref_slice %arg3[%dma_wait3A, %add3A_219, %dma_wait3A_233] : memref<2x2500x128xi32, #tpu.memory_space<hbm>> -> memref<1x1x128xi32, #tpu.memory_space<hbm>>
        %dma_wait3A_235 = tpu.memref_squeeze %dma_wait3A_234 : memref<1x1x128xi32, #tpu.memory_space<hbm>> -> memref<128xi32, #tpu.memory_space<hbm>>
        tpu.wait_dma2 semaphore(%dma_wait3A_229 : memref<!tpu.dma_semaphore, #tpu.memory_space<semaphore_mem>>) src(%dma_wait3A_235 : memref<128xi32, #tpu.memory_space<hbm>>) dst(%dma_wait3A_232 : memref<128xi32, #tpu.memory_space<vmem>>)
        %dma_start3A_236 = arith.constant 0 : i32
        %dma_start3A_237 = arith.constant 0 : i32
        %dma_start3A_238 = arith.constant 0 : i32
        %dma_start3A_239 = arith.constant 0 : i32
        %dma_start3A_240 = arith.constant 0 : i32
        %dma_start3A_241 = tpu.memref_slice %arg8[%dma_start3A_237, %dma_start3A_239, %dma_start3A_240] : memref<2x128x128xf32, #tpu.memory_space<vmem>> -> memref<1x128x128xf32, #tpu.memory_space<vmem>>
        %dma_start3A_242 = tpu.memref_squeeze %dma_start3A_241 : memref<1x128x128xf32, #tpu.memory_space<vmem>> -> memref<128x128xf32, #tpu.memory_space<vmem>>
        %dma_start3A_243 = arith.constant 0 : i32
        %dma_start3A_244 = tpu.memref_slice %arg7[%dma_start3A_236, %dma_start3A_243] : memref<3x128xi32, #tpu.memory_space<vmem>> -> memref<1x128xi32, #tpu.memory_space<vmem>>
        %dma_start3A_245 = tpu.memref_squeeze %dma_start3A_244 : memref<1x128xi32, #tpu.memory_space<vmem>> -> memref<128xi32, #tpu.memory_space<vmem>>
        %dma_start3A_246 = arith.constant 0 : i32
        %dma_start3A_247 = arith.constant 0 : i32
        %dma_start3A_248 = tpu.memref_slice %arg2[%dma_start3A_246, %dma_start3A_247] : memref<10240x128xf32, #tpu.memory_space<hbm>> -> memref<10240x128xf32, #tpu.memory_space<hbm>>
        %dma_start3A_249 = tpu.memref_slice %arg11[%dma_start3A_238] : memref<2x!tpu.dma_semaphore, #tpu.memory_space<semaphore_mem>> -> memref<1x!tpu.dma_semaphore, #tpu.memory_space<semaphore_mem>>
        %dma_start3A_250 = tpu.memref_squeeze %dma_start3A_249 : memref<1x!tpu.dma_semaphore, #tpu.memory_space<semaphore_mem>> -> memref<!tpu.dma_semaphore, #tpu.memory_space<semaphore_mem>>
        tpu.enqueue_indirect_dma source(%dma_start3A_248 : memref<10240x128xf32, #tpu.memory_space<hbm>>) target(%dma_start3A_242 : memref<128x128xf32, #tpu.memory_space<vmem>>) offsets(%dma_start3A_245 : memref<128xi32, #tpu.memory_space<vmem>>) semaphore(%dma_start3A_250 : memref<!tpu.dma_semaphore, #tpu.memory_space<semaphore_mem>>)
      } else {
      }
      %ge3A_56 = arith.constant 1 : i32
      %ge3A_57 = arith.cmpi sge, %add3A_45, %ge3A_56 : i32
      %le3A_58 = arith.cmpi sle, %add3A_45, %add3A_9 : i32
      %and3A_59 = arith.andi %ge3A_57, %le3A_58 : i1
      %convert_element_type3A_60 = arith.extui %and3A_59 : i1 to i32
      %cond3A_61 = arith.constant 0 : i32
      %cond3A_62 = arith.cmpi ne, %convert_element_type3A_60, %cond3A_61 : i32
      scf.if %cond3A_62 {
        %dma_wait3A = arith.constant 2 : i32
        %dma_wait3A_219 = arith.constant 1 : i32
        %dma_wait3A_220 = arith.constant 1 : i32
        %dma_wait3A_221 = arith.constant 0 : i32
        %dma_wait3A_222 = arith.constant 0 : i32
        %dma_wait3A_223 = tpu.memref_slice %arg8[%dma_wait3A_219, %dma_wait3A_221, %dma_wait3A_222] : memref<2x128x128xf32, #tpu.memory_space<vmem>> -> memref<1x128x128xf32, #tpu.memory_space<vmem>>
        %dma_wait3A_224 = tpu.memref_squeeze %dma_wait3A_223 : memref<1x128x128xf32, #tpu.memory_space<vmem>> -> memref<128x128xf32, #tpu.memory_space<vmem>>
        %dma_wait3A_225 = arith.constant 0 : i32
        %dma_wait3A_226 = tpu.memref_slice %arg7[%dma_wait3A, %dma_wait3A_225] : memref<3x128xi32, #tpu.memory_space<vmem>> -> memref<1x128xi32, #tpu.memory_space<vmem>>
        %dma_wait3A_227 = tpu.memref_squeeze %dma_wait3A_226 : memref<1x128xi32, #tpu.memory_space<vmem>> -> memref<128xi32, #tpu.memory_space<vmem>>
        %dma_wait3A_228 = arith.constant 0 : i32
        %dma_wait3A_229 = arith.constant 0 : i32
        %dma_wait3A_230 = tpu.memref_slice %arg2[%dma_wait3A_228, %dma_wait3A_229] : memref<10240x128xf32, #tpu.memory_space<hbm>> -> memref<10240x128xf32, #tpu.memory_space<hbm>>
        %dma_wait3A_231 = tpu.memref_slice %arg11[%dma_wait3A_220] : memref<2x!tpu.dma_semaphore, #tpu.memory_space<semaphore_mem>> -> memref<1x!tpu.dma_semaphore, #tpu.memory_space<semaphore_mem>>
        %dma_wait3A_232 = tpu.memref_squeeze %dma_wait3A_231 : memref<1x!tpu.dma_semaphore, #tpu.memory_space<semaphore_mem>> -> memref<!tpu.dma_semaphore, #tpu.memory_space<semaphore_mem>>
        tpu.wait_indirect_dma semaphore(%dma_wait3A_232 : memref<!tpu.dma_semaphore, #tpu.memory_space<semaphore_mem>>) src(%dma_wait3A_230 : memref<10240x128xf32, #tpu.memory_space<hbm>>) dst(%dma_wait3A_224 : memref<128x128xf32, #tpu.memory_space<vmem>>)
        %sub3A = arith.constant 1 : i32
        %sub3A_233 = arith.subi %add3A_45, %sub3A : i32
        %dma_start3A_234 = arith.constant 1 : i32
        %dma_start3A_235 = arith.constant 1 : i32
        %dma_start3A_236 = arith.constant 0 : i32
        %dma_start3A_237 = arith.constant 0 : i32
        %dma_start3A_238 = tpu.memref_slice %arg8[%dma_start3A_234, %dma_start3A_236, %dma_start3A_237] : memref<2x128x128xf32, #tpu.memory_space<vmem>> -> memref<1x128x128xf32, #tpu.memory_space<vmem>>
        %dma_start3A_239 = tpu.memref_squeeze %dma_start3A_238 : memref<1x128x128xf32, #tpu.memory_space<vmem>> -> memref<128x128xf32, #tpu.memory_space<vmem>>
        %dma_start3A_240 = arith.constant 0 : i32
        %dma_start3A_241 = tpu.memref_slice %arg6[%sub3A_233, %dma_start3A_240] : memref<79x128xi32, #tpu.memory_space<vmem>> -> memref<1x128xi32, #tpu.memory_space<vmem>>
        %dma_start3A_242 = tpu.memref_squeeze %dma_start3A_241 : memref<1x128xi32, #tpu.memory_space<vmem>> -> memref<128xi32, #tpu.memory_space<vmem>>
        %dma_start3A_243 = arith.constant 0 : i32
        %dma_start3A_244 = arith.constant 0 : i32
        %dma_start3A_245 = tpu.memref_slice %arg9[%dma_start3A_243, %dma_start3A_244] : memref<10240x128xf32, #tpu.memory_space<vmem_shared>> -> memref<10240x128xf32, #tpu.memory_space<vmem_shared>>
        %dma_start3A_246 = tpu.memref_slice %arg12[%dma_start3A_235] : memref<2x!tpu.dma_semaphore, #tpu.memory_space<semaphore_mem>> -> memref<1x!tpu.dma_semaphore, #tpu.memory_space<semaphore_mem>>
        %dma_start3A_247 = tpu.memref_squeeze %dma_start3A_246 : memref<1x!tpu.dma_semaphore, #tpu.memory_space<semaphore_mem>> -> memref<!tpu.dma_semaphore, #tpu.memory_space<semaphore_mem>>
        tpu.enqueue_indirect_dma source(%dma_start3A_239 : memref<128x128xf32, #tpu.memory_space<vmem>>) target(%dma_start3A_245 : memref<10240x128xf32, #tpu.memory_space<vmem_shared>>) offsets(%dma_start3A_242 : memref<128xi32, #tpu.memory_space<vmem>>) semaphore(%dma_start3A_247 : memref<!tpu.dma_semaphore, #tpu.memory_space<semaphore_mem>>) {add = true}
      } else {
      }
      %add3A_63 = arith.constant 1 : i32
      %add3A_64 = arith.addi %add3A_45, %add3A_63 : i32
      %lt3A_65 = arith.cmpi slt, %add3A_64, %add3A_9 : i32
      %convert_element_type3A_66 = arith.extui %lt3A_65 : i1 to i32
      %cond3A_67 = arith.constant 0 : i32
      %cond3A_68 = arith.cmpi ne, %convert_element_type3A_66, %cond3A_67 : i32
      scf.if %cond3A_68 {
        %add3A_219 = arith.constant 1 : i32
        %add3A_220 = arith.addi %add3A_45, %add3A_219 : i32
        %add3A_221 = arith.addi %add3A_6, %add3A_220 : i32
        %dma_start3A_222 = arith.constant 0 : i32
        %dma_start3A_223 = arith.constant 1 : i32
        %dma_start3A_224 = arith.constant 1 : i32
        %dma_start3A_225 = arith.constant 0 : i32
        %dma_start3A_226 = tpu.memref_slice %arg7[%dma_start3A_223, %dma_start3A_225] : memref<3x128xi32, #tpu.memory_space<vmem>> -> memref<1x128xi32, #tpu.memory_space<vmem>>
        %dma_start3A_227 = tpu.memref_squeeze %dma_start3A_226 : memref<1x128xi32, #tpu.memory_space<vmem>> -> memref<128xi32, #tpu.memory_space<vmem>>
        %dma_start3A_228 = arith.constant 0 : i32
        %dma_start3A_229 = tpu.memref_slice %arg3[%dma_start3A_222, %add3A_221, %dma_start3A_228] : memref<2x2500x128xi32, #tpu.memory_space<hbm>> -> memref<1x1x128xi32, #tpu.memory_space<hbm>>
        %dma_start3A_230 = tpu.memref_squeeze %dma_start3A_229 : memref<1x1x128xi32, #tpu.memory_space<hbm>> -> memref<128xi32, #tpu.memory_space<hbm>>
        %dma_start3A_231 = tpu.memref_slice %arg10[%dma_start3A_224] : memref<3x!tpu.dma_semaphore, #tpu.memory_space<semaphore_mem>> -> memref<1x!tpu.dma_semaphore, #tpu.memory_space<semaphore_mem>>
        %dma_start3A_232 = tpu.memref_squeeze %dma_start3A_231 : memref<1x!tpu.dma_semaphore, #tpu.memory_space<semaphore_mem>> -> memref<!tpu.dma_semaphore, #tpu.memory_space<semaphore_mem>>
        %dma_start3A_233 = arith.constant 0 : i32
        %dma_start3A_234 = tpu.memref_slice %arg7[%dma_start3A_223, %dma_start3A_233] : memref<3x128xi32, #tpu.memory_space<vmem>> -> memref<1x128xi32, #tpu.memory_space<vmem>>
        %dma_start3A_235 = tpu.memref_squeeze %dma_start3A_234 : memref<1x128xi32, #tpu.memory_space<vmem>> -> memref<128xi32, #tpu.memory_space<vmem>>
        %dma_start3A_236 = arith.constant 0 : i32
        %dma_start3A_237 = tpu.memref_slice %arg3[%dma_start3A_222, %add3A_221, %dma_start3A_236] : memref<2x2500x128xi32, #tpu.memory_space<hbm>> -> memref<1x1x128xi32, #tpu.memory_space<hbm>>
        %dma_start3A_238 = tpu.memref_squeeze %dma_start3A_237 : memref<1x1x128xi32, #tpu.memory_space<hbm>> -> memref<128xi32, #tpu.memory_space<hbm>>
        tpu.enqueue_dma source(%dma_start3A_238 : memref<128xi32, #tpu.memory_space<hbm>>) target(%dma_start3A_235 : memref<128xi32, #tpu.memory_space<vmem>>) target_semaphore(%dma_start3A_232 : memref<!tpu.dma_semaphore, #tpu.memory_space<semaphore_mem>>)
      } else {
      }
      %mul3A_69 = arith.constant 6 : i32
      %mul3A_70 = arith.muli %scan3A_41, %mul3A_69 : i32
      %add3A_71 = arith.constant 1 : i32
      %add3A_72 = arith.addi %mul3A_70, %add3A_71 : i32
      %ge3A_73 = arith.constant 2 : i32
      %ge3A_74 = arith.cmpi sge, %add3A_72, %ge3A_73 : i32
      %add3A_75 = arith.constant 1 : i32
      %add3A_76 = arith.addi %add3A_9, %add3A_75 : i32
      %le3A_77 = arith.cmpi sle, %add3A_72, %add3A_76 : i32
      %and3A_78 = arith.andi %ge3A_74, %le3A_77 : i1
      %convert_element_type3A_79 = arith.extui %and3A_78 : i1 to i32
      %cond3A_80 = arith.constant 0 : i32
      %cond3A_81 = arith.cmpi ne, %convert_element_type3A_79, %cond3A_80 : i32
      scf.if %cond3A_81 {
        %sub3A = arith.constant 2 : i32
        %sub3A_219 = arith.subi %add3A_72, %sub3A : i32
        %dma_wait3A = arith.constant 1 : i32
        %dma_wait3A_220 = arith.constant 1 : i32
        %dma_wait3A_221 = arith.constant 0 : i32
        %dma_wait3A_222 = arith.constant 0 : i32
        %dma_wait3A_223 = tpu.memref_slice %arg8[%dma_wait3A, %dma_wait3A_221, %dma_wait3A_222] : memref<2x128x128xf32, #tpu.memory_space<vmem>> -> memref<1x128x128xf32, #tpu.memory_space<vmem>>
        %dma_wait3A_224 = tpu.memref_squeeze %dma_wait3A_223 : memref<1x128x128xf32, #tpu.memory_space<vmem>> -> memref<128x128xf32, #tpu.memory_space<vmem>>
        %dma_wait3A_225 = arith.constant 0 : i32
        %dma_wait3A_226 = tpu.memref_slice %arg6[%sub3A_219, %dma_wait3A_225] : memref<79x128xi32, #tpu.memory_space<vmem>> -> memref<1x128xi32, #tpu.memory_space<vmem>>
        %dma_wait3A_227 = tpu.memref_squeeze %dma_wait3A_226 : memref<1x128xi32, #tpu.memory_space<vmem>> -> memref<128xi32, #tpu.memory_space<vmem>>
        %dma_wait3A_228 = arith.constant 0 : i32
        %dma_wait3A_229 = arith.constant 0 : i32
        %dma_wait3A_230 = tpu.memref_slice %arg9[%dma_wait3A_228, %dma_wait3A_229] : memref<10240x128xf32, #tpu.memory_space<vmem_shared>> -> memref<10240x128xf32, #tpu.memory_space<vmem_shared>>
        %dma_wait3A_231 = tpu.memref_slice %arg12[%dma_wait3A_220] : memref<2x!tpu.dma_semaphore, #tpu.memory_space<semaphore_mem>> -> memref<1x!tpu.dma_semaphore, #tpu.memory_space<semaphore_mem>>
        %dma_wait3A_232 = tpu.memref_squeeze %dma_wait3A_231 : memref<1x!tpu.dma_semaphore, #tpu.memory_space<semaphore_mem>> -> memref<!tpu.dma_semaphore, #tpu.memory_space<semaphore_mem>>
        tpu.wait_indirect_dma semaphore(%dma_wait3A_232 : memref<!tpu.dma_semaphore, #tpu.memory_space<semaphore_mem>>) src(%dma_wait3A_224 : memref<128x128xf32, #tpu.memory_space<vmem>>) dst(%dma_wait3A_230 : memref<10240x128xf32, #tpu.memory_space<vmem_shared>>)
      } else {
      }
      %lt3A_82 = arith.cmpi slt, %add3A_72, %add3A_9 : i32
      %convert_element_type3A_83 = arith.extui %lt3A_82 : i1 to i32
      %cond3A_84 = arith.constant 0 : i32
      %cond3A_85 = arith.cmpi ne, %convert_element_type3A_83, %cond3A_84 : i32
      scf.if %cond3A_85 {
        %add3A_219 = arith.addi %add3A_6, %add3A_72 : i32
        %dma_wait3A = arith.constant 0 : i32
        %dma_wait3A_220 = arith.constant 1 : i32
        %dma_wait3A_221 = arith.constant 1 : i32
        %dma_wait3A_222 = arith.constant 0 : i32
        %dma_wait3A_223 = tpu.memref_slice %arg7[%dma_wait3A_220, %dma_wait3A_222] : memref<3x128xi32, #tpu.memory_space<vmem>> -> memref<1x128xi32, #tpu.memory_space<vmem>>
        %dma_wait3A_224 = tpu.memref_squeeze %dma_wait3A_223 : memref<1x128xi32, #tpu.memory_space<vmem>> -> memref<128xi32, #tpu.memory_space<vmem>>
        %dma_wait3A_225 = arith.constant 0 : i32
        %dma_wait3A_226 = tpu.memref_slice %arg3[%dma_wait3A, %add3A_219, %dma_wait3A_225] : memref<2x2500x128xi32, #tpu.memory_space<hbm>> -> memref<1x1x128xi32, #tpu.memory_space<hbm>>
        %dma_wait3A_227 = tpu.memref_squeeze %dma_wait3A_226 : memref<1x1x128xi32, #tpu.memory_space<hbm>> -> memref<128xi32, #tpu.memory_space<hbm>>
        %dma_wait3A_228 = tpu.memref_slice %arg10[%dma_wait3A_221] : memref<3x!tpu.dma_semaphore, #tpu.memory_space<semaphore_mem>> -> memref<1x!tpu.dma_semaphore, #tpu.memory_space<semaphore_mem>>
        %dma_wait3A_229 = tpu.memref_squeeze %dma_wait3A_228 : memref<1x!tpu.dma_semaphore, #tpu.memory_space<semaphore_mem>> -> memref<!tpu.dma_semaphore, #tpu.memory_space<semaphore_mem>>
        %dma_wait3A_230 = arith.constant 0 : i32
        %dma_wait3A_231 = tpu.memref_slice %arg7[%dma_wait3A_220, %dma_wait3A_230] : memref<3x128xi32, #tpu.memory_space<vmem>> -> memref<1x128xi32, #tpu.memory_space<vmem>>
        %dma_wait3A_232 = tpu.memref_squeeze %dma_wait3A_231 : memref<1x128xi32, #tpu.memory_space<vmem>> -> memref<128xi32, #tpu.memory_space<vmem>>
        %dma_wait3A_233 = arith.constant 0 : i32
        %dma_wait3A_234 = tpu.memref_slice %arg3[%dma_wait3A, %add3A_219, %dma_wait3A_233] : memref<2x2500x128xi32, #tpu.memory_space<hbm>> -> memref<1x1x128xi32, #tpu.memory_space<hbm>>
        %dma_wait3A_235 = tpu.memref_squeeze %dma_wait3A_234 : memref<1x1x128xi32, #tpu.memory_space<hbm>> -> memref<128xi32, #tpu.memory_space<hbm>>
        tpu.wait_dma2 semaphore(%dma_wait3A_229 : memref<!tpu.dma_semaphore, #tpu.memory_space<semaphore_mem>>) src(%dma_wait3A_235 : memref<128xi32, #tpu.memory_space<hbm>>) dst(%dma_wait3A_232 : memref<128xi32, #tpu.memory_space<vmem>>)
        %dma_start3A_236 = arith.constant 1 : i32
        %dma_start3A_237 = arith.constant 1 : i32
        %dma_start3A_238 = arith.constant 1 : i32
        %dma_start3A_239 = arith.constant 0 : i32
        %dma_start3A_240 = arith.constant 0 : i32
        %dma_start3A_241 = tpu.memref_slice %arg8[%dma_start3A_237, %dma_start3A_239, %dma_start3A_240] : memref<2x128x128xf32, #tpu.memory_space<vmem>> -> memref<1x128x128xf32, #tpu.memory_space<vmem>>
        %dma_start3A_242 = tpu.memref_squeeze %dma_start3A_241 : memref<1x128x128xf32, #tpu.memory_space<vmem>> -> memref<128x128xf32, #tpu.memory_space<vmem>>
        %dma_start3A_243 = arith.constant 0 : i32
        %dma_start3A_244 = tpu.memref_slice %arg7[%dma_start3A_236, %dma_start3A_243] : memref<3x128xi32, #tpu.memory_space<vmem>> -> memref<1x128xi32, #tpu.memory_space<vmem>>
        %dma_start3A_245 = tpu.memref_squeeze %dma_start3A_244 : memref<1x128xi32, #tpu.memory_space<vmem>> -> memref<128xi32, #tpu.memory_space<vmem>>
        %dma_start3A_246 = arith.constant 0 : i32
        %dma_start3A_247 = arith.constant 0 : i32
        %dma_start3A_248 = tpu.memref_slice %arg2[%dma_start3A_246, %dma_start3A_247] : memref<10240x128xf32, #tpu.memory_space<hbm>> -> memref<10240x128xf32, #tpu.memory_space<hbm>>
        %dma_start3A_249 = tpu.memref_slice %arg11[%dma_start3A_238] : memref<2x!tpu.dma_semaphore, #tpu.memory_space<semaphore_mem>> -> memref<1x!tpu.dma_semaphore, #tpu.memory_space<semaphore_mem>>
        %dma_start3A_250 = tpu.memref_squeeze %dma_start3A_249 : memref<1x!tpu.dma_semaphore, #tpu.memory_space<semaphore_mem>> -> memref<!tpu.dma_semaphore, #tpu.memory_space<semaphore_mem>>
        tpu.enqueue_indirect_dma source(%dma_start3A_248 : memref<10240x128xf32, #tpu.memory_space<hbm>>) target(%dma_start3A_242 : memref<128x128xf32, #tpu.memory_space<vmem>>) offsets(%dma_start3A_245 : memref<128xi32, #tpu.memory_space<vmem>>) semaphore(%dma_start3A_250 : memref<!tpu.dma_semaphore, #tpu.memory_space<semaphore_mem>>)
      } else {
      }
      %ge3A_86 = arith.constant 1 : i32
      %ge3A_87 = arith.cmpi sge, %add3A_72, %ge3A_86 : i32
      %le3A_88 = arith.cmpi sle, %add3A_72, %add3A_9 : i32
      %and3A_89 = arith.andi %ge3A_87, %le3A_88 : i1
      %convert_element_type3A_90 = arith.extui %and3A_89 : i1 to i32
      %cond3A_91 = arith.constant 0 : i32
      %cond3A_92 = arith.cmpi ne, %convert_element_type3A_90, %cond3A_91 : i32
      scf.if %cond3A_92 {
        %dma_wait3A = arith.constant 0 : i32
        %dma_wait3A_219 = arith.constant 0 : i32
        %dma_wait3A_220 = arith.constant 0 : i32
        %dma_wait3A_221 = arith.constant 0 : i32
        %dma_wait3A_222 = arith.constant 0 : i32
        %dma_wait3A_223 = tpu.memref_slice %arg8[%dma_wait3A_219, %dma_wait3A_221, %dma_wait3A_222] : memref<2x128x128xf32, #tpu.memory_space<vmem>> -> memref<1x128x128xf32, #tpu.memory_space<vmem>>
        %dma_wait3A_224 = tpu.memref_squeeze %dma_wait3A_223 : memref<1x128x128xf32, #tpu.memory_space<vmem>> -> memref<128x128xf32, #tpu.memory_space<vmem>>
        %dma_wait3A_225 = arith.constant 0 : i32
        %dma_wait3A_226 = tpu.memref_slice %arg7[%dma_wait3A, %dma_wait3A_225] : memref<3x128xi32, #tpu.memory_space<vmem>> -> memref<1x128xi32, #tpu.memory_space<vmem>>
        %dma_wait3A_227 = tpu.memref_squeeze %dma_wait3A_226 : memref<1x128xi32, #tpu.memory_space<vmem>> -> memref<128xi32, #tpu.memory_space<vmem>>
        %dma_wait3A_228 = arith.constant 0 : i32
        %dma_wait3A_229 = arith.constant 0 : i32
        %dma_wait3A_230 = tpu.memref_slice %arg2[%dma_wait3A_228, %dma_wait3A_229] : memref<10240x128xf32, #tpu.memory_space<hbm>> -> memref<10240x128xf32, #tpu.memory_space<hbm>>
        %dma_wait3A_231 = tpu.memref_slice %arg11[%dma_wait3A_220] : memref<2x!tpu.dma_semaphore, #tpu.memory_space<semaphore_mem>> -> memref<1x!tpu.dma_semaphore, #tpu.memory_space<semaphore_mem>>
        %dma_wait3A_232 = tpu.memref_squeeze %dma_wait3A_231 : memref<1x!tpu.dma_semaphore, #tpu.memory_space<semaphore_mem>> -> memref<!tpu.dma_semaphore, #tpu.memory_space<semaphore_mem>>
        tpu.wait_indirect_dma semaphore(%dma_wait3A_232 : memref<!tpu.dma_semaphore, #tpu.memory_space<semaphore_mem>>) src(%dma_wait3A_230 : memref<10240x128xf32, #tpu.memory_space<hbm>>) dst(%dma_wait3A_224 : memref<128x128xf32, #tpu.memory_space<vmem>>)
        %sub3A = arith.constant 1 : i32
        %sub3A_233 = arith.subi %add3A_72, %sub3A : i32
        %dma_start3A_234 = arith.constant 0 : i32
        %dma_start3A_235 = arith.constant 0 : i32
        %dma_start3A_236 = arith.constant 0 : i32
        %dma_start3A_237 = arith.constant 0 : i32
        %dma_start3A_238 = tpu.memref_slice %arg8[%dma_start3A_234, %dma_start3A_236, %dma_start3A_237] : memref<2x128x128xf32, #tpu.memory_space<vmem>> -> memref<1x128x128xf32, #tpu.memory_space<vmem>>
        %dma_start3A_239 = tpu.memref_squeeze %dma_start3A_238 : memref<1x128x128xf32, #tpu.memory_space<vmem>> -> memref<128x128xf32, #tpu.memory_space<vmem>>
        %dma_start3A_240 = arith.constant 0 : i32
        %dma_start3A_241 = tpu.memref_slice %arg6[%sub3A_233, %dma_start3A_240] : memref<79x128xi32, #tpu.memory_space<vmem>> -> memref<1x128xi32, #tpu.memory_space<vmem>>
        %dma_start3A_242 = tpu.memref_squeeze %dma_start3A_241 : memref<1x128xi32, #tpu.memory_space<vmem>> -> memref<128xi32, #tpu.memory_space<vmem>>
        %dma_start3A_243 = arith.constant 0 : i32
        %dma_start3A_244 = arith.constant 0 : i32
        %dma_start3A_245 = tpu.memref_slice %arg9[%dma_start3A_243, %dma_start3A_244] : memref<10240x128xf32, #tpu.memory_space<vmem_shared>> -> memref<10240x128xf32, #tpu.memory_space<vmem_shared>>
        %dma_start3A_246 = tpu.memref_slice %arg12[%dma_start3A_235] : memref<2x!tpu.dma_semaphore, #tpu.memory_space<semaphore_mem>> -> memref<1x!tpu.dma_semaphore, #tpu.memory_space<semaphore_mem>>
        %dma_start3A_247 = tpu.memref_squeeze %dma_start3A_246 : memref<1x!tpu.dma_semaphore, #tpu.memory_space<semaphore_mem>> -> memref<!tpu.dma_semaphore, #tpu.memory_space<semaphore_mem>>
        tpu.enqueue_indirect_dma source(%dma_start3A_239 : memref<128x128xf32, #tpu.memory_space<vmem>>) target(%dma_start3A_245 : memref<10240x128xf32, #tpu.memory_space<vmem_shared>>) offsets(%dma_start3A_242 : memref<128xi32, #tpu.memory_space<vmem>>) semaphore(%dma_start3A_247 : memref<!tpu.dma_semaphore, #tpu.memory_space<semaphore_mem>>) {add = true}
      } else {
      }
      %add3A_93 = arith.constant 1 : i32
      %add3A_94 = arith.addi %add3A_72, %add3A_93 : i32
      %lt3A_95 = arith.cmpi slt, %add3A_94, %add3A_9 : i32
      %convert_element_type3A_96 = arith.extui %lt3A_95 : i1 to i32
      %cond3A_97 = arith.constant 0 : i32
      %cond3A_98 = arith.cmpi ne, %convert_element_type3A_96, %cond3A_97 : i32
      scf.if %cond3A_98 {
        %add3A_219 = arith.constant 1 : i32
        %add3A_220 = arith.addi %add3A_72, %add3A_219 : i32
        %add3A_221 = arith.addi %add3A_6, %add3A_220 : i32
        %dma_start3A_222 = arith.constant 0 : i32
        %dma_start3A_223 = arith.constant 2 : i32
        %dma_start3A_224 = arith.constant 2 : i32
        %dma_start3A_225 = arith.constant 0 : i32
        %dma_start3A_226 = tpu.memref_slice %arg7[%dma_start3A_223, %dma_start3A_225] : memref<3x128xi32, #tpu.memory_space<vmem>> -> memref<1x128xi32, #tpu.memory_space<vmem>>
        %dma_start3A_227 = tpu.memref_squeeze %dma_start3A_226 : memref<1x128xi32, #tpu.memory_space<vmem>> -> memref<128xi32, #tpu.memory_space<vmem>>
        %dma_start3A_228 = arith.constant 0 : i32
        %dma_start3A_229 = tpu.memref_slice %arg3[%dma_start3A_222, %add3A_221, %dma_start3A_228] : memref<2x2500x128xi32, #tpu.memory_space<hbm>> -> memref<1x1x128xi32, #tpu.memory_space<hbm>>
        %dma_start3A_230 = tpu.memref_squeeze %dma_start3A_229 : memref<1x1x128xi32, #tpu.memory_space<hbm>> -> memref<128xi32, #tpu.memory_space<hbm>>
        %dma_start3A_231 = tpu.memref_slice %arg10[%dma_start3A_224] : memref<3x!tpu.dma_semaphore, #tpu.memory_space<semaphore_mem>> -> memref<1x!tpu.dma_semaphore, #tpu.memory_space<semaphore_mem>>
        %dma_start3A_232 = tpu.memref_squeeze %dma_start3A_231 : memref<1x!tpu.dma_semaphore, #tpu.memory_space<semaphore_mem>> -> memref<!tpu.dma_semaphore, #tpu.memory_space<semaphore_mem>>
        %dma_start3A_233 = arith.constant 0 : i32
        %dma_start3A_234 = tpu.memref_slice %arg7[%dma_start3A_223, %dma_start3A_233] : memref<3x128xi32, #tpu.memory_space<vmem>> -> memref<1x128xi32, #tpu.memory_space<vmem>>
        %dma_start3A_235 = tpu.memref_squeeze %dma_start3A_234 : memref<1x128xi32, #tpu.memory_space<vmem>> -> memref<128xi32, #tpu.memory_space<vmem>>
        %dma_start3A_236 = arith.constant 0 : i32
        %dma_start3A_237 = tpu.memref_slice %arg3[%dma_start3A_222, %add3A_221, %dma_start3A_236] : memref<2x2500x128xi32, #tpu.memory_space<hbm>> -> memref<1x1x128xi32, #tpu.memory_space<hbm>>
        %dma_start3A_238 = tpu.memref_squeeze %dma_start3A_237 : memref<1x1x128xi32, #tpu.memory_space<hbm>> -> memref<128xi32, #tpu.memory_space<hbm>>
        tpu.enqueue_dma source(%dma_start3A_238 : memref<128xi32, #tpu.memory_space<hbm>>) target(%dma_start3A_235 : memref<128xi32, #tpu.memory_space<vmem>>) target_semaphore(%dma_start3A_232 : memref<!tpu.dma_semaphore, #tpu.memory_space<semaphore_mem>>)
      } else {
      }
      %mul3A_99 = arith.constant 6 : i32
      %mul3A_100 = arith.muli %scan3A_41, %mul3A_99 : i32
      %add3A_101 = arith.constant 2 : i32
      %add3A_102 = arith.addi %mul3A_100, %add3A_101 : i32
      %ge3A_103 = arith.constant 2 : i32
      %ge3A_104 = arith.cmpi sge, %add3A_102, %ge3A_103 : i32
      %add3A_105 = arith.constant 1 : i32
      %add3A_106 = arith.addi %add3A_9, %add3A_105 : i32
      %le3A_107 = arith.cmpi sle, %add3A_102, %add3A_106 : i32
      %and3A_108 = arith.andi %ge3A_104, %le3A_107 : i1
      %convert_element_type3A_109 = arith.extui %and3A_108 : i1 to i32
      %cond3A_110 = arith.constant 0 : i32
      %cond3A_111 = arith.cmpi ne, %convert_element_type3A_109, %cond3A_110 : i32
      scf.if %cond3A_111 {
        %sub3A = arith.constant 2 : i32
        %sub3A_219 = arith.subi %add3A_102, %sub3A : i32
        %dma_wait3A = arith.constant 0 : i32
        %dma_wait3A_220 = arith.constant 0 : i32
        %dma_wait3A_221 = arith.constant 0 : i32
        %dma_wait3A_222 = arith.constant 0 : i32
        %dma_wait3A_223 = tpu.memref_slice %arg8[%dma_wait3A, %dma_wait3A_221, %dma_wait3A_222] : memref<2x128x128xf32, #tpu.memory_space<vmem>> -> memref<1x128x128xf32, #tpu.memory_space<vmem>>
        %dma_wait3A_224 = tpu.memref_squeeze %dma_wait3A_223 : memref<1x128x128xf32, #tpu.memory_space<vmem>> -> memref<128x128xf32, #tpu.memory_space<vmem>>
        %dma_wait3A_225 = arith.constant 0 : i32
        %dma_wait3A_226 = tpu.memref_slice %arg6[%sub3A_219, %dma_wait3A_225] : memref<79x128xi32, #tpu.memory_space<vmem>> -> memref<1x128xi32, #tpu.memory_space<vmem>>
        %dma_wait3A_227 = tpu.memref_squeeze %dma_wait3A_226 : memref<1x128xi32, #tpu.memory_space<vmem>> -> memref<128xi32, #tpu.memory_space<vmem>>
        %dma_wait3A_228 = arith.constant 0 : i32
        %dma_wait3A_229 = arith.constant 0 : i32
        %dma_wait3A_230 = tpu.memref_slice %arg9[%dma_wait3A_228, %dma_wait3A_229] : memref<10240x128xf32, #tpu.memory_space<vmem_shared>> -> memref<10240x128xf32, #tpu.memory_space<vmem_shared>>
        %dma_wait3A_231 = tpu.memref_slice %arg12[%dma_wait3A_220] : memref<2x!tpu.dma_semaphore, #tpu.memory_space<semaphore_mem>> -> memref<1x!tpu.dma_semaphore, #tpu.memory_space<semaphore_mem>>
        %dma_wait3A_232 = tpu.memref_squeeze %dma_wait3A_231 : memref<1x!tpu.dma_semaphore, #tpu.memory_space<semaphore_mem>> -> memref<!tpu.dma_semaphore, #tpu.memory_space<semaphore_mem>>
        tpu.wait_indirect_dma semaphore(%dma_wait3A_232 : memref<!tpu.dma_semaphore, #tpu.memory_space<semaphore_mem>>) src(%dma_wait3A_224 : memref<128x128xf32, #tpu.memory_space<vmem>>) dst(%dma_wait3A_230 : memref<10240x128xf32, #tpu.memory_space<vmem_shared>>)
      } else {
      }
      %lt3A_112 = arith.cmpi slt, %add3A_102, %add3A_9 : i32
      %convert_element_type3A_113 = arith.extui %lt3A_112 : i1 to i32
      %cond3A_114 = arith.constant 0 : i32
      %cond3A_115 = arith.cmpi ne, %convert_element_type3A_113, %cond3A_114 : i32
      scf.if %cond3A_115 {
        %add3A_219 = arith.addi %add3A_6, %add3A_102 : i32
        %dma_wait3A = arith.constant 0 : i32
        %dma_wait3A_220 = arith.constant 2 : i32
        %dma_wait3A_221 = arith.constant 2 : i32
        %dma_wait3A_222 = arith.constant 0 : i32
        %dma_wait3A_223 = tpu.memref_slice %arg7[%dma_wait3A_220, %dma_wait3A_222] : memref<3x128xi32, #tpu.memory_space<vmem>> -> memref<1x128xi32, #tpu.memory_space<vmem>>
        %dma_wait3A_224 = tpu.memref_squeeze %dma_wait3A_223 : memref<1x128xi32, #tpu.memory_space<vmem>> -> memref<128xi32, #tpu.memory_space<vmem>>
        %dma_wait3A_225 = arith.constant 0 : i32
        %dma_wait3A_226 = tpu.memref_slice %arg3[%dma_wait3A, %add3A_219, %dma_wait3A_225] : memref<2x2500x128xi32, #tpu.memory_space<hbm>> -> memref<1x1x128xi32, #tpu.memory_space<hbm>>
        %dma_wait3A_227 = tpu.memref_squeeze %dma_wait3A_226 : memref<1x1x128xi32, #tpu.memory_space<hbm>> -> memref<128xi32, #tpu.memory_space<hbm>>
        %dma_wait3A_228 = tpu.memref_slice %arg10[%dma_wait3A_221] : memref<3x!tpu.dma_semaphore, #tpu.memory_space<semaphore_mem>> -> memref<1x!tpu.dma_semaphore, #tpu.memory_space<semaphore_mem>>
        %dma_wait3A_229 = tpu.memref_squeeze %dma_wait3A_228 : memref<1x!tpu.dma_semaphore, #tpu.memory_space<semaphore_mem>> -> memref<!tpu.dma_semaphore, #tpu.memory_space<semaphore_mem>>
        %dma_wait3A_230 = arith.constant 0 : i32
        %dma_wait3A_231 = tpu.memref_slice %arg7[%dma_wait3A_220, %dma_wait3A_230] : memref<3x128xi32, #tpu.memory_space<vmem>> -> memref<1x128xi32, #tpu.memory_space<vmem>>
        %dma_wait3A_232 = tpu.memref_squeeze %dma_wait3A_231 : memref<1x128xi32, #tpu.memory_space<vmem>> -> memref<128xi32, #tpu.memory_space<vmem>>
        %dma_wait3A_233 = arith.constant 0 : i32
        %dma_wait3A_234 = tpu.memref_slice %arg3[%dma_wait3A, %add3A_219, %dma_wait3A_233] : memref<2x2500x128xi32, #tpu.memory_space<hbm>> -> memref<1x1x128xi32, #tpu.memory_space<hbm>>
        %dma_wait3A_235 = tpu.memref_squeeze %dma_wait3A_234 : memref<1x1x128xi32, #tpu.memory_space<hbm>> -> memref<128xi32, #tpu.memory_space<hbm>>
        tpu.wait_dma2 semaphore(%dma_wait3A_229 : memref<!tpu.dma_semaphore, #tpu.memory_space<semaphore_mem>>) src(%dma_wait3A_235 : memref<128xi32, #tpu.memory_space<hbm>>) dst(%dma_wait3A_232 : memref<128xi32, #tpu.memory_space<vmem>>)
        %dma_start3A_236 = arith.constant 2 : i32
        %dma_start3A_237 = arith.constant 0 : i32
        %dma_start3A_238 = arith.constant 0 : i32
        %dma_start3A_239 = arith.constant 0 : i32
        %dma_start3A_240 = arith.constant 0 : i32
        %dma_start3A_241 = tpu.memref_slice %arg8[%dma_start3A_237, %dma_start3A_239, %dma_start3A_240] : memref<2x128x128xf32, #tpu.memory_space<vmem>> -> memref<1x128x128xf32, #tpu.memory_space<vmem>>
        %dma_start3A_242 = tpu.memref_squeeze %dma_start3A_241 : memref<1x128x128xf32, #tpu.memory_space<vmem>> -> memref<128x128xf32, #tpu.memory_space<vmem>>
        %dma_start3A_243 = arith.constant 0 : i32
        %dma_start3A_244 = tpu.memref_slice %arg7[%dma_start3A_236, %dma_start3A_243] : memref<3x128xi32, #tpu.memory_space<vmem>> -> memref<1x128xi32, #tpu.memory_space<vmem>>
        %dma_start3A_245 = tpu.memref_squeeze %dma_start3A_244 : memref<1x128xi32, #tpu.memory_space<vmem>> -> memref<128xi32, #tpu.memory_space<vmem>>
        %dma_start3A_246 = arith.constant 0 : i32
        %dma_start3A_247 = arith.constant 0 : i32
        %dma_start3A_248 = tpu.memref_slice %arg2[%dma_start3A_246, %dma_start3A_247] : memref<10240x128xf32, #tpu.memory_space<hbm>> -> memref<10240x128xf32, #tpu.memory_space<hbm>>
        %dma_start3A_249 = tpu.memref_slice %arg11[%dma_start3A_238] : memref<2x!tpu.dma_semaphore, #tpu.memory_space<semaphore_mem>> -> memref<1x!tpu.dma_semaphore, #tpu.memory_space<semaphore_mem>>
        %dma_start3A_250 = tpu.memref_squeeze %dma_start3A_249 : memref<1x!tpu.dma_semaphore, #tpu.memory_space<semaphore_mem>> -> memref<!tpu.dma_semaphore, #tpu.memory_space<semaphore_mem>>
        tpu.enqueue_indirect_dma source(%dma_start3A_248 : memref<10240x128xf32, #tpu.memory_space<hbm>>) target(%dma_start3A_242 : memref<128x128xf32, #tpu.memory_space<vmem>>) offsets(%dma_start3A_245 : memref<128xi32, #tpu.memory_space<vmem>>) semaphore(%dma_start3A_250 : memref<!tpu.dma_semaphore, #tpu.memory_space<semaphore_mem>>)
      } else {
      }
      %ge3A_116 = arith.constant 1 : i32
      %ge3A_117 = arith.cmpi sge, %add3A_102, %ge3A_116 : i32
      %le3A_118 = arith.cmpi sle, %add3A_102, %add3A_9 : i32
      %and3A_119 = arith.andi %ge3A_117, %le3A_118 : i1
      %convert_element_type3A_120 = arith.extui %and3A_119 : i1 to i32
      %cond3A_121 = arith.constant 0 : i32
      %cond3A_122 = arith.cmpi ne, %convert_element_type3A_120, %cond3A_121 : i32
      scf.if %cond3A_122 {
        %dma_wait3A = arith.constant 1 : i32
        %dma_wait3A_219 = arith.constant 1 : i32
        %dma_wait3A_220 = arith.constant 1 : i32
        %dma_wait3A_221 = arith.constant 0 : i32
        %dma_wait3A_222 = arith.constant 0 : i32
        %dma_wait3A_223 = tpu.memref_slice %arg8[%dma_wait3A_219, %dma_wait3A_221, %dma_wait3A_222] : memref<2x128x128xf32, #tpu.memory_space<vmem>> -> memref<1x128x128xf32, #tpu.memory_space<vmem>>
        %dma_wait3A_224 = tpu.memref_squeeze %dma_wait3A_223 : memref<1x128x128xf32, #tpu.memory_space<vmem>> -> memref<128x128xf32, #tpu.memory_space<vmem>>
        %dma_wait3A_225 = arith.constant 0 : i32
        %dma_wait3A_226 = tpu.memref_slice %arg7[%dma_wait3A, %dma_wait3A_225] : memref<3x128xi32, #tpu.memory_space<vmem>> -> memref<1x128xi32, #tpu.memory_space<vmem>>
        %dma_wait3A_227 = tpu.memref_squeeze %dma_wait3A_226 : memref<1x128xi32, #tpu.memory_space<vmem>> -> memref<128xi32, #tpu.memory_space<vmem>>
        %dma_wait3A_228 = arith.constant 0 : i32
        %dma_wait3A_229 = arith.constant 0 : i32
        %dma_wait3A_230 = tpu.memref_slice %arg2[%dma_wait3A_228, %dma_wait3A_229] : memref<10240x128xf32, #tpu.memory_space<hbm>> -> memref<10240x128xf32, #tpu.memory_space<hbm>>
        %dma_wait3A_231 = tpu.memref_slice %arg11[%dma_wait3A_220] : memref<2x!tpu.dma_semaphore, #tpu.memory_space<semaphore_mem>> -> memref<1x!tpu.dma_semaphore, #tpu.memory_space<semaphore_mem>>
        %dma_wait3A_232 = tpu.memref_squeeze %dma_wait3A_231 : memref<1x!tpu.dma_semaphore, #tpu.memory_space<semaphore_mem>> -> memref<!tpu.dma_semaphore, #tpu.memory_space<semaphore_mem>>
        tpu.wait_indirect_dma semaphore(%dma_wait3A_232 : memref<!tpu.dma_semaphore, #tpu.memory_space<semaphore_mem>>) src(%dma_wait3A_230 : memref<10240x128xf32, #tpu.memory_space<hbm>>) dst(%dma_wait3A_224 : memref<128x128xf32, #tpu.memory_space<vmem>>)
        %sub3A = arith.constant 1 : i32
        %sub3A_233 = arith.subi %add3A_102, %sub3A : i32
        %dma_start3A_234 = arith.constant 1 : i32
        %dma_start3A_235 = arith.constant 1 : i32
        %dma_start3A_236 = arith.constant 0 : i32
        %dma_start3A_237 = arith.constant 0 : i32
        %dma_start3A_238 = tpu.memref_slice %arg8[%dma_start3A_234, %dma_start3A_236, %dma_start3A_237] : memref<2x128x128xf32, #tpu.memory_space<vmem>> -> memref<1x128x128xf32, #tpu.memory_space<vmem>>
        %dma_start3A_239 = tpu.memref_squeeze %dma_start3A_238 : memref<1x128x128xf32, #tpu.memory_space<vmem>> -> memref<128x128xf32, #tpu.memory_space<vmem>>
        %dma_start3A_240 = arith.constant 0 : i32
        %dma_start3A_241 = tpu.memref_slice %arg6[%sub3A_233, %dma_start3A_240] : memref<79x128xi32, #tpu.memory_space<vmem>> -> memref<1x128xi32, #tpu.memory_space<vmem>>
        %dma_start3A_242 = tpu.memref_squeeze %dma_start3A_241 : memref<1x128xi32, #tpu.memory_space<vmem>> -> memref<128xi32, #tpu.memory_space<vmem>>
        %dma_start3A_243 = arith.constant 0 : i32
        %dma_start3A_244 = arith.constant 0 : i32
        %dma_start3A_245 = tpu.memref_slice %arg9[%dma_start3A_243, %dma_start3A_244] : memref<10240x128xf32, #tpu.memory_space<vmem_shared>> -> memref<10240x128xf32, #tpu.memory_space<vmem_shared>>
        %dma_start3A_246 = tpu.memref_slice %arg12[%dma_start3A_235] : memref<2x!tpu.dma_semaphore, #tpu.memory_space<semaphore_mem>> -> memref<1x!tpu.dma_semaphore, #tpu.memory_space<semaphore_mem>>
        %dma_start3A_247 = tpu.memref_squeeze %dma_start3A_246 : memref<1x!tpu.dma_semaphore, #tpu.memory_space<semaphore_mem>> -> memref<!tpu.dma_semaphore, #tpu.memory_space<semaphore_mem>>
        tpu.enqueue_indirect_dma source(%dma_start3A_239 : memref<128x128xf32, #tpu.memory_space<vmem>>) target(%dma_start3A_245 : memref<10240x128xf32, #tpu.memory_space<vmem_shared>>) offsets(%dma_start3A_242 : memref<128xi32, #tpu.memory_space<vmem>>) semaphore(%dma_start3A_247 : memref<!tpu.dma_semaphore, #tpu.memory_space<semaphore_mem>>) {add = true}
      } else {
      }
      %add3A_123 = arith.constant 1 : i32
      %add3A_124 = arith.addi %add3A_102, %add3A_123 : i32
      %lt3A_125 = arith.cmpi slt, %add3A_124, %add3A_9 : i32
      %convert_element_type3A_126 = arith.extui %lt3A_125 : i1 to i32
      %cond3A_127 = arith.constant 0 : i32
      %cond3A_128 = arith.cmpi ne, %convert_element_type3A_126, %cond3A_127 : i32
      scf.if %cond3A_128 {
        %add3A_219 = arith.constant 1 : i32
        %add3A_220 = arith.addi %add3A_102, %add3A_219 : i32
        %add3A_221 = arith.addi %add3A_6, %add3A_220 : i32
        %dma_start3A_222 = arith.constant 0 : i32
        %dma_start3A_223 = arith.constant 0 : i32
        %dma_start3A_224 = arith.constant 0 : i32
        %dma_start3A_225 = arith.constant 0 : i32
        %dma_start3A_226 = tpu.memref_slice %arg7[%dma_start3A_223, %dma_start3A_225] : memref<3x128xi32, #tpu.memory_space<vmem>> -> memref<1x128xi32, #tpu.memory_space<vmem>>
        %dma_start3A_227 = tpu.memref_squeeze %dma_start3A_226 : memref<1x128xi32, #tpu.memory_space<vmem>> -> memref<128xi32, #tpu.memory_space<vmem>>
        %dma_start3A_228 = arith.constant 0 : i32
        %dma_start3A_229 = tpu.memref_slice %arg3[%dma_start3A_222, %add3A_221, %dma_start3A_228] : memref<2x2500x128xi32, #tpu.memory_space<hbm>> -> memref<1x1x128xi32, #tpu.memory_space<hbm>>
        %dma_start3A_230 = tpu.memref_squeeze %dma_start3A_229 : memref<1x1x128xi32, #tpu.memory_space<hbm>> -> memref<128xi32, #tpu.memory_space<hbm>>
        %dma_start3A_231 = tpu.memref_slice %arg10[%dma_start3A_224] : memref<3x!tpu.dma_semaphore, #tpu.memory_space<semaphore_mem>> -> memref<1x!tpu.dma_semaphore, #tpu.memory_space<semaphore_mem>>
        %dma_start3A_232 = tpu.memref_squeeze %dma_start3A_231 : memref<1x!tpu.dma_semaphore, #tpu.memory_space<semaphore_mem>> -> memref<!tpu.dma_semaphore, #tpu.memory_space<semaphore_mem>>
        %dma_start3A_233 = arith.constant 0 : i32
        %dma_start3A_234 = tpu.memref_slice %arg7[%dma_start3A_223, %dma_start3A_233] : memref<3x128xi32, #tpu.memory_space<vmem>> -> memref<1x128xi32, #tpu.memory_space<vmem>>
        %dma_start3A_235 = tpu.memref_squeeze %dma_start3A_234 : memref<1x128xi32, #tpu.memory_space<vmem>> -> memref<128xi32, #tpu.memory_space<vmem>>
        %dma_start3A_236 = arith.constant 0 : i32
        %dma_start3A_237 = tpu.memref_slice %arg3[%dma_start3A_222, %add3A_221, %dma_start3A_236] : memref<2x2500x128xi32, #tpu.memory_space<hbm>> -> memref<1x1x128xi32, #tpu.memory_space<hbm>>
        %dma_start3A_238 = tpu.memref_squeeze %dma_start3A_237 : memref<1x1x128xi32, #tpu.memory_space<hbm>> -> memref<128xi32, #tpu.memory_space<hbm>>
        tpu.enqueue_dma source(%dma_start3A_238 : memref<128xi32, #tpu.memory_space<hbm>>) target(%dma_start3A_235 : memref<128xi32, #tpu.memory_space<vmem>>) target_semaphore(%dma_start3A_232 : memref<!tpu.dma_semaphore, #tpu.memory_space<semaphore_mem>>)
      } else {
      }
      %mul3A_129 = arith.constant 6 : i32
      %mul3A_130 = arith.muli %scan3A_41, %mul3A_129 : i32
      %add3A_131 = arith.constant 3 : i32
      %add3A_132 = arith.addi %mul3A_130, %add3A_131 : i32
      %ge3A_133 = arith.constant 2 : i32
      %ge3A_134 = arith.cmpi sge, %add3A_132, %ge3A_133 : i32
      %add3A_135 = arith.constant 1 : i32
      %add3A_136 = arith.addi %add3A_9, %add3A_135 : i32
      %le3A_137 = arith.cmpi sle, %add3A_132, %add3A_136 : i32
      %and3A_138 = arith.andi %ge3A_134, %le3A_137 : i1
      %convert_element_type3A_139 = arith.extui %and3A_138 : i1 to i32
      %cond3A_140 = arith.constant 0 : i32
      %cond3A_141 = arith.cmpi ne, %convert_element_type3A_139, %cond3A_140 : i32
      scf.if %cond3A_141 {
        %sub3A = arith.constant 2 : i32
        %sub3A_219 = arith.subi %add3A_132, %sub3A : i32
        %dma_wait3A = arith.constant 1 : i32
        %dma_wait3A_220 = arith.constant 1 : i32
        %dma_wait3A_221 = arith.constant 0 : i32
        %dma_wait3A_222 = arith.constant 0 : i32
        %dma_wait3A_223 = tpu.memref_slice %arg8[%dma_wait3A, %dma_wait3A_221, %dma_wait3A_222] : memref<2x128x128xf32, #tpu.memory_space<vmem>> -> memref<1x128x128xf32, #tpu.memory_space<vmem>>
        %dma_wait3A_224 = tpu.memref_squeeze %dma_wait3A_223 : memref<1x128x128xf32, #tpu.memory_space<vmem>> -> memref<128x128xf32, #tpu.memory_space<vmem>>
        %dma_wait3A_225 = arith.constant 0 : i32
        %dma_wait3A_226 = tpu.memref_slice %arg6[%sub3A_219, %dma_wait3A_225] : memref<79x128xi32, #tpu.memory_space<vmem>> -> memref<1x128xi32, #tpu.memory_space<vmem>>
        %dma_wait3A_227 = tpu.memref_squeeze %dma_wait3A_226 : memref<1x128xi32, #tpu.memory_space<vmem>> -> memref<128xi32, #tpu.memory_space<vmem>>
        %dma_wait3A_228 = arith.constant 0 : i32
        %dma_wait3A_229 = arith.constant 0 : i32
        %dma_wait3A_230 = tpu.memref_slice %arg9[%dma_wait3A_228, %dma_wait3A_229] : memref<10240x128xf32, #tpu.memory_space<vmem_shared>> -> memref<10240x128xf32, #tpu.memory_space<vmem_shared>>
        %dma_wait3A_231 = tpu.memref_slice %arg12[%dma_wait3A_220] : memref<2x!tpu.dma_semaphore, #tpu.memory_space<semaphore_mem>> -> memref<1x!tpu.dma_semaphore, #tpu.memory_space<semaphore_mem>>
        %dma_wait3A_232 = tpu.memref_squeeze %dma_wait3A_231 : memref<1x!tpu.dma_semaphore, #tpu.memory_space<semaphore_mem>> -> memref<!tpu.dma_semaphore, #tpu.memory_space<semaphore_mem>>
        tpu.wait_indirect_dma semaphore(%dma_wait3A_232 : memref<!tpu.dma_semaphore, #tpu.memory_space<semaphore_mem>>) src(%dma_wait3A_224 : memref<128x128xf32, #tpu.memory_space<vmem>>) dst(%dma_wait3A_230 : memref<10240x128xf32, #tpu.memory_space<vmem_shared>>)
      } else {
      }
      %lt3A_142 = arith.cmpi slt, %add3A_132, %add3A_9 : i32
      %convert_element_type3A_143 = arith.extui %lt3A_142 : i1 to i32
      %cond3A_144 = arith.constant 0 : i32
      %cond3A_145 = arith.cmpi ne, %convert_element_type3A_143, %cond3A_144 : i32
      scf.if %cond3A_145 {
        %add3A_219 = arith.addi %add3A_6, %add3A_132 : i32
        %dma_wait3A = arith.constant 0 : i32
        %dma_wait3A_220 = arith.constant 0 : i32
        %dma_wait3A_221 = arith.constant 0 : i32
        %dma_wait3A_222 = arith.constant 0 : i32
        %dma_wait3A_223 = tpu.memref_slice %arg7[%dma_wait3A_220, %dma_wait3A_222] : memref<3x128xi32, #tpu.memory_space<vmem>> -> memref<1x128xi32, #tpu.memory_space<vmem>>
        %dma_wait3A_224 = tpu.memref_squeeze %dma_wait3A_223 : memref<1x128xi32, #tpu.memory_space<vmem>> -> memref<128xi32, #tpu.memory_space<vmem>>
        %dma_wait3A_225 = arith.constant 0 : i32
        %dma_wait3A_226 = tpu.memref_slice %arg3[%dma_wait3A, %add3A_219, %dma_wait3A_225] : memref<2x2500x128xi32, #tpu.memory_space<hbm>> -> memref<1x1x128xi32, #tpu.memory_space<hbm>>
        %dma_wait3A_227 = tpu.memref_squeeze %dma_wait3A_226 : memref<1x1x128xi32, #tpu.memory_space<hbm>> -> memref<128xi32, #tpu.memory_space<hbm>>
        %dma_wait3A_228 = tpu.memref_slice %arg10[%dma_wait3A_221] : memref<3x!tpu.dma_semaphore, #tpu.memory_space<semaphore_mem>> -> memref<1x!tpu.dma_semaphore, #tpu.memory_space<semaphore_mem>>
        %dma_wait3A_229 = tpu.memref_squeeze %dma_wait3A_228 : memref<1x!tpu.dma_semaphore, #tpu.memory_space<semaphore_mem>> -> memref<!tpu.dma_semaphore, #tpu.memory_space<semaphore_mem>>
        %dma_wait3A_230 = arith.constant 0 : i32
        %dma_wait3A_231 = tpu.memref_slice %arg7[%dma_wait3A_220, %dma_wait3A_230] : memref<3x128xi32, #tpu.memory_space<vmem>> -> memref<1x128xi32, #tpu.memory_space<vmem>>
        %dma_wait3A_232 = tpu.memref_squeeze %dma_wait3A_231 : memref<1x128xi32, #tpu.memory_space<vmem>> -> memref<128xi32, #tpu.memory_space<vmem>>
        %dma_wait3A_233 = arith.constant 0 : i32
        %dma_wait3A_234 = tpu.memref_slice %arg3[%dma_wait3A, %add3A_219, %dma_wait3A_233] : memref<2x2500x128xi32, #tpu.memory_space<hbm>> -> memref<1x1x128xi32, #tpu.memory_space<hbm>>
        %dma_wait3A_235 = tpu.memref_squeeze %dma_wait3A_234 : memref<1x1x128xi32, #tpu.memory_space<hbm>> -> memref<128xi32, #tpu.memory_space<hbm>>
        tpu.wait_dma2 semaphore(%dma_wait3A_229 : memref<!tpu.dma_semaphore, #tpu.memory_space<semaphore_mem>>) src(%dma_wait3A_235 : memref<128xi32, #tpu.memory_space<hbm>>) dst(%dma_wait3A_232 : memref<128xi32, #tpu.memory_space<vmem>>)
        %dma_start3A_236 = arith.constant 0 : i32
        %dma_start3A_237 = arith.constant 1 : i32
        %dma_start3A_238 = arith.constant 1 : i32
        %dma_start3A_239 = arith.constant 0 : i32
        %dma_start3A_240 = arith.constant 0 : i32
        %dma_start3A_241 = tpu.memref_slice %arg8[%dma_start3A_237, %dma_start3A_239, %dma_start3A_240] : memref<2x128x128xf32, #tpu.memory_space<vmem>> -> memref<1x128x128xf32, #tpu.memory_space<vmem>>
        %dma_start3A_242 = tpu.memref_squeeze %dma_start3A_241 : memref<1x128x128xf32, #tpu.memory_space<vmem>> -> memref<128x128xf32, #tpu.memory_space<vmem>>
        %dma_start3A_243 = arith.constant 0 : i32
        %dma_start3A_244 = tpu.memref_slice %arg7[%dma_start3A_236, %dma_start3A_243] : memref<3x128xi32, #tpu.memory_space<vmem>> -> memref<1x128xi32, #tpu.memory_space<vmem>>
        %dma_start3A_245 = tpu.memref_squeeze %dma_start3A_244 : memref<1x128xi32, #tpu.memory_space<vmem>> -> memref<128xi32, #tpu.memory_space<vmem>>
        %dma_start3A_246 = arith.constant 0 : i32
        %dma_start3A_247 = arith.constant 0 : i32
        %dma_start3A_248 = tpu.memref_slice %arg2[%dma_start3A_246, %dma_start3A_247] : memref<10240x128xf32, #tpu.memory_space<hbm>> -> memref<10240x128xf32, #tpu.memory_space<hbm>>
        %dma_start3A_249 = tpu.memref_slice %arg11[%dma_start3A_238] : memref<2x!tpu.dma_semaphore, #tpu.memory_space<semaphore_mem>> -> memref<1x!tpu.dma_semaphore, #tpu.memory_space<semaphore_mem>>
        %dma_start3A_250 = tpu.memref_squeeze %dma_start3A_249 : memref<1x!tpu.dma_semaphore, #tpu.memory_space<semaphore_mem>> -> memref<!tpu.dma_semaphore, #tpu.memory_space<semaphore_mem>>
        tpu.enqueue_indirect_dma source(%dma_start3A_248 : memref<10240x128xf32, #tpu.memory_space<hbm>>) target(%dma_start3A_242 : memref<128x128xf32, #tpu.memory_space<vmem>>) offsets(%dma_start3A_245 : memref<128xi32, #tpu.memory_space<vmem>>) semaphore(%dma_start3A_250 : memref<!tpu.dma_semaphore, #tpu.memory_space<semaphore_mem>>)
      } else {
      }
      %ge3A_146 = arith.constant 1 : i32
      %ge3A_147 = arith.cmpi sge, %add3A_132, %ge3A_146 : i32
      %le3A_148 = arith.cmpi sle, %add3A_132, %add3A_9 : i32
      %and3A_149 = arith.andi %ge3A_147, %le3A_148 : i1
      %convert_element_type3A_150 = arith.extui %and3A_149 : i1 to i32
      %cond3A_151 = arith.constant 0 : i32
      %cond3A_152 = arith.cmpi ne, %convert_element_type3A_150, %cond3A_151 : i32
      scf.if %cond3A_152 {
        %dma_wait3A = arith.constant 2 : i32
        %dma_wait3A_219 = arith.constant 0 : i32
        %dma_wait3A_220 = arith.constant 0 : i32
        %dma_wait3A_221 = arith.constant 0 : i32
        %dma_wait3A_222 = arith.constant 0 : i32
        %dma_wait3A_223 = tpu.memref_slice %arg8[%dma_wait3A_219, %dma_wait3A_221, %dma_wait3A_222] : memref<2x128x128xf32, #tpu.memory_space<vmem>> -> memref<1x128x128xf32, #tpu.memory_space<vmem>>
        %dma_wait3A_224 = tpu.memref_squeeze %dma_wait3A_223 : memref<1x128x128xf32, #tpu.memory_space<vmem>> -> memref<128x128xf32, #tpu.memory_space<vmem>>
        %dma_wait3A_225 = arith.constant 0 : i32
        %dma_wait3A_226 = tpu.memref_slice %arg7[%dma_wait3A, %dma_wait3A_225] : memref<3x128xi32, #tpu.memory_space<vmem>> -> memref<1x128xi32, #tpu.memory_space<vmem>>
        %dma_wait3A_227 = tpu.memref_squeeze %dma_wait3A_226 : memref<1x128xi32, #tpu.memory_space<vmem>> -> memref<128xi32, #tpu.memory_space<vmem>>
        %dma_wait3A_228 = arith.constant 0 : i32
        %dma_wait3A_229 = arith.constant 0 : i32
        %dma_wait3A_230 = tpu.memref_slice %arg2[%dma_wait3A_228, %dma_wait3A_229] : memref<10240x128xf32, #tpu.memory_space<hbm>> -> memref<10240x128xf32, #tpu.memory_space<hbm>>
        %dma_wait3A_231 = tpu.memref_slice %arg11[%dma_wait3A_220] : memref<2x!tpu.dma_semaphore, #tpu.memory_space<semaphore_mem>> -> memref<1x!tpu.dma_semaphore, #tpu.memory_space<semaphore_mem>>
        %dma_wait3A_232 = tpu.memref_squeeze %dma_wait3A_231 : memref<1x!tpu.dma_semaphore, #tpu.memory_space<semaphore_mem>> -> memref<!tpu.dma_semaphore, #tpu.memory_space<semaphore_mem>>
        tpu.wait_indirect_dma semaphore(%dma_wait3A_232 : memref<!tpu.dma_semaphore, #tpu.memory_space<semaphore_mem>>) src(%dma_wait3A_230 : memref<10240x128xf32, #tpu.memory_space<hbm>>) dst(%dma_wait3A_224 : memref<128x128xf32, #tpu.memory_space<vmem>>)
        %sub3A = arith.constant 1 : i32
        %sub3A_233 = arith.subi %add3A_132, %sub3A : i32
        %dma_start3A_234 = arith.constant 0 : i32
        %dma_start3A_235 = arith.constant 0 : i32
        %dma_start3A_236 = arith.constant 0 : i32
        %dma_start3A_237 = arith.constant 0 : i32
        %dma_start3A_238 = tpu.memref_slice %arg8[%dma_start3A_234, %dma_start3A_236, %dma_start3A_237] : memref<2x128x128xf32, #tpu.memory_space<vmem>> -> memref<1x128x128xf32, #tpu.memory_space<vmem>>
        %dma_start3A_239 = tpu.memref_squeeze %dma_start3A_238 : memref<1x128x128xf32, #tpu.memory_space<vmem>> -> memref<128x128xf32, #tpu.memory_space<vmem>>
        %dma_start3A_240 = arith.constant 0 : i32
        %dma_start3A_241 = tpu.memref_slice %arg6[%sub3A_233, %dma_start3A_240] : memref<79x128xi32, #tpu.memory_space<vmem>> -> memref<1x128xi32, #tpu.memory_space<vmem>>
        %dma_start3A_242 = tpu.memref_squeeze %dma_start3A_241 : memref<1x128xi32, #tpu.memory_space<vmem>> -> memref<128xi32, #tpu.memory_space<vmem>>
        %dma_start3A_243 = arith.constant 0 : i32
        %dma_start3A_244 = arith.constant 0 : i32
        %dma_start3A_245 = tpu.memref_slice %arg9[%dma_start3A_243, %dma_start3A_244] : memref<10240x128xf32, #tpu.memory_space<vmem_shared>> -> memref<10240x128xf32, #tpu.memory_space<vmem_shared>>
        %dma_start3A_246 = tpu.memref_slice %arg12[%dma_start3A_235] : memref<2x!tpu.dma_semaphore, #tpu.memory_space<semaphore_mem>> -> memref<1x!tpu.dma_semaphore, #tpu.memory_space<semaphore_mem>>
        %dma_start3A_247 = tpu.memref_squeeze %dma_start3A_246 : memref<1x!tpu.dma_semaphore, #tpu.memory_space<semaphore_mem>> -> memref<!tpu.dma_semaphore, #tpu.memory_space<semaphore_mem>>
        tpu.enqueue_indirect_dma source(%dma_start3A_239 : memref<128x128xf32, #tpu.memory_space<vmem>>) target(%dma_start3A_245 : memref<10240x128xf32, #tpu.memory_space<vmem_shared>>) offsets(%dma_start3A_242 : memref<128xi32, #tpu.memory_space<vmem>>) semaphore(%dma_start3A_247 : memref<!tpu.dma_semaphore, #tpu.memory_space<semaphore_mem>>) {add = true}
      } else {
      }
      %add3A_153 = arith.constant 1 : i32
      %add3A_154 = arith.addi %add3A_132, %add3A_153 : i32
      %lt3A_155 = arith.cmpi slt, %add3A_154, %add3A_9 : i32
      %convert_element_type3A_156 = arith.extui %lt3A_155 : i1 to i32
      %cond3A_157 = arith.constant 0 : i32
      %cond3A_158 = arith.cmpi ne, %convert_element_type3A_156, %cond3A_157 : i32
      scf.if %cond3A_158 {
        %add3A_219 = arith.constant 1 : i32
        %add3A_220 = arith.addi %add3A_132, %add3A_219 : i32
        %add3A_221 = arith.addi %add3A_6, %add3A_220 : i32
        %dma_start3A_222 = arith.constant 0 : i32
        %dma_start3A_223 = arith.constant 1 : i32
        %dma_start3A_224 = arith.constant 1 : i32
        %dma_start3A_225 = arith.constant 0 : i32
        %dma_start3A_226 = tpu.memref_slice %arg7[%dma_start3A_223, %dma_start3A_225] : memref<3x128xi32, #tpu.memory_space<vmem>> -> memref<1x128xi32, #tpu.memory_space<vmem>>
        %dma_start3A_227 = tpu.memref_squeeze %dma_start3A_226 : memref<1x128xi32, #tpu.memory_space<vmem>> -> memref<128xi32, #tpu.memory_space<vmem>>
        %dma_start3A_228 = arith.constant 0 : i32
        %dma_start3A_229 = tpu.memref_slice %arg3[%dma_start3A_222, %add3A_221, %dma_start3A_228] : memref<2x2500x128xi32, #tpu.memory_space<hbm>> -> memref<1x1x128xi32, #tpu.memory_space<hbm>>
        %dma_start3A_230 = tpu.memref_squeeze %dma_start3A_229 : memref<1x1x128xi32, #tpu.memory_space<hbm>> -> memref<128xi32, #tpu.memory_space<hbm>>
        %dma_start3A_231 = tpu.memref_slice %arg10[%dma_start3A_224] : memref<3x!tpu.dma_semaphore, #tpu.memory_space<semaphore_mem>> -> memref<1x!tpu.dma_semaphore, #tpu.memory_space<semaphore_mem>>
        %dma_start3A_232 = tpu.memref_squeeze %dma_start3A_231 : memref<1x!tpu.dma_semaphore, #tpu.memory_space<semaphore_mem>> -> memref<!tpu.dma_semaphore, #tpu.memory_space<semaphore_mem>>
        %dma_start3A_233 = arith.constant 0 : i32
        %dma_start3A_234 = tpu.memref_slice %arg7[%dma_start3A_223, %dma_start3A_233] : memref<3x128xi32, #tpu.memory_space<vmem>> -> memref<1x128xi32, #tpu.memory_space<vmem>>
        %dma_start3A_235 = tpu.memref_squeeze %dma_start3A_234 : memref<1x128xi32, #tpu.memory_space<vmem>> -> memref<128xi32, #tpu.memory_space<vmem>>
        %dma_start3A_236 = arith.constant 0 : i32
        %dma_start3A_237 = tpu.memref_slice %arg3[%dma_start3A_222, %add3A_221, %dma_start3A_236] : memref<2x2500x128xi32, #tpu.memory_space<hbm>> -> memref<1x1x128xi32, #tpu.memory_space<hbm>>
        %dma_start3A_238 = tpu.memref_squeeze %dma_start3A_237 : memref<1x1x128xi32, #tpu.memory_space<hbm>> -> memref<128xi32, #tpu.memory_space<hbm>>
        tpu.enqueue_dma source(%dma_start3A_238 : memref<128xi32, #tpu.memory_space<hbm>>) target(%dma_start3A_235 : memref<128xi32, #tpu.memory_space<vmem>>) target_semaphore(%dma_start3A_232 : memref<!tpu.dma_semaphore, #tpu.memory_space<semaphore_mem>>)
      } else {
      }
      %mul3A_159 = arith.constant 6 : i32
      %mul3A_160 = arith.muli %scan3A_41, %mul3A_159 : i32
      %add3A_161 = arith.constant 4 : i32
      %add3A_162 = arith.addi %mul3A_160, %add3A_161 : i32
      %ge3A_163 = arith.constant 2 : i32
      %ge3A_164 = arith.cmpi sge, %add3A_162, %ge3A_163 : i32
      %add3A_165 = arith.constant 1 : i32
      %add3A_166 = arith.addi %add3A_9, %add3A_165 : i32
      %le3A_167 = arith.cmpi sle, %add3A_162, %add3A_166 : i32
      %and3A_168 = arith.andi %ge3A_164, %le3A_167 : i1
      %convert_element_type3A_169 = arith.extui %and3A_168 : i1 to i32
      %cond3A_170 = arith.constant 0 : i32
      %cond3A_171 = arith.cmpi ne, %convert_element_type3A_169, %cond3A_170 : i32
      scf.if %cond3A_171 {
        %sub3A = arith.constant 2 : i32
        %sub3A_219 = arith.subi %add3A_162, %sub3A : i32
        %dma_wait3A = arith.constant 0 : i32
        %dma_wait3A_220 = arith.constant 0 : i32
        %dma_wait3A_221 = arith.constant 0 : i32
        %dma_wait3A_222 = arith.constant 0 : i32
        %dma_wait3A_223 = tpu.memref_slice %arg8[%dma_wait3A, %dma_wait3A_221, %dma_wait3A_222] : memref<2x128x128xf32, #tpu.memory_space<vmem>> -> memref<1x128x128xf32, #tpu.memory_space<vmem>>
        %dma_wait3A_224 = tpu.memref_squeeze %dma_wait3A_223 : memref<1x128x128xf32, #tpu.memory_space<vmem>> -> memref<128x128xf32, #tpu.memory_space<vmem>>
        %dma_wait3A_225 = arith.constant 0 : i32
        %dma_wait3A_226 = tpu.memref_slice %arg6[%sub3A_219, %dma_wait3A_225] : memref<79x128xi32, #tpu.memory_space<vmem>> -> memref<1x128xi32, #tpu.memory_space<vmem>>
        %dma_wait3A_227 = tpu.memref_squeeze %dma_wait3A_226 : memref<1x128xi32, #tpu.memory_space<vmem>> -> memref<128xi32, #tpu.memory_space<vmem>>
        %dma_wait3A_228 = arith.constant 0 : i32
        %dma_wait3A_229 = arith.constant 0 : i32
        %dma_wait3A_230 = tpu.memref_slice %arg9[%dma_wait3A_228, %dma_wait3A_229] : memref<10240x128xf32, #tpu.memory_space<vmem_shared>> -> memref<10240x128xf32, #tpu.memory_space<vmem_shared>>
        %dma_wait3A_231 = tpu.memref_slice %arg12[%dma_wait3A_220] : memref<2x!tpu.dma_semaphore, #tpu.memory_space<semaphore_mem>> -> memref<1x!tpu.dma_semaphore, #tpu.memory_space<semaphore_mem>>
        %dma_wait3A_232 = tpu.memref_squeeze %dma_wait3A_231 : memref<1x!tpu.dma_semaphore, #tpu.memory_space<semaphore_mem>> -> memref<!tpu.dma_semaphore, #tpu.memory_space<semaphore_mem>>
        tpu.wait_indirect_dma semaphore(%dma_wait3A_232 : memref<!tpu.dma_semaphore, #tpu.memory_space<semaphore_mem>>) src(%dma_wait3A_224 : memref<128x128xf32, #tpu.memory_space<vmem>>) dst(%dma_wait3A_230 : memref<10240x128xf32, #tpu.memory_space<vmem_shared>>)
      } else {
      }
      %lt3A_172 = arith.cmpi slt, %add3A_162, %add3A_9 : i32
      %convert_element_type3A_173 = arith.extui %lt3A_172 : i1 to i32
      %cond3A_174 = arith.constant 0 : i32
      %cond3A_175 = arith.cmpi ne, %convert_element_type3A_173, %cond3A_174 : i32
      scf.if %cond3A_175 {
        %add3A_219 = arith.addi %add3A_6, %add3A_162 : i32
        %dma_wait3A = arith.constant 0 : i32
        %dma_wait3A_220 = arith.constant 1 : i32
        %dma_wait3A_221 = arith.constant 1 : i32
        %dma_wait3A_222 = arith.constant 0 : i32
        %dma_wait3A_223 = tpu.memref_slice %arg7[%dma_wait3A_220, %dma_wait3A_222] : memref<3x128xi32, #tpu.memory_space<vmem>> -> memref<1x128xi32, #tpu.memory_space<vmem>>
        %dma_wait3A_224 = tpu.memref_squeeze %dma_wait3A_223 : memref<1x128xi32, #tpu.memory_space<vmem>> -> memref<128xi32, #tpu.memory_space<vmem>>
        %dma_wait3A_225 = arith.constant 0 : i32
        %dma_wait3A_226 = tpu.memref_slice %arg3[%dma_wait3A, %add3A_219, %dma_wait3A_225] : memref<2x2500x128xi32, #tpu.memory_space<hbm>> -> memref<1x1x128xi32, #tpu.memory_space<hbm>>
        %dma_wait3A_227 = tpu.memref_squeeze %dma_wait3A_226 : memref<1x1x128xi32, #tpu.memory_space<hbm>> -> memref<128xi32, #tpu.memory_space<hbm>>
        %dma_wait3A_228 = tpu.memref_slice %arg10[%dma_wait3A_221] : memref<3x!tpu.dma_semaphore, #tpu.memory_space<semaphore_mem>> -> memref<1x!tpu.dma_semaphore, #tpu.memory_space<semaphore_mem>>
        %dma_wait3A_229 = tpu.memref_squeeze %dma_wait3A_228 : memref<1x!tpu.dma_semaphore, #tpu.memory_space<semaphore_mem>> -> memref<!tpu.dma_semaphore, #tpu.memory_space<semaphore_mem>>
        %dma_wait3A_230 = arith.constant 0 : i32
        %dma_wait3A_231 = tpu.memref_slice %arg7[%dma_wait3A_220, %dma_wait3A_230] : memref<3x128xi32, #tpu.memory_space<vmem>> -> memref<1x128xi32, #tpu.memory_space<vmem>>
        %dma_wait3A_232 = tpu.memref_squeeze %dma_wait3A_231 : memref<1x128xi32, #tpu.memory_space<vmem>> -> memref<128xi32, #tpu.memory_space<vmem>>
        %dma_wait3A_233 = arith.constant 0 : i32
        %dma_wait3A_234 = tpu.memref_slice %arg3[%dma_wait3A, %add3A_219, %dma_wait3A_233] : memref<2x2500x128xi32, #tpu.memory_space<hbm>> -> memref<1x1x128xi32, #tpu.memory_space<hbm>>
        %dma_wait3A_235 = tpu.memref_squeeze %dma_wait3A_234 : memref<1x1x128xi32, #tpu.memory_space<hbm>> -> memref<128xi32, #tpu.memory_space<hbm>>
        tpu.wait_dma2 semaphore(%dma_wait3A_229 : memref<!tpu.dma_semaphore, #tpu.memory_space<semaphore_mem>>) src(%dma_wait3A_235 : memref<128xi32, #tpu.memory_space<hbm>>) dst(%dma_wait3A_232 : memref<128xi32, #tpu.memory_space<vmem>>)
        %dma_start3A_236 = arith.constant 1 : i32
        %dma_start3A_237 = arith.constant 0 : i32
        %dma_start3A_238 = arith.constant 0 : i32
        %dma_start3A_239 = arith.constant 0 : i32
        %dma_start3A_240 = arith.constant 0 : i32
        %dma_start3A_241 = tpu.memref_slice %arg8[%dma_start3A_237, %dma_start3A_239, %dma_start3A_240] : memref<2x128x128xf32, #tpu.memory_space<vmem>> -> memref<1x128x128xf32, #tpu.memory_space<vmem>>
        %dma_start3A_242 = tpu.memref_squeeze %dma_start3A_241 : memref<1x128x128xf32, #tpu.memory_space<vmem>> -> memref<128x128xf32, #tpu.memory_space<vmem>>
        %dma_start3A_243 = arith.constant 0 : i32
        %dma_start3A_244 = tpu.memref_slice %arg7[%dma_start3A_236, %dma_start3A_243] : memref<3x128xi32, #tpu.memory_space<vmem>> -> memref<1x128xi32, #tpu.memory_space<vmem>>
        %dma_start3A_245 = tpu.memref_squeeze %dma_start3A_244 : memref<1x128xi32, #tpu.memory_space<vmem>> -> memref<128xi32, #tpu.memory_space<vmem>>
        %dma_start3A_246 = arith.constant 0 : i32
        %dma_start3A_247 = arith.constant 0 : i32
        %dma_start3A_248 = tpu.memref_slice %arg2[%dma_start3A_246, %dma_start3A_247] : memref<10240x128xf32, #tpu.memory_space<hbm>> -> memref<10240x128xf32, #tpu.memory_space<hbm>>
        %dma_start3A_249 = tpu.memref_slice %arg11[%dma_start3A_238] : memref<2x!tpu.dma_semaphore, #tpu.memory_space<semaphore_mem>> -> memref<1x!tpu.dma_semaphore, #tpu.memory_space<semaphore_mem>>
        %dma_start3A_250 = tpu.memref_squeeze %dma_start3A_249 : memref<1x!tpu.dma_semaphore, #tpu.memory_space<semaphore_mem>> -> memref<!tpu.dma_semaphore, #tpu.memory_space<semaphore_mem>>
        tpu.enqueue_indirect_dma source(%dma_start3A_248 : memref<10240x128xf32, #tpu.memory_space<hbm>>) target(%dma_start3A_242 : memref<128x128xf32, #tpu.memory_space<vmem>>) offsets(%dma_start3A_245 : memref<128xi32, #tpu.memory_space<vmem>>) semaphore(%dma_start3A_250 : memref<!tpu.dma_semaphore, #tpu.memory_space<semaphore_mem>>)
      } else {
      }
      %ge3A_176 = arith.constant 1 : i32
      %ge3A_177 = arith.cmpi sge, %add3A_162, %ge3A_176 : i32
      %le3A_178 = arith.cmpi sle, %add3A_162, %add3A_9 : i32
      %and3A_179 = arith.andi %ge3A_177, %le3A_178 : i1
      %convert_element_type3A_180 = arith.extui %and3A_179 : i1 to i32
      %cond3A_181 = arith.constant 0 : i32
      %cond3A_182 = arith.cmpi ne, %convert_element_type3A_180, %cond3A_181 : i32
      scf.if %cond3A_182 {
        %dma_wait3A = arith.constant 0 : i32
        %dma_wait3A_219 = arith.constant 1 : i32
        %dma_wait3A_220 = arith.constant 1 : i32
        %dma_wait3A_221 = arith.constant 0 : i32
        %dma_wait3A_222 = arith.constant 0 : i32
        %dma_wait3A_223 = tpu.memref_slice %arg8[%dma_wait3A_219, %dma_wait3A_221, %dma_wait3A_222] : memref<2x128x128xf32, #tpu.memory_space<vmem>> -> memref<1x128x128xf32, #tpu.memory_space<vmem>>
        %dma_wait3A_224 = tpu.memref_squeeze %dma_wait3A_223 : memref<1x128x128xf32, #tpu.memory_space<vmem>> -> memref<128x128xf32, #tpu.memory_space<vmem>>
        %dma_wait3A_225 = arith.constant 0 : i32
        %dma_wait3A_226 = tpu.memref_slice %arg7[%dma_wait3A, %dma_wait3A_225] : memref<3x128xi32, #tpu.memory_space<vmem>> -> memref<1x128xi32, #tpu.memory_space<vmem>>
        %dma_wait3A_227 = tpu.memref_squeeze %dma_wait3A_226 : memref<1x128xi32, #tpu.memory_space<vmem>> -> memref<128xi32, #tpu.memory_space<vmem>>
        %dma_wait3A_228 = arith.constant 0 : i32
        %dma_wait3A_229 = arith.constant 0 : i32
        %dma_wait3A_230 = tpu.memref_slice %arg2[%dma_wait3A_228, %dma_wait3A_229] : memref<10240x128xf32, #tpu.memory_space<hbm>> -> memref<10240x128xf32, #tpu.memory_space<hbm>>
        %dma_wait3A_231 = tpu.memref_slice %arg11[%dma_wait3A_220] : memref<2x!tpu.dma_semaphore, #tpu.memory_space<semaphore_mem>> -> memref<1x!tpu.dma_semaphore, #tpu.memory_space<semaphore_mem>>
        %dma_wait3A_232 = tpu.memref_squeeze %dma_wait3A_231 : memref<1x!tpu.dma_semaphore, #tpu.memory_space<semaphore_mem>> -> memref<!tpu.dma_semaphore, #tpu.memory_space<semaphore_mem>>
        tpu.wait_indirect_dma semaphore(%dma_wait3A_232 : memref<!tpu.dma_semaphore, #tpu.memory_space<semaphore_mem>>) src(%dma_wait3A_230 : memref<10240x128xf32, #tpu.memory_space<hbm>>) dst(%dma_wait3A_224 : memref<128x128xf32, #tpu.memory_space<vmem>>)
        %sub3A = arith.constant 1 : i32
        %sub3A_233 = arith.subi %add3A_162, %sub3A : i32
        %dma_start3A_234 = arith.constant 1 : i32
        %dma_start3A_235 = arith.constant 1 : i32
        %dma_start3A_236 = arith.constant 0 : i32
        %dma_start3A_237 = arith.constant 0 : i32
        %dma_start3A_238 = tpu.memref_slice %arg8[%dma_start3A_234, %dma_start3A_236, %dma_start3A_237] : memref<2x128x128xf32, #tpu.memory_space<vmem>> -> memref<1x128x128xf32, #tpu.memory_space<vmem>>
        %dma_start3A_239 = tpu.memref_squeeze %dma_start3A_238 : memref<1x128x128xf32, #tpu.memory_space<vmem>> -> memref<128x128xf32, #tpu.memory_space<vmem>>
        %dma_start3A_240 = arith.constant 0 : i32
        %dma_start3A_241 = tpu.memref_slice %arg6[%sub3A_233, %dma_start3A_240] : memref<79x128xi32, #tpu.memory_space<vmem>> -> memref<1x128xi32, #tpu.memory_space<vmem>>
        %dma_start3A_242 = tpu.memref_squeeze %dma_start3A_241 : memref<1x128xi32, #tpu.memory_space<vmem>> -> memref<128xi32, #tpu.memory_space<vmem>>
        %dma_start3A_243 = arith.constant 0 : i32
        %dma_start3A_244 = arith.constant 0 : i32
        %dma_start3A_245 = tpu.memref_slice %arg9[%dma_start3A_243, %dma_start3A_244] : memref<10240x128xf32, #tpu.memory_space<vmem_shared>> -> memref<10240x128xf32, #tpu.memory_space<vmem_shared>>
        %dma_start3A_246 = tpu.memref_slice %arg12[%dma_start3A_235] : memref<2x!tpu.dma_semaphore, #tpu.memory_space<semaphore_mem>> -> memref<1x!tpu.dma_semaphore, #tpu.memory_space<semaphore_mem>>
        %dma_start3A_247 = tpu.memref_squeeze %dma_start3A_246 : memref<1x!tpu.dma_semaphore, #tpu.memory_space<semaphore_mem>> -> memref<!tpu.dma_semaphore, #tpu.memory_space<semaphore_mem>>
        tpu.enqueue_indirect_dma source(%dma_start3A_239 : memref<128x128xf32, #tpu.memory_space<vmem>>) target(%dma_start3A_245 : memref<10240x128xf32, #tpu.memory_space<vmem_shared>>) offsets(%dma_start3A_242 : memref<128xi32, #tpu.memory_space<vmem>>) semaphore(%dma_start3A_247 : memref<!tpu.dma_semaphore, #tpu.memory_space<semaphore_mem>>) {add = true}
      } else {
      }
      %add3A_183 = arith.constant 1 : i32
      %add3A_184 = arith.addi %add3A_162, %add3A_183 : i32
      %lt3A_185 = arith.cmpi slt, %add3A_184, %add3A_9 : i32
      %convert_element_type3A_186 = arith.extui %lt3A_185 : i1 to i32
      %cond3A_187 = arith.constant 0 : i32
      %cond3A_188 = arith.cmpi ne, %convert_element_type3A_186, %cond3A_187 : i32
      scf.if %cond3A_188 {
        %add3A_219 = arith.constant 1 : i32
        %add3A_220 = arith.addi %add3A_162, %add3A_219 : i32
        %add3A_221 = arith.addi %add3A_6, %add3A_220 : i32
        %dma_start3A_222 = arith.constant 0 : i32
        %dma_start3A_223 = arith.constant 2 : i32
        %dma_start3A_224 = arith.constant 2 : i32
        %dma_start3A_225 = arith.constant 0 : i32
        %dma_start3A_226 = tpu.memref_slice %arg7[%dma_start3A_223, %dma_start3A_225] : memref<3x128xi32, #tpu.memory_space<vmem>> -> memref<1x128xi32, #tpu.memory_space<vmem>>
        %dma_start3A_227 = tpu.memref_squeeze %dma_start3A_226 : memref<1x128xi32, #tpu.memory_space<vmem>> -> memref<128xi32, #tpu.memory_space<vmem>>
        %dma_start3A_228 = arith.constant 0 : i32
        %dma_start3A_229 = tpu.memref_slice %arg3[%dma_start3A_222, %add3A_221, %dma_start3A_228] : memref<2x2500x128xi32, #tpu.memory_space<hbm>> -> memref<1x1x128xi32, #tpu.memory_space<hbm>>
        %dma_start3A_230 = tpu.memref_squeeze %dma_start3A_229 : memref<1x1x128xi32, #tpu.memory_space<hbm>> -> memref<128xi32, #tpu.memory_space<hbm>>
        %dma_start3A_231 = tpu.memref_slice %arg10[%dma_start3A_224] : memref<3x!tpu.dma_semaphore, #tpu.memory_space<semaphore_mem>> -> memref<1x!tpu.dma_semaphore, #tpu.memory_space<semaphore_mem>>
        %dma_start3A_232 = tpu.memref_squeeze %dma_start3A_231 : memref<1x!tpu.dma_semaphore, #tpu.memory_space<semaphore_mem>> -> memref<!tpu.dma_semaphore, #tpu.memory_space<semaphore_mem>>
        %dma_start3A_233 = arith.constant 0 : i32
        %dma_start3A_234 = tpu.memref_slice %arg7[%dma_start3A_223, %dma_start3A_233] : memref<3x128xi32, #tpu.memory_space<vmem>> -> memref<1x128xi32, #tpu.memory_space<vmem>>
        %dma_start3A_235 = tpu.memref_squeeze %dma_start3A_234 : memref<1x128xi32, #tpu.memory_space<vmem>> -> memref<128xi32, #tpu.memory_space<vmem>>
        %dma_start3A_236 = arith.constant 0 : i32
        %dma_start3A_237 = tpu.memref_slice %arg3[%dma_start3A_222, %add3A_221, %dma_start3A_236] : memref<2x2500x128xi32, #tpu.memory_space<hbm>> -> memref<1x1x128xi32, #tpu.memory_space<hbm>>
        %dma_start3A_238 = tpu.memref_squeeze %dma_start3A_237 : memref<1x1x128xi32, #tpu.memory_space<hbm>> -> memref<128xi32, #tpu.memory_space<hbm>>
        tpu.enqueue_dma source(%dma_start3A_238 : memref<128xi32, #tpu.memory_space<hbm>>) target(%dma_start3A_235 : memref<128xi32, #tpu.memory_space<vmem>>) target_semaphore(%dma_start3A_232 : memref<!tpu.dma_semaphore, #tpu.memory_space<semaphore_mem>>)
      } else {
      }
      %mul3A_189 = arith.constant 6 : i32
      %mul3A_190 = arith.muli %scan3A_41, %mul3A_189 : i32
      %add3A_191 = arith.constant 5 : i32
      %add3A_192 = arith.addi %mul3A_190, %add3A_191 : i32
      %ge3A_193 = arith.constant 2 : i32
      %ge3A_194 = arith.cmpi sge, %add3A_192, %ge3A_193 : i32
      %add3A_195 = arith.constant 1 : i32
      %add3A_196 = arith.addi %add3A_9, %add3A_195 : i32
      %le3A_197 = arith.cmpi sle, %add3A_192, %add3A_196 : i32
      %and3A_198 = arith.andi %ge3A_194, %le3A_197 : i1
      %convert_element_type3A_199 = arith.extui %and3A_198 : i1 to i32
      %cond3A_200 = arith.constant 0 : i32
      %cond3A_201 = arith.cmpi ne, %convert_element_type3A_199, %cond3A_200 : i32
      scf.if %cond3A_201 {
        %sub3A = arith.constant 2 : i32
        %sub3A_219 = arith.subi %add3A_192, %sub3A : i32
        %dma_wait3A = arith.constant 1 : i32
        %dma_wait3A_220 = arith.constant 1 : i32
        %dma_wait3A_221 = arith.constant 0 : i32
        %dma_wait3A_222 = arith.constant 0 : i32
        %dma_wait3A_223 = tpu.memref_slice %arg8[%dma_wait3A, %dma_wait3A_221, %dma_wait3A_222] : memref<2x128x128xf32, #tpu.memory_space<vmem>> -> memref<1x128x128xf32, #tpu.memory_space<vmem>>
        %dma_wait3A_224 = tpu.memref_squeeze %dma_wait3A_223 : memref<1x128x128xf32, #tpu.memory_space<vmem>> -> memref<128x128xf32, #tpu.memory_space<vmem>>
        %dma_wait3A_225 = arith.constant 0 : i32
        %dma_wait3A_226 = tpu.memref_slice %arg6[%sub3A_219, %dma_wait3A_225] : memref<79x128xi32, #tpu.memory_space<vmem>> -> memref<1x128xi32, #tpu.memory_space<vmem>>
        %dma_wait3A_227 = tpu.memref_squeeze %dma_wait3A_226 : memref<1x128xi32, #tpu.memory_space<vmem>> -> memref<128xi32, #tpu.memory_space<vmem>>
        %dma_wait3A_228 = arith.constant 0 : i32
        %dma_wait3A_229 = arith.constant 0 : i32
        %dma_wait3A_230 = tpu.memref_slice %arg9[%dma_wait3A_228, %dma_wait3A_229] : memref<10240x128xf32, #tpu.memory_space<vmem_shared>> -> memref<10240x128xf32, #tpu.memory_space<vmem_shared>>
        %dma_wait3A_231 = tpu.memref_slice %arg12[%dma_wait3A_220] : memref<2x!tpu.dma_semaphore, #tpu.memory_space<semaphore_mem>> -> memref<1x!tpu.dma_semaphore, #tpu.memory_space<semaphore_mem>>
        %dma_wait3A_232 = tpu.memref_squeeze %dma_wait3A_231 : memref<1x!tpu.dma_semaphore, #tpu.memory_space<semaphore_mem>> -> memref<!tpu.dma_semaphore, #tpu.memory_space<semaphore_mem>>
        tpu.wait_indirect_dma semaphore(%dma_wait3A_232 : memref<!tpu.dma_semaphore, #tpu.memory_space<semaphore_mem>>) src(%dma_wait3A_224 : memref<128x128xf32, #tpu.memory_space<vmem>>) dst(%dma_wait3A_230 : memref<10240x128xf32, #tpu.memory_space<vmem_shared>>)
      } else {
      }
      %lt3A_202 = arith.cmpi slt, %add3A_192, %add3A_9 : i32
      %convert_element_type3A_203 = arith.extui %lt3A_202 : i1 to i32
      %cond3A_204 = arith.constant 0 : i32
      %cond3A_205 = arith.cmpi ne, %convert_element_type3A_203, %cond3A_204 : i32
      scf.if %cond3A_205 {
        %add3A_219 = arith.addi %add3A_6, %add3A_192 : i32
        %dma_wait3A = arith.constant 0 : i32
        %dma_wait3A_220 = arith.constant 2 : i32
        %dma_wait3A_221 = arith.constant 2 : i32
        %dma_wait3A_222 = arith.constant 0 : i32
        %dma_wait3A_223 = tpu.memref_slice %arg7[%dma_wait3A_220, %dma_wait3A_222] : memref<3x128xi32, #tpu.memory_space<vmem>> -> memref<1x128xi32, #tpu.memory_space<vmem>>
        %dma_wait3A_224 = tpu.memref_squeeze %dma_wait3A_223 : memref<1x128xi32, #tpu.memory_space<vmem>> -> memref<128xi32, #tpu.memory_space<vmem>>
        %dma_wait3A_225 = arith.constant 0 : i32
        %dma_wait3A_226 = tpu.memref_slice %arg3[%dma_wait3A, %add3A_219, %dma_wait3A_225] : memref<2x2500x128xi32, #tpu.memory_space<hbm>> -> memref<1x1x128xi32, #tpu.memory_space<hbm>>
        %dma_wait3A_227 = tpu.memref_squeeze %dma_wait3A_226 : memref<1x1x128xi32, #tpu.memory_space<hbm>> -> memref<128xi32, #tpu.memory_space<hbm>>
        %dma_wait3A_228 = tpu.memref_slice %arg10[%dma_wait3A_221] : memref<3x!tpu.dma_semaphore, #tpu.memory_space<semaphore_mem>> -> memref<1x!tpu.dma_semaphore, #tpu.memory_space<semaphore_mem>>
        %dma_wait3A_229 = tpu.memref_squeeze %dma_wait3A_228 : memref<1x!tpu.dma_semaphore, #tpu.memory_space<semaphore_mem>> -> memref<!tpu.dma_semaphore, #tpu.memory_space<semaphore_mem>>
        %dma_wait3A_230 = arith.constant 0 : i32
        %dma_wait3A_231 = tpu.memref_slice %arg7[%dma_wait3A_220, %dma_wait3A_230] : memref<3x128xi32, #tpu.memory_space<vmem>> -> memref<1x128xi32, #tpu.memory_space<vmem>>
        %dma_wait3A_232 = tpu.memref_squeeze %dma_wait3A_231 : memref<1x128xi32, #tpu.memory_space<vmem>> -> memref<128xi32, #tpu.memory_space<vmem>>
        %dma_wait3A_233 = arith.constant 0 : i32
        %dma_wait3A_234 = tpu.memref_slice %arg3[%dma_wait3A, %add3A_219, %dma_wait3A_233] : memref<2x2500x128xi32, #tpu.memory_space<hbm>> -> memref<1x1x128xi32, #tpu.memory_space<hbm>>
        %dma_wait3A_235 = tpu.memref_squeeze %dma_wait3A_234 : memref<1x1x128xi32, #tpu.memory_space<hbm>> -> memref<128xi32, #tpu.memory_space<hbm>>
        tpu.wait_dma2 semaphore(%dma_wait3A_229 : memref<!tpu.dma_semaphore, #tpu.memory_space<semaphore_mem>>) src(%dma_wait3A_235 : memref<128xi32, #tpu.memory_space<hbm>>) dst(%dma_wait3A_232 : memref<128xi32, #tpu.memory_space<vmem>>)
        %dma_start3A_236 = arith.constant 2 : i32
        %dma_start3A_237 = arith.constant 1 : i32
        %dma_start3A_238 = arith.constant 1 : i32
        %dma_start3A_239 = arith.constant 0 : i32
        %dma_start3A_240 = arith.constant 0 : i32
        %dma_start3A_241 = tpu.memref_slice %arg8[%dma_start3A_237, %dma_start3A_239, %dma_start3A_240] : memref<2x128x128xf32, #tpu.memory_space<vmem>> -> memref<1x128x128xf32, #tpu.memory_space<vmem>>
        %dma_start3A_242 = tpu.memref_squeeze %dma_start3A_241 : memref<1x128x128xf32, #tpu.memory_space<vmem>> -> memref<128x128xf32, #tpu.memory_space<vmem>>
        %dma_start3A_243 = arith.constant 0 : i32
        %dma_start3A_244 = tpu.memref_slice %arg7[%dma_start3A_236, %dma_start3A_243] : memref<3x128xi32, #tpu.memory_space<vmem>> -> memref<1x128xi32, #tpu.memory_space<vmem>>
        %dma_start3A_245 = tpu.memref_squeeze %dma_start3A_244 : memref<1x128xi32, #tpu.memory_space<vmem>> -> memref<128xi32, #tpu.memory_space<vmem>>
        %dma_start3A_246 = arith.constant 0 : i32
        %dma_start3A_247 = arith.constant 0 : i32
        %dma_start3A_248 = tpu.memref_slice %arg2[%dma_start3A_246, %dma_start3A_247] : memref<10240x128xf32, #tpu.memory_space<hbm>> -> memref<10240x128xf32, #tpu.memory_space<hbm>>
        %dma_start3A_249 = tpu.memref_slice %arg11[%dma_start3A_238] : memref<2x!tpu.dma_semaphore, #tpu.memory_space<semaphore_mem>> -> memref<1x!tpu.dma_semaphore, #tpu.memory_space<semaphore_mem>>
        %dma_start3A_250 = tpu.memref_squeeze %dma_start3A_249 : memref<1x!tpu.dma_semaphore, #tpu.memory_space<semaphore_mem>> -> memref<!tpu.dma_semaphore, #tpu.memory_space<semaphore_mem>>
        tpu.enqueue_indirect_dma source(%dma_start3A_248 : memref<10240x128xf32, #tpu.memory_space<hbm>>) target(%dma_start3A_242 : memref<128x128xf32, #tpu.memory_space<vmem>>) offsets(%dma_start3A_245 : memref<128xi32, #tpu.memory_space<vmem>>) semaphore(%dma_start3A_250 : memref<!tpu.dma_semaphore, #tpu.memory_space<semaphore_mem>>)
      } else {
      }
      %ge3A_206 = arith.constant 1 : i32
      %ge3A_207 = arith.cmpi sge, %add3A_192, %ge3A_206 : i32
      %le3A_208 = arith.cmpi sle, %add3A_192, %add3A_9 : i32
      %and3A_209 = arith.andi %ge3A_207, %le3A_208 : i1
      %convert_element_type3A_210 = arith.extui %and3A_209 : i1 to i32
      %cond3A_211 = arith.constant 0 : i32
      %cond3A_212 = arith.cmpi ne, %convert_element_type3A_210, %cond3A_211 : i32
      scf.if %cond3A_212 {
        %dma_wait3A = arith.constant 1 : i32
        %dma_wait3A_219 = arith.constant 0 : i32
        %dma_wait3A_220 = arith.constant 0 : i32
        %dma_wait3A_221 = arith.constant 0 : i32
        %dma_wait3A_222 = arith.constant 0 : i32
        %dma_wait3A_223 = tpu.memref_slice %arg8[%dma_wait3A_219, %dma_wait3A_221, %dma_wait3A_222] : memref<2x128x128xf32, #tpu.memory_space<vmem>> -> memref<1x128x128xf32, #tpu.memory_space<vmem>>
        %dma_wait3A_224 = tpu.memref_squeeze %dma_wait3A_223 : memref<1x128x128xf32, #tpu.memory_space<vmem>> -> memref<128x128xf32, #tpu.memory_space<vmem>>
        %dma_wait3A_225 = arith.constant 0 : i32
        %dma_wait3A_226 = tpu.memref_slice %arg7[%dma_wait3A, %dma_wait3A_225] : memref<3x128xi32, #tpu.memory_space<vmem>> -> memref<1x128xi32, #tpu.memory_space<vmem>>
        %dma_wait3A_227 = tpu.memref_squeeze %dma_wait3A_226 : memref<1x128xi32, #tpu.memory_space<vmem>> -> memref<128xi32, #tpu.memory_space<vmem>>
        %dma_wait3A_228 = arith.constant 0 : i32
        %dma_wait3A_229 = arith.constant 0 : i32
        %dma_wait3A_230 = tpu.memref_slice %arg2[%dma_wait3A_228, %dma_wait3A_229] : memref<10240x128xf32, #tpu.memory_space<hbm>> -> memref<10240x128xf32, #tpu.memory_space<hbm>>
        %dma_wait3A_231 = tpu.memref_slice %arg11[%dma_wait3A_220] : memref<2x!tpu.dma_semaphore, #tpu.memory_space<semaphore_mem>> -> memref<1x!tpu.dma_semaphore, #tpu.memory_space<semaphore_mem>>
        %dma_wait3A_232 = tpu.memref_squeeze %dma_wait3A_231 : memref<1x!tpu.dma_semaphore, #tpu.memory_space<semaphore_mem>> -> memref<!tpu.dma_semaphore, #tpu.memory_space<semaphore_mem>>
        tpu.wait_indirect_dma semaphore(%dma_wait3A_232 : memref<!tpu.dma_semaphore, #tpu.memory_space<semaphore_mem>>) src(%dma_wait3A_230 : memref<10240x128xf32, #tpu.memory_space<hbm>>) dst(%dma_wait3A_224 : memref<128x128xf32, #tpu.memory_space<vmem>>)
        %sub3A = arith.constant 1 : i32
        %sub3A_233 = arith.subi %add3A_192, %sub3A : i32
        %dma_start3A_234 = arith.constant 0 : i32
        %dma_start3A_235 = arith.constant 0 : i32
        %dma_start3A_236 = arith.constant 0 : i32
        %dma_start3A_237 = arith.constant 0 : i32
        %dma_start3A_238 = tpu.memref_slice %arg8[%dma_start3A_234, %dma_start3A_236, %dma_start3A_237] : memref<2x128x128xf32, #tpu.memory_space<vmem>> -> memref<1x128x128xf32, #tpu.memory_space<vmem>>
        %dma_start3A_239 = tpu.memref_squeeze %dma_start3A_238 : memref<1x128x128xf32, #tpu.memory_space<vmem>> -> memref<128x128xf32, #tpu.memory_space<vmem>>
        %dma_start3A_240 = arith.constant 0 : i32
        %dma_start3A_241 = tpu.memref_slice %arg6[%sub3A_233, %dma_start3A_240] : memref<79x128xi32, #tpu.memory_space<vmem>> -> memref<1x128xi32, #tpu.memory_space<vmem>>
        %dma_start3A_242 = tpu.memref_squeeze %dma_start3A_241 : memref<1x128xi32, #tpu.memory_space<vmem>> -> memref<128xi32, #tpu.memory_space<vmem>>
        %dma_start3A_243 = arith.constant 0 : i32
        %dma_start3A_244 = arith.constant 0 : i32
        %dma_start3A_245 = tpu.memref_slice %arg9[%dma_start3A_243, %dma_start3A_244] : memref<10240x128xf32, #tpu.memory_space<vmem_shared>> -> memref<10240x128xf32, #tpu.memory_space<vmem_shared>>
        %dma_start3A_246 = tpu.memref_slice %arg12[%dma_start3A_235] : memref<2x!tpu.dma_semaphore, #tpu.memory_space<semaphore_mem>> -> memref<1x!tpu.dma_semaphore, #tpu.memory_space<semaphore_mem>>
        %dma_start3A_247 = tpu.memref_squeeze %dma_start3A_246 : memref<1x!tpu.dma_semaphore, #tpu.memory_space<semaphore_mem>> -> memref<!tpu.dma_semaphore, #tpu.memory_space<semaphore_mem>>
        tpu.enqueue_indirect_dma source(%dma_start3A_239 : memref<128x128xf32, #tpu.memory_space<vmem>>) target(%dma_start3A_245 : memref<10240x128xf32, #tpu.memory_space<vmem_shared>>) offsets(%dma_start3A_242 : memref<128xi32, #tpu.memory_space<vmem>>) semaphore(%dma_start3A_247 : memref<!tpu.dma_semaphore, #tpu.memory_space<semaphore_mem>>) {add = true}
      } else {
      }
      %add3A_213 = arith.constant 1 : i32
      %add3A_214 = arith.addi %add3A_192, %add3A_213 : i32
      %lt3A_215 = arith.cmpi slt, %add3A_214, %add3A_9 : i32
      %convert_element_type3A_216 = arith.extui %lt3A_215 : i1 to i32
      %cond3A_217 = arith.constant 0 : i32
      %cond3A_218 = arith.cmpi ne, %convert_element_type3A_216, %cond3A_217 : i32
      scf.if %cond3A_218 {
        %add3A_219 = arith.constant 1 : i32
        %add3A_220 = arith.addi %add3A_192, %add3A_219 : i32
        %add3A_221 = arith.addi %add3A_6, %add3A_220 : i32
        %dma_start3A_222 = arith.constant 0 : i32
        %dma_start3A_223 = arith.constant 0 : i32
        %dma_start3A_224 = arith.constant 0 : i32
        %dma_start3A_225 = arith.constant 0 : i32
        %dma_start3A_226 = tpu.memref_slice %arg7[%dma_start3A_223, %dma_start3A_225] : memref<3x128xi32, #tpu.memory_space<vmem>> -> memref<1x128xi32, #tpu.memory_space<vmem>>
        %dma_start3A_227 = tpu.memref_squeeze %dma_start3A_226 : memref<1x128xi32, #tpu.memory_space<vmem>> -> memref<128xi32, #tpu.memory_space<vmem>>
        %dma_start3A_228 = arith.constant 0 : i32
        %dma_start3A_229 = tpu.memref_slice %arg3[%dma_start3A_222, %add3A_221, %dma_start3A_228] : memref<2x2500x128xi32, #tpu.memory_space<hbm>> -> memref<1x1x128xi32, #tpu.memory_space<hbm>>
        %dma_start3A_230 = tpu.memref_squeeze %dma_start3A_229 : memref<1x1x128xi32, #tpu.memory_space<hbm>> -> memref<128xi32, #tpu.memory_space<hbm>>
        %dma_start3A_231 = tpu.memref_slice %arg10[%dma_start3A_224] : memref<3x!tpu.dma_semaphore, #tpu.memory_space<semaphore_mem>> -> memref<1x!tpu.dma_semaphore, #tpu.memory_space<semaphore_mem>>
        %dma_start3A_232 = tpu.memref_squeeze %dma_start3A_231 : memref<1x!tpu.dma_semaphore, #tpu.memory_space<semaphore_mem>> -> memref<!tpu.dma_semaphore, #tpu.memory_space<semaphore_mem>>
        %dma_start3A_233 = arith.constant 0 : i32
        %dma_start3A_234 = tpu.memref_slice %arg7[%dma_start3A_223, %dma_start3A_233] : memref<3x128xi32, #tpu.memory_space<vmem>> -> memref<1x128xi32, #tpu.memory_space<vmem>>
        %dma_start3A_235 = tpu.memref_squeeze %dma_start3A_234 : memref<1x128xi32, #tpu.memory_space<vmem>> -> memref<128xi32, #tpu.memory_space<vmem>>
        %dma_start3A_236 = arith.constant 0 : i32
        %dma_start3A_237 = tpu.memref_slice %arg3[%dma_start3A_222, %add3A_221, %dma_start3A_236] : memref<2x2500x128xi32, #tpu.memory_space<hbm>> -> memref<1x1x128xi32, #tpu.memory_space<hbm>>
        %dma_start3A_238 = tpu.memref_squeeze %dma_start3A_237 : memref<1x1x128xi32, #tpu.memory_space<hbm>> -> memref<128xi32, #tpu.memory_space<hbm>>
        tpu.enqueue_dma source(%dma_start3A_238 : memref<128xi32, #tpu.memory_space<hbm>>) target(%dma_start3A_235 : memref<128xi32, #tpu.memory_space<vmem>>) target_semaphore(%dma_start3A_232 : memref<!tpu.dma_semaphore, #tpu.memory_space<semaphore_mem>>)
      } else {
      }
    }
    %scan3A_36 = arith.constant 14 : i32
    %barrier3A_37 = arith.constant 0 : index
    tpu.barrier barrier_id(%barrier3A_37)
    %mul3A_38 = arith.constant 10240 : i32
    %mul3A_39 = arith.muli %arg0, %mul3A_38 : i32
    %add3A_40 = arith.addi %mul3A_39, %mul3A_2 : i32
    "tpu.region"() ({
      %run_scoped3A_41 = tpu.sem_alloc : memref<!tpu.dma_semaphore, #tpu.memory_space<semaphore_mem>>
      %dma_start3A_42 = arith.constant 0 : i32
      %dma_start3A_43 = tpu.memref_slice %arg5[%add3A_40, %dma_start3A_42] : memref<20480x128xf32, #tpu.memory_space<hbm>> -> memref<640x128xf32, #tpu.memory_space<hbm>>
      %dma_start3A_44 = arith.constant 0 : i32
      %dma_start3A_45 = tpu.memref_slice %arg9[%mul3A_2, %dma_start3A_44] : memref<10240x128xf32, #tpu.memory_space<vmem_shared>> -> memref<640x128xf32, #tpu.memory_space<vmem_shared>>
      tpu.enqueue_dma source(%dma_start3A_45 : memref<640x128xf32, #tpu.memory_space<vmem_shared>>) target(%dma_start3A_43 : memref<640x128xf32, #tpu.memory_space<hbm>>) target_semaphore(%run_scoped3A_41 : memref<!tpu.dma_semaphore, #tpu.memory_space<semaphore_mem>>)
      %dma_wait3A = arith.constant 0 : i32
      %dma_wait3A_46 = tpu.memref_slice %arg5[%add3A_40, %dma_wait3A] : memref<20480x128xf32, #tpu.memory_space<hbm>> -> memref<640x128xf32, #tpu.memory_space<hbm>>
      %dma_wait3A_47 = arith.constant 0 : i32
      %dma_wait3A_48 = tpu.memref_slice %arg9[%mul3A_2, %dma_wait3A_47] : memref<10240x128xf32, #tpu.memory_space<vmem_shared>> -> memref<640x128xf32, #tpu.memory_space<vmem_shared>>
      tpu.wait_dma2 semaphore(%run_scoped3A_41 : memref<!tpu.dma_semaphore, #tpu.memory_space<semaphore_mem>>) src(%dma_wait3A_48 : memref<640x128xf32, #tpu.memory_space<vmem_shared>>) dst(%dma_wait3A_46 : memref<640x128xf32, #tpu.memory_space<hbm>>)
      tpu.yield
    }) : () -> ()
    return
  }
}

module attributes {stable_mosaic.version = 14 : i64} {
  func.func @body(%arg0: i32, %arg1: memref<2048x128xf32, #tpu.memory_space<vmem>>, %arg2: memref<128x128xf32, #tpu.memory_space<vmem>>, %arg3: memref<2048x128xf32, #tpu.memory_space<vmem>>) attributes {dimension_semantics = [#tpu.dimension_semantics<arbitrary>], iteration_bounds = array<i64: 5>, scalar_prefetch = 0 : i64, scratch_operands = 0 : i64, tpu.core_type = #tpu.core_type<tc>, window_params = [{transform_indices = @transform_0, window_bounds = array<i64: 2048, 128>}, {pipeline_mode = #tpu.pipeline_mode<synchronous>, transform_indices = @transform_1, window_bounds = array<i64: 128, 128>}, {transform_indices = @transform_2, window_bounds = array<i64: 2048, 128>}]} {
    %get3A = arith.constant 0 : index
    %get3A_0 = arith.constant 0 : index
    %get3A_1 = vector.load %arg1[%get3A, %get3A_0] : memref<2048x128xf32, #tpu.memory_space<vmem>>, vector<2048x128xf32>
    %get3A_2 = arith.constant 0 : index
    %get3A_3 = arith.constant 0 : index
    %get3A_4 = vector.load %arg2[%get3A_2, %get3A_3] : memref<128x128xf32, #tpu.memory_space<vmem>>, vector<128x128xf32>
    %dot_general3A = arith.constant dense<0.000000e+00> : vector<2048x128xf32>
    %dot_general3A_5 = tpu.matmul %get3A_1, %get3A_4, %dot_general3A {dimension_numbers = #tpu.dot_dimension_numbers<[1], [0], [0], [1], [0, 0, 1, 1], [], []>, transpose_lhs_hint = false} : vector<2048x128xf32>, vector<128x128xf32>, vector<2048x128xf32> -> vector<2048x128xf32>
    %swap3A = arith.constant 0 : index
    %swap3A_6 = arith.constant 0 : index
    %swap3A_7 = vector.load %arg3[%swap3A, %swap3A_6] : memref<2048x128xf32, #tpu.memory_space<vmem>>, vector<2048x128xf32>
    tpu.vector_store %arg3[%swap3A, %swap3A_6], %dot_general3A_5 {strides = array<i32>} : memref<2048x128xf32, #tpu.memory_space<vmem>>, vector<2048x128xf32>,
    return
  }
  func.func @transform_0(%arg0: i32) -> (i32, i32) {
    %c0_i32 = arith.constant 0 : i32
    %c0_i32_0 = arith.constant 0 : i32
    return %arg0, %c0_i32 : i32, i32
  }
  func.func @transform_1(%arg0: i32) -> (i32, i32) {
    %c0_i32 = arith.constant 0 : i32
    %c0_i32_0 = arith.constant 0 : i32
    %c0_i32_1 = arith.constant 0 : i32
    return %c0_i32, %c0_i32_0 : i32, i32
  }
  func.func @transform_2(%arg0: i32) -> (i32, i32) {
    %c0_i32 = arith.constant 0 : i32
    %c0_i32_0 = arith.constant 0 : i32
    return %arg0, %c0_i32 : i32, i32
  }
}

module attributes {stable_mosaic.version = 14 : i64} {
  func.func @body(%arg0: i32, %arg1: memref<2048x128xf32, #tpu.memory_space<vmem>>, %arg2: memref<2048x1xf32, #tpu.memory_space<vmem>>, %arg3: memref<2048x1xf32, #tpu.memory_space<vmem>>, %arg4: memref<2048x128xf32, #tpu.memory_space<vmem>>, %arg5: memref<2048x1xf32, #tpu.memory_space<vmem>>) attributes {dimension_semantics = [#tpu.dimension_semantics<arbitrary>], iteration_bounds = array<i64: 5>, scalar_prefetch = 0 : i64, scratch_operands = 0 : i64, tpu.core_type = #tpu.core_type<tc>, window_params = [{transform_indices = @transform_0, window_bounds = array<i64: 2048, 128>}, {transform_indices = @transform_1, window_bounds = array<i64: 2048, 1>}, {transform_indices = @transform_2, window_bounds = array<i64: 2048, 1>}, {transform_indices = @transform_3, window_bounds = array<i64: 2048, 128>}, {transform_indices = @transform_4, window_bounds = array<i64: 2048, 1>}]} {
    %get3A = arith.constant 0 : index
    %get3A_0 = arith.constant 0 : index
    %get3A_1 = vector.load %arg2[%get3A, %get3A_0] : memref<2048x1xf32, #tpu.memory_space<vmem>>, vector<2048x1xf32>
    %get3A_2 = arith.constant 0 : index
    %get3A_3 = arith.constant 0 : index
    %get3A_4 = vector.load %arg3[%get3A_2, %get3A_3] : memref<2048x1xf32, #tpu.memory_space<vmem>>, vector<2048x1xf32>
    %add3A = arith.addf %get3A_1, %get3A_4 : vector<2048x1xf32>
    %add3A_5 = arith.constant 1.000000e+00 : f32
    %add3A_6 = vector.broadcast %add3A_5 : f32 to vector<2048x1xf32>
    %add3A_7 = arith.addf %add3A, %add3A_6 : vector<2048x1xf32>
    %rsqrt3A = math.rsqrt %add3A_7 : vector<2048x1xf32>
    %swap3A = arith.constant 0 : index
    %swap3A_8 = arith.constant 0 : index
    %swap3A_9 = vector.load %arg5[%swap3A, %swap3A_8] : memref<2048x1xf32, #tpu.memory_space<vmem>>, vector<2048x1xf32>
    tpu.vector_store %arg5[%swap3A, %swap3A_8], %rsqrt3A {strides = array<i32>} : memref<2048x1xf32, #tpu.memory_space<vmem>>, vector<2048x1xf32>,
    %get3A_10 = arith.constant 0 : index
    %get3A_11 = arith.constant 0 : index
    %get3A_12 = vector.load %arg1[%get3A_10, %get3A_11] : memref<2048x128xf32, #tpu.memory_space<vmem>>, vector<2048x128xf32>
    %mul3A = vector.broadcast %rsqrt3A : vector<2048x1xf32> to vector<2048x128xf32>
    %mul3A_13 = arith.mulf %get3A_12, %mul3A : vector<2048x128xf32>
    %swap3A_14 = arith.constant 0 : index
    %swap3A_15 = arith.constant 0 : index
    %swap3A_16 = vector.load %arg4[%swap3A_14, %swap3A_15] : memref<2048x128xf32, #tpu.memory_space<vmem>>, vector<2048x128xf32>
    tpu.vector_store %arg4[%swap3A_14, %swap3A_15], %mul3A_13 {strides = array<i32>} : memref<2048x128xf32, #tpu.memory_space<vmem>>, vector<2048x128xf32>,
    return
  }
  func.func @transform_0(%arg0: i32) -> (i32, i32) {
    %c0_i32 = arith.constant 0 : i32
    %c0_i32_0 = arith.constant 0 : i32
    return %arg0, %c0_i32 : i32, i32
  }
  func.func @transform_1(%arg0: i32) -> (i32, i32) {
    %c0_i32 = arith.constant 0 : i32
    %c0_i32_0 = arith.constant 0 : i32
    return %arg0, %c0_i32 : i32, i32
  }
  func.func @transform_2(%arg0: i32) -> (i32, i32) {
    %c0_i32 = arith.constant 0 : i32
    %c0_i32_0 = arith.constant 0 : i32
    return %arg0, %c0_i32 : i32, i32
  }
  func.func @transform_3(%arg0: i32) -> (i32, i32) {
    %c0_i32 = arith.constant 0 : i32
    %c0_i32_0 = arith.constant 0 : i32
    return %arg0, %c0_i32 : i32, i32
  }
  func.func @transform_4(%arg0: i32) -> (i32, i32) {
    %c0_i32 = arith.constant 0 : i32
    %c0_i32_0 = arith.constant 0 : i32
    return %arg0, %c0_i32 : i32, i32
  }
}

module attributes {stable_mosaic.version = 14 : i64} {
  func.func @body(%arg0: i32, %arg1: memref<2048x128xf32, #tpu.memory_space<vmem>>, %arg2: memref<2048x128xf32, #tpu.memory_space<vmem>>, %arg3: memref<2048x128xf32, #tpu.memory_space<vmem>>, %arg4: memref<2048x1xf32, #tpu.memory_space<vmem>>, %arg5: memref<1x128xf32, #tpu.memory_space<vmem>>, %arg6: memref<128x128xf32, #tpu.memory_space<vmem>>, %arg7: memref<2048x128xf32, #tpu.memory_space<vmem>>) attributes {dimension_semantics = [#tpu.dimension_semantics<arbitrary>], iteration_bounds = array<i64: 5>, scalar_prefetch = 0 : i64, scratch_operands = 0 : i64, tpu.core_type = #tpu.core_type<tc>, window_params = [{transform_indices = @transform_0, window_bounds = array<i64: 2048, 128>}, {transform_indices = @transform_1, window_bounds = array<i64: 2048, 128>}, {transform_indices = @transform_2, window_bounds = array<i64: 2048, 128>}, {transform_indices = @transform_3, window_bounds = array<i64: 2048, 1>}, {pipeline_mode = #tpu.pipeline_mode<synchronous>, transform_indices = @transform_4, window_bounds = array<i64: 1, 128>}, {pipeline_mode = #tpu.pipeline_mode<synchronous>, transform_indices = @transform_5, window_bounds = array<i64: 128, 128>}, {transform_indices = @transform_6, window_bounds = array<i64: 2048, 128>}]} {
    %get3A = arith.constant 0 : index
    %get3A_0 = arith.constant 0 : index
    %get3A_1 = vector.load %arg1[%get3A, %get3A_0] : memref<2048x128xf32, #tpu.memory_space<vmem>>, vector<2048x128xf32>
    %get3A_2 = arith.constant 0 : index
    %get3A_3 = arith.constant 0 : index
    %get3A_4 = vector.load %arg2[%get3A_2, %get3A_3] : memref<2048x128xf32, #tpu.memory_space<vmem>>, vector<2048x128xf32>
    %add3A = arith.addf %get3A_1, %get3A_4 : vector<2048x128xf32>
    %get3A_5 = arith.constant 0 : index
    %get3A_6 = arith.constant 0 : index
    %get3A_7 = vector.load %arg3[%get3A_5, %get3A_6] : memref<2048x128xf32, #tpu.memory_space<vmem>>, vector<2048x128xf32>
    %add3A_8 = arith.addf %add3A, %get3A_7 : vector<2048x128xf32>
    %get3A_9 = arith.constant 0 : index
    %get3A_10 = arith.constant 0 : index
    %get3A_11 = vector.load %arg4[%get3A_9, %get3A_10] : memref<2048x1xf32, #tpu.memory_space<vmem>>, vector<2048x1xf32>
    %mul3A = vector.broadcast %get3A_11 : vector<2048x1xf32> to vector<2048x128xf32>
    %mul3A_12 = arith.mulf %add3A_8, %mul3A : vector<2048x128xf32>
    %get3A_13 = arith.constant 0 : index
    %get3A_14 = arith.constant 0 : index
    %get3A_15 = vector.load %arg5[%get3A_13, %get3A_14] : memref<1x128xf32, #tpu.memory_space<vmem>>, vector<1x128xf32>
    %add3A_16 = vector.broadcast %get3A_15 : vector<1x128xf32> to vector<2048x128xf32>
    %add3A_17 = arith.addf %mul3A_12, %add3A_16 : vector<2048x128xf32>
    %max3A = arith.constant 0.000000e+00 : f32
    %max3A_18 = vector.broadcast %max3A : f32 to vector<2048x128xf32>
    %max3A_19 = arith.maximumf %add3A_17, %max3A_18 : vector<2048x128xf32>
    %get3A_20 = arith.constant 0 : index
    %get3A_21 = arith.constant 0 : index
    %get3A_22 = vector.load %arg6[%get3A_20, %get3A_21] : memref<128x128xf32, #tpu.memory_space<vmem>>, vector<128x128xf32>
    %dot_general3A = arith.constant dense<0.000000e+00> : vector<2048x128xf32>
    %dot_general3A_23 = tpu.matmul %max3A_19, %get3A_22, %dot_general3A {dimension_numbers = #tpu.dot_dimension_numbers<[1], [0], [0], [1], [0, 0, 1, 1], [], []>, transpose_lhs_hint = false} : vector<2048x128xf32>, vector<128x128xf32>, vector<2048x128xf32> -> vector<2048x128xf32>
    %mul3A_24 = vector.broadcast %get3A_11 : vector<2048x1xf32> to vector<2048x128xf32>
    %mul3A_25 = arith.mulf %dot_general3A_23, %mul3A_24 : vector<2048x128xf32>
    %swap3A = arith.constant 0 : index
    %swap3A_26 = arith.constant 0 : index
    %swap3A_27 = vector.load %arg7[%swap3A, %swap3A_26] : memref<2048x128xf32, #tpu.memory_space<vmem>>, vector<2048x128xf32>
    tpu.vector_store %arg7[%swap3A, %swap3A_26], %mul3A_25 {strides = array<i32>} : memref<2048x128xf32, #tpu.memory_space<vmem>>, vector<2048x128xf32>,
    return
  }
  func.func @transform_0(%arg0: i32) -> (i32, i32) {
    %c0_i32 = arith.constant 0 : i32
    %c0_i32_0 = arith.constant 0 : i32
    return %arg0, %c0_i32 : i32, i32
  }
  func.func @transform_1(%arg0: i32) -> (i32, i32) {
    %add3A = arith.constant 5 : i32
    %add3A_0 = arith.addi %add3A, %arg0 : i32
    %c0_i32 = arith.constant 0 : i32
    %c0_i32_1 = arith.constant 0 : i32
    return %add3A_0, %c0_i32 : i32, i32
  }
  func.func @transform_2(%arg0: i32) -> (i32, i32) {
    %c0_i32 = arith.constant 0 : i32
    %c0_i32_0 = arith.constant 0 : i32
    return %arg0, %c0_i32 : i32, i32
  }
  func.func @transform_3(%arg0: i32) -> (i32, i32) {
    %c0_i32 = arith.constant 0 : i32
    %c0_i32_0 = arith.constant 0 : i32
    return %arg0, %c0_i32 : i32, i32
  }
  func.func @transform_4(%arg0: i32) -> (i32, i32) {
    %c0_i32 = arith.constant 0 : i32
    %c0_i32_0 = arith.constant 0 : i32
    %c0_i32_1 = arith.constant 0 : i32
    return %c0_i32, %c0_i32_0 : i32, i32
  }
  func.func @transform_5(%arg0: i32) -> (i32, i32) {
    %c0_i32 = arith.constant 0 : i32
    %c0_i32_0 = arith.constant 0 : i32
    %c0_i32_1 = arith.constant 0 : i32
    return %c0_i32, %c0_i32_0 : i32, i32
  }
  func.func @transform_6(%arg0: i32) -> (i32, i32) {
    %c0_i32 = arith.constant 0 : i32
    %c0_i32_0 = arith.constant 0 : i32
    return %arg0, %c0_i32 : i32, i32
  }
}

module attributes {stable_mosaic.version = 14 : i64} {
  func.func @body(%arg0: i32, %arg1: memref<2048x128xf32, #tpu.memory_space<vmem>>, %arg2: memref<2048x128xf32, #tpu.memory_space<vmem>>, %arg3: memref<2048x128xf32, #tpu.memory_space<vmem>>, %arg4: memref<2048x1xf32, #tpu.memory_space<vmem>>, %arg5: memref<1x128xf32, #tpu.memory_space<vmem>>, %arg6: memref<128x16xf32, #tpu.memory_space<vmem>>, %arg7: memref<2048x16xf32, #tpu.memory_space<vmem>>) attributes {dimension_semantics = [#tpu.dimension_semantics<arbitrary>], iteration_bounds = array<i64: 5>, scalar_prefetch = 0 : i64, scratch_operands = 0 : i64, tpu.core_type = #tpu.core_type<tc>, window_params = [{transform_indices = @transform_0, window_bounds = array<i64: 2048, 128>}, {transform_indices = @transform_1, window_bounds = array<i64: 2048, 128>}, {transform_indices = @transform_2, window_bounds = array<i64: 2048, 128>}, {transform_indices = @transform_3, window_bounds = array<i64: 2048, 1>}, {pipeline_mode = #tpu.pipeline_mode<synchronous>, transform_indices = @transform_4, window_bounds = array<i64: 1, 128>}, {pipeline_mode = #tpu.pipeline_mode<synchronous>, transform_indices = @transform_5, window_bounds = array<i64: 128, 16>}, {transform_indices = @transform_6, window_bounds = array<i64: 2048, 16>}]} {
    %get3A = arith.constant 0 : index
    %get3A_0 = arith.constant 0 : index
    %get3A_1 = vector.load %arg1[%get3A, %get3A_0] : memref<2048x128xf32, #tpu.memory_space<vmem>>, vector<2048x128xf32>
    %get3A_2 = arith.constant 0 : index
    %get3A_3 = arith.constant 0 : index
    %get3A_4 = vector.load %arg2[%get3A_2, %get3A_3] : memref<2048x128xf32, #tpu.memory_space<vmem>>, vector<2048x128xf32>
    %add3A = arith.addf %get3A_1, %get3A_4 : vector<2048x128xf32>
    %get3A_5 = arith.constant 0 : index
    %get3A_6 = arith.constant 0 : index
    %get3A_7 = vector.load %arg3[%get3A_5, %get3A_6] : memref<2048x128xf32, #tpu.memory_space<vmem>>, vector<2048x128xf32>
    %add3A_8 = arith.addf %add3A, %get3A_7 : vector<2048x128xf32>
    %get3A_9 = arith.constant 0 : index
    %get3A_10 = arith.constant 0 : index
    %get3A_11 = vector.load %arg4[%get3A_9, %get3A_10] : memref<2048x1xf32, #tpu.memory_space<vmem>>, vector<2048x1xf32>
    %mul3A = vector.broadcast %get3A_11 : vector<2048x1xf32> to vector<2048x128xf32>
    %mul3A_12 = arith.mulf %add3A_8, %mul3A : vector<2048x128xf32>
    %get3A_13 = arith.constant 0 : index
    %get3A_14 = arith.constant 0 : index
    %get3A_15 = vector.load %arg5[%get3A_13, %get3A_14] : memref<1x128xf32, #tpu.memory_space<vmem>>, vector<1x128xf32>
    %add3A_16 = vector.broadcast %get3A_15 : vector<1x128xf32> to vector<2048x128xf32>
    %add3A_17 = arith.addf %mul3A_12, %add3A_16 : vector<2048x128xf32>
    %max3A = arith.constant 0.000000e+00 : f32
    %max3A_18 = vector.broadcast %max3A : f32 to vector<2048x128xf32>
    %max3A_19 = arith.maximumf %add3A_17, %max3A_18 : vector<2048x128xf32>
    %get3A_20 = arith.constant 0 : index
    %get3A_21 = arith.constant 0 : index
    %get3A_22 = vector.load %arg6[%get3A_20, %get3A_21] : memref<128x16xf32, #tpu.memory_space<vmem>>, vector<128x16xf32>
    %dot_general3A = arith.constant dense<0.000000e+00> : vector<2048x16xf32>
    %dot_general3A_23 = tpu.matmul %max3A_19, %get3A_22, %dot_general3A {dimension_numbers = #tpu.dot_dimension_numbers<[1], [0], [0], [1], [0, 0, 1, 1], [], []>, transpose_lhs_hint = false} : vector<2048x128xf32>, vector<128x16xf32>, vector<2048x16xf32> -> vector<2048x16xf32>
    %mul3A_24 = vector.broadcast %get3A_11 : vector<2048x1xf32> to vector<2048x16xf32>
    %mul3A_25 = arith.mulf %dot_general3A_23, %mul3A_24 : vector<2048x16xf32>
    %swap3A = arith.constant 0 : index
    %swap3A_26 = arith.constant 0 : index
    %swap3A_27 = vector.load %arg7[%swap3A, %swap3A_26] : memref<2048x16xf32, #tpu.memory_space<vmem>>, vector<2048x16xf32>
    tpu.vector_store %arg7[%swap3A, %swap3A_26], %mul3A_25 {strides = array<i32>} : memref<2048x16xf32, #tpu.memory_space<vmem>>, vector<2048x16xf32>,
    return
  }
  func.func @transform_0(%arg0: i32) -> (i32, i32) {
    %c0_i32 = arith.constant 0 : i32
    %c0_i32_0 = arith.constant 0 : i32
    return %arg0, %c0_i32 : i32, i32
  }
  func.func @transform_1(%arg0: i32) -> (i32, i32) {
    %add3A = arith.constant 5 : i32
    %add3A_0 = arith.addi %add3A, %arg0 : i32
    %c0_i32 = arith.constant 0 : i32
    %c0_i32_1 = arith.constant 0 : i32
    return %add3A_0, %c0_i32 : i32, i32
  }
  func.func @transform_2(%arg0: i32) -> (i32, i32) {
    %c0_i32 = arith.constant 0 : i32
    %c0_i32_0 = arith.constant 0 : i32
    return %arg0, %c0_i32 : i32, i32
  }
  func.func @transform_3(%arg0: i32) -> (i32, i32) {
    %c0_i32 = arith.constant 0 : i32
    %c0_i32_0 = arith.constant 0 : i32
    return %arg0, %c0_i32 : i32, i32
  }
  func.func @transform_4(%arg0: i32) -> (i32, i32) {
    %c0_i32 = arith.constant 0 : i32
    %c0_i32_0 = arith.constant 0 : i32
    %c0_i32_1 = arith.constant 0 : i32
    return %c0_i32, %c0_i32_0 : i32, i32
  }
  func.func @transform_5(%arg0: i32) -> (i32, i32) {
    %c0_i32 = arith.constant 0 : i32
    %c0_i32_0 = arith.constant 0 : i32
    %c0_i32_1 = arith.constant 0 : i32
    return %c0_i32, %c0_i32_0 : i32, i32
  }
  func.func @transform_6(%arg0: i32) -> (i32, i32) {
    %c0_i32 = arith.constant 0 : i32
    %c0_i32_0 = arith.constant 0 : i32
    return %arg0, %c0_i32 : i32, i32
  }
}

module attributes {stable_mosaic.version = 14 : i64} {
  func.func @body(%arg0: i32, %arg1: memref<2048x16xf32, #tpu.memory_space<vmem>>, %arg2: memref<2048x16xf32, #tpu.memory_space<vmem>>, %arg3: memref<2048x16xf32, #tpu.memory_space<vmem>>, %arg4: memref<2048x1xf32, #tpu.memory_space<vmem>>, %arg5: memref<1x16xf32, #tpu.memory_space<vmem>>, %arg6: memref<1x2048xi32, #tpu.memory_space<vmem>>, %arg7: memref<64x16xf32, #tpu.memory_space<vmem>>) attributes {dimension_semantics = [#tpu.dimension_semantics<arbitrary>], iteration_bounds = array<i64: 5>, scalar_prefetch = 0 : i64, scratch_operands = 0 : i64, tpu.core_type = #tpu.core_type<tc>, window_params = [{transform_indices = @transform_0, window_bounds = array<i64: 2048, 16>}, {transform_indices = @transform_1, window_bounds = array<i64: 2048, 16>}, {transform_indices = @transform_2, window_bounds = array<i64: 2048, 16>}, {transform_indices = @transform_3, window_bounds = array<i64: 2048, 1>}, {pipeline_mode = #tpu.pipeline_mode<synchronous>, transform_indices = @transform_4, window_bounds = array<i64: 1, 16>}, {transform_indices = @transform_5, window_bounds = array<i64: 1, 2048>}, {pipeline_mode = #tpu.pipeline_mode<synchronous>, transform_indices = @transform_6, window_bounds = array<i64: 64, 16>}]} {
    %eq3A = arith.constant 0 : i32
    %eq3A_0 = arith.cmpi eq, %arg0, %eq3A : i32
    %convert_element_type3A = arith.extui %eq3A_0 : i1 to i32
    %cond3A = arith.constant 0 : i32
    %cond3A_1 = arith.cmpi ne, %convert_element_type3A, %cond3A : i32
    scf.if %cond3A_1 {
      %broadcast_in_dim3A_43 = arith.constant 0.000000e+00 : f32
      %broadcast_in_dim3A_44 = vector.broadcast %broadcast_in_dim3A_43 : f32 to vector<64x16xf32>
      %swap3A_45 = arith.constant 0 : index
      %swap3A_46 = arith.constant 0 : index
      %swap3A_47 = vector.load %arg7[%swap3A_45, %swap3A_46] : memref<64x16xf32, #tpu.memory_space<vmem>>, vector<64x16xf32>
      tpu.vector_store %arg7[%swap3A_45, %swap3A_46], %broadcast_in_dim3A_44 {strides = array<i32>} : memref<64x16xf32, #tpu.memory_space<vmem>>, vector<64x16xf32>,
    } else {
    }
    %get3A = arith.constant 0 : index
    %get3A_2 = arith.constant 0 : index
    %get3A_3 = vector.load %arg1[%get3A, %get3A_2] : memref<2048x16xf32, #tpu.memory_space<vmem>>, vector<2048x16xf32>
    %get3A_4 = arith.constant 0 : index
    %get3A_5 = arith.constant 0 : index
    %get3A_6 = vector.load %arg2[%get3A_4, %get3A_5] : memref<2048x16xf32, #tpu.memory_space<vmem>>, vector<2048x16xf32>
    %add3A = arith.addf %get3A_3, %get3A_6 : vector<2048x16xf32>
    %get3A_7 = arith.constant 0 : index
    %get3A_8 = arith.constant 0 : index
    %get3A_9 = vector.load %arg3[%get3A_7, %get3A_8] : memref<2048x16xf32, #tpu.memory_space<vmem>>, vector<2048x16xf32>
    %add3A_10 = arith.addf %add3A, %get3A_9 : vector<2048x16xf32>
    %get3A_11 = arith.constant 0 : index
    %get3A_12 = arith.constant 0 : index
    %get3A_13 = vector.load %arg4[%get3A_11, %get3A_12] : memref<2048x1xf32, #tpu.memory_space<vmem>>, vector<2048x1xf32>
    %mul3A = vector.broadcast %get3A_13 : vector<2048x1xf32> to vector<2048x16xf32>
    %mul3A_14 = arith.mulf %add3A_10, %mul3A : vector<2048x16xf32>
    %get3A_15 = arith.constant 0 : index
    %get3A_16 = arith.constant 0 : index
    %get3A_17 = vector.load %arg5[%get3A_15, %get3A_16] : memref<1x16xf32, #tpu.memory_space<vmem>>, vector<1x16xf32>
    %add3A_18 = vector.broadcast %get3A_17 : vector<1x16xf32> to vector<2048x16xf32>
    %add3A_19 = arith.addf %mul3A_14, %add3A_18 : vector<2048x16xf32>
    %iota3A = tpu.iota {dimensions = array<i32: 1>} : vector<2048x16xi32>
    %eq3A_20 = arith.constant 15 : i32
    %eq3A_21 = vector.broadcast %eq3A_20 : i32 to vector<2048x16xi32>
    %eq3A_22 = arith.cmpi eq, %iota3A, %eq3A_21 : vector<2048x16xi32>
    %jit3A = arith.constant 1.000000e+00 : f32
    %broadcast_in_dim3A = vector.broadcast %jit3A : f32 to vector<2048x16xf32>
    %select_n3A = arith.select %eq3A_22, %broadcast_in_dim3A, %add3A_19 : vector<2048x16xi1>, vector<2048x16xf32>
    %iota3A_23 = tpu.iota {dimensions = array<i32: 0>} : vector<64x2048xi32>
    %get3A_24 = arith.constant 0 : index
    %get3A_25 = arith.constant 0 : index
    %get3A_26 = vector.load %arg6[%get3A_24, %get3A_25] : memref<1x2048xi32, #tpu.memory_space<vmem>>, vector<1x2048xi32>
    %eq3A_27 = vector.broadcast %get3A_26 : vector<1x2048xi32> to vector<64x2048xi32>
    %eq3A_28 = arith.cmpi eq, %eq3A_27, %iota3A_23 : vector<64x2048xi32>
    %convert_element_type3A_29 = arith.extui %eq3A_28 : vector<64x2048xi1> to vector<64x2048xi32>
    %convert_element_type3A_30 = arith.sitofp %convert_element_type3A_29 : vector<64x2048xi32> to vector<64x2048xf32>
    %get3A_31 = arith.constant 0 : index
    %get3A_32 = arith.constant 0 : index
    %get3A_33 = vector.load %arg7[%get3A_31, %get3A_32] : memref<64x16xf32, #tpu.memory_space<vmem>>, vector<64x16xf32>
    %dot_general3A = arith.constant dense<0.000000e+00> : vector<64x16xf32>
    %dot_general3A_34 = tpu.matmul %convert_element_type3A_30, %select_n3A, %dot_general3A {dimension_numbers = #tpu.dot_dimension_numbers<[1], [0], [0], [1], [0, 0, 1, 1], [], []>, transpose_lhs_hint = false} : vector<64x2048xf32>, vector<2048x16xf32>, vector<64x16xf32> -> vector<64x16xf32>
    %add3A_35 = arith.addf %get3A_33, %dot_general3A_34 : vector<64x16xf32>
    %swap3A = arith.constant 0 : index
    %swap3A_36 = arith.constant 0 : index
    %swap3A_37 = vector.load %arg7[%swap3A, %swap3A_36] : memref<64x16xf32, #tpu.memory_space<vmem>>, vector<64x16xf32>
    tpu.vector_store %arg7[%swap3A, %swap3A_36], %add3A_35 {strides = array<i32>} : memref<64x16xf32, #tpu.memory_space<vmem>>, vector<64x16xf32>,
    %eq3A_38 = arith.constant 4 : i32
    %eq3A_39 = arith.cmpi eq, %arg0, %eq3A_38 : i32
    %convert_element_type3A_40 = arith.extui %eq3A_39 : i1 to i32
    %cond3A_41 = arith.constant 0 : i32
    %cond3A_42 = arith.cmpi ne, %convert_element_type3A_40, %cond3A_41 : i32
    scf.if %cond3A_42 {
      %get3A_43 = arith.constant 0 : index
      %get3A_44 = arith.constant 0 : index
      %get3A_45 = vector.load %arg7[%get3A_43, %get3A_44] : memref<64x16xf32, #tpu.memory_space<vmem>>, vector<64x16xf32>
      %slice3A = vector.extract_strided_slice %get3A_45 {offsets = [0, 15], sizes = [64, 1], strides = [1, 1]} : vector<64x16xf32> to vector<64x1xf32>
      %max3A = arith.constant 1.000000e+00 : f32
      %max3A_46 = vector.broadcast %max3A : f32 to vector<64x1xf32>
      %max3A_47 = arith.maximumf %slice3A, %max3A_46 : vector<64x1xf32>
      %div3A = vector.broadcast %max3A_47 : vector<64x1xf32> to vector<64x16xf32>
      %div3A_48 = arith.divf %get3A_45, %div3A : vector<64x16xf32>
      %iota3A_49 = tpu.iota {dimensions = array<i32: 1>} : vector<64x16xi32>
      %lt3A = arith.constant 10 : i32
      %lt3A_50 = vector.broadcast %lt3A : i32 to vector<64x16xi32>
      %lt3A_51 = arith.cmpi slt, %iota3A_49, %lt3A_50 : vector<64x16xi32>
      %jit3A_52 = arith.constant -1.000000e+30 : f32
      %broadcast_in_dim3A_53 = vector.broadcast %jit3A_52 : f32 to vector<64x16xf32>
      %select_n3A_54 = arith.select %lt3A_51, %div3A_48, %broadcast_in_dim3A_53 : vector<64x16xi1>, vector<64x16xf32>
      %reduce_max3A = arith.constant dense<0xFF800000> : vector<64xf32>
      %reduce_max3A_55 = vector.multi_reduction <maximumf>, %select_n3A_54, %reduce_max3A [1] : vector<64x16xf32> to vector<64xf32>
      %broadcast_in_dim3A_56 = vector.shape_cast %reduce_max3A_55 : vector<64xf32> to vector<64x1xf32>
      %sub3A = vector.broadcast %broadcast_in_dim3A_56 : vector<64x1xf32> to vector<64x16xf32>
      %sub3A_57 = arith.subf %select_n3A_54, %sub3A : vector<64x16xf32>
      %exp3A = math.exp %sub3A_57 : vector<64x16xf32>
      %reduce_sum3A = arith.constant dense<0.000000e+00> : vector<64xf32>
      %reduce_sum3A_58 = vector.multi_reduction <add>, %exp3A, %reduce_sum3A [1] : vector<64x16xf32> to vector<64xf32>
      %broadcast_in_dim3A_59 = vector.shape_cast %reduce_sum3A_58 : vector<64xf32> to vector<64x1xf32>
      %div3A_60 = vector.broadcast %broadcast_in_dim3A_59 : vector<64x1xf32> to vector<64x16xf32>
      %div3A_61 = arith.divf %exp3A, %div3A_60 : vector<64x16xf32>
      %swap3A_62 = arith.constant 0 : index
      %swap3A_63 = arith.constant 0 : index
      %swap3A_64 = vector.load %arg7[%swap3A_62, %swap3A_63] : memref<64x16xf32, #tpu.memory_space<vmem>>, vector<64x16xf32>
      tpu.vector_store %arg7[%swap3A_62, %swap3A_63], %div3A_61 {strides = array<i32>} : memref<64x16xf32, #tpu.memory_space<vmem>>, vector<64x16xf32>,
    } else {
    }
    return
  }
  func.func @transform_0(%arg0: i32) -> (i32, i32) {
    %c0_i32 = arith.constant 0 : i32
    %c0_i32_0 = arith.constant 0 : i32
    return %arg0, %c0_i32 : i32, i32
  }
  func.func @transform_1(%arg0: i32) -> (i32, i32) {
    %add3A = arith.constant 5 : i32
    %add3A_0 = arith.addi %add3A, %arg0 : i32
    %c0_i32 = arith.constant 0 : i32
    %c0_i32_1 = arith.constant 0 : i32
    return %add3A_0, %c0_i32 : i32, i32
  }
  func.func @transform_2(%arg0: i32) -> (i32, i32) {
    %c0_i32 = arith.constant 0 : i32
    %c0_i32_0 = arith.constant 0 : i32
    return %arg0, %c0_i32 : i32, i32
  }
  func.func @transform_3(%arg0: i32) -> (i32, i32) {
    %c0_i32 = arith.constant 0 : i32
    %c0_i32_0 = arith.constant 0 : i32
    return %arg0, %c0_i32 : i32, i32
  }
  func.func @transform_4(%arg0: i32) -> (i32, i32) {
    %c0_i32 = arith.constant 0 : i32
    %c0_i32_0 = arith.constant 0 : i32
    %c0_i32_1 = arith.constant 0 : i32
    return %c0_i32, %c0_i32_0 : i32, i32
  }
  func.func @transform_5(%arg0: i32) -> (i32, i32) {
    %c0_i32 = arith.constant 0 : i32
    %c0_i32_0 = arith.constant 0 : i32
    return %c0_i32, %arg0 : i32, i32
  }
  func.func @transform_6(%arg0: i32) -> (i32, i32) {
    %c0_i32 = arith.constant 0 : i32
    %c0_i32_0 = arith.constant 0 : i32
    %c0_i32_1 = arith.constant 0 : i32
    return %c0_i32, %c0_i32_0 : i32, i32
  }
}

</mosaic_0001>

<sc_bundles>
// kernel: kernel.11.cloned.1.call-start
scs
__scs_entry_jumppad:
0x0: {  	(pc) =	sbr.rel $0x88, $3  }
0x1: {  	(tag) =	ssettag $0x0;
	lr =	simm.s32 $0x1  }
0x2: {  	[smem:$0x3F98] =	sst lr;
	_ =	strace $0xD0000000  }
0x3: {  	_ = 	snop  }
0x4: {  	_ = 	snop  }
0x5: {  	_ = 	snop  }
0x6: {  	_ = 	snop  }
0x7: {  	_ = 	snop  }
__scs_overlays_trampoline_lowered:
0x8: {  	[smem:$0x3FA7] =	sst s0  }
0x9: {  	[smem:$0x3FA8] =	sst s1  }
0xa: {  	[smem:$0x3FA9] =	sst s2  }
0xb: {  	[smem:$0x3FAA] =	sst s3  }
0xc: {  	[smem:$0x3FAB] =	sst s4  }
0xd: {  	[smem:$0x3FAC] =	sst s5  }
0xe: {  	[smem:$0x3FAD] =	sst s6  }
0xf: {  	[smem:$0x3FAE] =	sst s7  }
0x10: {  	[smem:$0x3FAF] =	sst s8  }
0x11: {  	[smem:$0x3FB0] =	sst s9;
	s0 =	simm.s32 @!p0 $0x0  }
0x12: {  	s1 =	sld [smem:$0x3F96];
	s0 =	simm.s32 @p0 $0x1  }
0x13: {  	[smem:$0x3FB1] =	sst s0;
	s0 =	simm.s32 @!p1 $0x0  }
0x14: {  	s2 =	sld [smem:$0x3F95];
	s0 =	simm.s32 @p1 $0x1  }
0x15: {  	[smem:$0x3FB2] =	sst s0;
	s0 =	simm.s32 @!p2 $0x0  }
0x16: {  	s3 =	sld [smem:$0x3FDB];
	s0 =	simm.s32 @p2 $0x1  }
0x17: {  	s4 =	simm.s32 $0x1BF5;
	[smem:$0x3FB4] =	sst s0  }
0x18: {  	s0 =	sld [smem:$0x3F97];
	_ =	swait.ge [sflag:s4], $0x0  }
0x19: {  	s7 =	sld [smem:$0x3F98]  }
0x1a: {  	s8 =	sadd.s32 $0xFFFFE003, lr  }
0x1b: {  	s9 =	sadd.s32 $0xFFFFFEF7, lr;
	s5 =	simm.s32 $0xFFFFFFFF;
	p2 =	slt.u32 s8, $0xFFFFF086  }
0x1c: {  	p1 =	slt.u32 s9, $0xF7A;
	s5 =	simm.s32 @!p2 $0x0  }
0x1d: {  	s5 =	simm.s32 @p1 $0x1;
	p0 =	seq.s32 s7, s2  }
0x1e: {  	s7 =	smul.u32 @!p0 $0xF7A, s2;
	p2 =	seq.s32 @!p0 s5, $0x0  }
0x1f: {  	s9 =	smul.u32 $0xF7A, s1;
	s8 =	simm.s32 @!p0 $0x1BF5;
	p2 =	por !p2, p0  }
0x20: {  	[sflag:s8] =	ssyncset.s32 @!p0 $0xFFFFF086;
	s6 =	sadd.s32 @!p0 s3, s7;
	s7 =	simm.s32 @!p0 $0x108  }
0x21: {  	s3 =	sadd.s32 s3, s9;
	s6 =	sadd.s32 @!p0 $0x88, s6;
	s7 =	simm.s32 @p2 $0x1082  }
0x22: {  	[simem:s7], [sflag:s8] =	dma.local @!p0 [hbm:s6], $0xF7A  }
0x23: {  	s9 =	sor.u32 $0xD0000000, s2;
	s6 =	simm.s32 $0x108;
	_ =	swait.ge @!p0 [sflag:s8], $0x0  }
0x24: {  	s3 =	sadd.s32 $0x88, s3;
	s6 =	simm.s32 @!p1 $0x1082;
	[sflag:s4] =	ssyncset.s32 $0xFFFFF086  }
0x25: {  	[simem:s6], [sflag:s4] =	dma.local [hbm:s3], $0xF7A  }
0x26: {  	[smem:$0x3F98] =	sst s1;
	(tag) =	ssettag s2;
	_ =	strace s9  }
0x27: {  	s1 =	sld [smem:$0x3FA8]  }
0x28: {  	s2 =	sld [smem:$0x3FA9]  }
0x29: {  	s4 =	sld [smem:$0x3FAB]  }
0x2a: {  	p0 =	seq.s32 s5, $0x0;
	s5 =	sld [smem:$0x3FAC]  }
0x2b: {  	s6 =	sld [smem:$0x3FAD]  }
0x2c: {  	s7 =	sld [smem:$0x3FAE]  }
0x2d: {  	s3 =	simm.s32 $0x108;
	s8 =	sld [smem:$0x3FAF]  }
0x2e: {  	s3 =	simm.s32 @!p0 $0x1082;
	s9 =	sld [smem:$0x3FB0]  }
0x2f: {  	lr =	sadd.s32 s0, s3;
	s0 =	sld [smem:$0x3FA7]  }
0x30: {  	s3 =	sld [smem:$0x3FAA]  }
0x31: {  	[smem:$0x3FB3] =	sst s10  }
0x32: {  	s10 =	sld [smem:$0x3FB1];
	_ =	sdelay $0x3  }
0x33: {  	p0 =	seq.s32 s10, $0x1;
	s10 =	sld [smem:$0x3FB3];
	_ =	sdelay $0x3  }
0x34: {  	[smem:$0x3FB3] =	sst s10  }
0x35: {  	s10 =	sld [smem:$0x3FB2];
	_ =	sdelay $0x3  }
0x36: {  	p1 =	seq.s32 s10, $0x1;
	s10 =	sld [smem:$0x3FB3];
	_ =	sdelay $0x3  }
0x37: {  	[smem:$0x3FB3] =	sst s10  }
0x38: {  	s10 =	sld [smem:$0x3FB4]  }
0x39: {  	_ = 	snop;
	(pc) =	sbr.ind lr, $3  }
0x3a: {  	_ = 	snop  }
0x3b: {  	_ = 	snop  }
0x3c: {  	p2 =	seq.s32 s10, $0x1;
	s10 =	sld [smem:$0x3FB3]  }
0x3d: {  	_ =	shalt  }
0x3e: {  	_ =	shalt  }
0x3f: {  	_ =	shalt  }
0x40: {  	_ =	shalt  }
0x41: {  	_ =	shalt  }
0x42: {  	_ =	shalt  }
0x43: {  	_ =	shalt  }
0x44: {  	_ =	shalt  }
0x45: {  	_ =	shalt  }
0x46: {  	_ =	shalt  }
0x47: {  	_ =	shalt  }
0x48: {  	_ =	shalt  }
0x49: {  	_ =	shalt  }
0x4a: {  	_ =	shalt  }
0x4b: {  	_ =	shalt  }
0x4c: {  	_ =	shalt  }
0x4d: {  	_ =	shalt  }
0x4e: {  	_ =	shalt  }
0x4f: {  	_ =	shalt  }
0x50: {  	_ =	shalt  }
0x51: {  	_ =	shalt  }
0x52: {  	_ =	shalt  }
0x53: {  	_ =	shalt  }
0x54: {  	_ =	shalt  }
0x55: {  	_ =	shalt  }
0x56: {  	_ =	shalt  }
0x57: {  	_ =	shalt  }
0x58: {  	_ =	shalt  }
0x59: {  	_ =	shalt  }
0x5a: {  	_ =	shalt  }
0x5b: {  	_ =	shalt  }
0x5c: {  	_ =	shalt  }
0x5d: {  	_ =	shalt  }
0x5e: {  	_ =	shalt  }
0x5f: {  	_ =	shalt  }
0x60: {  	_ =	shalt  }
0x61: {  	_ =	shalt  }
0x62: {  	_ =	shalt  }
0x63: {  	_ =	shalt  }
0x64: {  	_ =	shalt  }
0x65: {  	_ =	shalt  }
0x66: {  	_ =	shalt  }
0x67: {  	_ =	shalt  }
0x68: {  	_ =	shalt  }
0x69: {  	_ =	shalt  }
0x6a: {  	_ =	shalt  }
0x6b: {  	_ =	shalt  }
0x6c: {  	_ =	shalt  }
0x6d: {  	_ =	shalt  }
0x6e: {  	_ =	shalt  }
0x6f: {  	_ =	shalt  }
0x70: {  	_ =	shalt  }
0x71: {  	_ =	shalt  }
0x72: {  	_ =	shalt  }
0x73: {  	_ =	shalt  }
0x74: {  	_ =	shalt  }
0x75: {  	_ =	shalt  }
0x76: {  	_ =	shalt  }
0x77: {  	_ =	shalt  }
0x78: {  	_ =	shalt  }
0x79: {  	_ =	shalt  }
0x7a: {  	_ =	shalt  }
0x7b: {  	_ =	shalt  }
0x7c: {  	_ =	shalt  }
0x7d: {  	_ =	shalt  }
0x7e: {  	_ =	shalt  }
0x7f: {  	_ =	shalt  }
0x80: {  	_ =	shalt  }
0x81: {  	_ =	shalt  }
0x82: {  	_ =	shalt  }
0x83: {  	_ =	shalt  }
0x84: {  	_ =	shalt  }
0x85: {  	_ =	shalt  }
0x86: {  	_ =	shalt  }
0x87: {  	_ =	shalt  }
.Lfunc_end0:
.L_simem_size_0:
called_computation_lowered:
.L_overlay_start_0:
0x88: {  	s2 =	sld [smem:$0x3FD9]  }
0x89: {  	s3 =	sld [smem:$0x3FFE];
	_ =	sdelay $0x1  }
0x8a: {  	s1 =	srdreg.scid  }
0x8b: {  	s0 =	sand.u32 $0x1, s1  }
0x8c: {  	s16 =	sshll.u32 s0, $0xA;
	s2 =	sadd.s32 s3, s2  }
0x8d: {  	s2 =	sadd.s32 s2, s16  }
0x8e: {  	[smem:$0x3FBF] =	sst s2  }
0x8f: {  	_ = 	snop  }
0x90: {  	(tm) =	ssettm $0x1  }
0x91: {  	s17 =	sld [smem:$0x3FFB];
	_ =	sdelay $0x3  }
0x92: {  	_ =	strace s17  }
0x93: {  	s2 =	sld [smem:$0x3FFC];
	_ =	sdelay $0x3  }
0x94: {  	_ =	strace s2  }
0x95: {  	s2 =	sld [smem:$0x3FFD];
	_ =	sdelay $0x3  }
0x96: {  	_ =	strace s2  }
0x97: {  	_ =	strace $0x8FFFFFFF  }
0x98: {  	s18 =	sld [smem:$0x3FDB];
	_ =	sdelay $0x1  }
0x99: {  	s19 =	simm.s32 $_scs_section_size  }
0x9a: {  	s4 =	simm.s32 $_size__tile_overlayer_lowered;
	s5 =	simm.s32 $_tile_overlayer_lowered  }
0x9b: {  	s22 =	simm.s32 $0x1BFF;
	s21 =	sshll.u32 s5, $0x1;
	s2 =	sadd.s32 s19, s18  }
0x9c: {  	s6 =	simm.s32 $0x0;
	s20 =	sshll.u32 s4, $0x1;
	s4 =	sadd.s32 s21, s2  }
0x9d: {  	[timem:s6], [sflag:s22] =	dma.local [hbm:s4], s20  }
0x9e: {  	_ =	swait.ge [sflag:s22], s20  }
0x9f: {  	s3 =	ssub.s32 $0x0, s20;
	[sflag:s22] =	ssyncset.done $0x0  }
0xa0: {  	[sflag:s22] =	ssyncadd.s32 s3;
	_ =	sdelay $0x1  }
0xa1: {  	s23 =	simm.s32 $0x1B8B  }
0xa2: {  	_ =	swait.ge [sflag:s23], $0x1  }
0xa3: {  	[sflag:s23] =	ssyncset.done $0x0  }
0xa4: {  	s25 =	simm.s32 $0x1B8E;
	s24 =	sld [smem:$0x3FFE];
	[sflag:s23] =	ssyncadd.s32 $0xFFFFFFFF  }
0xa5: {  	s26 =	simm.s32 $execute0_lowered;
	[smem:$0x3FD2] =	sst s25  }
0xa6: {  	s4 =	sshll.u32 s26, $0x1;
	_ =	strace $0x80000046;
	[dreg:$0x1] =	wrdreg $0xFFFFFFFF  }
0xa7: {  	s28 =	simm.s32 $_size_execute0_lowered;
	s2 =	sadd.s32 s2, s4;
	[dreg:$0x0] =	wrdreg $0x0  }
0xa8: {  	s4 =	sshll.u32 s28, $0x1;
	[dreg:$0x2] =	wrdreg s2  }
0xa9: {  	[dreg:$0x3] =	wrdreg s4  }
0xaa: {  	[dreg:$0x4] =	wrdreg $0xC0  }
0xab: {  	_ =	task [dreg:s6], $0x5FFFF  }
0xac: {  	[dreg:$0x1] =	wrdreg $0xFFFFFFFF  }
0xad: {  	[dreg:$0x0] =	wrdreg $0x60  }
0xae: {  	[dreg:$0x2] =	wrdreg s24  }
0xaf: {  	[dreg:$0x3] =	wrdreg $0x2F800  }
0xb0: {  	[dreg:$0x4] =	wrdreg $0x9  }
0xb1: {  	_ =	task.clear_ibuf [dreg:s6], $0x5FFFF;
	_ =	strace $0x90000046  }
0xb2: {  	s29 =	simm.s32 $0x9;
	_ =	strace $0x80000048  }
0xb3: {  	_ =	swait.ge [sflag:s29], $0x1  }
0xb4: {  	[sflag:s29] =	ssyncadd.s32 $0xFFFFFFFF  }
0xb5: {  	_ =	strace $0x90000048  }
0xb6: {  	_ =	sfence  }
0xb7: {  	s30 =	sld [smem:$0x0];
	_ =	sdelay $0x2  }
0xb8: {  	s31 =	sshll.u32 s1, $0xD;
	s1 =	sshrl.u32 s1, $0x2  }
0xb9: {  	s3 =	sand.u32 $0x4000, s31;
	s1 =	sadd.s32 s1, s30  }
0xba: {  	s0 =	sor.u32 s3, s0;
	s1 =	sshll.u32 s1, $0x11  }
0xbb: {  	s0 =	sor.u32 s1, s0  }
0xbc: {  	s0 =	sadd.s32 $0x8F2B, s0  }
0xbd: {  	[sflag:s0] =	ssyncadd.remote.s32 $0x1  }
0xbe: {  	_ =	sfence.sel $0xFFFF  }
0xbf: {  	[dreg:$0x0] =	wrdreg $0xFFFFFFFF;
	(pc) =	sbr.abs _section_cstart, $3  }
0xc0: {  	[dreg:$0x1] =	wrdreg $0xFFFFFFFF  }
0xc1: {  	_ =	task.clear_ibuf [dreg:s6], $0x2FFFF;
	_ =	strace $0x9FFFFFFF  }
0xc2: {  	(tm) =	ssettm $0x7FFFFFFF  }
0xc3: {  	_ =	shalt  }
tec
execute0_lowered:
.L_overlay_start_1:
0x0: {  	(tag) =	ssettag $0x1  }
0x1: {  	s0 =	srdreg.scid  }
0x2: {  	s6 =	rddreg [dreg:$0x0];
	s5 =	sand.u32 $0x1, s0;
	s0 =	stileid.u32  }
0x3: {  	s2 =	rddreg [dreg:$0x1];
	s9 =	smul.u32 $0x2800, s0  }
0x4: {  	s3 =	simm.s32 $0x0;
	s16 =	simm.s32 $0x0;
	s29 =	smul.u32 $0x500, s0  }
0x5: {  	[smem:$0x7FF] =	sst s3;
	s1 =	sshll.u32 s5, $0x4;
	s10 =	smul.u32 $0x5000, s5  }
0x6: {  	s30 =	ssub.s32 $0x2, s5;
	s5 =	simm.s32 $0x4F;
	s31 =	sshll.u32 s0, $0x6  }
0x7: {  	s12 =	sor.u32 s0, s1;
	s1 =	rddreg [dreg:$0x2];
	_ =	strace $0x80000047  }
0x8: {  	s13 =	sshrl.u32 s30, $0x1;
	s4 =	smul.u32 $0x4E, s12;
	s7 =	smin.u32 s12, $0x4  }
0x9: {  	s11 =	sshrl.u32 s9, $0x3;
	p0 =	slt.u32 s12, $0x4;
	s13 =	ssub.s32 s30, s13  }
0xa: {  	s15 =	sadd.s32 s9, s2;
	s11 =	sadd.s32 s11, s6;
	s4 =	sadd.s32 s7, s4  }
0xb: {  	s5 =	simm.s32 @!p0 $0x4E;
	s7 =	sadd.s32 s29, s10;
	s8 =	sshll.u32 s4, $0x4  }
0xc: {  	s4 =	sadd.s32 $0x1B800, s6;
	s14 =	sadd.s32 s7, s6;
	s8 =	sadd.s32 s8, s6  }
0xd: {  	s6 =	sadd.s32 $0xCA40, s8;
	s7 =	sadd.s32 $0xCF20, s8;
	s8 =	simm.s32 $0x56  }
0xe: {  	s9 =	sadd.s32 $0x16800, s11;
	s8 =	simm.s32 @!p0 $0x55;
	p0 =	sgt.u32 s12, $0x3  }
0xf: {  	s11 =	smax.u32 s13, $0x1;
	s13 =	sor.u32 $0x1C09, s31;
	s12 =	simm.s32 @!p0 $0x0  }
0x10: {  	s10 =	sadd.s32 $0x20800, s14;
	s14 =	sshrl.u32 s15, $0x3;
	s12 =	simm.s32 @p0 $0x1  }
0x11: {  	s15 =	simm.s32 $0x2780;
	[smem:$0x7FD] =	sst s12;
	s12 =	simm.s32 $0x9  }
.LBB2_1:
0x12: {  	[tilespmem:s3], [sflag:$0x9] =	stream.linear.gather [hbm4b:s6+s3], $0x2700, $0x38;
	[tilespmem:$0x5780] =	vst v63  }
0x13: {  	_ =	swait.ge [sflag:s12], $0x2700  }
0x14: {  	s17 =	sld [smem:$0x7FD];
	_ =	sdelay $0x2  }
0x15: {  	[sflag:s12] =	ssyncset.done $0x0;
	p0 =	seq.s32 s17, $0x1  }
0x16: {  	[sflag:s12] =	ssyncadd.s32 $0xFFFFD900;
	s17 =	simm.s32 @!p0 $0x0;
	s18 =	simm.s32 @!p0 $0x2700  }
0x17: {  	[tilespmem:s18], [sflag:$0x9] =	stream.linear.gather @!p0 [hbm4b:s7+s17], $0x80, $0x38;
	[tilespmem:$0x5780] =	vst v63  }
0x18: {  	s17 =	simm.s32 @!p0 $0x9  }
0x19: {  	_ =	swait.ge @!p0 [sflag:s17], $0x80  }
0x1a: {  	[sflag:s17] =	ssyncset.done @!p0 $0x0  }
0x1b: {  	[sflag:s17] =	ssyncadd.s32 @!p0 $0xFFFFFF80  }
0x1c: {  	[spmem:s14], [sflag:s13] =	dma.local [hbm:s9], $0x500  }
0x1d: {  	_ =	swait.ge [sflag:s12], $0x500  }
0x1e: {  	[sflag:s12] =	ssyncset.done $0x0  }
0x1f: {  	[sflag:s12] =	ssyncadd.s32 $0xFFFFFB00  }
0x20: {  	[tilespmem:s15], [sflag:$0x9] =	stream.linear.gather [hbm4b:s4+s3], $0x800, $0x38;
	[tilespmem:$0x5780] =	vst v63  }
0x21: {  	_ =	swait.ge [sflag:s12], $0x800  }
0x22: {  	[sflag:s12] =	ssyncset.done $0x0  }
0x23: {  	p2 =	por $0x1, $0x1;
	[sflag:s12] =	ssyncadd.s32 $0xFFFFF800  }
0x24: {  	s17 =	simm.s32 @!p2 $0x1;
	[bflag:$0x0] =	sbarrier.arrive $0xFFFF  }
0x25: {  	p1 =	sle.u32 s5, $0x0;
	_ =	swait.ge @!p2 [sflag:s17], $0x800  }
0x26: {  	s19 =	simm.s32 @!p1 $0x2780;
	[sflag:s17] =	ssyncset.done @!p2 $0x0  }
0x27: {  	s18 =	simm.s32 @!p2 $0x2;
	[sflag:s17] =	ssyncadd.s32 @!p2 $0xFFFFF800;
	s17 =	simm.s32 @!p1 $0x80  }
0x28: {  	[spmem:s2] =	stream.indirect.scatter.add.f32 @!p1 [tilespmem:s19], [sflag:$0x1], $0x10, s3, s17, $0xb8;
	[tilespmem:$0x5780] =	vst v63  }
0x29: {  	p1 =	sle.u32 s5, $0x1;
	_ =	swait.ge @!p2 [sflag:s18], $0x800  }
0x2a: {  	s20 =	simm.s32 @!p2 $0x3;
	s17 =	simm.s32 @!p1 $0x80;
	[sflag:s18] =	ssyncset.done @!p2 $0x0  }
0x2b: {  	s19 =	simm.s32 @!p1 $0x2780;
	[sflag:s18] =	ssyncadd.s32 @!p2 $0xFFFFF800;
	s18 =	simm.s32 @!p1 $0x80  }
0x2c: {  	[spmem:s2] =	stream.indirect.scatter.add.f32 @!p1 [tilespmem:s19], [sflag:$0x2], $0x10, s17, s18, $0xb8;
	[tilespmem:$0x5780] =	vst v63  }
0x2d: {  	p1 =	sle.u32 s5, $0x2;
	_ =	swait.ge @!p2 [sflag:s20], $0x800  }
0x2e: {  	s17 =	simm.s32 @!p1 $0x100;
	s18 =	simm.s32 @!p1 $0x2780;
	[sflag:s20] =	ssyncset.done @!p2 $0x0  }
0x2f: {  	s19 =	simm.s32 @!p1 $0x80;
	[sflag:s20] =	ssyncadd.s32 @!p2 $0xFFFFF800;
	s20 =	simm.s32 @!p2 $0x4  }
0x30: {  	[spmem:s2] =	stream.indirect.scatter.add.f32 @!p1 [tilespmem:s18], [sflag:$0x3], $0x10, s17, s19, $0xb8;
	[tilespmem:$0x5780] =	vst v63  }
0x31: {  	p3 =	sle.u32 s5, $0x4;
	p1 =	sle.u32 s5, $0x3;
	_ =	swait.ge @!p2 [sflag:s20], $0x800  }
0x32: {  	s17 =	simm.s32 @!p1 $0x180;
	s18 =	simm.s32 @!p1 $0x2780;
	[sflag:s20] =	ssyncset.done @!p2 $0x0  }
0x33: {  	s19 =	simm.s32 @!p1 $0x80;
	[sflag:s20] =	ssyncadd.s32 @!p2 $0xFFFFF800;
	s20 =	simm.s32 @!p2 $0x5  }
0x34: {  	[spmem:s2] =	stream.indirect.scatter.add.f32 @!p1 [tilespmem:s18], [sflag:$0x4], $0x10, s17, s19, $0xb8;
	[tilespmem:$0x5780] =	vst v63  }
0x35: {  	p1 =	slt.u32 @!p2 s8, $0x5;
	s17 =	simm.s32 @!p3 $0x200;
	_ =	swait.ge @!p2 [sflag:s20], $0x800  }
0x36: {  	s18 =	simm.s32 @!p3 $0x2780;
	p1 =	por p1, p2;
	[sflag:s20] =	ssyncset.done @!p2 $0x0  }
0x37: {  	s19 =	simm.s32 @!p1 $0x6;
	[sflag:s20] =	ssyncadd.s32 @!p2 $0xFFFFF800;
	s20 =	simm.s32 @!p3 $0x80  }
0x38: {  	[spmem:s2] =	stream.indirect.scatter.add.f32 @!p3 [tilespmem:s18], [sflag:$0x5], $0x10, s17, s20, $0xb8;
	[tilespmem:$0x5780] =	vst v63  }
0x39: {  	p4 =	slt.u32 @!p2 s8, $0x6;
	p3 =	sle.u32 s5, $0x5;
	_ =	swait.ge @!p1 [sflag:s19], $0x800  }
0x3a: {  	p4 =	por p4, p2;
	s17 =	simm.s32 @!p3 $0x280;
	[sflag:s19] =	ssyncset.done @!p1 $0x0  }
0x3b: {  	s18 =	simm.s32 @!p3 $0x80;
	[sflag:s19] =	ssyncadd.s32 @!p1 $0xFFFFF800;
	s19 =	simm.s32 @!p3 $0x2780  }
0x3c: {  	[spmem:s2] =	stream.indirect.scatter.add.f32 @!p3 [tilespmem:s19], [sflag:$0x6], $0x10, s17, s18, $0xb8;
	[tilespmem:$0x5780] =	vst v63  }
0x3d: {  	p5 =	slt.u32 @!p2 s8, $0x7;
	s18 =	simm.s32 @!p4 $0x7  }
0x3e: {  	p1 =	sle.u32 s5, $0x7;
	p3 =	sle.u32 s5, $0x6;
	_ =	swait.ge @!p4 [sflag:s18], $0x800  }
0x3f: {  	s17 =	simm.s32 $0xF;
	s19 =	simm.s32 @!p3 $0x300;
	[sflag:s18] =	ssyncset.done @!p4 $0x0  }
0x40: {  	s20 =	simm.s32 @!p3 $0x2780;
	[sflag:s18] =	ssyncadd.s32 @!p4 $0xFFFFF800;
	s18 =	simm.s32 @!p3 $0x80  }
0x41: {  	[spmem:s2] =	stream.indirect.scatter.add.f32 @!p3 [tilespmem:s20], [sflag:$0x7], $0x10, s19, s18, $0xb8;
	[tilespmem:$0x5780] =	vst v63  }
0x42: {  	s23 =	simm.s32 @!p1 $0x80;
	s24 =	simm.s32 @!p1 $0x380;
	p3 =	por p5, p2  }
0x43: {  	s19 =	simm.s32 @!p1 $0x2780;
	s18 =	simm.s32 $0x400;
	s25 =	simm.s32 @!p3 $0x8  }
.LBB2_2:
0x44: {  	_ =	swait.ge @!p3 [sflag:s25], $0x800;
	s21 =	smov.u32 s17;
	s20 =	smov.u32 s18  }
0x45: {  	p4 =	por p1, p1;
	p1 =	sge.u32 s17, s5;
	s17 =	sadd.s32 $0x8, s17  }
0x46: {  	p2 =	seq.s32 s21, $0x7;
	s22 =	sadd.s32 $0xFFFFFFFE, s21;
	[sflag:s25] =	ssyncset.done @!p3 $0x0  }
0x47: {  	s26 =	simm.s32 @!p2 $0x1;
	p5 =	sgt.u32 @!p2 s22, s8;
	[sflag:s25] =	ssyncadd.s32 @!p3 $0xFFFFF800  }
0x48: {  	[spmem:s2] =	stream.indirect.scatter.add.f32 @!p4 [tilespmem:s19], [sflag:$0x8], $0x10, s24, s23, $0xb8;
	[tilespmem:$0x5780] =	vst v63  }
0x49: {  	p3 =	sgt.u32 @!p2 s21, s8;
	s19 =	sadd.s32 $0xFFFFFFF9, s21;
	_ =	swait.ge @!p2 [sflag:s26], $0x800  }
0x4a: {  	s23 =	simm.s32 @!p2 $0x2;
	p4 =	sge.u32 s19, s5;
	[sflag:s26] =	ssyncset.done @!p2 $0x0  }
0x4b: {  	s19 =	simm.s32 @!p4 $0x80;
	s24 =	simm.s32 @!p4 $0x2780;
	[sflag:s26] =	ssyncadd.s32 @!p2 $0xFFFFF800  }
0x4c: {  	[spmem:s2] =	stream.indirect.scatter.add.f32 @!p4 [tilespmem:s24], [sflag:$0x1], $0x10, s18, s19, $0xb8;
	[tilespmem:$0x5780] =	vst v63  }
0x4d: {  	s19 =	sadd.s32 $0xFFFFFFFA, s21;
	p4 =	sne.s32 s17, $0x5F;
	_ =	swait.ge @!p2 [sflag:s23], $0x800  }
0x4e: {  	p6 =	sge.u32 s19, s5;
	s19 =	simm.s32 @!p1 $0x2780;
	[sflag:s23] =	ssyncset.done @!p2 $0x0  }
0x4f: {  	s24 =	simm.s32 @!p6 $0x80;
	[sflag:s23] =	ssyncadd.s32 @!p2 $0xFFFFF800;
	s23 =	sadd.s32 @!p6 $0x80, s18  }
0x50: {  	s28 =	simm.s32 @!p2 $0x3;
	s26 =	sadd.s32 $0xFFFFFFFB, s21;
	s25 =	simm.s32 @!p6 $0x2780  }
0x51: {  	[spmem:s2] =	stream.indirect.scatter.add.f32 @!p6 [tilespmem:s25], [sflag:$0x2], $0x10, s23, s24, $0xb8;
	[tilespmem:$0x5780] =	vst v63  }
0x52: {  	p6 =	sge.u32 s26, s5;
	s23 =	sadd.s32 $0xFFFFFFFC, s21;
	_ =	swait.ge @!p2 [sflag:s28], $0x800  }
0x53: {  	s24 =	sadd.s32 @!p6 $0x100, s18;
	s25 =	simm.s32 @!p6 $0x2780;
	[sflag:s28] =	ssyncset.done @!p2 $0x0  }
0x54: {  	s26 =	simm.s32 @!p6 $0x80;
	[sflag:s28] =	ssyncadd.s32 @!p2 $0xFFFFF800;
	s28 =	simm.s32 @!p2 $0x4  }
0x55: {  	[spmem:s2] =	stream.indirect.scatter.add.f32 @!p6 [tilespmem:s25], [sflag:$0x3], $0x10, s24, s26, $0xb8;
	[tilespmem:$0x5780] =	vst v63  }
0x56: {  	p6 =	sge.u32 s23, s5;
	s23 =	sadd.s32 $0xFFFFFFFD, s21;
	_ =	swait.ge @!p2 [sflag:s28], $0x800  }
0x57: {  	s24 =	sadd.s32 @!p6 $0x180, s18;
	s25 =	simm.s32 @!p6 $0x2780;
	[sflag:s28] =	ssyncset.done @!p2 $0x0  }
0x58: {  	s26 =	simm.s32 @!p6 $0x80;
	[sflag:s28] =	ssyncadd.s32 @!p2 $0xFFFFF800;
	s28 =	simm.s32 @!p2 $0x5  }
0x59: {  	[spmem:s2] =	stream.indirect.scatter.add.f32 @!p6 [tilespmem:s25], [sflag:$0x4], $0x10, s24, s26, $0xb8;
	[tilespmem:$0x5780] =	vst v63  }
0x5a: {  	p6 =	sge.u32 s23, s5;
	s23 =	simm.s32 @!p1 $0x80;
	_ =	swait.ge @!p2 [sflag:s28], $0x800  }
0x5b: {  	p5 =	por p5, p2;
	s25 =	sadd.s32 @!p6 $0x200, s18;
	[sflag:s28] =	ssyncset.done @!p2 $0x0  }
0x5c: {  	s26 =	simm.s32 @!p6 $0x2780;
	[sflag:s28] =	ssyncadd.s32 @!p2 $0xFFFFF800;
	s28 =	simm.s32 @!p5 $0x6  }
0x5d: {  	s21 =	sadd.s32 $0xFFFFFFFF, s21;
	s24 =	sadd.s32 @!p1 $0x380, s18;
	s29 =	simm.s32 @!p6 $0x80  }
0x5e: {  	[spmem:s2] =	stream.indirect.scatter.add.f32 @!p6 [tilespmem:s26], [sflag:$0x5], $0x10, s25, s29, $0xb8;
	[tilespmem:$0x5780] =	vst v63  }
0x5f: {  	p0 =	sge.u32 s22, s5;
	p6 =	sgt.u32 @!p2 s21, s8;
	_ =	swait.ge @!p5 [sflag:s28], $0x800  }
0x60: {  	s22 =	sadd.s32 @!p0 $0x280, s18;
	p6 =	por p6, p2;
	[sflag:s28] =	ssyncset.done @!p5 $0x0  }
0x61: {  	s25 =	simm.s32 @!p0 $0x80;
	s26 =	simm.s32 @!p0 $0x2780;
	[sflag:s28] =	ssyncadd.s32 @!p5 $0xFFFFF800  }
0x62: {  	[spmem:s2] =	stream.indirect.scatter.add.f32 @!p0 [tilespmem:s26], [sflag:$0x6], $0x10, s22, s25, $0xb8;
	[tilespmem:$0x5780] =	vst v63  }
.Ltmp0:
0x63: {  	s18 =	sadd.s32 $0x400, s18;
	s22 =	simm.s32 @!p6 $0x7;
	(pc) =	sbr.rel @p4 .LBB2_2-.Ltmp0, $4  }
0x64: {  	p3 =	por p3, p2;
	p0 =	sge.u32 s21, s5;
	_ =	swait.ge @!p6 [sflag:s22], $0x800  }
0x65: {  	s20 =	sadd.s32 @!p0 $0x300, s20;
	s21 =	simm.s32 @!p0 $0x2780;
	[sflag:s22] =	ssyncset.done @!p6 $0x0  }
0x66: {  	s25 =	simm.s32 @!p3 $0x8;
	[sflag:s22] =	ssyncadd.s32 @!p6 $0xFFFFF800;
	s22 =	simm.s32 @!p0 $0x80  }
0x67: {  	[spmem:s2] =	stream.indirect.scatter.add.f32 @!p0 [tilespmem:s21], [sflag:$0x7], $0x10, s20, s22, $0xb8;
	[tilespmem:$0x5780] =	vst v63  }
0x68: {  	_ =	swait.ge @!p3 [sflag:s25], $0x800  }
0x69: {  	[sflag:s25] =	ssyncset.done @!p3 $0x0  }
0x6a: {  	p0 =	por p1, p1;
	s16 =	sadd.s32 $0x1, s16;
	[sflag:s25] =	ssyncadd.s32 @!p3 $0xFFFFF800  }
0x6b: {  	[spmem:s2] =	stream.indirect.scatter.add.f32 @!p0 [tilespmem:s19], [sflag:$0x8], $0x10, s24, s23, $0xb8;
	[tilespmem:$0x5780] =	vst v63  }
0x6c: {  	p0 =	sne.s32 s16, s11  }
.Ltmp1:
0x6d: {  	[bflag:$0x0] =	sbarrier.arrive $0xFFFF;
	(pc) =	sbr.rel @p0 .LBB2_1-.Ltmp1, $4  }
0x6e: {  	[hbm:s10], [sflag:s13] =	dma.local [spmem:s14], $0x500  }
0x6f: {  	_ =	swait.ge [sflag:s12], $0x500  }
0x70: {  	[sflag:s12] =	ssyncset.done $0x0  }
0x71: {  	[sflag:s12] =	ssyncadd.s32 $0xFFFFFB00  }
0x72: {  	_ =	sfence.sel $0x180000  }
0x73: {  	[bflag:$0x0] =	sbarrier.arrive $0xFFFF  }
0x74: {  	p0 =	sne.s32 s0, $0x0;
	_ =	strace $0x90000047  }
0x75: {  	s0 =	sadd.s32 @!p0 $0x100000, s1;
	[bflag:$0x2] =	sbarrier.arrive $0xFFFF  }
0x76: {  	[sflag:s0] =	ssyncadd.tile.s32 @!p0 $0x1;
	_ =	shalt  }
.Lfunc_end2:
_tile_overlayer_lowered:
.L_overlay_start_2:
0x77: {  	(tag) =	ssettag $0x2  }
0x78: {  	s0 =	rddreg [dreg:$0x0];
	s2 =	stileid.u32  }
0x79: {  	s1 =	rddreg [dreg:$0x1];
	p0 =	sne.s32 s2, $0x0  }
0x7a: {  	s3 =	rddreg [dreg:$0x2];
	[bflag:$0x3] =	sbarrier.arrive $0xFFFF;
	s2 =	simm.s32 @!p0 $0x1C09  }
0x7b: {  	[timem:s3], [sflag:s2] =	dma.local @!p0 [hbm:s0], s1  }
0x7c: {  	s0 =	simm.s32 @!p0 $0x9  }
0x7d: {  	_ =	swait.ge @!p0 [sflag:s0], s1  }
0x7e: {  	s1 =	ssub.s32 @!p0 $0x0, s1;
	[sflag:s0] =	ssyncset.done @!p0 $0x0  }
0x7f: {  	[sflag:s0] =	ssyncadd.s32 @!p0 s1  }
0x80: {  	[bflag:$0x3] =	sbarrier.arrive $0xFFFF  }
0x81: {  	_ =	shalt  }

// kernel: kernel.14.cloned.1.call-start
scs
__scs_entry_jumppad:
0x0: {  	(pc) =	sbr.rel $0x88, $3  }
0x1: {  	(tag) =	ssettag $0x0;
	lr =	simm.s32 $0x1  }
0x2: {  	[smem:$0x3F98] =	sst lr;
	_ =	strace $0xD0000000  }
0x3: {  	_ = 	snop  }
0x4: {  	_ = 	snop  }
0x5: {  	_ = 	snop  }
0x6: {  	_ = 	snop  }
0x7: {  	_ = 	snop  }
__scs_overlays_trampoline_lowered:
0x8: {  	[smem:$0x3FA7] =	sst s0  }
0x9: {  	[smem:$0x3FA8] =	sst s1  }
0xa: {  	[smem:$0x3FA9] =	sst s2  }
0xb: {  	[smem:$0x3FAA] =	sst s3  }
0xc: {  	[smem:$0x3FAB] =	sst s4  }
0xd: {  	[smem:$0x3FAC] =	sst s5  }
0xe: {  	[smem:$0x3FAD] =	sst s6  }
0xf: {  	[smem:$0x3FAE] =	sst s7  }
0x10: {  	[smem:$0x3FAF] =	sst s8  }
0x11: {  	[smem:$0x3FB0] =	sst s9;
	s0 =	simm.s32 @!p0 $0x0  }
0x12: {  	s1 =	sld [smem:$0x3F96];
	s0 =	simm.s32 @p0 $0x1  }
0x13: {  	[smem:$0x3FB1] =	sst s0;
	s0 =	simm.s32 @!p1 $0x0  }
0x14: {  	s2 =	sld [smem:$0x3F95];
	s0 =	simm.s32 @p1 $0x1  }
0x15: {  	[smem:$0x3FB2] =	sst s0;
	s0 =	simm.s32 @!p2 $0x0  }
0x16: {  	s3 =	sld [smem:$0x3FDB];
	s0 =	simm.s32 @p2 $0x1  }
0x17: {  	s4 =	simm.s32 $0x1BF5;
	[smem:$0x3FB4] =	sst s0  }
0x18: {  	s0 =	sld [smem:$0x3F97];
	_ =	swait.ge [sflag:s4], $0x0  }
0x19: {  	s7 =	sld [smem:$0x3F98]  }
0x1a: {  	s8 =	sadd.s32 $0xFFFFE003, lr  }
0x1b: {  	s9 =	sadd.s32 $0xFFFFFEF7, lr;
	s5 =	simm.s32 $0xFFFFFFFF;
	p2 =	slt.u32 s8, $0xFFFFF086  }
0x1c: {  	p1 =	slt.u32 s9, $0xF7A;
	s5 =	simm.s32 @!p2 $0x0  }
0x1d: {  	s5 =	simm.s32 @p1 $0x1;
	p0 =	seq.s32 s7, s2  }
0x1e: {  	s7 =	smul.u32 @!p0 $0xF7A, s2;
	p2 =	seq.s32 @!p0 s5, $0x0  }
0x1f: {  	s9 =	smul.u32 $0xF7A, s1;
	s8 =	simm.s32 @!p0 $0x1BF5;
	p2 =	por !p2, p0  }
0x20: {  	[sflag:s8] =	ssyncset.s32 @!p0 $0xFFFFF086;
	s6 =	sadd.s32 @!p0 s3, s7;
	s7 =	simm.s32 @!p0 $0x108  }
0x21: {  	s3 =	sadd.s32 s3, s9;
	s6 =	sadd.s32 @!p0 $0x88, s6;
	s7 =	simm.s32 @p2 $0x1082  }
0x22: {  	[simem:s7], [sflag:s8] =	dma.local @!p0 [hbm:s6], $0xF7A  }
0x23: {  	s9 =	sor.u32 $0xD0000000, s2;
	s6 =	simm.s32 $0x108;
	_ =	swait.ge @!p0 [sflag:s8], $0x0  }
0x24: {  	s3 =	sadd.s32 $0x88, s3;
	s6 =	simm.s32 @!p1 $0x1082;
	[sflag:s4] =	ssyncset.s32 $0xFFFFF086  }
0x25: {  	[simem:s6], [sflag:s4] =	dma.local [hbm:s3], $0xF7A  }
0x26: {  	[smem:$0x3F98] =	sst s1;
	(tag) =	ssettag s2;
	_ =	strace s9  }
0x27: {  	s1 =	sld [smem:$0x3FA8]  }
0x28: {  	s2 =	sld [smem:$0x3FA9]  }
0x29: {  	s4 =	sld [smem:$0x3FAB]  }
0x2a: {  	p0 =	seq.s32 s5, $0x0;
	s5 =	sld [smem:$0x3FAC]  }
0x2b: {  	s6 =	sld [smem:$0x3FAD]  }
0x2c: {  	s7 =	sld [smem:$0x3FAE]  }
0x2d: {  	s3 =	simm.s32 $0x108;
	s8 =	sld [smem:$0x3FAF]  }
0x2e: {  	s3 =	simm.s32 @!p0 $0x1082;
	s9 =	sld [smem:$0x3FB0]  }
0x2f: {  	lr =	sadd.s32 s0, s3;
	s0 =	sld [smem:$0x3FA7]  }
0x30: {  	s3 =	sld [smem:$0x3FAA]  }
0x31: {  	[smem:$0x3FB3] =	sst s10  }
0x32: {  	s10 =	sld [smem:$0x3FB1];
	_ =	sdelay $0x3  }
0x33: {  	p0 =	seq.s32 s10, $0x1;
	s10 =	sld [smem:$0x3FB3];
	_ =	sdelay $0x3  }
0x34: {  	[smem:$0x3FB3] =	sst s10  }
0x35: {  	s10 =	sld [smem:$0x3FB2];
	_ =	sdelay $0x3  }
0x36: {  	p1 =	seq.s32 s10, $0x1;
	s10 =	sld [smem:$0x3FB3];
	_ =	sdelay $0x3  }
0x37: {  	[smem:$0x3FB3] =	sst s10  }
0x38: {  	s10 =	sld [smem:$0x3FB4]  }
0x39: {  	_ = 	snop;
	(pc) =	sbr.ind lr, $3  }
0x3a: {  	_ = 	snop  }
0x3b: {  	_ = 	snop  }
0x3c: {  	p2 =	seq.s32 s10, $0x1;
	s10 =	sld [smem:$0x3FB3]  }
0x3d: {  	_ =	shalt  }
0x3e: {  	_ =	shalt  }
0x3f: {  	_ =	shalt  }
0x40: {  	_ =	shalt  }
0x41: {  	_ =	shalt  }
0x42: {  	_ =	shalt  }
0x43: {  	_ =	shalt  }
0x44: {  	_ =	shalt  }
0x45: {  	_ =	shalt  }
0x46: {  	_ =	shalt  }
0x47: {  	_ =	shalt  }
0x48: {  	_ =	shalt  }
0x49: {  	_ =	shalt  }
0x4a: {  	_ =	shalt  }
0x4b: {  	_ =	shalt  }
0x4c: {  	_ =	shalt  }
0x4d: {  	_ =	shalt  }
0x4e: {  	_ =	shalt  }
0x4f: {  	_ =	shalt  }
0x50: {  	_ =	shalt  }
0x51: {  	_ =	shalt  }
0x52: {  	_ =	shalt  }
0x53: {  	_ =	shalt  }
0x54: {  	_ =	shalt  }
0x55: {  	_ =	shalt  }
0x56: {  	_ =	shalt  }
0x57: {  	_ =	shalt  }
0x58: {  	_ =	shalt  }
0x59: {  	_ =	shalt  }
0x5a: {  	_ =	shalt  }
0x5b: {  	_ =	shalt  }
0x5c: {  	_ =	shalt  }
0x5d: {  	_ =	shalt  }
0x5e: {  	_ =	shalt  }
0x5f: {  	_ =	shalt  }
0x60: {  	_ =	shalt  }
0x61: {  	_ =	shalt  }
0x62: {  	_ =	shalt  }
0x63: {  	_ =	shalt  }
0x64: {  	_ =	shalt  }
0x65: {  	_ =	shalt  }
0x66: {  	_ =	shalt  }
0x67: {  	_ =	shalt  }
0x68: {  	_ =	shalt  }
0x69: {  	_ =	shalt  }
0x6a: {  	_ =	shalt  }
0x6b: {  	_ =	shalt  }
0x6c: {  	_ =	shalt  }
0x6d: {  	_ =	shalt  }
0x6e: {  	_ =	shalt  }
0x6f: {  	_ =	shalt  }
0x70: {  	_ =	shalt  }
0x71: {  	_ =	shalt  }
0x72: {  	_ =	shalt  }
0x73: {  	_ =	shalt  }
0x74: {  	_ =	shalt  }
0x75: {  	_ =	shalt  }
0x76: {  	_ =	shalt  }
0x77: {  	_ =	shalt  }
0x78: {  	_ =	shalt  }
0x79: {  	_ =	shalt  }
0x7a: {  	_ =	shalt  }
0x7b: {  	_ =	shalt  }
0x7c: {  	_ =	shalt  }
0x7d: {  	_ =	shalt  }
0x7e: {  	_ =	shalt  }
0x7f: {  	_ =	shalt  }
0x80: {  	_ =	shalt  }
0x81: {  	_ =	shalt  }
0x82: {  	_ =	shalt  }
0x83: {  	_ =	shalt  }
0x84: {  	_ =	shalt  }
0x85: {  	_ =	shalt  }
0x86: {  	_ =	shalt  }
0x87: {  	_ =	shalt  }
.Lfunc_end0:
.L_simem_size_0:
called_computation.1_lowered:
.L_overlay_start_0:
0x88: {  	s2 =	sld [smem:$0x3FD9]  }
0x89: {  	s3 =	sld [smem:$0x3FFE];
	_ =	sdelay $0x1  }
0x8a: {  	s1 =	srdreg.scid  }
0x8b: {  	s0 =	sand.u32 $0x1, s1  }
0x8c: {  	s16 =	sshll.u32 s0, $0xA;
	s2 =	sadd.s32 s3, s2  }
0x8d: {  	s2 =	sadd.s32 s2, s16  }
0x8e: {  	[smem:$0x3FBF] =	sst s2  }
0x8f: {  	_ = 	snop  }
0x90: {  	(tm) =	ssettm $0x1  }
0x91: {  	s17 =	sld [smem:$0x3FFB];
	_ =	sdelay $0x3  }
0x92: {  	_ =	strace s17  }
0x93: {  	s2 =	sld [smem:$0x3FFC];
	_ =	sdelay $0x3  }
0x94: {  	_ =	strace s2  }
0x95: {  	s2 =	sld [smem:$0x3FFD];
	_ =	sdelay $0x3  }
0x96: {  	_ =	strace s2  }
0x97: {  	_ =	strace $0x8FFFFFFF  }
0x98: {  	s18 =	sld [smem:$0x3FDB];
	_ =	sdelay $0x1  }
0x99: {  	s19 =	simm.s32 $_scs_section_size  }
0x9a: {  	s4 =	simm.s32 $_size__tile_overlayer_lowered;
	s5 =	simm.s32 $_tile_overlayer_lowered  }
0x9b: {  	s22 =	simm.s32 $0x1BFF;
	s21 =	sshll.u32 s5, $0x1;
	s2 =	sadd.s32 s19, s18  }
0x9c: {  	s6 =	simm.s32 $0x0;
	s20 =	sshll.u32 s4, $0x1;
	s4 =	sadd.s32 s21, s2  }
0x9d: {  	[timem:s6], [sflag:s22] =	dma.local [hbm:s4], s20  }
0x9e: {  	_ =	swait.ge [sflag:s22], s20  }
0x9f: {  	s3 =	ssub.s32 $0x0, s20;
	[sflag:s22] =	ssyncset.done $0x0  }
0xa0: {  	[sflag:s22] =	ssyncadd.s32 s3;
	_ =	sdelay $0x1  }
0xa1: {  	s23 =	simm.s32 $0x1B8B  }
0xa2: {  	_ =	swait.ge [sflag:s23], $0x1  }
0xa3: {  	[sflag:s23] =	ssyncset.done $0x0  }
0xa4: {  	s25 =	simm.s32 $0x1B8E;
	s24 =	sld [smem:$0x3FFE];
	[sflag:s23] =	ssyncadd.s32 $0xFFFFFFFF  }
0xa5: {  	s26 =	simm.s32 $execute0_lowered;
	[smem:$0x3FD2] =	sst s25  }
0xa6: {  	s4 =	sshll.u32 s26, $0x1;
	_ =	strace $0x80000049;
	[dreg:$0x1] =	wrdreg $0xFFFFFFFF  }
0xa7: {  	s28 =	simm.s32 $_size_execute0_lowered;
	s2 =	sadd.s32 s2, s4;
	[dreg:$0x0] =	wrdreg $0x0  }
0xa8: {  	s4 =	sshll.u32 s28, $0x1;
	[dreg:$0x2] =	wrdreg s2  }
0xa9: {  	[dreg:$0x3] =	wrdreg s4  }
0xaa: {  	[dreg:$0x4] =	wrdreg $0xC0  }
0xab: {  	_ =	task [dreg:s6], $0x5FFFF  }
0xac: {  	[dreg:$0x1] =	wrdreg $0xFFFFFFFF  }
0xad: {  	[dreg:$0x0] =	wrdreg $0x60  }
0xae: {  	[dreg:$0x2] =	wrdreg s24  }
0xaf: {  	[dreg:$0x3] =	wrdreg $0xA9000  }
0xb0: {  	[dreg:$0x4] =	wrdreg $0x9  }
0xb1: {  	_ =	task.clear_ibuf [dreg:s6], $0x5FFFF;
	_ =	strace $0x90000049  }
0xb2: {  	s29 =	simm.s32 $0x9;
	_ =	strace $0x8000004B  }
0xb3: {  	_ =	swait.ge [sflag:s29], $0x1  }
0xb4: {  	[sflag:s29] =	ssyncadd.s32 $0xFFFFFFFF  }
0xb5: {  	_ =	strace $0x9000004B  }
0xb6: {  	_ =	sfence  }
0xb7: {  	s30 =	sld [smem:$0x0];
	_ =	sdelay $0x2  }
0xb8: {  	s31 =	sshll.u32 s1, $0xD;
	s1 =	sshrl.u32 s1, $0x2  }
0xb9: {  	s3 =	sand.u32 $0x4000, s31;
	s1 =	sadd.s32 s1, s30  }
0xba: {  	s0 =	sor.u32 s3, s0;
	s1 =	sshll.u32 s1, $0x11  }
0xbb: {  	s0 =	sor.u32 s1, s0  }
0xbc: {  	s0 =	sadd.s32 $0x8F2B, s0  }
0xbd: {  	[sflag:s0] =	ssyncadd.remote.s32 $0x1  }
0xbe: {  	_ =	sfence.sel $0xFFFF  }
0xbf: {  	[dreg:$0x0] =	wrdreg $0xFFFFFFFF;
	(pc) =	sbr.abs _section_cstart, $3  }
0xc0: {  	[dreg:$0x1] =	wrdreg $0xFFFFFFFF  }
0xc1: {  	_ =	task.clear_ibuf [dreg:s6], $0x2FFFF;
	_ =	strace $0x9FFFFFFF  }
0xc2: {  	(tm) =	ssettm $0x7FFFFFFF  }
0xc3: {  	_ =	shalt  }
tec
execute0_lowered:
.L_overlay_start_1:
0x0: {  	(tag) =	ssettag $0x1  }
0x1: {  	s0 =	rddreg [dreg:$0x0]  }
0x2: {  	s2 =	rddreg [dreg:$0x1]  }
0x3: {  	s13 =	stileid.u32;
	s4 =	simm.s32 $0x0;
	s3 =	srdreg.scid  }
0x4: {  	s1 =	smul.u32 $0x14000, s13;
	[smem:$0x7FF] =	sst s4;
	s3 =	sand.u32 $0x1, s3  }
0x5: {  	s5 =	smul.u32 $0x2800, s13;
	s4 =	sadd.s32 $0x1B800, s0;
	s7 =	sadd.s32 $0x2E00, s0  }
0x6: {  	s21 =	smul.u32 $0x4E, s13;
	s31 =	sshll.u32 s13, $0x6;
	_ =	strace $0x8000004A  }
0x7: {  	s6 =	smul.u32 $0x28000, s3;
	s9 =	sshll.u32 s3, $0x4;
	s18 =	ssub.s32 $0x2, s3  }
0x8: {  	s3 =	smul.u32 $0x4E0, s3;
	s8 =	sshrl.u32 s1, $0x3;
	s10 =	sor.u32 s13, s9  }
0x9: {  	s20 =	sshrl.u32 s18, $0x1;
	s23 =	sadd.s32 s1, s2;
	s9 =	simm.s32 $0x50  }
0xa: {  	s8 =	sadd.s32 s8, s0;
	s5 =	sadd.s32 s5, s6;
	s19 =	smul.u32 $0x4E, s10  }
0xb: {  	s11 =	smin.u32 s10, $0x4;
	s12 =	ssub.s32 s18, s20;
	p0 =	slt.u32 s10, $0x4  }
0xc: {  	s3 =	sadd.s32 s21, s3;
	s20 =	sor.u32 $0x1C08, s31;
	s21 =	sshrl.u32 s23, $0x3  }
0xd: {  	s23 =	simm.s32 $0x0;
	s0 =	sadd.s32 s5, s0;
	s5 =	simm.s32 $0x4F  }
0xe: {  	s3 =	sadd.s32 s11, s3;
	s25 =	sadd.s32 $0x43800, s8;
	s9 =	simm.s32 @!p0 $0x4F  }
0xf: {  	s26 =	smax.u32 s12, $0x1;
	s6 =	sadd.s32 s11, s19;
	[dreg:$0x6] =	wrdreg s25  }
0x10: {  	s0 =	sadd.s32 $0x6B800, s0;
	[dreg:$0x8] =	wrdreg s26;
	s6 =	sshll.u32 s6, $0x4  }
0x11: {  	s5 =	simm.s32 @!p0 $0x4E;
	[dreg:$0x7] =	wrdreg s0;
	s6 =	sadd.s32 s7, s6  }
0x12: {  	s24 =	sshll.u32 s3, $0x4;
	s22 =	sadd.s32 $0x9C40, s6;
	[dreg:$0x3] =	wrdreg s6  }
0x13: {  	s7 =	sadd.s32 s24, s7;
	s6 =	sadd.s32 $0xA120, s6;
	[dreg:$0x4] =	wrdreg s22  }
0x14: {  	p0 =	sgt.u32 s10, $0x3;
	s28 =	sadd.s32 $0x50, s7;
	[dreg:$0x5] =	wrdreg s6  }
0x15: {  	s19 =	simm.s32 $0x8;
	s29 =	sadd.s32 $0x40, s7;
	[dreg:$0x9] =	wrdreg s28  }
0x16: {  	s1 =	sadd.s32 $0x10, s7;
	s30 =	sadd.s32 $0x30, s7;
	[dreg:$0xa] =	wrdreg s29  }
0x17: {  	s3 =	sadd.s32 $0x60, s7;
	s18 =	sadd.s32 $0x20, s7;
	[dreg:$0xb] =	wrdreg s30  }
.LBB2_1:
0x18: {  	s6 =	simm.s32 $0x0;
	s0 =	rddreg [dreg:$0x4]  }
0x19: {  	[tilespmem:s6], [sflag:$0x8] =	stream.linear.gather [hbm4b:s0+s6], $0x2700, $0x38;
	[tilespmem:$0x1E900] =	vst v63  }
0x1a: {  	_ =	swait.ge [sflag:s19], $0x2700  }
0x1b: {  	s7 =	simm.s32 @!p0 $0x2700;
	[sflag:s19] =	ssyncset.done $0x0  }
0x1c: {  	s0 =	simm.s32 @!p0 $0x0;
	s8 =	rddreg [dreg:$0x5];
	[sflag:s19] =	ssyncadd.s32 $0xFFFFD900  }
0x1d: {  	[tilespmem:s7], [sflag:$0x8] =	stream.linear.gather @!p0 [hbm4b:s8+s0], $0x80, $0x38;
	[tilespmem:$0x1E900] =	vst v63  }
0x1e: {  	s0 =	simm.s32 @!p0 $0x8  }
0x1f: {  	_ =	swait.ge @!p0 [sflag:s0], $0x80  }
0x20: {  	[sflag:s0] =	ssyncset.done @!p0 $0x0  }
0x21: {  	s24 =	rddreg [dreg:$0x6];
	[sflag:s0] =	ssyncadd.s32 @!p0 $0xFFFFFF80  }
0x22: {  	[spmem:s21], [sflag:s20] =	dma.local [hbm:s24], $0x2800  }
0x23: {  	_ =	swait.ge [sflag:s19], $0x2800  }
0x24: {  	[sflag:s19] =	ssyncset.done $0x0  }
0x25: {  	[sflag:s19] =	ssyncadd.s32 $0xFFFFD800  }
0x26: {  	p2 =	por $0x1, $0x1;
	[bflag:$0x0] =	sbarrier.arrive $0xFFFF  }
0x27: {  	s26 =	simm.s32 $0x2780;
	s0 =	simm.s32 @!p2 $0x6;
	s25 =	rddreg [dreg:$0x3]  }
0x28: {  	[tilespmem:s26], [sflag:$0x1] =	stream.linear.gather [hbm4b:s25+s6], $0x80, $0x38;
	[tilespmem:$0x1E900] =	vst v63  }
0x29: {  	_ =	swait.ge @!p2 [sflag:s0], $0x4000  }
0x2a: {  	p1 =	sle.u32 s5, $0x0;
	[sflag:s0] =	ssyncset.done @!p2 $0x0  }
0x2b: {  	s7 =	simm.s32 @!p1 $0x1;
	[sflag:s0] =	ssyncadd.s32 @!p2 $0xFFFFC000  }
0x2c: {  	_ =	swait.ge @!p1 [sflag:s7], $0x80  }
0x2d: {  	s10 =	simm.s32 @!p1 $0x2780;
	s8 =	simm.s32 @!p1 $0x80;
	[sflag:s7] =	ssyncset.done @!p1 $0x0  }
0x2e: {  	s0 =	simm.s32 @!p1 $0x2900;
	[sflag:s7] =	ssyncadd.s32 @!p1 $0xFFFFFF80;
	s7 =	simm.s32 @!p2 $0x5  }
0x2f: {  	[tilespmem:s0], [sflag:$0x4] =	stream.indirect.gather @!p1 [hbm4b:s4+s8], $0x80, s10, s8, $0xb8;
	[tilespmem:$0x1E900] =	vst v63  }
0x30: {  	_ =	swait.ge @!p2 [sflag:s7], $0x4000  }
0x31: {  	p3 =	sle.u32 s5, $0x1;
	s11 =	simm.s32 @!p2 $0x80;
	[sflag:s7] =	ssyncset.done @!p2 $0x0  }
0x32: {  	s26 =	simm.s32 $0xFFFFFF80;
	s10 =	simm.s32 @!p2 $0x6900;
	[sflag:s7] =	ssyncadd.s32 @!p2 $0xFFFFC000  }
0x33: {  	[spmem:s2] =	stream.indirect.scatter.add.f32 @!p2 [tilespmem:s10], [sflag:$0x7], $0x80, s26, s11, $0xb8;
	[tilespmem:$0x1E900] =	vst v63  }
0x34: {  	s7 =	simm.s32 @!p3 $0x0;
	s10 =	simm.s32 @!p3 $0x2800;
	s11 =	simm.s32 @!p2 $0x7  }
0x35: {  	[tilespmem:s10], [sflag:$0x2] =	stream.linear.gather @!p3 [hbm4b:s1+s7], $0x80, $0x38;
	[tilespmem:$0x1E900] =	vst v63  }
0x36: {  	_ =	swait.ge @!p2 [sflag:s11], $0x4000  }
0x37: {  	[sflag:s11] =	ssyncset.done @!p2 $0x0  }
0x38: {  	s7 =	simm.s32 @!p3 $0x2;
	[sflag:s11] =	ssyncadd.s32 @!p2 $0xFFFFC000  }
0x39: {  	_ =	swait.ge @!p3 [sflag:s7], $0x80  }
0x3a: {  	s13 =	simm.s32 @!p1 $0x4;
	[sflag:s7] =	ssyncset.done @!p3 $0x0  }
0x3b: {  	s11 =	simm.s32 @!p3 $0x80;
	[sflag:s7] =	ssyncadd.s32 @!p3 $0xFFFFFF80;
	s7 =	simm.s32 @!p3 $0x6900  }
0x3c: {  	[tilespmem:s7], [sflag:$0x5] =	stream.indirect.gather @!p3 [hbm4b:s4+s11], $0x80, s10, s11, $0xb8;
	[tilespmem:$0x1E900] =	vst v63  }
0x3d: {  	_ =	swait.ge @!p1 [sflag:s13], $0x4000  }
0x3e: {  	p2 =	sle.u32 s5, $0x2;
	[sflag:s13] =	ssyncset.done @!p1 $0x0  }
0x3f: {  	s7 =	simm.s32 @!p1 $0x0;
	p3 =	slt.u32 s9, $0x2;
	[sflag:s13] =	ssyncadd.s32 @!p1 $0xFFFFC000  }
0x40: {  	[spmem:s2] =	stream.indirect.scatter.add.f32 @!p1 [tilespmem:s0], [sflag:$0x6], $0x80, s7, s8, $0xb8;
	[tilespmem:$0x1E900] =	vst v63  }
0x41: {  	s0 =	simm.s32 @!p2 $0x0;
	s7 =	simm.s32 @!p2 $0x2880;
	s8 =	simm.s32 @!p3 $0x6  }
0x42: {  	[tilespmem:s7], [sflag:$0x3] =	stream.linear.gather @!p2 [hbm4b:s18+s0], $0x80, $0x38;
	[tilespmem:$0x1E900] =	vst v63  }
0x43: {  	_ =	swait.ge @!p3 [sflag:s8], $0x4000  }
0x44: {  	[sflag:s8] =	ssyncset.done @!p3 $0x0  }
0x45: {  	s0 =	simm.s32 @!p2 $0x3;
	[sflag:s8] =	ssyncadd.s32 @!p3 $0xFFFFC000  }
0x46: {  	_ =	swait.ge @!p2 [sflag:s0], $0x80  }
0x47: {  	s10 =	simm.s32 @!p2 $0x80;
	p3 =	slt.u32 s5, $0x2;
	[sflag:s0] =	ssyncset.done @!p2 $0x0  }
0x48: {  	s8 =	simm.s32 @!p2 $0x2900;
	s11 =	simm.s32 @!p3 $0x5;
	[sflag:s0] =	ssyncadd.s32 @!p2 $0xFFFFFF80  }
0x49: {  	[tilespmem:s8], [sflag:$0x4] =	stream.indirect.gather @!p2 [hbm4b:s4+s10], $0x80, s7, s10, $0xb8;
	[tilespmem:$0x1E900] =	vst v63  }
0x4a: {  	p1 =	sle.u32 s5, $0x3;
	s0 =	simm.s32 @!p3 $0x80;
	_ =	swait.ge @!p3 [sflag:s11], $0x4000  }
0x4b: {  	s7 =	simm.s32 @!p3 $0x80;
	s8 =	simm.s32 @!p3 $0x6900;
	[sflag:s11] =	ssyncset.done @!p3 $0x0  }
0x4c: {  	p2 =	slt.u32 s9, $0x3;
	s12 =	rddreg [dreg:$0xb];
	[sflag:s11] =	ssyncadd.s32 @!p3 $0xFFFFC000  }
0x4d: {  	[spmem:s2] =	stream.indirect.scatter.add.f32 @!p3 [tilespmem:s8], [sflag:$0x7], $0x80, s0, s7, $0xb8;
	[tilespmem:$0x1E900] =	vst v63  }
0x4e: {  	s0 =	simm.s32 @!p1 $0x0;
	s7 =	simm.s32 @!p2 $0x7;
	s8 =	simm.s32 @!p1 $0x2780  }
0x4f: {  	[tilespmem:s8], [sflag:$0x1] =	stream.linear.gather @!p1 [hbm4b:s12+s0], $0x80, $0x38;
	[tilespmem:$0x1E900] =	vst v63  }
0x50: {  	_ =	swait.ge @!p2 [sflag:s7], $0x4000  }
0x51: {  	[sflag:s7] =	ssyncset.done @!p2 $0x0  }
0x52: {  	s0 =	simm.s32 @!p1 $0x1;
	[sflag:s7] =	ssyncadd.s32 @!p2 $0xFFFFC000  }
0x53: {  	s22 =	simm.s32 $0x12;
	s31 =	sadd.s32 $0x60, s18;
	_ =	swait.ge @!p1 [sflag:s0], $0x80  }
0x54: {  	s10 =	simm.s32 @!p1 $0x80;
	p2 =	slt.u32 s5, $0x3;
	[sflag:s0] =	ssyncset.done @!p1 $0x0  }
0x55: {  	s11 =	simm.s32 @!p1 $0x6900;
	s7 =	simm.s32 @!p2 $0x4;
	[sflag:s0] =	ssyncadd.s32 @!p1 $0xFFFFFF80  }
0x56: {  	[tilespmem:s11], [sflag:$0x5] =	stream.indirect.gather @!p1 [hbm4b:s4+s10], $0x80, s8, s10, $0xb8;
	[tilespmem:$0x1E900] =	vst v63  }
0x57: {  	p3 =	slt.u32 s9, $0x4;
	s0 =	simm.s32 @!p2 $0x2900;
	_ =	swait.ge @!p2 [sflag:s7], $0x4000  }
0x58: {  	p1 =	sle.u32 s5, $0x4;
	s8 =	simm.s32 @!p2 $0x100;
	[sflag:s7] =	ssyncset.done @!p2 $0x0  }
0x59: {  	s10 =	simm.s32 @!p2 $0x80;
	s6 =	rddreg [dreg:$0xa];
	[sflag:s7] =	ssyncadd.s32 @!p2 $0xFFFFC000  }
0x5a: {  	[spmem:s2] =	stream.indirect.scatter.add.f32 @!p2 [tilespmem:s0], [sflag:$0x6], $0x80, s8, s10, $0xb8;
	[tilespmem:$0x1E900] =	vst v63  }
0x5b: {  	s7 =	simm.s32 @!p1 $0x2800;
	s0 =	simm.s32 @!p1 $0x0;
	s8 =	simm.s32 @!p3 $0x6  }
0x5c: {  	[tilespmem:s7], [sflag:$0x2] =	stream.linear.gather @!p1 [hbm4b:s6+s0], $0x80, $0x38;
	[tilespmem:$0x1E900] =	vst v63  }
0x5d: {  	s14 =	smov.u32 s3;
	s24 =	simm.s32 $0xC;
	_ =	swait.ge @!p3 [sflag:s8], $0x4000  }
0x5e: {  	s25 =	sadd.s32 $0x60, s3;
	s30 =	sadd.s32 $0x60, s12;
	[sflag:s8] =	ssyncset.done @!p3 $0x0  }
0x5f: {  	s11 =	simm.s32 @!p1 $0x80;
	s10 =	simm.s32 @!p1 $0x2;
	[sflag:s8] =	ssyncadd.s32 @!p3 $0xFFFFC000  }
0x60: {  	s29 =	sadd.s32 $0x60, s6;
	p2 =	slt.u32 s5, $0x4;
	_ =	swait.ge @!p1 [sflag:s10], $0x80  }
0x61: {  	s13 =	simm.s32 @!p2 $0x5;
	s0 =	simm.s32 $0x6;
	[sflag:s10] =	ssyncset.done @!p1 $0x0  }
0x62: {  	s8 =	simm.s32 @!p1 $0x2900;
	p3 =	sle.u32 s5, $0x5;
	[sflag:s10] =	ssyncadd.s32 @!p1 $0xFFFFFF80  }
0x63: {  	[tilespmem:s8], [sflag:$0x4] =	stream.indirect.gather @!p1 [hbm4b:s4+s11], $0x80, s7, s11, $0xb8;
	[tilespmem:$0x1E900] =	vst v63  }
0x64: {  	s10 =	simm.s32 @!p2 $0x180;
	s7 =	simm.s32 @!p2 $0x6900;
	_ =	swait.ge @!p2 [sflag:s13], $0x4000  }
0x65: {  	s8 =	simm.s32 @!p2 $0x80;
	[sflag:s13] =	ssyncset.done @!p2 $0x0;
	s6 =	rddreg [dreg:$0x9]  }
0x66: {  	[sflag:s13] =	ssyncadd.s32 @!p2 $0xFFFFC000;
	s28 =	sadd.s32 $0x60, s6;
	s13 =	smov.u32 s1  }
0x67: {  	[spmem:s2] =	stream.indirect.scatter.add.f32 @!p2 [tilespmem:s7], [sflag:$0x7], $0x80, s10, s8, $0xb8;
	[tilespmem:$0x1E900] =	vst v63  }
0x68: {  	s7 =	simm.s32 @!p3 $0x0;
	s8 =	simm.s32 @!p3 $0x2880;
	p2 =	slt.u32 s9, $0x5  }
0x69: {  	[tilespmem:s8], [sflag:$0x3] =	stream.linear.gather @!p3 [hbm4b:s6+s7], $0x80, $0x38;
	[tilespmem:$0x1E900] =	vst v63  }
0x6a: {  	s10 =	simm.s32 $0x5;
	s11 =	simm.s32 @!p2 $0x7;
	s7 =	simm.s32 $0xFFFFFF80  }
.LBB2_2:
0x6b: {  	_ =	swait.ge @!p2 [sflag:s11], $0x4000;
	s26 =	sadd.s32 $0x300, s26;
	s13 =	sadd.s32 $0x60, s13  }
0x6c: {  	s12 =	smov.u32 s22;
	s22 =	sadd.s32 $0x6, s22;
	[sflag:s11] =	ssyncset.done @!p2 $0x0  }
0x6d: {  	p1 =	sne.s32 s22, $0x5A;
	[sflag:s11] =	ssyncadd.s32 @!p2 $0xFFFFC000;
	s11 =	simm.s32 @!p3 $0x3  }
0x6e: {  	p4 =	sgt.u32 s10, s5;
	p2 =	seq.s32 s24, $0x6;
	_ =	swait.ge @!p3 [sflag:s11], $0x80  }
0x6f: {  	s10 =	simm.s32 @!p3 $0x80;
	s6 =	simm.s32 @!p3 $0x6900;
	[sflag:s11] =	ssyncset.done @!p3 $0x0  }
0x70: {  	s15 =	simm.s32 @!p4 $0x2900;
	[sflag:s11] =	ssyncadd.s32 @!p3 $0xFFFFFF80;
	s11 =	simm.s32 @!p4 $0x4  }
0x71: {  	[tilespmem:s6], [sflag:$0x5] =	stream.indirect.gather @!p3 [hbm4b:s4+s10], $0x80, s8, s10, $0xb8;
	[tilespmem:$0x1E900] =	vst v63  }
0x72: {  	s6 =	sadd.s32 @!p4 $0x280, s7;
	s8 =	simm.s32 @!p4 $0x80;
	_ =	swait.ge @!p4 [sflag:s11], $0x4000  }
0x73: {  	s16 =	simm.s32 @!p2 $0x6;
	s10 =	sadd.s32 $0xFFFFFFFA, s24;
	[sflag:s11] =	ssyncset.done @!p4 $0x0  }
0x74: {  	p3 =	sge.u32 s0, s5;
	s7 =	smov.u32 s26;
	[sflag:s11] =	ssyncadd.s32 @!p4 $0xFFFFC000  }
0x75: {  	[spmem:s2] =	stream.indirect.scatter.add.f32 @!p4 [tilespmem:s15], [sflag:$0x6], $0x80, s6, s8, $0xb8;
	[tilespmem:$0x1E900] =	vst v63  }
0x76: {  	s0 =	smov.u32 s24;
	s6 =	simm.s32 @!p3 $0x0;
	s8 =	simm.s32 @!p3 $0x2780  }
0x77: {  	[tilespmem:s8], [sflag:$0x1] =	stream.linear.gather @!p3 [hbm4b:s14+s6], $0x80, $0x38;
	[tilespmem:$0x1E900] =	vst v63  }
0x78: {  	s24 =	smov.u32 s12;
	p3 =	sge.u32 s10, s5;
	_ =	swait.ge @!p2 [sflag:s16], $0x4000  }
0x79: {  	s14 =	smov.u32 s25;
	s6 =	simm.s32 @!p3 $0x1;
	[sflag:s16] =	ssyncset.done @!p2 $0x0  }
0x7a: {  	[sflag:s16] =	ssyncadd.s32 @!p2 $0xFFFFC000  }
0x7b: {  	s8 =	simm.s32 @!p3 $0x2900;
	_ =	swait.ge @!p3 [sflag:s6], $0x80  }
0x7c: {  	s10 =	simm.s32 @!p3 $0x80;
	s11 =	simm.s32 @!p3 $0x2780;
	[sflag:s6] =	ssyncset.done @!p3 $0x0  }
0x7d: {  	[sflag:s6] =	ssyncadd.s32 @!p3 $0xFFFFFF80;
	s6 =	simm.s32 @!p2 $0x5  }
0x7e: {  	[tilespmem:s8], [sflag:$0x4] =	stream.indirect.gather @!p3 [hbm4b:s4+s10], $0x80, s11, s10, $0xb8;
	[tilespmem:$0x1E900] =	vst v63  }
0x7f: {  	s12 =	sadd.s32 $0xFFFFFFFB, s0;
	s11 =	simm.s32 @!p2 $0x6900;
	_ =	swait.ge @!p2 [sflag:s6], $0x4000  }
0x80: {  	p5 =	sge.u32 s12, s5;
	s15 =	simm.s32 @!p2 $0x80;
	[sflag:s6] =	ssyncset.done @!p2 $0x0  }
0x81: {  	[sflag:s6] =	ssyncadd.s32 @!p2 $0xFFFFC000;
	s6 =	sadd.s32 $0xFFFFFFFC, s0  }
0x82: {  	[spmem:s2] =	stream.indirect.scatter.add.f32 @!p2 [tilespmem:s11], [sflag:$0x7], $0x80, s26, s15, $0xb8;
	[tilespmem:$0x1E900] =	vst v63  }
0x83: {  	s12 =	simm.s32 @!p5 $0x2800;
	s11 =	simm.s32 @!p5 $0x0;
	s15 =	simm.s32 @!p2 $0x7  }
0x84: {  	[tilespmem:s12], [sflag:$0x2] =	stream.linear.gather @!p5 [hbm4b:s13+s11], $0x80, $0x38;
	[tilespmem:$0x1E900] =	vst v63  }
0x85: {  	p4 =	sge.u32 s6, s5;
	_ =	swait.ge @!p2 [sflag:s15], $0x4000  }
0x86: {  	s11 =	simm.s32 @!p5 $0x80;
	[sflag:s15] =	ssyncset.done @!p2 $0x0  }
0x87: {  	[sflag:s15] =	ssyncadd.s32 @!p2 $0xFFFFC000;
	s15 =	simm.s32 @!p5 $0x2  }
0x88: {  	_ =	swait.ge @!p5 [sflag:s15], $0x80  }
0x89: {  	s16 =	simm.s32 @!p3 $0x4;
	[sflag:s15] =	ssyncset.done @!p5 $0x0  }
0x8a: {  	[sflag:s15] =	ssyncadd.s32 @!p5 $0xFFFFFF80;
	s15 =	simm.s32 @!p5 $0x6900  }
0x8b: {  	[tilespmem:s15], [sflag:$0x5] =	stream.indirect.gather @!p5 [hbm4b:s4+s11], $0x80, s12, s11, $0xb8;
	[tilespmem:$0x1E900] =	vst v63  }
0x8c: {  	p2 =	sgt.u32 s6, s5;
	_ =	swait.ge @!p3 [sflag:s16], $0x4000  }
0x8d: {  	s11 =	sadd.s32 @!p3 $0x80, s26;
	s12 =	simm.s32 @!p4 $0x0;
	[sflag:s16] =	ssyncset.done @!p3 $0x0  }
0x8e: {  	s15 =	simm.s32 @!p4 $0x2880;
	p5 =	sgt.u32 s6, s9;
	[sflag:s16] =	ssyncadd.s32 @!p3 $0xFFFFC000  }
0x8f: {  	[spmem:s2] =	stream.indirect.scatter.add.f32 @!p3 [tilespmem:s8], [sflag:$0x6], $0x80, s11, s10, $0xb8;
	[tilespmem:$0x1E900] =	vst v63  }
0x90: {  	s6 =	simm.s32 @!p5 $0x6;
	s8 =	sadd.s32 @!p2 $0x100, s26;
	s10 =	simm.s32 @!p2 $0x80  }
0x91: {  	[tilespmem:s15], [sflag:$0x3] =	stream.linear.gather @!p4 [hbm4b:s31+s12], $0x80, $0x38;
	[tilespmem:$0x1E900] =	vst v63  }
0x92: {  	s11 =	sadd.s32 $0xFFFFFFFD, s0;
	_ =	swait.ge @!p5 [sflag:s6], $0x4000  }
0x93: {  	s16 =	simm.s32 @!p4 $0x2900;
	s12 =	simm.s32 @!p4 $0x3;
	[sflag:s6] =	ssyncset.done @!p5 $0x0  }
0x94: {  	s17 =	simm.s32 @!p2 $0x5;
	[sflag:s6] =	ssyncadd.s32 @!p5 $0xFFFFC000;
	s6 =	simm.s32 @!p4 $0x80  }
0x95: {  	_ =	swait.ge @!p4 [sflag:s12], $0x80  }
0x96: {  	[sflag:s12] =	ssyncset.done @!p4 $0x0  }
0x97: {  	[sflag:s12] =	ssyncadd.s32 @!p4 $0xFFFFFF80  }
0x98: {  	[tilespmem:s16], [sflag:$0x4] =	stream.indirect.gather @!p4 [hbm4b:s4+s6], $0x80, s15, s6, $0xb8;
	[tilespmem:$0x1E900] =	vst v63  }
0x99: {  	p3 =	sgt.u32 s11, s5;
	p4 =	sge.u32 s11, s5;
	_ =	swait.ge @!p2 [sflag:s17], $0x4000  }
0x9a: {  	p5 =	sgt.u32 s11, s9;
	s6 =	simm.s32 @!p2 $0x6900;
	[sflag:s17] =	ssyncset.done @!p2 $0x0  }
0x9b: {  	s12 =	simm.s32 @!p5 $0x7;
	s11 =	simm.s32 @!p4 $0x0;
	[sflag:s17] =	ssyncadd.s32 @!p2 $0xFFFFC000  }
0x9c: {  	[spmem:s2] =	stream.indirect.scatter.add.f32 @!p2 [tilespmem:s6], [sflag:$0x7], $0x80, s8, s10, $0xb8;
	[tilespmem:$0x1E900] =	vst v63  }
0x9d: {  	s6 =	simm.s32 @!p4 $0x2780;
	s8 =	simm.s32 @!p3 $0x2900  }
0x9e: {  	[tilespmem:s6], [sflag:$0x1] =	stream.linear.gather @!p4 [hbm4b:s30+s11], $0x80, $0x38;
	[tilespmem:$0x1E900] =	vst v63  }
0x9f: {  	s10 =	simm.s32 @!p4 $0x1;
	_ =	swait.ge @!p5 [sflag:s12], $0x4000  }
0xa0: {  	s11 =	simm.s32 @!p3 $0x4;
	[sflag:s12] =	ssyncset.done @!p5 $0x0  }
0xa1: {  	s15 =	simm.s32 @!p4 $0x6900;
	[sflag:s12] =	ssyncadd.s32 @!p5 $0xFFFFC000;
	s12 =	simm.s32 @!p4 $0x80  }
0xa2: {  	_ =	swait.ge @!p4 [sflag:s10], $0x80  }
0xa3: {  	s16 =	sadd.s32 $0xFFFFFFFE, s0;
	[sflag:s10] =	ssyncset.done @!p4 $0x0  }
0xa4: {  	p2 =	sge.u32 s16, s5;
	p5 =	sgt.u32 s16, s9;
	[sflag:s10] =	ssyncadd.s32 @!p4 $0xFFFFFF80  }
0xa5: {  	[tilespmem:s15], [sflag:$0x5] =	stream.indirect.gather @!p4 [hbm4b:s4+s12], $0x80, s6, s12, $0xb8;
	[tilespmem:$0x1E900] =	vst v63  }
0xa6: {  	_ =	swait.ge @!p3 [sflag:s11], $0x4000  }
0xa7: {  	s10 =	simm.s32 @!p3 $0x80;
	s6 =	sadd.s32 @!p3 $0x180, s26;
	[sflag:s11] =	ssyncset.done @!p3 $0x0  }
0xa8: {  	s12 =	simm.s32 @!p2 $0x2800;
	[sflag:s11] =	ssyncadd.s32 @!p3 $0xFFFFC000;
	s11 =	simm.s32 @!p2 $0x0  }
0xa9: {  	[spmem:s2] =	stream.indirect.scatter.add.f32 @!p3 [tilespmem:s8], [sflag:$0x6], $0x80, s6, s10, $0xb8;
	[tilespmem:$0x1E900] =	vst v63  }
0xaa: {  	s6 =	simm.s32 @!p5 $0x6  }
0xab: {  	[tilespmem:s12], [sflag:$0x2] =	stream.linear.gather @!p2 [hbm4b:s29+s11], $0x80, $0x38;
	[tilespmem:$0x1E900] =	vst v63  }
0xac: {  	s8 =	simm.s32 @!p2 $0x2;
	_ =	swait.ge @!p5 [sflag:s6], $0x4000  }
0xad: {  	p4 =	sgt.u32 s16, s5;
	s10 =	simm.s32 @!p2 $0x2900;
	[sflag:s6] =	ssyncset.done @!p5 $0x0  }
0xae: {  	s11 =	simm.s32 @!p4 $0x5;
	[sflag:s6] =	ssyncadd.s32 @!p5 $0xFFFFC000;
	s6 =	simm.s32 @!p2 $0x80  }
0xaf: {  	_ =	swait.ge @!p2 [sflag:s8], $0x80  }
0xb0: {  	s31 =	sadd.s32 $0x60, s31;
	[sflag:s8] =	ssyncset.done @!p2 $0x0  }
0xb1: {  	s30 =	sadd.s32 $0x60, s30;
	[sflag:s8] =	ssyncadd.s32 @!p2 $0xFFFFFF80;
	s8 =	simm.s32 @!p4 $0x6900  }
0xb2: {  	[tilespmem:s10], [sflag:$0x4] =	stream.indirect.gather @!p2 [hbm4b:s4+s6], $0x80, s12, s6, $0xb8;
	[tilespmem:$0x1E900] =	vst v63  }
0xb3: {  	s29 =	sadd.s32 $0x60, s29;
	s10 =	sadd.s32 $0xFFFFFFFF, s0;
	_ =	swait.ge @!p4 [sflag:s11], $0x4000  }
0xb4: {  	s6 =	simm.s32 @!p4 $0x80;
	p3 =	sge.u32 s10, s5;
	[sflag:s11] =	ssyncset.done @!p4 $0x0  }
.Ltmp0:
0xb5: {  	[sflag:s11] =	ssyncadd.s32 @!p4 $0xFFFFC000;
	s11 =	sadd.s32 @!p4 $0x200, s26;
	(pc) =	sbr.rel @p1 .LBB2_2-.Ltmp0, $4  }
0xb6: {  	[spmem:s2] =	stream.indirect.scatter.add.f32 @!p4 [tilespmem:s8], [sflag:$0x7], $0x80, s11, s6, $0xb8;
	[tilespmem:$0x1E900] =	vst v63  }
0xb7: {  	p2 =	sgt.u32 s10, s9;
	s6 =	simm.s32 @!p3 $0x0;
	s8 =	simm.s32 @!p3 $0x2880  }
0xb8: {  	[tilespmem:s8], [sflag:$0x3] =	stream.linear.gather @!p3 [hbm4b:s28+s6], $0x80, $0x38;
	[tilespmem:$0x1E900] =	vst v63  }
0xb9: {  	s25 =	sadd.s32 $0x60, s25;
	s11 =	simm.s32 @!p2 $0x7;
	s28 =	sadd.s32 $0x60, s28  }
0xba: {  	_ =	swait.ge @!p2 [sflag:s11], $0x4000  }
0xbb: {  	[sflag:s11] =	ssyncset.done @!p2 $0x0  }
0xbc: {  	s6 =	simm.s32 @!p3 $0x3;
	[sflag:s11] =	ssyncadd.s32 @!p2 $0xFFFFC000  }
0xbd: {  	_ =	swait.ge @!p3 [sflag:s6], $0x80  }
0xbe: {  	p1 =	sgt.u32 s10, s5;
	s10 =	simm.s32 @!p3 $0x80;
	[sflag:s6] =	ssyncset.done @!p3 $0x0  }
0xbf: {  	s11 =	simm.s32 @!p3 $0x6900;
	[sflag:s6] =	ssyncadd.s32 @!p3 $0xFFFFFF80;
	s6 =	simm.s32 @!p1 $0x4  }
0xc0: {  	[tilespmem:s11], [sflag:$0x5] =	stream.indirect.gather @!p3 [hbm4b:s4+s10], $0x80, s8, s10, $0xb8;
	[tilespmem:$0x1E900] =	vst v63  }
0xc1: {  	s7 =	sadd.s32 @!p1 $0x280, s7;
	_ =	swait.ge @!p1 [sflag:s6], $0x4000  }
0xc2: {  	p2 =	seq.s32 s24, $0x6;
	s8 =	simm.s32 @!p1 $0x2900;
	[sflag:s6] =	ssyncset.done @!p1 $0x0  }
0xc3: {  	s10 =	simm.s32 @!p1 $0x80;
	p3 =	sge.u32 s0, s5;
	[sflag:s6] =	ssyncadd.s32 @!p1 $0xFFFFC000  }
0xc4: {  	[spmem:s2] =	stream.indirect.scatter.add.f32 @!p1 [tilespmem:s8], [sflag:$0x6], $0x80, s7, s10, $0xb8;
	[tilespmem:$0x1E900] =	vst v63  }
0xc5: {  	s0 =	simm.s32 @!p2 $0x6;
	s6 =	simm.s32 @!p3 $0x0;
	s7 =	simm.s32 @!p3 $0x2780  }
0xc6: {  	[tilespmem:s7], [sflag:$0x1] =	stream.linear.gather @!p3 [hbm4b:s14+s6], $0x80, $0x38;
	[tilespmem:$0x1E900] =	vst v63  }
0xc7: {  	s16 =	sadd.s32 $0xFFFFFFFA, s24;
	_ =	swait.ge @!p2 [sflag:s0], $0x4000  }
0xc8: {  	p1 =	sge.u32 s16, s5;
	[sflag:s0] =	ssyncset.done @!p2 $0x0  }
0xc9: {  	s6 =	simm.s32 @!p1 $0x1;
	[sflag:s0] =	ssyncadd.s32 @!p2 $0xFFFFC000  }
0xca: {  	_ =	swait.ge @!p1 [sflag:s6], $0x80  }
0xcb: {  	s8 =	simm.s32 @!p1 $0x80;
	s7 =	simm.s32 @!p1 $0x2900;
	[sflag:s6] =	ssyncset.done @!p1 $0x0  }
0xcc: {  	s0 =	simm.s32 @!p1 $0x2780;
	[sflag:s6] =	ssyncadd.s32 @!p1 $0xFFFFFF80;
	s6 =	simm.s32 @!p2 $0x5  }
0xcd: {  	[tilespmem:s7], [sflag:$0x4] =	stream.indirect.gather @!p1 [hbm4b:s4+s8], $0x80, s0, s8, $0xb8;
	[tilespmem:$0x1E900] =	vst v63  }
0xce: {  	s12 =	sadd.s32 $0xFFFFFFFB, s24;
	s11 =	simm.s32 @!p2 $0x6900;
	_ =	swait.ge @!p2 [sflag:s6], $0x4000  }
0xcf: {  	s10 =	sadd.s32 $0x60, s13;
	s13 =	simm.s32 @!p2 $0x80;
	[sflag:s6] =	ssyncset.done @!p2 $0x0  }
0xd0: {  	p3 =	sge.u32 s12, s5;
	s0 =	sadd.s32 $0x300, s26;
	[sflag:s6] =	ssyncadd.s32 @!p2 $0xFFFFC000  }
0xd1: {  	[spmem:s2] =	stream.indirect.scatter.add.f32 @!p2 [tilespmem:s11], [sflag:$0x7], $0x80, s0, s13, $0xb8;
	[tilespmem:$0x1E900] =	vst v63  }
0xd2: {  	s12 =	simm.s32 @!p2 $0x7;
	s6 =	simm.s32 @!p3 $0x0;
	s11 =	simm.s32 @!p3 $0x2800  }
0xd3: {  	[tilespmem:s11], [sflag:$0x2] =	stream.linear.gather @!p3 [hbm4b:s10+s6], $0x80, $0x38;
	[tilespmem:$0x1E900] =	vst v63  }
0xd4: {  	_ =	swait.ge @!p2 [sflag:s12], $0x4000  }
0xd5: {  	[sflag:s12] =	ssyncset.done @!p2 $0x0  }
0xd6: {  	s6 =	simm.s32 @!p3 $0x2;
	[sflag:s12] =	ssyncadd.s32 @!p2 $0xFFFFC000  }
0xd7: {  	_ =	swait.ge @!p3 [sflag:s6], $0x80  }
0xd8: {  	s10 =	simm.s32 @!p3 $0x80;
	[sflag:s6] =	ssyncset.done @!p3 $0x0  }
0xd9: {  	s12 =	simm.s32 @!p1 $0x4;
	[sflag:s6] =	ssyncadd.s32 @!p3 $0xFFFFFF80;
	s6 =	simm.s32 @!p3 $0x6900  }
0xda: {  	[tilespmem:s6], [sflag:$0x5] =	stream.indirect.gather @!p3 [hbm4b:s4+s10], $0x80, s11, s10, $0xb8;
	[tilespmem:$0x1E900] =	vst v63  }
0xdb: {  	s17 =	sadd.s32 $0xFFFFFFFC, s24;
	_ =	swait.ge @!p1 [sflag:s12], $0x4000  }
0xdc: {  	p2 =	sge.u32 s17, s5;
	[sflag:s12] =	ssyncset.done @!p1 $0x0  }
0xdd: {  	s10 =	sadd.s32 @!p1 $0x80, s0;
	p3 =	sgt.u32 s17, s9;
	[sflag:s12] =	ssyncadd.s32 @!p1 $0xFFFFC000  }
0xde: {  	[spmem:s2] =	stream.indirect.scatter.add.f32 @!p1 [tilespmem:s7], [sflag:$0x6], $0x80, s10, s8, $0xb8;
	[tilespmem:$0x1E900] =	vst v63  }
0xdf: {  	s7 =	simm.s32 @!p2 $0x0;
	s8 =	simm.s32 @!p2 $0x2880;
	s10 =	simm.s32 @!p3 $0x6  }
0xe0: {  	[tilespmem:s8], [sflag:$0x3] =	stream.linear.gather @!p2 [hbm4b:s31+s7], $0x80, $0x38;
	[tilespmem:$0x1E900] =	vst v63  }
0xe1: {  	_ =	swait.ge @!p3 [sflag:s10], $0x4000  }
0xe2: {  	[sflag:s10] =	ssyncset.done @!p3 $0x0  }
0xe3: {  	s7 =	simm.s32 @!p2 $0x3;
	[sflag:s10] =	ssyncadd.s32 @!p3 $0xFFFFC000  }
0xe4: {  	s22 =	sadd.s32 $0xFFFFFFFD, s24;
	_ =	swait.ge @!p2 [sflag:s7], $0x80  }
0xe5: {  	s6 =	simm.s32 @!p2 $0x2900;
	p3 =	sgt.u32 s17, s5;
	[sflag:s7] =	ssyncset.done @!p2 $0x0  }
0xe6: {  	s10 =	simm.s32 @!p2 $0x80;
	s11 =	simm.s32 @!p3 $0x5;
	[sflag:s7] =	ssyncadd.s32 @!p2 $0xFFFFFF80  }
0xe7: {  	[tilespmem:s6], [sflag:$0x4] =	stream.indirect.gather @!p2 [hbm4b:s4+s10], $0x80, s8, s10, $0xb8;
	[tilespmem:$0x1E900] =	vst v63  }
0xe8: {  	p1 =	sge.u32 s22, s5;
	_ =	swait.ge @!p3 [sflag:s11], $0x4000  }
0xe9: {  	s6 =	sadd.s32 @!p3 $0x100, s0;
	s8 =	simm.s32 @!p3 $0x80;
	[sflag:s11] =	ssyncset.done @!p3 $0x0  }
0xea: {  	s10 =	simm.s32 @!p3 $0x6900;
	p2 =	sgt.u32 s22, s9;
	[sflag:s11] =	ssyncadd.s32 @!p3 $0xFFFFC000  }
0xeb: {  	[spmem:s2] =	stream.indirect.scatter.add.f32 @!p3 [tilespmem:s10], [sflag:$0x7], $0x80, s6, s8, $0xb8;
	[tilespmem:$0x1E900] =	vst v63  }
0xec: {  	s6 =	simm.s32 @!p1 $0x0;
	s8 =	simm.s32 @!p2 $0x7;
	s10 =	simm.s32 @!p1 $0x2780  }
0xed: {  	[tilespmem:s10], [sflag:$0x1] =	stream.linear.gather @!p1 [hbm4b:s30+s6], $0x80, $0x38;
	[tilespmem:$0x1E900] =	vst v63  }
0xee: {  	_ =	swait.ge @!p2 [sflag:s8], $0x4000  }
0xef: {  	[sflag:s8] =	ssyncset.done @!p2 $0x0  }
0xf0: {  	s6 =	simm.s32 @!p1 $0x1;
	[sflag:s8] =	ssyncadd.s32 @!p2 $0xFFFFC000  }
0xf1: {  	s26 =	sadd.s32 $0xFFFFFFFE, s24;
	_ =	swait.ge @!p1 [sflag:s6], $0x80  }
0xf2: {  	s11 =	simm.s32 @!p1 $0x6900;
	p2 =	sgt.u32 s22, s5;
	[sflag:s6] =	ssyncset.done @!p1 $0x0  }
0xf3: {  	s8 =	simm.s32 @!p1 $0x80;
	s7 =	simm.s32 @!p2 $0x4;
	[sflag:s6] =	ssyncadd.s32 @!p1 $0xFFFFFF80  }
0xf4: {  	[tilespmem:s11], [sflag:$0x5] =	stream.indirect.gather @!p1 [hbm4b:s4+s8], $0x80, s10, s8, $0xb8;
	[tilespmem:$0x1E900] =	vst v63  }
0xf5: {  	p3 =	sgt.u32 s26, s9;
	_ =	swait.ge @!p2 [sflag:s7], $0x4000  }
0xf6: {  	s6 =	simm.s32 @!p2 $0x2900;
	p1 =	sge.u32 s26, s5;
	[sflag:s7] =	ssyncset.done @!p2 $0x0  }
0xf7: {  	s10 =	sadd.s32 @!p2 $0x180, s0;
	s11 =	simm.s32 @!p2 $0x80;
	[sflag:s7] =	ssyncadd.s32 @!p2 $0xFFFFC000  }
0xf8: {  	[spmem:s2] =	stream.indirect.scatter.add.f32 @!p2 [tilespmem:s6], [sflag:$0x6], $0x80, s10, s11, $0xb8;
	[tilespmem:$0x1E900] =	vst v63  }
0xf9: {  	s7 =	simm.s32 @!p1 $0x2800;
	s6 =	simm.s32 @!p1 $0x0;
	s10 =	simm.s32 @!p3 $0x6  }
0xfa: {  	[tilespmem:s7], [sflag:$0x2] =	stream.linear.gather @!p1 [hbm4b:s29+s6], $0x80, $0x38;
	[tilespmem:$0x1E900] =	vst v63  }
0xfb: {  	_ =	swait.ge @!p3 [sflag:s10], $0x4000  }
0xfc: {  	[sflag:s10] =	ssyncset.done @!p3 $0x0  }
0xfd: {  	s6 =	simm.s32 @!p1 $0x2;
	[sflag:s10] =	ssyncadd.s32 @!p3 $0xFFFFC000  }
0xfe: {  	_ =	swait.ge @!p1 [sflag:s6], $0x80  }
0xff: {  	s8 =	simm.s32 @!p1 $0x80;
	p2 =	sgt.u32 s26, s5;
	[sflag:s6] =	ssyncset.done @!p1 $0x0  }
0x100: {  	s11 =	simm.s32 @!p2 $0x5;
	s10 =	simm.s32 @!p1 $0x2900;
	[sflag:s6] =	ssyncadd.s32 @!p1 $0xFFFFFF80  }
0x101: {  	[tilespmem:s10], [sflag:$0x4] =	stream.indirect.gather @!p1 [hbm4b:s4+s8], $0x80, s7, s8, $0xb8;
	[tilespmem:$0x1E900] =	vst v63  }
0x102: {  	s29 =	sadd.s32 $0xFFFFFFFF, s24;
	_ =	swait.ge @!p2 [sflag:s11], $0x4000  }
0x103: {  	s6 =	simm.s32 @!p2 $0x6900;
	s7 =	simm.s32 @!p2 $0x80;
	[sflag:s11] =	ssyncset.done @!p2 $0x0  }
0x104: {  	s10 =	sadd.s32 @!p2 $0x200, s0;
	p1 =	sge.u32 s29, s5;
	[sflag:s11] =	ssyncadd.s32 @!p2 $0xFFFFC000  }
0x105: {  	[spmem:s2] =	stream.indirect.scatter.add.f32 @!p2 [tilespmem:s6], [sflag:$0x7], $0x80, s10, s7, $0xb8;
	[tilespmem:$0x1E900] =	vst v63  }
0x106: {  	s6 =	simm.s32 @!p1 $0x0;
	s7 =	simm.s32 @!p1 $0x2880;
	p2 =	sgt.u32 s29, s9  }
0x107: {  	[tilespmem:s7], [sflag:$0x3] =	stream.linear.gather @!p1 [hbm4b:s28+s6], $0x80, $0x38;
	[tilespmem:$0x1E900] =	vst v63  }
0x108: {  	s6 =	simm.s32 @!p2 $0x7  }
0x109: {  	_ =	swait.ge @!p2 [sflag:s6], $0x4000  }
0x10a: {  	[sflag:s6] =	ssyncset.done @!p2 $0x0  }
0x10b: {  	[sflag:s6] =	ssyncadd.s32 @!p2 $0xFFFFC000;
	s6 =	simm.s32 @!p1 $0x3  }
0x10c: {  	_ =	swait.ge @!p1 [sflag:s6], $0x80  }
0x10d: {  	s8 =	simm.s32 @!p1 $0x80;
	p2 =	sgt.u32 s29, s5;
	[sflag:s6] =	ssyncset.done @!p1 $0x0  }
0x10e: {  	s10 =	simm.s32 @!p1 $0x6900;
	[sflag:s6] =	ssyncadd.s32 @!p1 $0xFFFFFF80;
	s6 =	simm.s32 @!p2 $0x4  }
0x10f: {  	[tilespmem:s10], [sflag:$0x5] =	stream.indirect.gather @!p1 [hbm4b:s4+s8], $0x80, s7, s8, $0xb8;
	[tilespmem:$0x1E900] =	vst v63  }
0x110: {  	_ =	swait.ge @!p2 [sflag:s6], $0x4000  }
0x111: {  	s0 =	sadd.s32 @!p2 $0x280, s0;
	s7 =	simm.s32 @!p2 $0x2900;
	[sflag:s6] =	ssyncset.done @!p2 $0x0  }
0x112: {  	s8 =	simm.s32 @!p2 $0x80;
	p1 =	sge.u32 s24, s5;
	[sflag:s6] =	ssyncadd.s32 @!p2 $0xFFFFC000  }
0x113: {  	[spmem:s2] =	stream.indirect.scatter.add.f32 @!p2 [tilespmem:s7], [sflag:$0x6], $0x80, s0, s8, $0xb8;
	[tilespmem:$0x1E900] =	vst v63  }
0x114: {  	s6 =	simm.s32 @!p1 $0x2780;
	s0 =	simm.s32 @!p1 $0x0  }
0x115: {  	[tilespmem:s6], [sflag:$0x1] =	stream.linear.gather @!p1 [hbm4b:s25+s0], $0x80, $0x38;
	[tilespmem:$0x1E900] =	vst v63  }
0x116: {  	[bflag:$0x0] =	sbarrier.arrive $0xFFFF  }
0x117: {  	s30 =	rddreg [dreg:$0x7]  }
0x118: {  	[hbm:s30], [sflag:s20] =	dma.local [spmem:s21], $0x2800  }
0x119: {  	_ =	swait.ge [sflag:s19], $0x2800  }
0x11a: {  	s23 =	sadd.s32 $0x1, s23;
	s31 =	rddreg [dreg:$0x8]  }
0x11b: {  	p1 =	sne.s32 s23, s31  }
.Ltmp1:
0x11c: {  	_ = 	snop;
	(pc) =	sbr.rel @p1 .LBB2_1-.Ltmp1, $3  }
0x11d: {  	_ =	sdelay $0x1  }
0x11e: {  	[sflag:s19] =	ssyncset.done $0x0  }
0x11f: {  	[sflag:s19] =	ssyncadd.s32 $0xFFFFD800  }
0x120: {  	_ =	sfence.sel $0x180000  }
0x121: {  	[bflag:$0x0] =	sbarrier.arrive $0xFFFF  }
0x122: {  	_ =	strace $0x9000004A  }
0x123: {  	s0 =	stileid.u32;
	[bflag:$0x2] =	sbarrier.arrive $0xFFFF  }
0x124: {  	p0 =	sne.s32 s0, $0x0;
	s0 =	rddreg [dreg:$0x2]  }
0x125: {  	s0 =	sadd.s32 @!p0 $0x100000, s0  }
0x126: {  	[sflag:s0] =	ssyncadd.tile.s32 @!p0 $0x1;
	_ =	shalt  }
.Lfunc_end2:
_tile_overlayer_lowered:
.L_overlay_start_2:
0x127: {  	(tag) =	ssettag $0x2  }
0x128: {  	s0 =	rddreg [dreg:$0x0];
	s2 =	stileid.u32  }
0x129: {  	s1 =	rddreg [dreg:$0x1];
	p0 =	sne.s32 s2, $0x0  }
0x12a: {  	s3 =	rddreg [dreg:$0x2];
	[bflag:$0x3] =	sbarrier.arrive $0xFFFF;
	s2 =	simm.s32 @!p0 $0x1C08  }
0x12b: {  	[timem:s3], [sflag:s2] =	dma.local @!p0 [hbm:s0], s1  }
0x12c: {  	s0 =	simm.s32 @!p0 $0x8  }
0x12d: {  	_ =	swait.ge @!p0 [sflag:s0], s1  }
0x12e: {  	s1 =	ssub.s32 @!p0 $0x0, s1;
	[sflag:s0] =	ssyncset.done @!p0 $0x0  }
0x12f: {  	[sflag:s0] =	ssyncadd.s32 @!p0 s1  }
0x130: {  	[bflag:$0x3] =	sbarrier.arrive $0xFFFF  }
0x131: {  	_ =	shalt  }

// kernel: kernel.17.cloned.1.call-start
scs
__scs_entry_jumppad:
0x0: {  	(pc) =	sbr.rel $0x88, $3  }
0x1: {  	(tag) =	ssettag $0x0;
	lr =	simm.s32 $0x1  }
0x2: {  	[smem:$0x3F98] =	sst lr;
	_ =	strace $0xD0000000  }
0x3: {  	_ = 	snop  }
0x4: {  	_ = 	snop  }
0x5: {  	_ = 	snop  }
0x6: {  	_ = 	snop  }
0x7: {  	_ = 	snop  }
__scs_overlays_trampoline_lowered:
0x8: {  	[smem:$0x3FA7] =	sst s0  }
0x9: {  	[smem:$0x3FA8] =	sst s1  }
0xa: {  	[smem:$0x3FA9] =	sst s2  }
0xb: {  	[smem:$0x3FAA] =	sst s3  }
0xc: {  	[smem:$0x3FAB] =	sst s4  }
0xd: {  	[smem:$0x3FAC] =	sst s5  }
0xe: {  	[smem:$0x3FAD] =	sst s6  }
0xf: {  	[smem:$0x3FAE] =	sst s7  }
0x10: {  	[smem:$0x3FAF] =	sst s8  }
0x11: {  	[smem:$0x3FB0] =	sst s9;
	s0 =	simm.s32 @!p0 $0x0  }
0x12: {  	s1 =	sld [smem:$0x3F96];
	s0 =	simm.s32 @p0 $0x1  }
0x13: {  	[smem:$0x3FB1] =	sst s0;
	s0 =	simm.s32 @!p1 $0x0  }
0x14: {  	s2 =	sld [smem:$0x3F95];
	s0 =	simm.s32 @p1 $0x1  }
0x15: {  	[smem:$0x3FB2] =	sst s0;
	s0 =	simm.s32 @!p2 $0x0  }
0x16: {  	s3 =	sld [smem:$0x3FDB];
	s0 =	simm.s32 @p2 $0x1  }
0x17: {  	s4 =	simm.s32 $0x1BF5;
	[smem:$0x3FB4] =	sst s0  }
0x18: {  	s0 =	sld [smem:$0x3F97];
	_ =	swait.ge [sflag:s4], $0x0  }
0x19: {  	s7 =	sld [smem:$0x3F98]  }
0x1a: {  	s8 =	sadd.s32 $0xFFFFE003, lr  }
0x1b: {  	s9 =	sadd.s32 $0xFFFFFEF7, lr;
	s5 =	simm.s32 $0xFFFFFFFF;
	p2 =	slt.u32 s8, $0xFFFFF086  }
0x1c: {  	p1 =	slt.u32 s9, $0xF7A;
	s5 =	simm.s32 @!p2 $0x0  }
0x1d: {  	s5 =	simm.s32 @p1 $0x1;
	p0 =	seq.s32 s7, s2  }
0x1e: {  	s7 =	smul.u32 @!p0 $0xF7A, s2;
	p2 =	seq.s32 @!p0 s5, $0x0  }
0x1f: {  	s9 =	smul.u32 $0xF7A, s1;
	s8 =	simm.s32 @!p0 $0x1BF5;
	p2 =	por !p2, p0  }
0x20: {  	[sflag:s8] =	ssyncset.s32 @!p0 $0xFFFFF086;
	s6 =	sadd.s32 @!p0 s3, s7;
	s7 =	simm.s32 @!p0 $0x108  }
0x21: {  	s3 =	sadd.s32 s3, s9;
	s6 =	sadd.s32 @!p0 $0x88, s6;
	s7 =	simm.s32 @p2 $0x1082  }
0x22: {  	[simem:s7], [sflag:s8] =	dma.local @!p0 [hbm:s6], $0xF7A  }
0x23: {  	s9 =	sor.u32 $0xD0000000, s2;
	s6 =	simm.s32 $0x108;
	_ =	swait.ge @!p0 [sflag:s8], $0x0  }
0x24: {  	s3 =	sadd.s32 $0x88, s3;
	s6 =	simm.s32 @!p1 $0x1082;
	[sflag:s4] =	ssyncset.s32 $0xFFFFF086  }
0x25: {  	[simem:s6], [sflag:s4] =	dma.local [hbm:s3], $0xF7A  }
0x26: {  	[smem:$0x3F98] =	sst s1;
	(tag) =	ssettag s2;
	_ =	strace s9  }
0x27: {  	s1 =	sld [smem:$0x3FA8]  }
0x28: {  	s2 =	sld [smem:$0x3FA9]  }
0x29: {  	s4 =	sld [smem:$0x3FAB]  }
0x2a: {  	p0 =	seq.s32 s5, $0x0;
	s5 =	sld [smem:$0x3FAC]  }
0x2b: {  	s6 =	sld [smem:$0x3FAD]  }
0x2c: {  	s7 =	sld [smem:$0x3FAE]  }
0x2d: {  	s3 =	simm.s32 $0x108;
	s8 =	sld [smem:$0x3FAF]  }
0x2e: {  	s3 =	simm.s32 @!p0 $0x1082;
	s9 =	sld [smem:$0x3FB0]  }
0x2f: {  	lr =	sadd.s32 s0, s3;
	s0 =	sld [smem:$0x3FA7]  }
0x30: {  	s3 =	sld [smem:$0x3FAA]  }
0x31: {  	[smem:$0x3FB3] =	sst s10  }
0x32: {  	s10 =	sld [smem:$0x3FB1];
	_ =	sdelay $0x3  }
0x33: {  	p0 =	seq.s32 s10, $0x1;
	s10 =	sld [smem:$0x3FB3];
	_ =	sdelay $0x3  }
0x34: {  	[smem:$0x3FB3] =	sst s10  }
0x35: {  	s10 =	sld [smem:$0x3FB2];
	_ =	sdelay $0x3  }
0x36: {  	p1 =	seq.s32 s10, $0x1;
	s10 =	sld [smem:$0x3FB3];
	_ =	sdelay $0x3  }
0x37: {  	[smem:$0x3FB3] =	sst s10  }
0x38: {  	s10 =	sld [smem:$0x3FB4]  }
0x39: {  	_ = 	snop;
	(pc) =	sbr.ind lr, $3  }
0x3a: {  	_ = 	snop  }
0x3b: {  	_ = 	snop  }
0x3c: {  	p2 =	seq.s32 s10, $0x1;
	s10 =	sld [smem:$0x3FB3]  }
0x3d: {  	_ =	shalt  }
0x3e: {  	_ =	shalt  }
0x3f: {  	_ =	shalt  }
0x40: {  	_ =	shalt  }
0x41: {  	_ =	shalt  }
0x42: {  	_ =	shalt  }
0x43: {  	_ =	shalt  }
0x44: {  	_ =	shalt  }
0x45: {  	_ =	shalt  }
0x46: {  	_ =	shalt  }
0x47: {  	_ =	shalt  }
0x48: {  	_ =	shalt  }
0x49: {  	_ =	shalt  }
0x4a: {  	_ =	shalt  }
0x4b: {  	_ =	shalt  }
0x4c: {  	_ =	shalt  }
0x4d: {  	_ =	shalt  }
0x4e: {  	_ =	shalt  }
0x4f: {  	_ =	shalt  }
0x50: {  	_ =	shalt  }
0x51: {  	_ =	shalt  }
0x52: {  	_ =	shalt  }
0x53: {  	_ =	shalt  }
0x54: {  	_ =	shalt  }
0x55: {  	_ =	shalt  }
0x56: {  	_ =	shalt  }
0x57: {  	_ =	shalt  }
0x58: {  	_ =	shalt  }
0x59: {  	_ =	shalt  }
0x5a: {  	_ =	shalt  }
0x5b: {  	_ =	shalt  }
0x5c: {  	_ =	shalt  }
0x5d: {  	_ =	shalt  }
0x5e: {  	_ =	shalt  }
0x5f: {  	_ =	shalt  }
0x60: {  	_ =	shalt  }
0x61: {  	_ =	shalt  }
0x62: {  	_ =	shalt  }
0x63: {  	_ =	shalt  }
0x64: {  	_ =	shalt  }
0x65: {  	_ =	shalt  }
0x66: {  	_ =	shalt  }
0x67: {  	_ =	shalt  }
0x68: {  	_ =	shalt  }
0x69: {  	_ =	shalt  }
0x6a: {  	_ =	shalt  }
0x6b: {  	_ =	shalt  }
0x6c: {  	_ =	shalt  }
0x6d: {  	_ =	shalt  }
0x6e: {  	_ =	shalt  }
0x6f: {  	_ =	shalt  }
0x70: {  	_ =	shalt  }
0x71: {  	_ =	shalt  }
0x72: {  	_ =	shalt  }
0x73: {  	_ =	shalt  }
0x74: {  	_ =	shalt  }
0x75: {  	_ =	shalt  }
0x76: {  	_ =	shalt  }
0x77: {  	_ =	shalt  }
0x78: {  	_ =	shalt  }
0x79: {  	_ =	shalt  }
0x7a: {  	_ =	shalt  }
0x7b: {  	_ =	shalt  }
0x7c: {  	_ =	shalt  }
0x7d: {  	_ =	shalt  }
0x7e: {  	_ =	shalt  }
0x7f: {  	_ =	shalt  }
0x80: {  	_ =	shalt  }
0x81: {  	_ =	shalt  }
0x82: {  	_ =	shalt  }
0x83: {  	_ =	shalt  }
0x84: {  	_ =	shalt  }
0x85: {  	_ =	shalt  }
0x86: {  	_ =	shalt  }
0x87: {  	_ =	shalt  }
.Lfunc_end0:
.L_simem_size_0:
called_computation.2_lowered:
.L_overlay_start_0:
0x88: {  	s2 =	sld [smem:$0x3FD9]  }
0x89: {  	s3 =	sld [smem:$0x3FFE];
	_ =	sdelay $0x1  }
0x8a: {  	s1 =	srdreg.scid  }
0x8b: {  	s0 =	sand.u32 $0x1, s1  }
0x8c: {  	s16 =	sshll.u32 s0, $0xA;
	s2 =	sadd.s32 s3, s2  }
0x8d: {  	s2 =	sadd.s32 s2, s16  }
0x8e: {  	[smem:$0x3FBF] =	sst s2  }
0x8f: {  	_ = 	snop  }
0x90: {  	(tm) =	ssettm $0x1  }
0x91: {  	s17 =	sld [smem:$0x3FFB];
	_ =	sdelay $0x3  }
0x92: {  	_ =	strace s17  }
0x93: {  	s2 =	sld [smem:$0x3FFC];
	_ =	sdelay $0x3  }
0x94: {  	_ =	strace s2  }
0x95: {  	s2 =	sld [smem:$0x3FFD];
	_ =	sdelay $0x3  }
0x96: {  	_ =	strace s2  }
0x97: {  	_ =	strace $0x8FFFFFFF  }
0x98: {  	s18 =	sld [smem:$0x3FDB];
	_ =	sdelay $0x1  }
0x99: {  	s19 =	simm.s32 $_scs_section_size  }
0x9a: {  	s4 =	simm.s32 $_size__tile_overlayer_lowered;
	s5 =	simm.s32 $_tile_overlayer_lowered  }
0x9b: {  	s22 =	simm.s32 $0x1BFF;
	s21 =	sshll.u32 s5, $0x1;
	s2 =	sadd.s32 s19, s18  }
0x9c: {  	s6 =	simm.s32 $0x0;
	s20 =	sshll.u32 s4, $0x1;
	s4 =	sadd.s32 s21, s2  }
0x9d: {  	[timem:s6], [sflag:s22] =	dma.local [hbm:s4], s20  }
0x9e: {  	_ =	swait.ge [sflag:s22], s20  }
0x9f: {  	s3 =	ssub.s32 $0x0, s20;
	[sflag:s22] =	ssyncset.done $0x0  }
0xa0: {  	[sflag:s22] =	ssyncadd.s32 s3;
	_ =	sdelay $0x1  }
0xa1: {  	s23 =	simm.s32 $0x1B8B  }
0xa2: {  	_ =	swait.ge [sflag:s23], $0x1  }
0xa3: {  	[sflag:s23] =	ssyncset.done $0x0  }
0xa4: {  	s25 =	simm.s32 $0x1B8E;
	s24 =	sld [smem:$0x3FFE];
	[sflag:s23] =	ssyncadd.s32 $0xFFFFFFFF  }
0xa5: {  	s26 =	simm.s32 $execute0_lowered;
	[smem:$0x3FD2] =	sst s25  }
0xa6: {  	s4 =	sshll.u32 s26, $0x1;
	_ =	strace $0x8000004C;
	[dreg:$0x1] =	wrdreg $0xFFFFFFFF  }
0xa7: {  	s28 =	simm.s32 $_size_execute0_lowered;
	s2 =	sadd.s32 s2, s4;
	[dreg:$0x0] =	wrdreg $0x0  }
0xa8: {  	s4 =	sshll.u32 s28, $0x1;
	[dreg:$0x2] =	wrdreg s2  }
0xa9: {  	[dreg:$0x3] =	wrdreg s4  }
0xaa: {  	[dreg:$0x4] =	wrdreg $0xC0  }
0xab: {  	_ =	task [dreg:s6], $0x5FFFF  }
0xac: {  	[dreg:$0x1] =	wrdreg $0xFFFFFFFF  }
0xad: {  	[dreg:$0x0] =	wrdreg $0x60  }
0xae: {  	[dreg:$0x2] =	wrdreg s24  }
0xaf: {  	[dreg:$0x3] =	wrdreg $0xA9000  }
0xb0: {  	[dreg:$0x4] =	wrdreg $0x9  }
0xb1: {  	_ =	task.clear_ibuf [dreg:s6], $0x5FFFF;
	_ =	strace $0x9000004C  }
0xb2: {  	s29 =	simm.s32 $0x9;
	_ =	strace $0x8000004E  }
0xb3: {  	_ =	swait.ge [sflag:s29], $0x1  }
0xb4: {  	[sflag:s29] =	ssyncadd.s32 $0xFFFFFFFF  }
0xb5: {  	_ =	strace $0x9000004E  }
0xb6: {  	_ =	sfence  }
0xb7: {  	s30 =	sld [smem:$0x0];
	_ =	sdelay $0x2  }
0xb8: {  	s31 =	sshll.u32 s1, $0xD;
	s1 =	sshrl.u32 s1, $0x2  }
0xb9: {  	s3 =	sand.u32 $0x4000, s31;
	s1 =	sadd.s32 s1, s30  }
0xba: {  	s0 =	sor.u32 s3, s0;
	s1 =	sshll.u32 s1, $0x11  }
0xbb: {  	s0 =	sor.u32 s1, s0  }
0xbc: {  	s0 =	sadd.s32 $0x8F2B, s0  }
0xbd: {  	[sflag:s0] =	ssyncadd.remote.s32 $0x1  }
0xbe: {  	_ =	sfence.sel $0xFFFF  }
0xbf: {  	[dreg:$0x0] =	wrdreg $0xFFFFFFFF;
	(pc) =	sbr.abs _section_cstart, $3  }
0xc0: {  	[dreg:$0x1] =	wrdreg $0xFFFFFFFF  }
0xc1: {  	_ =	task.clear_ibuf [dreg:s6], $0x2FFFF;
	_ =	strace $0x9FFFFFFF  }
0xc2: {  	(tm) =	ssettm $0x7FFFFFFF  }
0xc3: {  	_ =	shalt  }
tec
execute0_lowered:
.L_overlay_start_1:
0x0: {  	(tag) =	ssettag $0x1  }
0x1: {  	s0 =	rddreg [dreg:$0x0]  }
0x2: {  	s2 =	rddreg [dreg:$0x1]  }
0x3: {  	s13 =	stileid.u32;
	s4 =	simm.s32 $0x0;
	s3 =	srdreg.scid  }
0x4: {  	s1 =	smul.u32 $0x14000, s13;
	[smem:$0x7FF] =	sst s4;
	s3 =	sand.u32 $0x1, s3  }
0x5: {  	s5 =	smul.u32 $0x2800, s13;
	s4 =	sadd.s32 $0x1B800, s0;
	s7 =	sadd.s32 $0x2E00, s0  }
0x6: {  	s21 =	smul.u32 $0x4E, s13;
	s31 =	sshll.u32 s13, $0x6;
	_ =	strace $0x8000004D  }
0x7: {  	s6 =	smul.u32 $0x28000, s3;
	s9 =	sshll.u32 s3, $0x4;
	s18 =	ssub.s32 $0x2, s3  }
0x8: {  	s3 =	smul.u32 $0x4E0, s3;
	s8 =	sshrl.u32 s1, $0x3;
	s10 =	sor.u32 s13, s9  }
0x9: {  	s20 =	sshrl.u32 s18, $0x1;
	s23 =	sadd.s32 s1, s2;
	s9 =	simm.s32 $0x50  }
0xa: {  	s8 =	sadd.s32 s8, s0;
	s5 =	sadd.s32 s5, s6;
	s19 =	smul.u32 $0x4E, s10  }
0xb: {  	s11 =	smin.u32 s10, $0x4;
	s12 =	ssub.s32 s18, s20;
	p0 =	slt.u32 s10, $0x4  }
0xc: {  	s3 =	sadd.s32 s21, s3;
	s20 =	sor.u32 $0x1C08, s31;
	s21 =	sshrl.u32 s23, $0x3  }
0xd: {  	s23 =	simm.s32 $0x0;
	s0 =	sadd.s32 s5, s0;
	s5 =	simm.s32 $0x4F  }
0xe: {  	s3 =	sadd.s32 s11, s3;
	s25 =	sadd.s32 $0x43800, s8;
	s9 =	simm.s32 @!p0 $0x4F  }
0xf: {  	s26 =	smax.u32 s12, $0x1;
	s6 =	sadd.s32 s11, s19;
	[dreg:$0x6] =	wrdreg s25  }
0x10: {  	s0 =	sadd.s32 $0x6B800, s0;
	[dreg:$0x8] =	wrdreg s26;
	s6 =	sshll.u32 s6, $0x4  }
0x11: {  	s5 =	simm.s32 @!p0 $0x4E;
	[dreg:$0x7] =	wrdreg s0;
	s6 =	sadd.s32 s7, s6  }
0x12: {  	s24 =	sshll.u32 s3, $0x4;
	s22 =	sadd.s32 $0x9C40, s6;
	[dreg:$0x3] =	wrdreg s6  }
0x13: {  	s7 =	sadd.s32 s24, s7;
	s6 =	sadd.s32 $0xA120, s6;
	[dreg:$0x4] =	wrdreg s22  }
0x14: {  	p0 =	sgt.u32 s10, $0x3;
	s28 =	sadd.s32 $0x50, s7;
	[dreg:$0x5] =	wrdreg s6  }
0x15: {  	s19 =	simm.s32 $0x8;
	s29 =	sadd.s32 $0x40, s7;
	[dreg:$0x9] =	wrdreg s28  }
0x16: {  	s1 =	sadd.s32 $0x10, s7;
	s30 =	sadd.s32 $0x30, s7;
	[dreg:$0xa] =	wrdreg s29  }
0x17: {  	s3 =	sadd.s32 $0x60, s7;
	s18 =	sadd.s32 $0x20, s7;
	[dreg:$0xb] =	wrdreg s30  }
.LBB2_1:
0x18: {  	s6 =	simm.s32 $0x0;
	s0 =	rddreg [dreg:$0x4]  }
0x19: {  	[tilespmem:s6], [sflag:$0x8] =	stream.linear.gather [hbm4b:s0+s6], $0x2700, $0x38;
	[tilespmem:$0x1E900] =	vst v63  }
0x1a: {  	_ =	swait.ge [sflag:s19], $0x2700  }
0x1b: {  	s7 =	simm.s32 @!p0 $0x2700;
	[sflag:s19] =	ssyncset.done $0x0  }
0x1c: {  	s0 =	simm.s32 @!p0 $0x0;
	s8 =	rddreg [dreg:$0x5];
	[sflag:s19] =	ssyncadd.s32 $0xFFFFD900  }
0x1d: {  	[tilespmem:s7], [sflag:$0x8] =	stream.linear.gather @!p0 [hbm4b:s8+s0], $0x80, $0x38;
	[tilespmem:$0x1E900] =	vst v63  }
0x1e: {  	s0 =	simm.s32 @!p0 $0x8  }
0x1f: {  	_ =	swait.ge @!p0 [sflag:s0], $0x80  }
0x20: {  	[sflag:s0] =	ssyncset.done @!p0 $0x0  }
0x21: {  	s24 =	rddreg [dreg:$0x6];
	[sflag:s0] =	ssyncadd.s32 @!p0 $0xFFFFFF80  }
0x22: {  	[spmem:s21], [sflag:s20] =	dma.local [hbm:s24], $0x2800  }
0x23: {  	_ =	swait.ge [sflag:s19], $0x2800  }
0x24: {  	[sflag:s19] =	ssyncset.done $0x0  }
0x25: {  	[sflag:s19] =	ssyncadd.s32 $0xFFFFD800  }
0x26: {  	p2 =	por $0x1, $0x1;
	[bflag:$0x0] =	sbarrier.arrive $0xFFFF  }
0x27: {  	s26 =	simm.s32 $0x2780;
	s0 =	simm.s32 @!p2 $0x6;
	s25 =	rddreg [dreg:$0x3]  }
0x28: {  	[tilespmem:s26], [sflag:$0x1] =	stream.linear.gather [hbm4b:s25+s6], $0x80, $0x38;
	[tilespmem:$0x1E900] =	vst v63  }
0x29: {  	_ =	swait.ge @!p2 [sflag:s0], $0x4000  }
0x2a: {  	p1 =	sle.u32 s5, $0x0;
	[sflag:s0] =	ssyncset.done @!p2 $0x0  }
0x2b: {  	s7 =	simm.s32 @!p1 $0x1;
	[sflag:s0] =	ssyncadd.s32 @!p2 $0xFFFFC000  }
0x2c: {  	_ =	swait.ge @!p1 [sflag:s7], $0x80  }
0x2d: {  	s10 =	simm.s32 @!p1 $0x2780;
	s8 =	simm.s32 @!p1 $0x80;
	[sflag:s7] =	ssyncset.done @!p1 $0x0  }
0x2e: {  	s0 =	simm.s32 @!p1 $0x2900;
	[sflag:s7] =	ssyncadd.s32 @!p1 $0xFFFFFF80;
	s7 =	simm.s32 @!p2 $0x5  }
0x2f: {  	[tilespmem:s0], [sflag:$0x4] =	stream.indirect.gather @!p1 [hbm4b:s4+s8], $0x80, s10, s8, $0xb8;
	[tilespmem:$0x1E900] =	vst v63  }
0x30: {  	_ =	swait.ge @!p2 [sflag:s7], $0x4000  }
0x31: {  	p3 =	sle.u32 s5, $0x1;
	s11 =	simm.s32 @!p2 $0x80;
	[sflag:s7] =	ssyncset.done @!p2 $0x0  }
0x32: {  	s26 =	simm.s32 $0xFFFFFF80;
	s10 =	simm.s32 @!p2 $0x6900;
	[sflag:s7] =	ssyncadd.s32 @!p2 $0xFFFFC000  }
0x33: {  	[spmem:s2] =	stream.indirect.scatter.add.f32 @!p2 [tilespmem:s10], [sflag:$0x7], $0x80, s26, s11, $0xb8;
	[tilespmem:$0x1E900] =	vst v63  }
0x34: {  	s7 =	simm.s32 @!p3 $0x0;
	s10 =	simm.s32 @!p3 $0x2800;
	s11 =	simm.s32 @!p2 $0x7  }
0x35: {  	[tilespmem:s10], [sflag:$0x2] =	stream.linear.gather @!p3 [hbm4b:s1+s7], $0x80, $0x38;
	[tilespmem:$0x1E900] =	vst v63  }
0x36: {  	_ =	swait.ge @!p2 [sflag:s11], $0x4000  }
0x37: {  	[sflag:s11] =	ssyncset.done @!p2 $0x0  }
0x38: {  	s7 =	simm.s32 @!p3 $0x2;
	[sflag:s11] =	ssyncadd.s32 @!p2 $0xFFFFC000  }
0x39: {  	_ =	swait.ge @!p3 [sflag:s7], $0x80  }
0x3a: {  	s13 =	simm.s32 @!p1 $0x4;
	[sflag:s7] =	ssyncset.done @!p3 $0x0  }
0x3b: {  	s11 =	simm.s32 @!p3 $0x80;
	[sflag:s7] =	ssyncadd.s32 @!p3 $0xFFFFFF80;
	s7 =	simm.s32 @!p3 $0x6900  }
0x3c: {  	[tilespmem:s7], [sflag:$0x5] =	stream.indirect.gather @!p3 [hbm4b:s4+s11], $0x80, s10, s11, $0xb8;
	[tilespmem:$0x1E900] =	vst v63  }
0x3d: {  	_ =	swait.ge @!p1 [sflag:s13], $0x4000  }
0x3e: {  	p2 =	sle.u32 s5, $0x2;
	[sflag:s13] =	ssyncset.done @!p1 $0x0  }
0x3f: {  	s7 =	simm.s32 @!p1 $0x0;
	p3 =	slt.u32 s9, $0x2;
	[sflag:s13] =	ssyncadd.s32 @!p1 $0xFFFFC000  }
0x40: {  	[spmem:s2] =	stream.indirect.scatter.add.f32 @!p1 [tilespmem:s0], [sflag:$0x6], $0x80, s7, s8, $0xb8;
	[tilespmem:$0x1E900] =	vst v63  }
0x41: {  	s0 =	simm.s32 @!p2 $0x0;
	s7 =	simm.s32 @!p2 $0x2880;
	s8 =	simm.s32 @!p3 $0x6  }
0x42: {  	[tilespmem:s7], [sflag:$0x3] =	stream.linear.gather @!p2 [hbm4b:s18+s0], $0x80, $0x38;
	[tilespmem:$0x1E900] =	vst v63  }
0x43: {  	_ =	swait.ge @!p3 [sflag:s8], $0x4000  }
0x44: {  	[sflag:s8] =	ssyncset.done @!p3 $0x0  }
0x45: {  	s0 =	simm.s32 @!p2 $0x3;
	[sflag:s8] =	ssyncadd.s32 @!p3 $0xFFFFC000  }
0x46: {  	_ =	swait.ge @!p2 [sflag:s0], $0x80  }
0x47: {  	s10 =	simm.s32 @!p2 $0x80;
	p3 =	slt.u32 s5, $0x2;
	[sflag:s0] =	ssyncset.done @!p2 $0x0  }
0x48: {  	s8 =	simm.s32 @!p2 $0x2900;
	s11 =	simm.s32 @!p3 $0x5;
	[sflag:s0] =	ssyncadd.s32 @!p2 $0xFFFFFF80  }
0x49: {  	[tilespmem:s8], [sflag:$0x4] =	stream.indirect.gather @!p2 [hbm4b:s4+s10], $0x80, s7, s10, $0xb8;
	[tilespmem:$0x1E900] =	vst v63  }
0x4a: {  	p1 =	sle.u32 s5, $0x3;
	s0 =	simm.s32 @!p3 $0x80;
	_ =	swait.ge @!p3 [sflag:s11], $0x4000  }
0x4b: {  	s7 =	simm.s32 @!p3 $0x80;
	s8 =	simm.s32 @!p3 $0x6900;
	[sflag:s11] =	ssyncset.done @!p3 $0x0  }
0x4c: {  	p2 =	slt.u32 s9, $0x3;
	s12 =	rddreg [dreg:$0xb];
	[sflag:s11] =	ssyncadd.s32 @!p3 $0xFFFFC000  }
0x4d: {  	[spmem:s2] =	stream.indirect.scatter.add.f32 @!p3 [tilespmem:s8], [sflag:$0x7], $0x80, s0, s7, $0xb8;
	[tilespmem:$0x1E900] =	vst v63  }
0x4e: {  	s0 =	simm.s32 @!p1 $0x0;
	s7 =	simm.s32 @!p2 $0x7;
	s8 =	simm.s32 @!p1 $0x2780  }
0x4f: {  	[tilespmem:s8], [sflag:$0x1] =	stream.linear.gather @!p1 [hbm4b:s12+s0], $0x80, $0x38;
	[tilespmem:$0x1E900] =	vst v63  }
0x50: {  	_ =	swait.ge @!p2 [sflag:s7], $0x4000  }
0x51: {  	[sflag:s7] =	ssyncset.done @!p2 $0x0  }
0x52: {  	s0 =	simm.s32 @!p1 $0x1;
	[sflag:s7] =	ssyncadd.s32 @!p2 $0xFFFFC000  }
0x53: {  	s22 =	simm.s32 $0x12;
	s31 =	sadd.s32 $0x60, s18;
	_ =	swait.ge @!p1 [sflag:s0], $0x80  }
0x54: {  	s10 =	simm.s32 @!p1 $0x80;
	p2 =	slt.u32 s5, $0x3;
	[sflag:s0] =	ssyncset.done @!p1 $0x0  }
0x55: {  	s11 =	simm.s32 @!p1 $0x6900;
	s7 =	simm.s32 @!p2 $0x4;
	[sflag:s0] =	ssyncadd.s32 @!p1 $0xFFFFFF80  }
0x56: {  	[tilespmem:s11], [sflag:$0x5] =	stream.indirect.gather @!p1 [hbm4b:s4+s10], $0x80, s8, s10, $0xb8;
	[tilespmem:$0x1E900] =	vst v63  }
0x57: {  	p3 =	slt.u32 s9, $0x4;
	s0 =	simm.s32 @!p2 $0x2900;
	_ =	swait.ge @!p2 [sflag:s7], $0x4000  }
0x58: {  	p1 =	sle.u32 s5, $0x4;
	s8 =	simm.s32 @!p2 $0x100;
	[sflag:s7] =	ssyncset.done @!p2 $0x0  }
0x59: {  	s10 =	simm.s32 @!p2 $0x80;
	s6 =	rddreg [dreg:$0xa];
	[sflag:s7] =	ssyncadd.s32 @!p2 $0xFFFFC000  }
0x5a: {  	[spmem:s2] =	stream.indirect.scatter.add.f32 @!p2 [tilespmem:s0], [sflag:$0x6], $0x80, s8, s10, $0xb8;
	[tilespmem:$0x1E900] =	vst v63  }
0x5b: {  	s7 =	simm.s32 @!p1 $0x2800;
	s0 =	simm.s32 @!p1 $0x0;
	s8 =	simm.s32 @!p3 $0x6  }
0x5c: {  	[tilespmem:s7], [sflag:$0x2] =	stream.linear.gather @!p1 [hbm4b:s6+s0], $0x80, $0x38;
	[tilespmem:$0x1E900] =	vst v63  }
0x5d: {  	s14 =	smov.u32 s3;
	s24 =	simm.s32 $0xC;
	_ =	swait.ge @!p3 [sflag:s8], $0x4000  }
0x5e: {  	s25 =	sadd.s32 $0x60, s3;
	s30 =	sadd.s32 $0x60, s12;
	[sflag:s8] =	ssyncset.done @!p3 $0x0  }
0x5f: {  	s11 =	simm.s32 @!p1 $0x80;
	s10 =	simm.s32 @!p1 $0x2;
	[sflag:s8] =	ssyncadd.s32 @!p3 $0xFFFFC000  }
0x60: {  	s29 =	sadd.s32 $0x60, s6;
	p2 =	slt.u32 s5, $0x4;
	_ =	swait.ge @!p1 [sflag:s10], $0x80  }
0x61: {  	s13 =	simm.s32 @!p2 $0x5;
	s0 =	simm.s32 $0x6;
	[sflag:s10] =	ssyncset.done @!p1 $0x0  }
0x62: {  	s8 =	simm.s32 @!p1 $0x2900;
	p3 =	sle.u32 s5, $0x5;
	[sflag:s10] =	ssyncadd.s32 @!p1 $0xFFFFFF80  }
0x63: {  	[tilespmem:s8], [sflag:$0x4] =	stream.indirect.gather @!p1 [hbm4b:s4+s11], $0x80, s7, s11, $0xb8;
	[tilespmem:$0x1E900] =	vst v63  }
0x64: {  	s10 =	simm.s32 @!p2 $0x180;
	s7 =	simm.s32 @!p2 $0x6900;
	_ =	swait.ge @!p2 [sflag:s13], $0x4000  }
0x65: {  	s8 =	simm.s32 @!p2 $0x80;
	[sflag:s13] =	ssyncset.done @!p2 $0x0;
	s6 =	rddreg [dreg:$0x9]  }
0x66: {  	[sflag:s13] =	ssyncadd.s32 @!p2 $0xFFFFC000;
	s28 =	sadd.s32 $0x60, s6;
	s13 =	smov.u32 s1  }
0x67: {  	[spmem:s2] =	stream.indirect.scatter.add.f32 @!p2 [tilespmem:s7], [sflag:$0x7], $0x80, s10, s8, $0xb8;
	[tilespmem:$0x1E900] =	vst v63  }
0x68: {  	s7 =	simm.s32 @!p3 $0x0;
	s8 =	simm.s32 @!p3 $0x2880;
	p2 =	slt.u32 s9, $0x5  }
0x69: {  	[tilespmem:s8], [sflag:$0x3] =	stream.linear.gather @!p3 [hbm4b:s6+s7], $0x80, $0x38;
	[tilespmem:$0x1E900] =	vst v63  }
0x6a: {  	s10 =	simm.s32 $0x5;
	s11 =	simm.s32 @!p2 $0x7;
	s7 =	simm.s32 $0xFFFFFF80  }
.LBB2_2:
0x6b: {  	_ =	swait.ge @!p2 [sflag:s11], $0x4000;
	s26 =	sadd.s32 $0x300, s26;
	s13 =	sadd.s32 $0x60, s13  }
0x6c: {  	s12 =	smov.u32 s22;
	s22 =	sadd.s32 $0x6, s22;
	[sflag:s11] =	ssyncset.done @!p2 $0x0  }
0x6d: {  	p1 =	sne.s32 s22, $0x5A;
	[sflag:s11] =	ssyncadd.s32 @!p2 $0xFFFFC000;
	s11 =	simm.s32 @!p3 $0x3  }
0x6e: {  	p4 =	sgt.u32 s10, s5;
	p2 =	seq.s32 s24, $0x6;
	_ =	swait.ge @!p3 [sflag:s11], $0x80  }
0x6f: {  	s10 =	simm.s32 @!p3 $0x80;
	s6 =	simm.s32 @!p3 $0x6900;
	[sflag:s11] =	ssyncset.done @!p3 $0x0  }
0x70: {  	s15 =	simm.s32 @!p4 $0x2900;
	[sflag:s11] =	ssyncadd.s32 @!p3 $0xFFFFFF80;
	s11 =	simm.s32 @!p4 $0x4  }
0x71: {  	[tilespmem:s6], [sflag:$0x5] =	stream.indirect.gather @!p3 [hbm4b:s4+s10], $0x80, s8, s10, $0xb8;
	[tilespmem:$0x1E900] =	vst v63  }
0x72: {  	s6 =	sadd.s32 @!p4 $0x280, s7;
	s8 =	simm.s32 @!p4 $0x80;
	_ =	swait.ge @!p4 [sflag:s11], $0x4000  }
0x73: {  	s16 =	simm.s32 @!p2 $0x6;
	s10 =	sadd.s32 $0xFFFFFFFA, s24;
	[sflag:s11] =	ssyncset.done @!p4 $0x0  }
0x74: {  	p3 =	sge.u32 s0, s5;
	s7 =	smov.u32 s26;
	[sflag:s11] =	ssyncadd.s32 @!p4 $0xFFFFC000  }
0x75: {  	[spmem:s2] =	stream.indirect.scatter.add.f32 @!p4 [tilespmem:s15], [sflag:$0x6], $0x80, s6, s8, $0xb8;
	[tilespmem:$0x1E900] =	vst v63  }
0x76: {  	s0 =	smov.u32 s24;
	s6 =	simm.s32 @!p3 $0x0;
	s8 =	simm.s32 @!p3 $0x2780  }
0x77: {  	[tilespmem:s8], [sflag:$0x1] =	stream.linear.gather @!p3 [hbm4b:s14+s6], $0x80, $0x38;
	[tilespmem:$0x1E900] =	vst v63  }
0x78: {  	s24 =	smov.u32 s12;
	p3 =	sge.u32 s10, s5;
	_ =	swait.ge @!p2 [sflag:s16], $0x4000  }
0x79: {  	s14 =	smov.u32 s25;
	s6 =	simm.s32 @!p3 $0x1;
	[sflag:s16] =	ssyncset.done @!p2 $0x0  }
0x7a: {  	[sflag:s16] =	ssyncadd.s32 @!p2 $0xFFFFC000  }
0x7b: {  	s8 =	simm.s32 @!p3 $0x2900;
	_ =	swait.ge @!p3 [sflag:s6], $0x80  }
0x7c: {  	s10 =	simm.s32 @!p3 $0x80;
	s11 =	simm.s32 @!p3 $0x2780;
	[sflag:s6] =	ssyncset.done @!p3 $0x0  }
0x7d: {  	[sflag:s6] =	ssyncadd.s32 @!p3 $0xFFFFFF80;
	s6 =	simm.s32 @!p2 $0x5  }
0x7e: {  	[tilespmem:s8], [sflag:$0x4] =	stream.indirect.gather @!p3 [hbm4b:s4+s10], $0x80, s11, s10, $0xb8;
	[tilespmem:$0x1E900] =	vst v63  }
0x7f: {  	s12 =	sadd.s32 $0xFFFFFFFB, s0;
	s11 =	simm.s32 @!p2 $0x6900;
	_ =	swait.ge @!p2 [sflag:s6], $0x4000  }
0x80: {  	p5 =	sge.u32 s12, s5;
	s15 =	simm.s32 @!p2 $0x80;
	[sflag:s6] =	ssyncset.done @!p2 $0x0  }
0x81: {  	[sflag:s6] =	ssyncadd.s32 @!p2 $0xFFFFC000;
	s6 =	sadd.s32 $0xFFFFFFFC, s0  }
0x82: {  	[spmem:s2] =	stream.indirect.scatter.add.f32 @!p2 [tilespmem:s11], [sflag:$0x7], $0x80, s26, s15, $0xb8;
	[tilespmem:$0x1E900] =	vst v63  }
0x83: {  	s12 =	simm.s32 @!p5 $0x2800;
	s11 =	simm.s32 @!p5 $0x0;
	s15 =	simm.s32 @!p2 $0x7  }
0x84: {  	[tilespmem:s12], [sflag:$0x2] =	stream.linear.gather @!p5 [hbm4b:s13+s11], $0x80, $0x38;
	[tilespmem:$0x1E900] =	vst v63  }
0x85: {  	p4 =	sge.u32 s6, s5;
	_ =	swait.ge @!p2 [sflag:s15], $0x4000  }
0x86: {  	s11 =	simm.s32 @!p5 $0x80;
	[sflag:s15] =	ssyncset.done @!p2 $0x0  }
0x87: {  	[sflag:s15] =	ssyncadd.s32 @!p2 $0xFFFFC000;
	s15 =	simm.s32 @!p5 $0x2  }
0x88: {  	_ =	swait.ge @!p5 [sflag:s15], $0x80  }
0x89: {  	s16 =	simm.s32 @!p3 $0x4;
	[sflag:s15] =	ssyncset.done @!p5 $0x0  }
0x8a: {  	[sflag:s15] =	ssyncadd.s32 @!p5 $0xFFFFFF80;
	s15 =	simm.s32 @!p5 $0x6900  }
0x8b: {  	[tilespmem:s15], [sflag:$0x5] =	stream.indirect.gather @!p5 [hbm4b:s4+s11], $0x80, s12, s11, $0xb8;
	[tilespmem:$0x1E900] =	vst v63  }
0x8c: {  	p2 =	sgt.u32 s6, s5;
	_ =	swait.ge @!p3 [sflag:s16], $0x4000  }
0x8d: {  	s11 =	sadd.s32 @!p3 $0x80, s26;
	s12 =	simm.s32 @!p4 $0x0;
	[sflag:s16] =	ssyncset.done @!p3 $0x0  }
0x8e: {  	s15 =	simm.s32 @!p4 $0x2880;
	p5 =	sgt.u32 s6, s9;
	[sflag:s16] =	ssyncadd.s32 @!p3 $0xFFFFC000  }
0x8f: {  	[spmem:s2] =	stream.indirect.scatter.add.f32 @!p3 [tilespmem:s8], [sflag:$0x6], $0x80, s11, s10, $0xb8;
	[tilespmem:$0x1E900] =	vst v63  }
0x90: {  	s6 =	simm.s32 @!p5 $0x6;
	s8 =	sadd.s32 @!p2 $0x100, s26;
	s10 =	simm.s32 @!p2 $0x80  }
0x91: {  	[tilespmem:s15], [sflag:$0x3] =	stream.linear.gather @!p4 [hbm4b:s31+s12], $0x80, $0x38;
	[tilespmem:$0x1E900] =	vst v63  }
0x92: {  	s11 =	sadd.s32 $0xFFFFFFFD, s0;
	_ =	swait.ge @!p5 [sflag:s6], $0x4000  }
0x93: {  	s16 =	simm.s32 @!p4 $0x2900;
	s12 =	simm.s32 @!p4 $0x3;
	[sflag:s6] =	ssyncset.done @!p5 $0x0  }
0x94: {  	s17 =	simm.s32 @!p2 $0x5;
	[sflag:s6] =	ssyncadd.s32 @!p5 $0xFFFFC000;
	s6 =	simm.s32 @!p4 $0x80  }
0x95: {  	_ =	swait.ge @!p4 [sflag:s12], $0x80  }
0x96: {  	[sflag:s12] =	ssyncset.done @!p4 $0x0  }
0x97: {  	[sflag:s12] =	ssyncadd.s32 @!p4 $0xFFFFFF80  }
0x98: {  	[tilespmem:s16], [sflag:$0x4] =	stream.indirect.gather @!p4 [hbm4b:s4+s6], $0x80, s15, s6, $0xb8;
	[tilespmem:$0x1E900] =	vst v63  }
0x99: {  	p3 =	sgt.u32 s11, s5;
	p4 =	sge.u32 s11, s5;
	_ =	swait.ge @!p2 [sflag:s17], $0x4000  }
0x9a: {  	p5 =	sgt.u32 s11, s9;
	s6 =	simm.s32 @!p2 $0x6900;
	[sflag:s17] =	ssyncset.done @!p2 $0x0  }
0x9b: {  	s12 =	simm.s32 @!p5 $0x7;
	s11 =	simm.s32 @!p4 $0x0;
	[sflag:s17] =	ssyncadd.s32 @!p2 $0xFFFFC000  }
0x9c: {  	[spmem:s2] =	stream.indirect.scatter.add.f32 @!p2 [tilespmem:s6], [sflag:$0x7], $0x80, s8, s10, $0xb8;
	[tilespmem:$0x1E900] =	vst v63  }
0x9d: {  	s6 =	simm.s32 @!p4 $0x2780;
	s8 =	simm.s32 @!p3 $0x2900  }
0x9e: {  	[tilespmem:s6], [sflag:$0x1] =	stream.linear.gather @!p4 [hbm4b:s30+s11], $0x80, $0x38;
	[tilespmem:$0x1E900] =	vst v63  }
0x9f: {  	s10 =	simm.s32 @!p4 $0x1;
	_ =	swait.ge @!p5 [sflag:s12], $0x4000  }
0xa0: {  	s11 =	simm.s32 @!p3 $0x4;
	[sflag:s12] =	ssyncset.done @!p5 $0x0  }
0xa1: {  	s15 =	simm.s32 @!p4 $0x6900;
	[sflag:s12] =	ssyncadd.s32 @!p5 $0xFFFFC000;
	s12 =	simm.s32 @!p4 $0x80  }
0xa2: {  	_ =	swait.ge @!p4 [sflag:s10], $0x80  }
0xa3: {  	s16 =	sadd.s32 $0xFFFFFFFE, s0;
	[sflag:s10] =	ssyncset.done @!p4 $0x0  }
0xa4: {  	p2 =	sge.u32 s16, s5;
	p5 =	sgt.u32 s16, s9;
	[sflag:s10] =	ssyncadd.s32 @!p4 $0xFFFFFF80  }
0xa5: {  	[tilespmem:s15], [sflag:$0x5] =	stream.indirect.gather @!p4 [hbm4b:s4+s12], $0x80, s6, s12, $0xb8;
	[tilespmem:$0x1E900] =	vst v63  }
0xa6: {  	_ =	swait.ge @!p3 [sflag:s11], $0x4000  }
0xa7: {  	s10 =	simm.s32 @!p3 $0x80;
	s6 =	sadd.s32 @!p3 $0x180, s26;
	[sflag:s11] =	ssyncset.done @!p3 $0x0  }
0xa8: {  	s12 =	simm.s32 @!p2 $0x2800;
	[sflag:s11] =	ssyncadd.s32 @!p3 $0xFFFFC000;
	s11 =	simm.s32 @!p2 $0x0  }
0xa9: {  	[spmem:s2] =	stream.indirect.scatter.add.f32 @!p3 [tilespmem:s8], [sflag:$0x6], $0x80, s6, s10, $0xb8;
	[tilespmem:$0x1E900] =	vst v63  }
0xaa: {  	s6 =	simm.s32 @!p5 $0x6  }
0xab: {  	[tilespmem:s12], [sflag:$0x2] =	stream.linear.gather @!p2 [hbm4b:s29+s11], $0x80, $0x38;
	[tilespmem:$0x1E900] =	vst v63  }
0xac: {  	s8 =	simm.s32 @!p2 $0x2;
	_ =	swait.ge @!p5 [sflag:s6], $0x4000  }
0xad: {  	p4 =	sgt.u32 s16, s5;
	s10 =	simm.s32 @!p2 $0x2900;
	[sflag:s6] =	ssyncset.done @!p5 $0x0  }
0xae: {  	s11 =	simm.s32 @!p4 $0x5;
	[sflag:s6] =	ssyncadd.s32 @!p5 $0xFFFFC000;
	s6 =	simm.s32 @!p2 $0x80  }
0xaf: {  	_ =	swait.ge @!p2 [sflag:s8], $0x80  }
0xb0: {  	s31 =	sadd.s32 $0x60, s31;
	[sflag:s8] =	ssyncset.done @!p2 $0x0  }
0xb1: {  	s30 =	sadd.s32 $0x60, s30;
	[sflag:s8] =	ssyncadd.s32 @!p2 $0xFFFFFF80;
	s8 =	simm.s32 @!p4 $0x6900  }
0xb2: {  	[tilespmem:s10], [sflag:$0x4] =	stream.indirect.gather @!p2 [hbm4b:s4+s6], $0x80, s12, s6, $0xb8;
	[tilespmem:$0x1E900] =	vst v63  }
0xb3: {  	s29 =	sadd.s32 $0x60, s29;
	s10 =	sadd.s32 $0xFFFFFFFF, s0;
	_ =	swait.ge @!p4 [sflag:s11], $0x4000  }
0xb4: {  	s6 =	simm.s32 @!p4 $0x80;
	p3 =	sge.u32 s10, s5;
	[sflag:s11] =	ssyncset.done @!p4 $0x0  }
.Ltmp0:
0xb5: {  	[sflag:s11] =	ssyncadd.s32 @!p4 $0xFFFFC000;
	s11 =	sadd.s32 @!p4 $0x200, s26;
	(pc) =	sbr.rel @p1 .LBB2_2-.Ltmp0, $4  }
0xb6: {  	[spmem:s2] =	stream.indirect.scatter.add.f32 @!p4 [tilespmem:s8], [sflag:$0x7], $0x80, s11, s6, $0xb8;
	[tilespmem:$0x1E900] =	vst v63  }
0xb7: {  	p2 =	sgt.u32 s10, s9;
	s6 =	simm.s32 @!p3 $0x0;
	s8 =	simm.s32 @!p3 $0x2880  }
0xb8: {  	[tilespmem:s8], [sflag:$0x3] =	stream.linear.gather @!p3 [hbm4b:s28+s6], $0x80, $0x38;
	[tilespmem:$0x1E900] =	vst v63  }
0xb9: {  	s25 =	sadd.s32 $0x60, s25;
	s11 =	simm.s32 @!p2 $0x7;
	s28 =	sadd.s32 $0x60, s28  }
0xba: {  	_ =	swait.ge @!p2 [sflag:s11], $0x4000  }
0xbb: {  	[sflag:s11] =	ssyncset.done @!p2 $0x0  }
0xbc: {  	s6 =	simm.s32 @!p3 $0x3;
	[sflag:s11] =	ssyncadd.s32 @!p2 $0xFFFFC000  }
0xbd: {  	_ =	swait.ge @!p3 [sflag:s6], $0x80  }
0xbe: {  	p1 =	sgt.u32 s10, s5;
	s10 =	simm.s32 @!p3 $0x80;
	[sflag:s6] =	ssyncset.done @!p3 $0x0  }
0xbf: {  	s11 =	simm.s32 @!p3 $0x6900;
	[sflag:s6] =	ssyncadd.s32 @!p3 $0xFFFFFF80;
	s6 =	simm.s32 @!p1 $0x4  }
0xc0: {  	[tilespmem:s11], [sflag:$0x5] =	stream.indirect.gather @!p3 [hbm4b:s4+s10], $0x80, s8, s10, $0xb8;
	[tilespmem:$0x1E900] =	vst v63  }
0xc1: {  	s7 =	sadd.s32 @!p1 $0x280, s7;
	_ =	swait.ge @!p1 [sflag:s6], $0x4000  }
0xc2: {  	p2 =	seq.s32 s24, $0x6;
	s8 =	simm.s32 @!p1 $0x2900;
	[sflag:s6] =	ssyncset.done @!p1 $0x0  }
0xc3: {  	s10 =	simm.s32 @!p1 $0x80;
	p3 =	sge.u32 s0, s5;
	[sflag:s6] =	ssyncadd.s32 @!p1 $0xFFFFC000  }
0xc4: {  	[spmem:s2] =	stream.indirect.scatter.add.f32 @!p1 [tilespmem:s8], [sflag:$0x6], $0x80, s7, s10, $0xb8;
	[tilespmem:$0x1E900] =	vst v63  }
0xc5: {  	s0 =	simm.s32 @!p2 $0x6;
	s6 =	simm.s32 @!p3 $0x0;
	s7 =	simm.s32 @!p3 $0x2780  }
0xc6: {  	[tilespmem:s7], [sflag:$0x1] =	stream.linear.gather @!p3 [hbm4b:s14+s6], $0x80, $0x38;
	[tilespmem:$0x1E900] =	vst v63  }
0xc7: {  	s16 =	sadd.s32 $0xFFFFFFFA, s24;
	_ =	swait.ge @!p2 [sflag:s0], $0x4000  }
0xc8: {  	p1 =	sge.u32 s16, s5;
	[sflag:s0] =	ssyncset.done @!p2 $0x0  }
0xc9: {  	s6 =	simm.s32 @!p1 $0x1;
	[sflag:s0] =	ssyncadd.s32 @!p2 $0xFFFFC000  }
0xca: {  	_ =	swait.ge @!p1 [sflag:s6], $0x80  }
0xcb: {  	s8 =	simm.s32 @!p1 $0x80;
	s7 =	simm.s32 @!p1 $0x2900;
	[sflag:s6] =	ssyncset.done @!p1 $0x0  }
0xcc: {  	s0 =	simm.s32 @!p1 $0x2780;
	[sflag:s6] =	ssyncadd.s32 @!p1 $0xFFFFFF80;
	s6 =	simm.s32 @!p2 $0x5  }
0xcd: {  	[tilespmem:s7], [sflag:$0x4] =	stream.indirect.gather @!p1 [hbm4b:s4+s8], $0x80, s0, s8, $0xb8;
	[tilespmem:$0x1E900] =	vst v63  }
0xce: {  	s12 =	sadd.s32 $0xFFFFFFFB, s24;
	s11 =	simm.s32 @!p2 $0x6900;
	_ =	swait.ge @!p2 [sflag:s6], $0x4000  }
0xcf: {  	s10 =	sadd.s32 $0x60, s13;
	s13 =	simm.s32 @!p2 $0x80;
	[sflag:s6] =	ssyncset.done @!p2 $0x0  }
0xd0: {  	p3 =	sge.u32 s12, s5;
	s0 =	sadd.s32 $0x300, s26;
	[sflag:s6] =	ssyncadd.s32 @!p2 $0xFFFFC000  }
0xd1: {  	[spmem:s2] =	stream.indirect.scatter.add.f32 @!p2 [tilespmem:s11], [sflag:$0x7], $0x80, s0, s13, $0xb8;
	[tilespmem:$0x1E900] =	vst v63  }
0xd2: {  	s12 =	simm.s32 @!p2 $0x7;
	s6 =	simm.s32 @!p3 $0x0;
	s11 =	simm.s32 @!p3 $0x2800  }
0xd3: {  	[tilespmem:s11], [sflag:$0x2] =	stream.linear.gather @!p3 [hbm4b:s10+s6], $0x80, $0x38;
	[tilespmem:$0x1E900] =	vst v63  }
0xd4: {  	_ =	swait.ge @!p2 [sflag:s12], $0x4000  }
0xd5: {  	[sflag:s12] =	ssyncset.done @!p2 $0x0  }
0xd6: {  	s6 =	simm.s32 @!p3 $0x2;
	[sflag:s12] =	ssyncadd.s32 @!p2 $0xFFFFC000  }
0xd7: {  	_ =	swait.ge @!p3 [sflag:s6], $0x80  }
0xd8: {  	s10 =	simm.s32 @!p3 $0x80;
	[sflag:s6] =	ssyncset.done @!p3 $0x0  }
0xd9: {  	s12 =	simm.s32 @!p1 $0x4;
	[sflag:s6] =	ssyncadd.s32 @!p3 $0xFFFFFF80;
	s6 =	simm.s32 @!p3 $0x6900  }
0xda: {  	[tilespmem:s6], [sflag:$0x5] =	stream.indirect.gather @!p3 [hbm4b:s4+s10], $0x80, s11, s10, $0xb8;
	[tilespmem:$0x1E900] =	vst v63  }
0xdb: {  	s17 =	sadd.s32 $0xFFFFFFFC, s24;
	_ =	swait.ge @!p1 [sflag:s12], $0x4000  }
0xdc: {  	p2 =	sge.u32 s17, s5;
	[sflag:s12] =	ssyncset.done @!p1 $0x0  }
0xdd: {  	s10 =	sadd.s32 @!p1 $0x80, s0;
	p3 =	sgt.u32 s17, s9;
	[sflag:s12] =	ssyncadd.s32 @!p1 $0xFFFFC000  }
0xde: {  	[spmem:s2] =	stream.indirect.scatter.add.f32 @!p1 [tilespmem:s7], [sflag:$0x6], $0x80, s10, s8, $0xb8;
	[tilespmem:$0x1E900] =	vst v63  }
0xdf: {  	s7 =	simm.s32 @!p2 $0x0;
	s8 =	simm.s32 @!p2 $0x2880;
	s10 =	simm.s32 @!p3 $0x6  }
0xe0: {  	[tilespmem:s8], [sflag:$0x3] =	stream.linear.gather @!p2 [hbm4b:s31+s7], $0x80, $0x38;
	[tilespmem:$0x1E900] =	vst v63  }
0xe1: {  	_ =	swait.ge @!p3 [sflag:s10], $0x4000  }
0xe2: {  	[sflag:s10] =	ssyncset.done @!p3 $0x0  }
0xe3: {  	s7 =	simm.s32 @!p2 $0x3;
	[sflag:s10] =	ssyncadd.s32 @!p3 $0xFFFFC000  }
0xe4: {  	s22 =	sadd.s32 $0xFFFFFFFD, s24;
	_ =	swait.ge @!p2 [sflag:s7], $0x80  }
0xe5: {  	s6 =	simm.s32 @!p2 $0x2900;
	p3 =	sgt.u32 s17, s5;
	[sflag:s7] =	ssyncset.done @!p2 $0x0  }
0xe6: {  	s10 =	simm.s32 @!p2 $0x80;
	s11 =	simm.s32 @!p3 $0x5;
	[sflag:s7] =	ssyncadd.s32 @!p2 $0xFFFFFF80  }
0xe7: {  	[tilespmem:s6], [sflag:$0x4] =	stream.indirect.gather @!p2 [hbm4b:s4+s10], $0x80, s8, s10, $0xb8;
	[tilespmem:$0x1E900] =	vst v63  }
0xe8: {  	p1 =	sge.u32 s22, s5;
	_ =	swait.ge @!p3 [sflag:s11], $0x4000  }
0xe9: {  	s6 =	sadd.s32 @!p3 $0x100, s0;
	s8 =	simm.s32 @!p3 $0x80;
	[sflag:s11] =	ssyncset.done @!p3 $0x0  }
0xea: {  	s10 =	simm.s32 @!p3 $0x6900;
	p2 =	sgt.u32 s22, s9;
	[sflag:s11] =	ssyncadd.s32 @!p3 $0xFFFFC000  }
0xeb: {  	[spmem:s2] =	stream.indirect.scatter.add.f32 @!p3 [tilespmem:s10], [sflag:$0x7], $0x80, s6, s8, $0xb8;
	[tilespmem:$0x1E900] =	vst v63  }
0xec: {  	s6 =	simm.s32 @!p1 $0x0;
	s8 =	simm.s32 @!p2 $0x7;
	s10 =	simm.s32 @!p1 $0x2780  }
0xed: {  	[tilespmem:s10], [sflag:$0x1] =	stream.linear.gather @!p1 [hbm4b:s30+s6], $0x80, $0x38;
	[tilespmem:$0x1E900] =	vst v63  }
0xee: {  	_ =	swait.ge @!p2 [sflag:s8], $0x4000  }
0xef: {  	[sflag:s8] =	ssyncset.done @!p2 $0x0  }
0xf0: {  	s6 =	simm.s32 @!p1 $0x1;
	[sflag:s8] =	ssyncadd.s32 @!p2 $0xFFFFC000  }
0xf1: {  	s26 =	sadd.s32 $0xFFFFFFFE, s24;
	_ =	swait.ge @!p1 [sflag:s6], $0x80  }
0xf2: {  	s11 =	simm.s32 @!p1 $0x6900;
	p2 =	sgt.u32 s22, s5;
	[sflag:s6] =	ssyncset.done @!p1 $0x0  }
0xf3: {  	s8 =	simm.s32 @!p1 $0x80;
	s7 =	simm.s32 @!p2 $0x4;
	[sflag:s6] =	ssyncadd.s32 @!p1 $0xFFFFFF80  }
0xf4: {  	[tilespmem:s11], [sflag:$0x5] =	stream.indirect.gather @!p1 [hbm4b:s4+s8], $0x80, s10, s8, $0xb8;
	[tilespmem:$0x1E900] =	vst v63  }
0xf5: {  	p3 =	sgt.u32 s26, s9;
	_ =	swait.ge @!p2 [sflag:s7], $0x4000  }
0xf6: {  	s6 =	simm.s32 @!p2 $0x2900;
	p1 =	sge.u32 s26, s5;
	[sflag:s7] =	ssyncset.done @!p2 $0x0  }
0xf7: {  	s10 =	sadd.s32 @!p2 $0x180, s0;
	s11 =	simm.s32 @!p2 $0x80;
	[sflag:s7] =	ssyncadd.s32 @!p2 $0xFFFFC000  }
0xf8: {  	[spmem:s2] =	stream.indirect.scatter.add.f32 @!p2 [tilespmem:s6], [sflag:$0x6], $0x80, s10, s11, $0xb8;
	[tilespmem:$0x1E900] =	vst v63  }
0xf9: {  	s7 =	simm.s32 @!p1 $0x2800;
	s6 =	simm.s32 @!p1 $0x0;
	s10 =	simm.s32 @!p3 $0x6  }
0xfa: {  	[tilespmem:s7], [sflag:$0x2] =	stream.linear.gather @!p1 [hbm4b:s29+s6], $0x80, $0x38;
	[tilespmem:$0x1E900] =	vst v63  }
0xfb: {  	_ =	swait.ge @!p3 [sflag:s10], $0x4000  }
0xfc: {  	[sflag:s10] =	ssyncset.done @!p3 $0x0  }
0xfd: {  	s6 =	simm.s32 @!p1 $0x2;
	[sflag:s10] =	ssyncadd.s32 @!p3 $0xFFFFC000  }
0xfe: {  	_ =	swait.ge @!p1 [sflag:s6], $0x80  }
0xff: {  	s8 =	simm.s32 @!p1 $0x80;
	p2 =	sgt.u32 s26, s5;
	[sflag:s6] =	ssyncset.done @!p1 $0x0  }
0x100: {  	s11 =	simm.s32 @!p2 $0x5;
	s10 =	simm.s32 @!p1 $0x2900;
	[sflag:s6] =	ssyncadd.s32 @!p1 $0xFFFFFF80  }
0x101: {  	[tilespmem:s10], [sflag:$0x4] =	stream.indirect.gather @!p1 [hbm4b:s4+s8], $0x80, s7, s8, $0xb8;
	[tilespmem:$0x1E900] =	vst v63  }
0x102: {  	s29 =	sadd.s32 $0xFFFFFFFF, s24;
	_ =	swait.ge @!p2 [sflag:s11], $0x4000  }
0x103: {  	s6 =	simm.s32 @!p2 $0x6900;
	s7 =	simm.s32 @!p2 $0x80;
	[sflag:s11] =	ssyncset.done @!p2 $0x0  }
0x104: {  	s10 =	sadd.s32 @!p2 $0x200, s0;
	p1 =	sge.u32 s29, s5;
	[sflag:s11] =	ssyncadd.s32 @!p2 $0xFFFFC000  }
0x105: {  	[spmem:s2] =	stream.indirect.scatter.add.f32 @!p2 [tilespmem:s6], [sflag:$0x7], $0x80, s10, s7, $0xb8;
	[tilespmem:$0x1E900] =	vst v63  }
0x106: {  	s6 =	simm.s32 @!p1 $0x0;
	s7 =	simm.s32 @!p1 $0x2880;
	p2 =	sgt.u32 s29, s9  }
0x107: {  	[tilespmem:s7], [sflag:$0x3] =	stream.linear.gather @!p1 [hbm4b:s28+s6], $0x80, $0x38;
	[tilespmem:$0x1E900] =	vst v63  }
0x108: {  	s6 =	simm.s32 @!p2 $0x7  }
0x109: {  	_ =	swait.ge @!p2 [sflag:s6], $0x4000  }
0x10a: {  	[sflag:s6] =	ssyncset.done @!p2 $0x0  }
0x10b: {  	[sflag:s6] =	ssyncadd.s32 @!p2 $0xFFFFC000;
	s6 =	simm.s32 @!p1 $0x3  }
0x10c: {  	_ =	swait.ge @!p1 [sflag:s6], $0x80  }
0x10d: {  	s8 =	simm.s32 @!p1 $0x80;
	p2 =	sgt.u32 s29, s5;
	[sflag:s6] =	ssyncset.done @!p1 $0x0  }
0x10e: {  	s10 =	simm.s32 @!p1 $0x6900;
	[sflag:s6] =	ssyncadd.s32 @!p1 $0xFFFFFF80;
	s6 =	simm.s32 @!p2 $0x4  }
0x10f: {  	[tilespmem:s10], [sflag:$0x5] =	stream.indirect.gather @!p1 [hbm4b:s4+s8], $0x80, s7, s8, $0xb8;
	[tilespmem:$0x1E900] =	vst v63  }
0x110: {  	_ =	swait.ge @!p2 [sflag:s6], $0x4000  }
0x111: {  	s0 =	sadd.s32 @!p2 $0x280, s0;
	s7 =	simm.s32 @!p2 $0x2900;
	[sflag:s6] =	ssyncset.done @!p2 $0x0  }
0x112: {  	s8 =	simm.s32 @!p2 $0x80;
	p1 =	sge.u32 s24, s5;
	[sflag:s6] =	ssyncadd.s32 @!p2 $0xFFFFC000  }
0x113: {  	[spmem:s2] =	stream.indirect.scatter.add.f32 @!p2 [tilespmem:s7], [sflag:$0x6], $0x80, s0, s8, $0xb8;
	[tilespmem:$0x1E900] =	vst v63  }
0x114: {  	s6 =	simm.s32 @!p1 $0x2780;
	s0 =	simm.s32 @!p1 $0x0  }
0x115: {  	[tilespmem:s6], [sflag:$0x1] =	stream.linear.gather @!p1 [hbm4b:s25+s0], $0x80, $0x38;
	[tilespmem:$0x1E900] =	vst v63  }
0x116: {  	[bflag:$0x0] =	sbarrier.arrive $0xFFFF  }
0x117: {  	s30 =	rddreg [dreg:$0x7]  }
0x118: {  	[hbm:s30], [sflag:s20] =	dma.local [spmem:s21], $0x2800  }
0x119: {  	_ =	swait.ge [sflag:s19], $0x2800  }
0x11a: {  	s23 =	sadd.s32 $0x1, s23;
	s31 =	rddreg [dreg:$0x8]  }
0x11b: {  	p1 =	sne.s32 s23, s31  }
.Ltmp1:
0x11c: {  	_ = 	snop;
	(pc) =	sbr.rel @p1 .LBB2_1-.Ltmp1, $3  }
0x11d: {  	_ =	sdelay $0x1  }
0x11e: {  	[sflag:s19] =	ssyncset.done $0x0  }
0x11f: {  	[sflag:s19] =	ssyncadd.s32 $0xFFFFD800  }
0x120: {  	_ =	sfence.sel $0x180000  }
0x121: {  	[bflag:$0x0] =	sbarrier.arrive $0xFFFF  }
0x122: {  	_ =	strace $0x9000004D  }
0x123: {  	s0 =	stileid.u32;
	[bflag:$0x2] =	sbarrier.arrive $0xFFFF  }
0x124: {  	p0 =	sne.s32 s0, $0x0;
	s0 =	rddreg [dreg:$0x2]  }
0x125: {  	s0 =	sadd.s32 @!p0 $0x100000, s0  }
0x126: {  	[sflag:s0] =	ssyncadd.tile.s32 @!p0 $0x1;
	_ =	shalt  }
.Lfunc_end2:
_tile_overlayer_lowered:
.L_overlay_start_2:
0x127: {  	(tag) =	ssettag $0x2  }
0x128: {  	s0 =	rddreg [dreg:$0x0];
	s2 =	stileid.u32  }
0x129: {  	s1 =	rddreg [dreg:$0x1];
	p0 =	sne.s32 s2, $0x0  }
0x12a: {  	s3 =	rddreg [dreg:$0x2];
	[bflag:$0x3] =	sbarrier.arrive $0xFFFF;
	s2 =	simm.s32 @!p0 $0x1C08  }
0x12b: {  	[timem:s3], [sflag:s2] =	dma.local @!p0 [hbm:s0], s1  }
0x12c: {  	s0 =	simm.s32 @!p0 $0x8  }
0x12d: {  	_ =	swait.ge @!p0 [sflag:s0], s1  }
0x12e: {  	s1 =	ssub.s32 @!p0 $0x0, s1;
	[sflag:s0] =	ssyncset.done @!p0 $0x0  }
0x12f: {  	[sflag:s0] =	ssyncadd.s32 @!p0 s1  }
0x130: {  	[bflag:$0x3] =	sbarrier.arrive $0xFFFF  }
0x131: {  	_ =	shalt  }

// kernel: kernel.20.cloned.1.call-start
scs
__scs_entry_jumppad:
0x0: {  	(pc) =	sbr.rel $0x88, $3  }
0x1: {  	(tag) =	ssettag $0x0;
	lr =	simm.s32 $0x1  }
0x2: {  	[smem:$0x3F98] =	sst lr;
	_ =	strace $0xD0000000  }
0x3: {  	_ = 	snop  }
0x4: {  	_ = 	snop  }
0x5: {  	_ = 	snop  }
0x6: {  	_ = 	snop  }
0x7: {  	_ = 	snop  }
__scs_overlays_trampoline_lowered:
0x8: {  	[smem:$0x3FA7] =	sst s0  }
0x9: {  	[smem:$0x3FA8] =	sst s1  }
0xa: {  	[smem:$0x3FA9] =	sst s2  }
0xb: {  	[smem:$0x3FAA] =	sst s3  }
0xc: {  	[smem:$0x3FAB] =	sst s4  }
0xd: {  	[smem:$0x3FAC] =	sst s5  }
0xe: {  	[smem:$0x3FAD] =	sst s6  }
0xf: {  	[smem:$0x3FAE] =	sst s7  }
0x10: {  	[smem:$0x3FAF] =	sst s8  }
0x11: {  	[smem:$0x3FB0] =	sst s9;
	s0 =	simm.s32 @!p0 $0x0  }
0x12: {  	s1 =	sld [smem:$0x3F96];
	s0 =	simm.s32 @p0 $0x1  }
0x13: {  	[smem:$0x3FB1] =	sst s0;
	s0 =	simm.s32 @!p1 $0x0  }
0x14: {  	s2 =	sld [smem:$0x3F95];
	s0 =	simm.s32 @p1 $0x1  }
0x15: {  	[smem:$0x3FB2] =	sst s0;
	s0 =	simm.s32 @!p2 $0x0  }
0x16: {  	s3 =	sld [smem:$0x3FDB];
	s0 =	simm.s32 @p2 $0x1  }
0x17: {  	s4 =	simm.s32 $0x1BF5;
	[smem:$0x3FB4] =	sst s0  }
0x18: {  	s0 =	sld [smem:$0x3F97];
	_ =	swait.ge [sflag:s4], $0x0  }
0x19: {  	s7 =	sld [smem:$0x3F98]  }
0x1a: {  	s8 =	sadd.s32 $0xFFFFE003, lr  }
0x1b: {  	s9 =	sadd.s32 $0xFFFFFEF7, lr;
	s5 =	simm.s32 $0xFFFFFFFF;
	p2 =	slt.u32 s8, $0xFFFFF086  }
0x1c: {  	p1 =	slt.u32 s9, $0xF7A;
	s5 =	simm.s32 @!p2 $0x0  }
0x1d: {  	s5 =	simm.s32 @p1 $0x1;
	p0 =	seq.s32 s7, s2  }
0x1e: {  	s7 =	smul.u32 @!p0 $0xF7A, s2;
	p2 =	seq.s32 @!p0 s5, $0x0  }
0x1f: {  	s9 =	smul.u32 $0xF7A, s1;
	s8 =	simm.s32 @!p0 $0x1BF5;
	p2 =	por !p2, p0  }
0x20: {  	[sflag:s8] =	ssyncset.s32 @!p0 $0xFFFFF086;
	s6 =	sadd.s32 @!p0 s3, s7;
	s7 =	simm.s32 @!p0 $0x108  }
0x21: {  	s3 =	sadd.s32 s3, s9;
	s6 =	sadd.s32 @!p0 $0x88, s6;
	s7 =	simm.s32 @p2 $0x1082  }
0x22: {  	[simem:s7], [sflag:s8] =	dma.local @!p0 [hbm:s6], $0xF7A  }
0x23: {  	s9 =	sor.u32 $0xD0000000, s2;
	s6 =	simm.s32 $0x108;
	_ =	swait.ge @!p0 [sflag:s8], $0x0  }
0x24: {  	s3 =	sadd.s32 $0x88, s3;
	s6 =	simm.s32 @!p1 $0x1082;
	[sflag:s4] =	ssyncset.s32 $0xFFFFF086  }
0x25: {  	[simem:s6], [sflag:s4] =	dma.local [hbm:s3], $0xF7A  }
0x26: {  	[smem:$0x3F98] =	sst s1;
	(tag) =	ssettag s2;
	_ =	strace s9  }
0x27: {  	s1 =	sld [smem:$0x3FA8]  }
0x28: {  	s2 =	sld [smem:$0x3FA9]  }
0x29: {  	s4 =	sld [smem:$0x3FAB]  }
0x2a: {  	p0 =	seq.s32 s5, $0x0;
	s5 =	sld [smem:$0x3FAC]  }
0x2b: {  	s6 =	sld [smem:$0x3FAD]  }
0x2c: {  	s7 =	sld [smem:$0x3FAE]  }
0x2d: {  	s3 =	simm.s32 $0x108;
	s8 =	sld [smem:$0x3FAF]  }
0x2e: {  	s3 =	simm.s32 @!p0 $0x1082;
	s9 =	sld [smem:$0x3FB0]  }
0x2f: {  	lr =	sadd.s32 s0, s3;
	s0 =	sld [smem:$0x3FA7]  }
0x30: {  	s3 =	sld [smem:$0x3FAA]  }
0x31: {  	[smem:$0x3FB3] =	sst s10  }
0x32: {  	s10 =	sld [smem:$0x3FB1];
	_ =	sdelay $0x3  }
0x33: {  	p0 =	seq.s32 s10, $0x1;
	s10 =	sld [smem:$0x3FB3];
	_ =	sdelay $0x3  }
0x34: {  	[smem:$0x3FB3] =	sst s10  }
0x35: {  	s10 =	sld [smem:$0x3FB2];
	_ =	sdelay $0x3  }
0x36: {  	p1 =	seq.s32 s10, $0x1;
	s10 =	sld [smem:$0x3FB3];
	_ =	sdelay $0x3  }
0x37: {  	[smem:$0x3FB3] =	sst s10  }
0x38: {  	s10 =	sld [smem:$0x3FB4]  }
0x39: {  	_ = 	snop;
	(pc) =	sbr.ind lr, $3  }
0x3a: {  	_ = 	snop  }
0x3b: {  	_ = 	snop  }
0x3c: {  	p2 =	seq.s32 s10, $0x1;
	s10 =	sld [smem:$0x3FB3]  }
0x3d: {  	_ =	shalt  }
0x3e: {  	_ =	shalt  }
0x3f: {  	_ =	shalt  }
0x40: {  	_ =	shalt  }
0x41: {  	_ =	shalt  }
0x42: {  	_ =	shalt  }
0x43: {  	_ =	shalt  }
0x44: {  	_ =	shalt  }
0x45: {  	_ =	shalt  }
0x46: {  	_ =	shalt  }
0x47: {  	_ =	shalt  }
0x48: {  	_ =	shalt  }
0x49: {  	_ =	shalt  }
0x4a: {  	_ =	shalt  }
0x4b: {  	_ =	shalt  }
0x4c: {  	_ =	shalt  }
0x4d: {  	_ =	shalt  }
0x4e: {  	_ =	shalt  }
0x4f: {  	_ =	shalt  }
0x50: {  	_ =	shalt  }
0x51: {  	_ =	shalt  }
0x52: {  	_ =	shalt  }
0x53: {  	_ =	shalt  }
0x54: {  	_ =	shalt  }
0x55: {  	_ =	shalt  }
0x56: {  	_ =	shalt  }
0x57: {  	_ =	shalt  }
0x58: {  	_ =	shalt  }
0x59: {  	_ =	shalt  }
0x5a: {  	_ =	shalt  }
0x5b: {  	_ =	shalt  }
0x5c: {  	_ =	shalt  }
0x5d: {  	_ =	shalt  }
0x5e: {  	_ =	shalt  }
0x5f: {  	_ =	shalt  }
0x60: {  	_ =	shalt  }
0x61: {  	_ =	shalt  }
0x62: {  	_ =	shalt  }
0x63: {  	_ =	shalt  }
0x64: {  	_ =	shalt  }
0x65: {  	_ =	shalt  }
0x66: {  	_ =	shalt  }
0x67: {  	_ =	shalt  }
0x68: {  	_ =	shalt  }
0x69: {  	_ =	shalt  }
0x6a: {  	_ =	shalt  }
0x6b: {  	_ =	shalt  }
0x6c: {  	_ =	shalt  }
0x6d: {  	_ =	shalt  }
0x6e: {  	_ =	shalt  }
0x6f: {  	_ =	shalt  }
0x70: {  	_ =	shalt  }
0x71: {  	_ =	shalt  }
0x72: {  	_ =	shalt  }
0x73: {  	_ =	shalt  }
0x74: {  	_ =	shalt  }
0x75: {  	_ =	shalt  }
0x76: {  	_ =	shalt  }
0x77: {  	_ =	shalt  }
0x78: {  	_ =	shalt  }
0x79: {  	_ =	shalt  }
0x7a: {  	_ =	shalt  }
0x7b: {  	_ =	shalt  }
0x7c: {  	_ =	shalt  }
0x7d: {  	_ =	shalt  }
0x7e: {  	_ =	shalt  }
0x7f: {  	_ =	shalt  }
0x80: {  	_ =	shalt  }
0x81: {  	_ =	shalt  }
0x82: {  	_ =	shalt  }
0x83: {  	_ =	shalt  }
0x84: {  	_ =	shalt  }
0x85: {  	_ =	shalt  }
0x86: {  	_ =	shalt  }
0x87: {  	_ =	shalt  }
.Lfunc_end0:
.L_simem_size_0:
called_computation.3_lowered:
.L_overlay_start_0:
0x88: {  	s2 =	sld [smem:$0x3FD9]  }
0x89: {  	s3 =	sld [smem:$0x3FFE];
	_ =	sdelay $0x1  }
0x8a: {  	s1 =	srdreg.scid  }
0x8b: {  	s0 =	sand.u32 $0x1, s1  }
0x8c: {  	s16 =	sshll.u32 s0, $0xA;
	s2 =	sadd.s32 s3, s2  }
0x8d: {  	s2 =	sadd.s32 s2, s16  }
0x8e: {  	[smem:$0x3FBF] =	sst s2  }
0x8f: {  	_ = 	snop  }
0x90: {  	(tm) =	ssettm $0x1  }
0x91: {  	s17 =	sld [smem:$0x3FFB];
	_ =	sdelay $0x3  }
0x92: {  	_ =	strace s17  }
0x93: {  	s2 =	sld [smem:$0x3FFC];
	_ =	sdelay $0x3  }
0x94: {  	_ =	strace s2  }
0x95: {  	s2 =	sld [smem:$0x3FFD];
	_ =	sdelay $0x3  }
0x96: {  	_ =	strace s2  }
0x97: {  	_ =	strace $0x8FFFFFFF  }
0x98: {  	s18 =	sld [smem:$0x3FDB];
	_ =	sdelay $0x1  }
0x99: {  	s19 =	simm.s32 $_scs_section_size  }
0x9a: {  	s4 =	simm.s32 $_size__tile_overlayer_lowered;
	s5 =	simm.s32 $_tile_overlayer_lowered  }
0x9b: {  	s22 =	simm.s32 $0x1BFF;
	s21 =	sshll.u32 s5, $0x1;
	s2 =	sadd.s32 s19, s18  }
0x9c: {  	s6 =	simm.s32 $0x0;
	s20 =	sshll.u32 s4, $0x1;
	s4 =	sadd.s32 s21, s2  }
0x9d: {  	[timem:s6], [sflag:s22] =	dma.local [hbm:s4], s20  }
0x9e: {  	_ =	swait.ge [sflag:s22], s20  }
0x9f: {  	s3 =	ssub.s32 $0x0, s20;
	[sflag:s22] =	ssyncset.done $0x0  }
0xa0: {  	[sflag:s22] =	ssyncadd.s32 s3;
	_ =	sdelay $0x1  }
0xa1: {  	s23 =	simm.s32 $0x1B8B  }
0xa2: {  	_ =	swait.ge [sflag:s23], $0x1  }
0xa3: {  	[sflag:s23] =	ssyncset.done $0x0  }
0xa4: {  	s25 =	simm.s32 $0x1B8E;
	s24 =	sld [smem:$0x3FFE];
	[sflag:s23] =	ssyncadd.s32 $0xFFFFFFFF  }
0xa5: {  	s26 =	simm.s32 $execute0_lowered;
	[smem:$0x3FD2] =	sst s25  }
0xa6: {  	s4 =	sshll.u32 s26, $0x1;
	_ =	strace $0x8000004F;
	[dreg:$0x1] =	wrdreg $0xFFFFFFFF  }
0xa7: {  	s28 =	simm.s32 $_size_execute0_lowered;
	s2 =	sadd.s32 s2, s4;
	[dreg:$0x0] =	wrdreg $0x0  }
0xa8: {  	s4 =	sshll.u32 s28, $0x1;
	[dreg:$0x2] =	wrdreg s2  }
0xa9: {  	[dreg:$0x3] =	wrdreg s4  }
0xaa: {  	[dreg:$0x4] =	wrdreg $0xC0  }
0xab: {  	_ =	task [dreg:s6], $0x5FFFF  }
0xac: {  	[dreg:$0x1] =	wrdreg $0xFFFFFFFF  }
0xad: {  	[dreg:$0x0] =	wrdreg $0x60  }
0xae: {  	[dreg:$0x2] =	wrdreg s24  }
0xaf: {  	[dreg:$0x3] =	wrdreg $0x7F000  }
0xb0: {  	[dreg:$0x4] =	wrdreg $0x9  }
0xb1: {  	_ =	task.clear_ibuf [dreg:s6], $0x5FFFF;
	_ =	strace $0x9000004F  }
0xb2: {  	s29 =	simm.s32 $0x9;
	_ =	strace $0x80000051  }
0xb3: {  	_ =	swait.ge [sflag:s29], $0x1  }
0xb4: {  	[sflag:s29] =	ssyncadd.s32 $0xFFFFFFFF  }
0xb5: {  	_ =	strace $0x90000051  }
0xb6: {  	_ =	sfence  }
0xb7: {  	s30 =	sld [smem:$0x0];
	_ =	sdelay $0x2  }
0xb8: {  	s31 =	sshll.u32 s1, $0xD;
	s1 =	sshrl.u32 s1, $0x2  }
0xb9: {  	s3 =	sand.u32 $0x4000, s31;
	s1 =	sadd.s32 s1, s30  }
0xba: {  	s0 =	sor.u32 s3, s0;
	s1 =	sshll.u32 s1, $0x11  }
0xbb: {  	s0 =	sor.u32 s1, s0  }
0xbc: {  	s0 =	sadd.s32 $0x8F2B, s0  }
0xbd: {  	[sflag:s0] =	ssyncadd.remote.s32 $0x1  }
0xbe: {  	_ =	sfence.sel $0xFFFF  }
0xbf: {  	[dreg:$0x0] =	wrdreg $0xFFFFFFFF;
	(pc) =	sbr.abs _section_cstart, $3  }
0xc0: {  	[dreg:$0x1] =	wrdreg $0xFFFFFFFF  }
0xc1: {  	_ =	task.clear_ibuf [dreg:s6], $0x2FFFF;
	_ =	strace $0x9FFFFFFF  }
0xc2: {  	(tm) =	ssettm $0x7FFFFFFF  }
0xc3: {  	_ =	shalt  }
tec
execute0_lowered:
.L_overlay_start_1:
0x0: {  	(tag) =	ssettag $0x1  }
0x1: {  	s0 =	srdreg.scid;
	s6 =	rddreg [dreg:$0x0]  }
0x2: {  	s28 =	stileid.u32;
	s2 =	rddreg [dreg:$0x1]  }
0x3: {  	s3 =	simm.s32 $0x0;
	s18 =	simm.s32 $0x0;
	s11 =	smul.u32 $0x2800, s28  }
0x4: {  	s5 =	sand.u32 $0x1, s0;
	s29 =	smul.u32 $0x500, s28;
	[smem:$0x7FF] =	sst s3  }
0x5: {  	s16 =	sshll.u32 s28, $0x6;
	s1 =	sshll.u32 s5, $0x4;
	s9 =	smul.u32 $0x5000, s5  }
0x6: {  	_ =	strace $0x80000050;
	s5 =	ssub.s32 $0x2, s5;
	s14 =	sor.u32 s28, s1  }
0x7: {  	s16 =	sor.u32 $0x1C0D, s16;
	s30 =	sshrl.u32 s11, $0x3;
	s4 =	smul.u32 $0x4E, s14  }
0x8: {  	s31 =	sshrl.u32 s5, $0x1;
	s17 =	sadd.s32 s11, s2;
	s7 =	smin.u32 s14, $0x4  }
0x9: {  	s12 =	sadd.s32 s30, s6;
	s15 =	ssub.s32 s5, s31;
	s4 =	sadd.s32 s7, s4  }
0xa: {  	p0 =	slt.u32 s14, $0x4;
	s5 =	simm.s32 $0x4F;
	s8 =	sshll.u32 s4, $0x4  }
0xb: {  	s7 =	sadd.s32 s29, s9;
	s4 =	sadd.s32 $0x1B800, s6;
	s10 =	sadd.s32 s8, s6  }
0xc: {  	s13 =	sadd.s32 s7, s6;
	s6 =	sadd.s32 $0xCA40, s10;
	s7 =	sadd.s32 $0x2E00, s10  }
0xd: {  	s8 =	sadd.s32 $0xCF20, s10;
	s9 =	sadd.s32 $0x32E0, s10;
	s10 =	simm.s32 $0x54  }
0xe: {  	s5 =	simm.s32 @!p0 $0x4E;
	s10 =	simm.s32 @!p0 $0x53;
	p0 =	sgt.u32 s14, $0x3  }
0xf: {  	s17 =	sshrl.u32 s17, $0x3;
	s11 =	sadd.s32 $0x16800, s12;
	s1 =	simm.s32 @!p0 $0x0  }
0x10: {  	s12 =	sadd.s32 $0x20800, s13;
	s13 =	smax.u32 s15, $0x1;
	s1 =	simm.s32 @p0 $0x1  }
0x11: {  	s15 =	simm.s32 $0x2780;
	s14 =	simm.s32 $0xD;
	[smem:$0x7FD] =	sst s1  }
.LBB2_1:
0x12: {  	[tilespmem:s3], [sflag:$0xD] =	stream.linear.gather [hbm4b:s6+s3], $0x2700, $0x38;
	[tilespmem:$0xA700] =	vst v63  }
0x13: {  	_ =	swait.ge [sflag:s14], $0x2700  }
0x14: {  	[sflag:s14] =	ssyncset.done $0x0  }
0x15: {  	[sflag:s14] =	ssyncadd.s32 $0xFFFFD900  }
0x16: {  	[tilespmem:s15], [sflag:$0xD] =	stream.linear.gather [hbm4b:s7+s3], $0x2700, $0x38;
	[tilespmem:$0xA700] =	vst v63  }
0x17: {  	_ =	swait.ge [sflag:s14], $0x2700  }
0x18: {  	s0 =	sld [smem:$0x7FD];
	_ =	sdelay $0x2  }
0x19: {  	[sflag:s14] =	ssyncset.done $0x0;
	p0 =	seq.s32 s0, $0x1  }
0x1a: {  	[sflag:s14] =	ssyncadd.s32 $0xFFFFD900;
	s19 =	simm.s32 @!p0 $0x0;
	s20 =	simm.s32 @!p0 $0x2700  }
0x1b: {  	[tilespmem:s20], [sflag:$0xD] =	stream.linear.gather @!p0 [hbm4b:s8+s19], $0x80, $0x38;
	[tilespmem:$0xA700] =	vst v63  }
0x1c: {  	s20 =	simm.s32 @!p0 $0xD  }
0x1d: {  	_ =	swait.ge @!p0 [sflag:s20], $0x80  }
0x1e: {  	[sflag:s20] =	ssyncset.done @!p0 $0x0  }
0x1f: {  	s21 =	simm.s32 @!p0 $0x4E80;
	[sflag:s20] =	ssyncadd.s32 @!p0 $0xFFFFFF80  }
0x20: {  	[tilespmem:s21], [sflag:$0xD] =	stream.linear.gather @!p0 [hbm4b:s9+s19], $0x80, $0x38;
	[tilespmem:$0xA700] =	vst v63  }
0x21: {  	_ =	swait.ge @!p0 [sflag:s20], $0x80  }
0x22: {  	[sflag:s20] =	ssyncset.done @!p0 $0x0  }
0x23: {  	[sflag:s20] =	ssyncadd.s32 @!p0 $0xFFFFFF80  }
0x24: {  	[spmem:s17], [sflag:s16] =	dma.local [hbm:s11], $0x500  }
0x25: {  	p1 =	por $0x1, $0x1;
	_ =	swait.ge [sflag:s14], $0x500  }
0x26: {  	p0 =	slt.u32 @!p1 s10, $0x0;
	[sflag:s14] =	ssyncset.done $0x0  }
0x27: {  	p2 =	por p0, p1;
	[sflag:s14] =	ssyncadd.s32 $0xFFFFFB00  }
0x28: {  	s19 =	simm.s32 @!p2 $0x7;
	[bflag:$0x0] =	sbarrier.arrive $0xFFFF  }
0x29: {  	_ =	swait.ge @!p2 [sflag:s19], $0x800  }
0x2a: {  	p3 =	slt.u32 @!p1 s5, $0x0;
	p0 =	sle.u32 s5, $0x0;
	[sflag:s19] =	ssyncset.done @!p2 $0x0  }
0x2b: {  	s20 =	simm.s32 @!p0 $0x80;
	[sflag:s19] =	ssyncadd.s32 @!p2 $0xFFFFF800;
	p2 =	por p3, p1  }
0x2c: {  	s21 =	simm.s32 @!p0 $0x4F00;
	s19 =	simm.s32 @!p0 $0x2780;
	s22 =	simm.s32 @!p2 $0x6  }
0x2d: {  	[tilespmem:s21], [sflag:$0x1] =	stream.indirect.gather @!p0 [hbm4b:s4+s20], $0x10, s19, s20, $0xb8;
	[tilespmem:$0xA700] =	vst v63  }
0x2e: {  	p3 =	sle.u32 @!p1 s10, $0x0;
	_ =	swait.ge @!p2 [sflag:s22], $0x800  }
0x2f: {  	s19 =	simm.s32 @!p2 $0xFFFFFF80;
	s23 =	simm.s32 @!p2 $0x80;
	[sflag:s22] =	ssyncset.done @!p2 $0x0  }
0x30: {  	s24 =	simm.s32 @!p2 $0x7700;
	p3 =	por p3, p1;
	[sflag:s22] =	ssyncadd.s32 @!p2 $0xFFFFF800  }
0x31: {  	[spmem:s2] =	stream.indirect.scatter.add.f32 @!p2 [tilespmem:s24], [sflag:$0xC], $0x10, s19, s23, $0xb8;
	[tilespmem:$0xA700] =	vst v63  }
0x32: {  	s19 =	simm.s32 @!p3 $0x8  }
0x33: {  	p2 =	sle.u32 s5, $0x1;
	_ =	swait.ge @!p3 [sflag:s19], $0x800  }
0x34: {  	s24 =	simm.s32 @!p0 $0x1;
	s22 =	simm.s32 @!p2 $0x2800;
	[sflag:s19] =	ssyncset.done @!p3 $0x0  }
0x35: {  	s23 =	simm.s32 @!p2 $0x80;
	[sflag:s19] =	ssyncadd.s32 @!p3 $0xFFFFF800;
	s19 =	simm.s32 @!p2 $0x5700  }
0x36: {  	[tilespmem:s19], [sflag:$0x2] =	stream.indirect.gather @!p2 [hbm4b:s4+s23], $0x10, s22, s23, $0xb8;
	[tilespmem:$0xA700] =	vst v63  }
0x37: {  	p2 =	slt.u32 @!p1 s10, $0x2;
	_ =	swait.ge @!p0 [sflag:s24], $0x800  }
0x38: {  	p2 =	por p2, p1;
	[sflag:s24] =	ssyncset.done @!p0 $0x0  }
0x39: {  	s19 =	simm.s32 @!p0 $0x0;
	s22 =	simm.s32 @!p2 $0x9;
	[sflag:s24] =	ssyncadd.s32 @!p0 $0xFFFFF800  }
0x3a: {  	[spmem:s2] =	stream.indirect.scatter.add.f32 @!p0 [tilespmem:s21], [sflag:$0x7], $0x10, s19, s20, $0xb8;
	[tilespmem:$0xA700] =	vst v63  }
0x3b: {  	p3 =	sle.u32 s5, $0x2;
	p0 =	slt.u32 s5, $0x2;
	_ =	swait.ge @!p2 [sflag:s22], $0x800  }
0x3c: {  	s19 =	simm.s32 @!p3 $0x5F00;
	s20 =	simm.s32 @!p3 $0x2880;
	[sflag:s22] =	ssyncset.done @!p2 $0x0  }
0x3d: {  	s21 =	simm.s32 @!p3 $0x80;
	[sflag:s22] =	ssyncadd.s32 @!p2 $0xFFFFF800;
	s22 =	simm.s32 @!p0 $0x2  }
0x3e: {  	[tilespmem:s19], [sflag:$0x3] =	stream.indirect.gather @!p3 [hbm4b:s4+s21], $0x10, s20, s21, $0xb8;
	[tilespmem:$0xA700] =	vst v63  }
0x3f: {  	p2 =	slt.u32 @!p1 s10, $0x3;
	s19 =	simm.s32 @!p0 $0x80;
	_ =	swait.ge @!p0 [sflag:s22], $0x800  }
0x40: {  	s20 =	simm.s32 @!p0 $0x5700;
	p2 =	por p2, p1;
	[sflag:s22] =	ssyncset.done @!p0 $0x0  }
0x41: {  	s21 =	simm.s32 @!p0 $0x80;
	[sflag:s22] =	ssyncadd.s32 @!p0 $0xFFFFF800;
	s22 =	simm.s32 @!p2 $0xA  }
0x42: {  	[spmem:s2] =	stream.indirect.scatter.add.f32 @!p0 [tilespmem:s20], [sflag:$0x8], $0x10, s19, s21, $0xb8;
	[tilespmem:$0xA700] =	vst v63  }
0x43: {  	p3 =	sle.u32 s5, $0x3;
	p0 =	slt.u32 s5, $0x3;
	_ =	swait.ge @!p2 [sflag:s22], $0x800  }
0x44: {  	s19 =	simm.s32 @!p3 $0x6700;
	s20 =	simm.s32 @!p3 $0x2900;
	[sflag:s22] =	ssyncset.done @!p2 $0x0  }
0x45: {  	s21 =	simm.s32 @!p3 $0x80;
	[sflag:s22] =	ssyncadd.s32 @!p2 $0xFFFFF800;
	s22 =	simm.s32 @!p0 $0x3  }
0x46: {  	[tilespmem:s19], [sflag:$0x4] =	stream.indirect.gather @!p3 [hbm4b:s4+s21], $0x10, s20, s21, $0xb8;
	[tilespmem:$0xA700] =	vst v63  }
0x47: {  	p2 =	slt.u32 @!p1 s10, $0x4;
	s19 =	simm.s32 @!p0 $0x100;
	_ =	swait.ge @!p0 [sflag:s22], $0x800  }
0x48: {  	p2 =	por p2, p1;
	s20 =	simm.s32 @!p0 $0x80;
	[sflag:s22] =	ssyncset.done @!p0 $0x0  }
0x49: {  	s21 =	simm.s32 @!p0 $0x5F00;
	[sflag:s22] =	ssyncadd.s32 @!p0 $0xFFFFF800;
	s22 =	simm.s32 @!p2 $0xB  }
0x4a: {  	[spmem:s2] =	stream.indirect.scatter.add.f32 @!p0 [tilespmem:s21], [sflag:$0x9], $0x10, s19, s20, $0xb8;
	[tilespmem:$0xA700] =	vst v63  }
0x4b: {  	_ =	swait.ge @!p2 [sflag:s22], $0x800  }
0x4c: {  	p0 =	sle.u32 s5, $0x4;
	[sflag:s22] =	ssyncset.done @!p2 $0x0  }
0x4d: {  	s19 =	simm.s32 @!p0 $0x6F00;
	[sflag:s22] =	ssyncadd.s32 @!p2 $0xFFFFF800;
	p2 =	slt.u32 s5, $0x4  }
0x4e: {  	s20 =	simm.s32 @!p0 $0x2980;
	s21 =	simm.s32 @!p0 $0x80;
	s22 =	simm.s32 @!p2 $0x4  }
0x4f: {  	[tilespmem:s19], [sflag:$0x5] =	stream.indirect.gather @!p0 [hbm4b:s4+s21], $0x10, s20, s21, $0xb8;
	[tilespmem:$0xA700] =	vst v63  }
0x50: {  	p0 =	slt.u32 @!p1 s10, $0x5;
	_ =	swait.ge @!p2 [sflag:s22], $0x800  }
0x51: {  	s19 =	simm.s32 @!p2 $0x180;
	s20 =	simm.s32 @!p2 $0x80;
	[sflag:s22] =	ssyncset.done @!p2 $0x0  }
0x52: {  	s21 =	simm.s32 @!p2 $0x6700;
	p0 =	por p0, p1;
	[sflag:s22] =	ssyncadd.s32 @!p2 $0xFFFFF800  }
0x53: {  	[spmem:s2] =	stream.indirect.scatter.add.f32 @!p2 [tilespmem:s21], [sflag:$0xA], $0x10, s19, s20, $0xb8;
	[tilespmem:$0xA700] =	vst v63  }
0x54: {  	s19 =	simm.s32 @!p0 $0xC  }
0x55: {  	_ =	swait.ge @!p0 [sflag:s19], $0x800  }
0x56: {  	[sflag:s19] =	ssyncset.done @!p0 $0x0  }
0x57: {  	p1 =	slt.u32 s5, $0x5;
	[sflag:s19] =	ssyncadd.s32 @!p0 $0xFFFFF800;
	p0 =	sle.u32 s5, $0x5  }
0x58: {  	s19 =	simm.s32 @!p0 $0x2A00;
	s20 =	simm.s32 @!p0 $0x80;
	s21 =	simm.s32 @!p0 $0x7700  }
0x59: {  	[tilespmem:s21], [sflag:$0x6] =	stream.indirect.gather @!p0 [hbm4b:s4+s20], $0x10, s19, s20, $0xb8;
	[tilespmem:$0xA700] =	vst v63  }
0x5a: {  	s24 =	simm.s32 @!p1 $0x5;
	s25 =	simm.s32 @!p1 $0x80;
	s19 =	simm.s32 $0xC00  }
0x5b: {  	s20 =	simm.s32 $0x6;
	s21 =	simm.s32 @!p1 $0x0;
	_ =	swait.ge @!p1 [sflag:s24], $0x800  }
.LBB2_2:
0x5c: {  	[sflag:s24] =	ssyncset.done @!p1 $0x0  }
0x5d: {  	s26 =	sadd.s32 @!p1 $0x200, s21;
	s28 =	simm.s32 @!p1 $0x6F00;
	[sflag:s24] =	ssyncadd.s32 @!p1 $0xFFFFF800  }
0x5e: {  	[spmem:s2] =	stream.indirect.scatter.add.f32 @!p1 [tilespmem:s28], [sflag:$0xB], $0x10, s26, s25, $0xb8;
	[tilespmem:$0xA700] =	vst v63  }
0x5f: {  	s21 =	smov.u32 s19;
	s24 =	sadd.s32 $0x3, s20;
	p1 =	seq.s32 s19, $0x0  }
0x60: {  	s23 =	sadd.s32 $0x4, s20;
	s22 =	sadd.s32 $0x5, s20;
	p3 =	sgt.u32 @!p1 s24, s10  }
0x61: {  	s19 =	sadd.s32 $0xC00, s19;
	p2 =	sgt.u32 @!p1 s20, s10;
	s0 =	simm.s32 @!p3 $0x0  }
0x62: {  	p5 =	sgt.u32 @!p1 s20, s5;
	s0 =	simm.s32 @p3 $0x1;
	p3 =	sgt.u32 @!p1 s23, s10  }
0x63: {  	p0 =	sge.u32 @!p1 s20, s10;
	[smem:$0x7F8] =	sst s0;
	s0 =	simm.s32 @!p3 $0x0  }
0x64: {  	p4 =	por p2, p1;
	s0 =	simm.s32 @p3 $0x1;
	p3 =	sgt.u32 @!p1 s22, s10  }
0x65: {  	p5 =	por p5, p1;
	[smem:$0x7F9] =	sst s0;
	s0 =	simm.s32 @!p3 $0x0  }
0x66: {  	p0 =	por p0, p1;
	s26 =	simm.s32 @!p4 $0x7;
	s0 =	simm.s32 @p3 $0x1  }
0x67: {  	s31 =	simm.s32 @!p5 $0x6;
	p3 =	sge.u32 s20, s5;
	[smem:$0x7FA] =	sst s0  }
0x68: {  	s1 =	sshra.s32 @!p5 s21, $0x2;
	s28 =	sshra.s32 @!p3 s21, $0x2;
	_ =	swait.ge @!p4 [sflag:s26], $0x800  }
0x69: {  	s29 =	simm.s32 @!p3 $0x80;
	s30 =	simm.s32 @!p3 $0x4F00;
	[sflag:s26] =	ssyncset.done @!p4 $0x0  }
0x6a: {  	[sflag:s26] =	ssyncadd.s32 @!p4 $0xFFFFF800;
	s26 =	sadd.s32 @!p3 $0x2780, s28;
	p4 =	sne.s32 s19, $0xB400  }
0x6b: {  	[tilespmem:s30], [sflag:$0x1] =	stream.indirect.gather @!p3 [hbm4b:s4+s29], $0x10, s26, s29, $0xb8;
	[tilespmem:$0xA700] =	vst v63  }
0x6c: {  	s1 =	sadd.s32 @!p5 $0xFFFFFF80, s1;
	s0 =	simm.s32 @!p4 $0x0;
	_ =	swait.ge @!p5 [sflag:s31], $0x800  }
0x6d: {  	s26 =	simm.s32 @!p5 $0x80;
	s0 =	simm.s32 @p4 $0x1;
	[sflag:s31] =	ssyncset.done @!p5 $0x0  }
0x6e: {  	[smem:$0x7FC] =	sst s0;
	s0 =	simm.s32 @!p5 $0x7700;
	[sflag:s31] =	ssyncadd.s32 @!p5 $0xFFFFF800  }
0x6f: {  	[spmem:s2] =	stream.indirect.scatter.add.f32 @!p5 [tilespmem:s0], [sflag:$0xC], $0x10, s1, s26, $0xb8;
	[tilespmem:$0xA700] =	vst v63  }
0x70: {  	s0 =	simm.s32 @!p0 $0x8  }
0x71: {  	_ =	swait.ge @!p0 [sflag:s0], $0x800  }
0x72: {  	[sflag:s0] =	ssyncset.done @!p0 $0x0  }
0x73: {  	s31 =	sadd.s32 $0x1, s20;
	[sflag:s0] =	ssyncadd.s32 @!p0 $0xFFFFF800;
	p0 =	sgt.u32 s22, s5  }
0x74: {  	p4 =	sge.u32 s31, s5;
	[smem:$0x7F7] =	sst s3;
	s3 =	simm.s32 @!p0 $0x0  }
0x75: {  	s25 =	sadd.s32 $0x2, s20;
	s1 =	sshra.s32 @!p4 s21, $0x2;
	s3 =	simm.s32 @p0 $0x1  }
0x76: {  	s26 =	simm.s32 @!p4 $0x5700;
	s31 =	simm.s32 @!p4 $0x80;
	[smem:$0x7FB] =	sst s3  }
0x77: {  	s1 =	sadd.s32 @!p4 $0x2800, s1;
	s0 =	simm.s32 @!p3 $0x1;
	s3 =	sld [smem:$0x7F7]  }
0x78: {  	[tilespmem:s26], [sflag:$0x2] =	stream.indirect.gather @!p4 [hbm4b:s4+s31], $0x10, s1, s31, $0xb8;
	[tilespmem:$0xA700] =	vst v63  }
0x79: {  	p2 =	sgt.u32 @!p1 s25, s10;
	_ =	swait.ge @!p3 [sflag:s0], $0x800  }
0x7a: {  	p5 =	por p2, p1;
	[sflag:s0] =	ssyncset.done @!p3 $0x0  }
0x7b: {  	p4 =	sge.u32 s25, s5;
	[sflag:s0] =	ssyncadd.s32 @!p3 $0xFFFFF800;
	s0 =	simm.s32 @!p5 $0x9  }
0x7c: {  	[spmem:s2] =	stream.indirect.scatter.add.f32 @!p3 [tilespmem:s30], [sflag:$0x7], $0x10, s28, s29, $0xb8;
	[tilespmem:$0xA700] =	vst v63  }
0x7d: {  	p2 =	sgt.u32 s25, s5;
	s1 =	sshra.s32 @!p4 s21, $0x2;
	_ =	swait.ge @!p5 [sflag:s0], $0x800  }
0x7e: {  	s25 =	simm.s32 @!p4 $0x5F00;
	s26 =	simm.s32 @!p4 $0x80;
	[sflag:s0] =	ssyncset.done @!p5 $0x0  }
0x7f: {  	s1 =	sadd.s32 @!p4 $0x2880, s1;
	[sflag:s0] =	ssyncadd.s32 @!p5 $0xFFFFF800;
	s0 =	simm.s32 @!p2 $0x2  }
0x80: {  	[tilespmem:s25], [sflag:$0x3] =	stream.indirect.gather @!p4 [hbm4b:s4+s26], $0x10, s1, s26, $0xb8;
	[tilespmem:$0xA700] =	vst v63  }
0x81: {  	s28 =	sshra.s32 @!p2 s21, $0x2;
	_ =	swait.ge @!p2 [sflag:s0], $0x800  }
0x82: {  	s1 =	sadd.s32 @!p2 $0x80, s28;
	[sflag:s0] =	ssyncset.done @!p2 $0x0;
	s31 =	sld [smem:$0x7F8]  }
0x83: {  	s25 =	simm.s32 @!p2 $0x5700;
	s26 =	simm.s32 @!p2 $0x80;
	[sflag:s0] =	ssyncadd.s32 @!p2 $0xFFFFF800  }
0x84: {  	[spmem:s2] =	stream.indirect.scatter.add.f32 @!p2 [tilespmem:s25], [sflag:$0x8], $0x10, s1, s26, $0xb8;
	[tilespmem:$0xA700] =	vst v63  }
0x85: {  	p5 =	seq.s32 s31, $0x1  }
0x86: {  	p4 =	por p5, p1  }
0x87: {  	p3 =	sge.u32 s24, s5;
	s0 =	simm.s32 @!p4 $0xA  }
0x88: {  	p0 =	sgt.u32 s24, s5;
	s24 =	simm.s32 @!p3 $0x6700;
	_ =	swait.ge @!p4 [sflag:s0], $0x800  }
0x89: {  	s1 =	sshra.s32 @!p3 s21, $0x2;
	s25 =	simm.s32 @!p3 $0x80;
	[sflag:s0] =	ssyncset.done @!p4 $0x0  }
0x8a: {  	s1 =	sadd.s32 @!p3 $0x2900, s1;
	[sflag:s0] =	ssyncadd.s32 @!p4 $0xFFFFF800;
	s0 =	simm.s32 @!p0 $0x3  }
0x8b: {  	[tilespmem:s24], [sflag:$0x4] =	stream.indirect.gather @!p3 [hbm4b:s4+s25], $0x10, s1, s25, $0xb8;
	[tilespmem:$0xA700] =	vst v63  }
0x8c: {  	s26 =	sshra.s32 @!p0 s21, $0x2;
	_ =	swait.ge @!p0 [sflag:s0], $0x800  }
0x8d: {  	s1 =	sadd.s32 @!p0 $0x100, s26;
	s28 =	sld [smem:$0x7F9];
	[sflag:s0] =	ssyncset.done @!p0 $0x0  }
0x8e: {  	s24 =	simm.s32 @!p0 $0x80;
	s25 =	simm.s32 @!p0 $0x5F00;
	[sflag:s0] =	ssyncadd.s32 @!p0 $0xFFFFF800  }
0x8f: {  	[spmem:s2] =	stream.indirect.scatter.add.f32 @!p0 [tilespmem:s25], [sflag:$0x9], $0x10, s1, s24, $0xb8;
	[tilespmem:$0xA700] =	vst v63  }
0x90: {  	p4 =	seq.s32 s28, $0x1  }
0x91: {  	p2 =	por p4, p1  }
0x92: {  	p3 =	sge.u32 s23, s5;
	s0 =	simm.s32 @!p2 $0xB  }
0x93: {  	p6 =	sgt.u32 s23, s5;
	s23 =	simm.s32 @!p3 $0x6F00;
	_ =	swait.ge @!p2 [sflag:s0], $0x800  }
0x94: {  	s1 =	sshra.s32 @!p3 s21, $0x2;
	s24 =	simm.s32 @!p3 $0x80;
	[sflag:s0] =	ssyncset.done @!p2 $0x0  }
0x95: {  	s1 =	sadd.s32 @!p3 $0x2980, s1;
	[sflag:s0] =	ssyncadd.s32 @!p2 $0xFFFFF800;
	s0 =	simm.s32 @!p6 $0x4  }
0x96: {  	[tilespmem:s23], [sflag:$0x5] =	stream.indirect.gather @!p3 [hbm4b:s4+s24], $0x10, s1, s24, $0xb8;
	[tilespmem:$0xA700] =	vst v63  }
0x97: {  	s25 =	sshra.s32 @!p6 s21, $0x2;
	_ =	swait.ge @!p6 [sflag:s0], $0x800  }
0x98: {  	s1 =	sadd.s32 @!p6 $0x180, s25;
	[sflag:s0] =	ssyncset.done @!p6 $0x0;
	s29 =	sld [smem:$0x7FA]  }
0x99: {  	s23 =	simm.s32 @!p6 $0x80;
	s24 =	simm.s32 @!p6 $0x6700;
	[sflag:s0] =	ssyncadd.s32 @!p6 $0xFFFFF800  }
0x9a: {  	[spmem:s2] =	stream.indirect.scatter.add.f32 @!p6 [tilespmem:s24], [sflag:$0xA], $0x10, s1, s23, $0xb8;
	[tilespmem:$0xA700] =	vst v63  }
0x9b: {  	p5 =	seq.s32 s29, $0x1  }
0x9c: {  	p1 =	por p5, p1  }
0x9d: {  	p0 =	sge.u32 s22, s5;
	s0 =	simm.s32 @!p1 $0xC  }
0x9e: {  	s22 =	simm.s32 @!p0 $0x80;
	_ =	swait.ge @!p1 [sflag:s0], $0x800  }
0x9f: {  	s1 =	sshra.s32 @!p0 s21, $0x2;
	[sflag:s0] =	ssyncset.done @!p1 $0x0;
	s30 =	sld [smem:$0x7FB]  }
0xa0: {  	s1 =	sadd.s32 @!p0 $0x2A00, s1;
	[sflag:s0] =	ssyncadd.s32 @!p1 $0xFFFFF800;
	s0 =	simm.s32 @!p0 $0x7700  }
0xa1: {  	[tilespmem:s0], [sflag:$0x6] =	stream.indirect.gather @!p0 [hbm4b:s4+s22], $0x10, s1, s22, $0xb8;
	[tilespmem:$0xA700] =	vst v63  }
0xa2: {  	p1 =	seq.s32 s30, $0x1  }
0xa3: {  	s24 =	simm.s32 @!p1 $0x5  }
0xa4: {  	_ =	swait.ge @!p1 [sflag:s24], $0x800  }
0xa5: {  	s31 =	sld [smem:$0x7FC];
	_ =	sdelay $0x2  }
0xa6: {  	p0 =	seq.s32 s31, $0x1  }
.Ltmp0:
0xa7: {  	_ = 	snop;
	(pc) =	sbr.rel @p0 .LBB2_2-.Ltmp0, $2  }
0xa8: {  	_ =	sdelay $0x2  }
0xa9: {  	s20 =	sadd.s32 $0x6, s20;
	s21 =	sshra.s32 @!p1 s21, $0x2;
	s25 =	simm.s32 @!p1 $0x80  }
0xaa: {  	[sflag:s24] =	ssyncset.done @!p1 $0x0;
	s0 =	sadd.s32 @!p1 $0x200, s21;
	s18 =	sadd.s32 $0x1, s18  }
0xab: {  	s1 =	simm.s32 @!p1 $0x6F00;
	[sflag:s24] =	ssyncadd.s32 @!p1 $0xFFFFF800;
	p0 =	sne.s32 s18, s13  }
0xac: {  	[spmem:s2] =	stream.indirect.scatter.add.f32 @!p1 [tilespmem:s1], [sflag:$0xB], $0x10, s0, s25, $0xb8;
	[tilespmem:$0xA700] =	vst v63  }
.Ltmp1:
0xad: {  	[bflag:$0x0] =	sbarrier.arrive $0xFFFF;
	(pc) =	sbr.rel @p0 .LBB2_1-.Ltmp1, $4  }
0xae: {  	[hbm:s12], [sflag:s16] =	dma.local [spmem:s17], $0x500  }
0xaf: {  	_ =	swait.ge [sflag:s14], $0x500  }
0xb0: {  	[sflag:s14] =	ssyncset.done $0x0  }
0xb1: {  	[sflag:s14] =	ssyncadd.s32 $0xFFFFFB00  }
0xb2: {  	_ =	sfence.sel $0x180000  }
0xb3: {  	[bflag:$0x0] =	sbarrier.arrive $0xFFFF  }
0xb4: {  	_ =	strace $0x90000050  }
0xb5: {  	s0 =	stileid.u32;
	[bflag:$0x2] =	sbarrier.arrive $0xFFFF  }
0xb6: {  	p0 =	sne.s32 s0, $0x0;
	s0 =	rddreg [dreg:$0x2]  }
0xb7: {  	s0 =	sadd.s32 @!p0 $0x100000, s0  }
0xb8: {  	[sflag:s0] =	ssyncadd.tile.s32 @!p0 $0x1;
	_ =	shalt  }
.Lfunc_end2:
_tile_overlayer_lowered:
.L_overlay_start_2:
0xb9: {  	(tag) =	ssettag $0x2  }
0xba: {  	s0 =	rddreg [dreg:$0x0];
	s2 =	stileid.u32  }
0xbb: {  	s1 =	rddreg [dreg:$0x1];
	p0 =	sne.s32 s2, $0x0  }
0xbc: {  	s3 =	rddreg [dreg:$0x2];
	[bflag:$0x3] =	sbarrier.arrive $0xFFFF;
	s2 =	simm.s32 @!p0 $0x1C0D  }
0xbd: {  	[timem:s3], [sflag:s2] =	dma.local @!p0 [hbm:s0], s1  }
0xbe: {  	s0 =	simm.s32 @!p0 $0xD  }
0xbf: {  	_ =	swait.ge @!p0 [sflag:s0], s1  }
0xc0: {  	s1 =	ssub.s32 @!p0 $0x0, s1;
	[sflag:s0] =	ssyncset.done @!p0 $0x0  }
0xc1: {  	[sflag:s0] =	ssyncadd.s32 @!p0 s1  }
0xc2: {  	[bflag:$0x3] =	sbarrier.arrive $0xFFFF  }
0xc3: {  	_ =	shalt  }

</sc_bundles>
